<compile_context>
chip_gen: v7x
topology: tpu7x:2x2x1
jax: 0.10.2.dev20260603
libtpu: 0.0.44.dev20260713+nightly
codegen_flags: <defaults>
</compile_context>

<pallas_src>
import functools

import jax
import jax.numpy as jnp
from jax import lax
from jax.experimental import pallas as pl
from jax.experimental.pallas import tpu as pltpu
from jax.experimental.pallas import tpu_sc as plsc

H = 512
W = 512
B = 16
N = 2_000_000
NBINS = 2 * H * W * B

NC = 2
NS = 16
NW = NC * NS

CH_ROWS = 1600
VPC1 = CH_ROWS // 16
NCHUNK1 = N // CH_ROWS

SLOT_BINS = 65_536
HPAD = SLOT_BINS + 16
SPB = 8
NPASS = (B * SPB) // NW
CH2 = 16_384
VPC2 = CH2 // 16
IDX_LEN = N + CH2

_mesh = plsc.VectorSubcoreMesh(core_axis_name="c", subcore_axis_name="s")


@functools.partial(
    pl.kernel,
    out_type=(
        jax.ShapeDtypeStruct((NBINS,), jnp.float32),
        jax.ShapeDtypeStruct((NC * IDX_LEN,), jnp.int32),
    ),
    mesh=_mesh,
    scratch_types=[
        pltpu.VMEM((CH_ROWS * 5,), jnp.float32),
        pltpu.VMEM((HPAD,), jnp.float32),
        pltpu.VMEM((CH2,), jnp.int32),
        pltpu.VMEM((CH2,), jnp.int32),
        pltpu.VMEM((CH2 + 16,), jnp.int32),
        pltpu.VMEM((32,), jnp.int32),
        pltpu.SemaphoreType.DMA,
        pltpu.SemaphoreType.DMA,
    ],
    compiler_params=pltpu.CompilerParams(needs_layout_passes=False),
)
def _vox_kernel(x_hbm, y_hbm, p_hbm, b_hbm, bnd_hbm, out_hbm, idx2_hbm,
                ev_v, hist_v, idx_a, idx_b, comp_v, bnd_v, sem_a, sem_b):
    c = lax.axis_index("c")
    s = lax.axis_index("s")
    pltpu.sync_copy(bnd_hbm, bnd_v)

    nch1 = (NCHUNK1 - s + NS - 1) // NS

    def a_chunk(i, _):
        cid = s + i * NS
        r0 = cid * CH_ROWS
        pltpu.sync_copy(x_hbm.at[pl.ds(r0, CH_ROWS)],
                        ev_v.at[pl.ds(0, CH_ROWS)])
        pltpu.sync_copy(y_hbm.at[pl.ds(r0, CH_ROWS)],
                        ev_v.at[pl.ds(CH_ROWS, CH_ROWS)])
        pltpu.sync_copy(p_hbm.at[pl.ds(r0, CH_ROWS)],
                        ev_v.at[pl.ds(2 * CH_ROWS, CH_ROWS)])
        pltpu.sync_copy(b_hbm.at[pl.ds(r0, CH_ROWS)],
                        ev_v.at[pl.ds(3 * CH_ROWS, CH_ROWS)])

        def a_vec(v, _):
            x = ev_v[pl.ds(v * 16, 16)].astype(jnp.int32)
            y = ev_v[pl.ds(CH_ROWS + v * 16, 16)].astype(jnp.int32)
            p = ev_v[pl.ds(2 * CH_ROWS + v * 16, 16)].astype(jnp.int32)
            b = ev_v[pl.ds(3 * CH_ROWS + v * 16, 16)].astype(jnp.int32)
            vi = x + y * W + p * (W * H) + b * (2 * W * H)
            comp_v[pl.ds(v * 16, 16)] = vi
            return 0

        lax.fori_loop(0, VPC1, a_vec, 0)
        pltpu.sync_copy(comp_v.at[pl.ds(0, CH_ROWS)],
                        idx2_hbm.at[pl.ds(c * IDX_LEN + cid * CH_ROWS,
                                          CH_ROWS)])
        return 0

    lax.fori_loop(0, nch1, a_chunk, 0)
    plsc.subcore_barrier()

    wid = s * NC + c
    one16 = jnp.full((16,), 1.0, jnp.float32)
    zero16 = jnp.zeros((16,), jnp.float32)
    sent16 = jnp.full((16,), SLOT_BINS, jnp.int32)
    top = jnp.uint32(SLOT_BINS)

    for p in range(NPASS):
        slot = p * NW + wid
        beta = slot // SPB
        bin_base = slot * SLOT_BINS
        bnd_vec = bnd_v[pl.ds(beta, 16)]
        lo_e = bnd_vec[0]
        hi_e = bnd_vec[1]
        base0 = (lo_e // 16) * 16
        n_vec = (hi_e - base0 + 15) // 16
        n_ch = (n_vec + VPC2 - 1) // VPC2

        @plsc.parallel_loop(0, HPAD // 16, unroll=8)
        def zero_body(j):
            hist_v[pl.ds(j * 16, 16)] = zero16

        def start(ci, buf, sem):
            bb = jnp.minimum(base0 + ci * CH2, N)
            pltpu.async_copy(idx2_hbm.at[pl.ds(c * IDX_LEN + bb, CH2)],
                             buf, sem)

        def drain(buf, sem):
            pltpu.make_async_copy(idx2_hbm.at[pl.ds(0, CH2)], buf, sem).wait()

        def process(ci, buf):
            nv = jnp.clip(n_vec - ci * VPC2, 0, VPC2)

            def p1_body(v, off):
                iv = buf[pl.ds(v * 16, 16)]
                rel = plsc.bitcast(iv - bin_base, jnp.uint32)
                m = rel < top
                plsc.store_compressed(comp_v.at[pl.ds(off, 16)],
                                      plsc.bitcast(rel, jnp.int32), mask=m)
                cnt = plsc.all_reduce_population_count(m)[0]
                return off + cnt

            off = lax.fori_loop(0, nv, p1_body, jnp.int32(0))
            comp_v[pl.ds(off, 16)] = sent16
            n2 = (off + 15) // 16

            @plsc.parallel_loop(0, n2, unroll=4)
            def p2_body(v):
                rv = comp_v[pl.ds(v * 16, 16)]
                plsc.addupdate_scatter(hist_v, [rv], one16)

        start(0, idx_a, sem_a)
        n_pair = (n_ch + 1) // 2

        def pair_body(g, _):
            c0 = 2 * g
            start(c0 + 1, idx_b, sem_b)
            drain(idx_a, sem_a)
            process(c0, idx_a)
            start(c0 + 2, idx_a, sem_a)
            drain(idx_b, sem_b)
            process(c0 + 1, idx_b)
            return 0

        lax.fori_loop(0, n_pair, pair_body, 0)
        drain(idx_a, sem_a)
        pltpu.sync_copy(hist_v.at[pl.ds(0, SLOT_BINS)],
                        out_hbm.at[pl.ds(bin_base, SLOT_BINS)])


@jax.jit
def kernel(events):
    bcol = events[:, 4]
    cuts = jnp.sum(
        (bcol[:, None] < jnp.arange(1, B, dtype=bcol.dtype)[None, :])
        .astype(jnp.int32),
        axis=0,
    )
    bnd = jnp.concatenate([
        jnp.zeros((1,), jnp.int32),
        cuts,
        jnp.full((32 - B,), N, jnp.int32),
    ])
    vox, _ = _vox_kernel(events[:, 0], events[:, 1], events[:, 3],
                         events[:, 4], bnd)
    return vox.reshape(-1, 2, H, W)

# --- scband reference (transcript-rebuilt; emitter-appended) ---
"""Pipeline reference for scband-quantization-layer-event-count-62027917689287 (READ-ONLY COPY).

The authoritative reference and input builder live on the scoring server;
editing this copy changes nothing except your own understanding.
"""

import jax, jax.numpy as jnp
import numpy as np

H, W = 512, 512
N = 2000000
BATCH = 16


def setup_inputs(seed: int = 0) -> dict:
    key = jax.random.key(seed)
    k1, k2, k3, k4, k5 = jax.random.split(key, 5)
    x = jax.random.randint(k1, (N,), 0, W)
    y = jax.random.randint(k2, (N,), 0, H)
    t = jax.random.uniform(k3, (N,), minval=0.01, maxval=1.0)
    p = jax.random.randint(k4, (N,), 0, 2)
    b = jnp.sort(jax.random.randint(k5, (N,), 0, BATCH))
    b = b.at[-1].set(BATCH - 1)  # last event carries max batch id, matching B inference
    events = jnp.stack([
        x.astype(jnp.float32),
        y.astype(jnp.float32),
        t.astype(jnp.float32),
        p.astype(jnp.float32),
        b.astype(jnp.float32),
    ], axis=1)
    return {"events": events}


def reference(events):
    # Faithful translation of QuantizationLayerEventCount.forward
    B = BATCH
    num_voxels = 2 * H * W * B
    x, y, t, p, b = events.T
    t = t / t.max()  # computed in original (unused for the count voxelization)
    idx = (x + W * y + W * H * p + W * H * 2 * b).astype(jnp.int32)
    val = jnp.zeros_like(x) + 1
    vox_ec = jnp.zeros((num_voxels,), dtype=events.dtype).at[idx].add(val)
    vox_ec = vox_ec.reshape(-1, 2, H, W)
    return vox_ec

if __name__ == "__main__":
    import jax
    _d = setup_inputs()
    print(jax.jit(kernel)(*tuple(_d.values())))

</pallas_src>

<mosaic_0001>
#map = affine_map<(d0, d1) -> (0)>
module attributes {stable_mosaic.version = 14 : i64} {
  func.func @_vox_kernel(%arg0: i32, %arg1: i32, %arg2: memref<2000000xf32, #tpu.memory_space<hbm>>, %arg3: memref<2000000xf32, #tpu.memory_space<hbm>>, %arg4: memref<2000000xf32, #tpu.memory_space<hbm>>, %arg5: memref<2000000xf32, #tpu.memory_space<hbm>>, %arg6: memref<32xi32, #tpu.memory_space<hbm>>, %arg7: memref<8388608xf32, #tpu.memory_space<hbm>>, %arg8: memref<4032768xi32, #tpu.memory_space<hbm>>, %arg9: memref<8000xf32, #tpu.memory_space<vmem>>, %arg10: memref<65552xf32, #tpu.memory_space<vmem>>, %arg11: memref<16384xi32, #tpu.memory_space<vmem>>, %arg12: memref<16384xi32, #tpu.memory_space<vmem>>, %arg13: memref<16400xi32, #tpu.memory_space<vmem>>, %arg14: memref<32xi32, #tpu.memory_space<vmem>>, %arg15: memref<!tpu.dma_semaphore, #tpu.memory_space<semaphore_mem>>, %arg16: memref<!tpu.dma_semaphore, #tpu.memory_space<semaphore_mem>>) attributes {dimension_semantics = [#tpu.dimension_semantics<core_parallel>, #tpu.dimension_semantics<subcore_parallel>], iteration_bounds = array<i64: 2, 16>, scalar_prefetch = 0 : i64, scratch_operands = 8 : i64, tpu.core_type = #tpu.core_type<sc_vector_subcore>, window_params = [{transform_indices = #map}, {transform_indices = #map}, {transform_indices = #map}, {transform_indices = #map}, {transform_indices = #map}, {transform_indices = #map}, {transform_indices = #map}]} {
    "tpu.region"() ({
      %run_scoped3A = tpu.sem_alloc : memref<!tpu.dma_semaphore, #tpu.memory_space<semaphore_mem>>
      tpu.enqueue_dma source(%arg6 : memref<32xi32, #tpu.memory_space<hbm>>) target(%arg14 : memref<32xi32, #tpu.memory_space<vmem>>) target_semaphore(%run_scoped3A : memref<!tpu.dma_semaphore, #tpu.memory_space<semaphore_mem>>)
      tpu.wait_dma2 semaphore(%run_scoped3A : memref<!tpu.dma_semaphore, #tpu.memory_space<semaphore_mem>>) src(%arg6 : memref<32xi32, #tpu.memory_space<hbm>>) dst(%arg14 : memref<32xi32, #tpu.memory_space<vmem>>)
      tpu.yield
    }) : () -> ()
    %sub3A = arith.constant 1250 : i32
    %sub3A_0 = arith.subi %sub3A, %arg1 : i32
    %add3A = arith.constant 16 : i32
    %add3A_1 = arith.addi %sub3A_0, %add3A : i32
    %sub3A_2 = arith.constant 1 : i32
    %sub3A_3 = arith.subi %add3A_1, %sub3A_2 : i32
    %jit3A = arith.constant 16 : i32
    %div3A = arith.divsi %sub3A_3, %jit3A : i32
    %sign3A = arith.constant 0 : i32
    %sign3A_4 = arith.cmpi sgt, %sub3A_3, %sign3A : i32
    %sign3A_5 = arith.extui %sign3A_4 : i1 to i32
    %sign3A_6 = arith.constant 0 : i32
    %sign3A_7 = arith.cmpi slt, %sub3A_3, %sign3A_6 : i32
    %sign3A_8 = arith.extui %sign3A_7 : i1 to i32
    %sign3A_9 = arith.subi %sign3A_5, %sign3A_8 : i32
    %sign3A_10 = arith.constant 0 : i32
    %sign3A_11 = arith.cmpi sgt, %jit3A, %sign3A_10 : i32
    %sign3A_12 = arith.extui %sign3A_11 : i1 to i32
    %sign3A_13 = arith.constant 0 : i32
    %sign3A_14 = arith.cmpi slt, %jit3A, %sign3A_13 : i32
    %sign3A_15 = arith.extui %sign3A_14 : i1 to i32
    %sign3A_16 = arith.subi %sign3A_12, %sign3A_15 : i32
    %ne3A = arith.cmpi ne, %sign3A_9, %sign3A_16 : i32
    %rem3A = arith.remsi %sub3A_3, %jit3A : i32
    %ne3A_17 = arith.constant 0 : i32
    %ne3A_18 = arith.cmpi ne, %rem3A, %ne3A_17 : i32
    %and3A = arith.andi %ne3A, %ne3A_18 : i1
    %sub3A_19 = arith.constant 1 : i32
    %sub3A_20 = arith.subi %div3A, %sub3A_19 : i32
    %select_n3A = arith.select %and3A, %sub3A_20, %div3A : i32
    %while3A = arith.constant 0 : i32
    %while3A_21 = arith.constant 0 : i32
    %while3A_22 = arith.subi %select_n3A, %while3A : i32
    %while3A_23 = arith.addi %while3A, %while3A_22 : i32
    %while3A_24 = arith.constant 1 : i32
    %while3A_25 = arith.divsi %while3A_22, %while3A_24 : i32
    %while3A_26 = arith.muli %while3A_25, %while3A_24 : i32
    %while3A_27 = arith.addi %while3A, %while3A_26 : i32
    %while3A_28 = arith.constant 1 : i32
    %while3A_29 = scf.for %while3A_712 = %while3A to %while3A_27 step %while3A_28 iter_args(%while3A_713 = %while3A_21) -> (i32)  : i32 {
      %mul3A_714 = arith.constant 16 : i32
      %mul3A_715 = arith.muli %while3A_712, %mul3A_714 : i32
      %add3A_716 = arith.addi %arg1, %mul3A_715 : i32
      %mul3A_717 = arith.constant 1600 : i32
      %mul3A_718 = arith.muli %add3A_716, %mul3A_717 : i32
      "tpu.region"() ({
        %run_scoped3A = tpu.sem_alloc : memref<!tpu.dma_semaphore, #tpu.memory_space<semaphore_mem>>
        %dma_start3A_731 = arith.constant 0 : i32
        %dma_start3A_732 = tpu.memref_slice %arg9[%dma_start3A_731] : memref<8000xf32, #tpu.memory_space<vmem>> -> memref<1600xf32, #tpu.memory_space<vmem>>
        %dma_start3A_733 = tpu.memref_slice %arg2[%mul3A_718] : memref<2000000xf32, #tpu.memory_space<hbm>> -> memref<1600xf32, #tpu.memory_space<hbm>>
        %dma_start3A_734 = arith.constant 0 : i32
        %dma_start3A_735 = tpu.memref_slice %arg9[%dma_start3A_734] : memref<8000xf32, #tpu.memory_space<vmem>> -> memref<1600xf32, #tpu.memory_space<vmem>>
        %dma_start3A_736 = tpu.memref_slice %arg2[%mul3A_718] : memref<2000000xf32, #tpu.memory_space<hbm>> -> memref<1600xf32, #tpu.memory_space<hbm>>
        tpu.enqueue_dma source(%dma_start3A_736 : memref<1600xf32, #tpu.memory_space<hbm>>) target(%dma_start3A_735 : memref<1600xf32, #tpu.memory_space<vmem>>) target_semaphore(%run_scoped3A : memref<!tpu.dma_semaphore, #tpu.memory_space<semaphore_mem>>)
        %dma_wait3A_737 = arith.constant 0 : i32
        %dma_wait3A_738 = tpu.memref_slice %arg9[%dma_wait3A_737] : memref<8000xf32, #tpu.memory_space<vmem>> -> memref<1600xf32, #tpu.memory_space<vmem>>
        %dma_wait3A_739 = tpu.memref_slice %arg2[%mul3A_718] : memref<2000000xf32, #tpu.memory_space<hbm>> -> memref<1600xf32, #tpu.memory_space<hbm>>
        %dma_wait3A_740 = arith.constant 0 : i32
        %dma_wait3A_741 = tpu.memref_slice %arg9[%dma_wait3A_740] : memref<8000xf32, #tpu.memory_space<vmem>> -> memref<1600xf32, #tpu.memory_space<vmem>>
        %dma_wait3A_742 = tpu.memref_slice %arg2[%mul3A_718] : memref<2000000xf32, #tpu.memory_space<hbm>> -> memref<1600xf32, #tpu.memory_space<hbm>>
        tpu.wait_dma2 semaphore(%run_scoped3A : memref<!tpu.dma_semaphore, #tpu.memory_space<semaphore_mem>>) src(%dma_wait3A_742 : memref<1600xf32, #tpu.memory_space<hbm>>) dst(%dma_wait3A_741 : memref<1600xf32, #tpu.memory_space<vmem>>)
        tpu.yield
      }) : () -> ()
      "tpu.region"() ({
        %run_scoped3A = tpu.sem_alloc : memref<!tpu.dma_semaphore, #tpu.memory_space<semaphore_mem>>
        %dma_start3A_731 = arith.constant 1600 : i32
        %dma_start3A_732 = tpu.memref_slice %arg9[%dma_start3A_731] : memref<8000xf32, #tpu.memory_space<vmem>> -> memref<1600xf32, #tpu.memory_space<vmem>>
        %dma_start3A_733 = tpu.memref_slice %arg3[%mul3A_718] : memref<2000000xf32, #tpu.memory_space<hbm>> -> memref<1600xf32, #tpu.memory_space<hbm>>
        %dma_start3A_734 = arith.constant 1600 : i32
        %dma_start3A_735 = tpu.memref_slice %arg9[%dma_start3A_734] : memref<8000xf32, #tpu.memory_space<vmem>> -> memref<1600xf32, #tpu.memory_space<vmem>>
        %dma_start3A_736 = tpu.memref_slice %arg3[%mul3A_718] : memref<2000000xf32, #tpu.memory_space<hbm>> -> memref<1600xf32, #tpu.memory_space<hbm>>
        tpu.enqueue_dma source(%dma_start3A_736 : memref<1600xf32, #tpu.memory_space<hbm>>) target(%dma_start3A_735 : memref<1600xf32, #tpu.memory_space<vmem>>) target_semaphore(%run_scoped3A : memref<!tpu.dma_semaphore, #tpu.memory_space<semaphore_mem>>)
        %dma_wait3A_737 = arith.constant 1600 : i32
        %dma_wait3A_738 = tpu.memref_slice %arg9[%dma_wait3A_737] : memref<8000xf32, #tpu.memory_space<vmem>> -> memref<1600xf32, #tpu.memory_space<vmem>>
        %dma_wait3A_739 = tpu.memref_slice %arg3[%mul3A_718] : memref<2000000xf32, #tpu.memory_space<hbm>> -> memref<1600xf32, #tpu.memory_space<hbm>>
        %dma_wait3A_740 = arith.constant 1600 : i32
        %dma_wait3A_741 = tpu.memref_slice %arg9[%dma_wait3A_740] : memref<8000xf32, #tpu.memory_space<vmem>> -> memref<1600xf32, #tpu.memory_space<vmem>>
        %dma_wait3A_742 = tpu.memref_slice %arg3[%mul3A_718] : memref<2000000xf32, #tpu.memory_space<hbm>> -> memref<1600xf32, #tpu.memory_space<hbm>>
        tpu.wait_dma2 semaphore(%run_scoped3A : memref<!tpu.dma_semaphore, #tpu.memory_space<semaphore_mem>>) src(%dma_wait3A_742 : memref<1600xf32, #tpu.memory_space<hbm>>) dst(%dma_wait3A_741 : memref<1600xf32, #tpu.memory_space<vmem>>)
        tpu.yield
      }) : () -> ()
      "tpu.region"() ({
        %run_scoped3A = tpu.sem_alloc : memref<!tpu.dma_semaphore, #tpu.memory_space<semaphore_mem>>
        %dma_start3A_731 = arith.constant 3200 : i32
        %dma_start3A_732 = tpu.memref_slice %arg9[%dma_start3A_731] : memref<8000xf32, #tpu.memory_space<vmem>> -> memref<1600xf32, #tpu.memory_space<vmem>>
        %dma_start3A_733 = tpu.memref_slice %arg4[%mul3A_718] : memref<2000000xf32, #tpu.memory_space<hbm>> -> memref<1600xf32, #tpu.memory_space<hbm>>
        %dma_start3A_734 = arith.constant 3200 : i32
        %dma_start3A_735 = tpu.memref_slice %arg9[%dma_start3A_734] : memref<8000xf32, #tpu.memory_space<vmem>> -> memref<1600xf32, #tpu.memory_space<vmem>>
        %dma_start3A_736 = tpu.memref_slice %arg4[%mul3A_718] : memref<2000000xf32, #tpu.memory_space<hbm>> -> memref<1600xf32, #tpu.memory_space<hbm>>
        tpu.enqueue_dma source(%dma_start3A_736 : memref<1600xf32, #tpu.memory_space<hbm>>) target(%dma_start3A_735 : memref<1600xf32, #tpu.memory_space<vmem>>) target_semaphore(%run_scoped3A : memref<!tpu.dma_semaphore, #tpu.memory_space<semaphore_mem>>)
        %dma_wait3A_737 = arith.constant 3200 : i32
        %dma_wait3A_738 = tpu.memref_slice %arg9[%dma_wait3A_737] : memref<8000xf32, #tpu.memory_space<vmem>> -> memref<1600xf32, #tpu.memory_space<vmem>>
        %dma_wait3A_739 = tpu.memref_slice %arg4[%mul3A_718] : memref<2000000xf32, #tpu.memory_space<hbm>> -> memref<1600xf32, #tpu.memory_space<hbm>>
        %dma_wait3A_740 = arith.constant 3200 : i32
        %dma_wait3A_741 = tpu.memref_slice %arg9[%dma_wait3A_740] : memref<8000xf32, #tpu.memory_space<vmem>> -> memref<1600xf32, #tpu.memory_space<vmem>>
        %dma_wait3A_742 = tpu.memref_slice %arg4[%mul3A_718] : memref<2000000xf32, #tpu.memory_space<hbm>> -> memref<1600xf32, #tpu.memory_space<hbm>>
        tpu.wait_dma2 semaphore(%run_scoped3A : memref<!tpu.dma_semaphore, #tpu.memory_space<semaphore_mem>>) src(%dma_wait3A_742 : memref<1600xf32, #tpu.memory_space<hbm>>) dst(%dma_wait3A_741 : memref<1600xf32, #tpu.memory_space<vmem>>)
        tpu.yield
      }) : () -> ()
      "tpu.region"() ({
        %run_scoped3A = tpu.sem_alloc : memref<!tpu.dma_semaphore, #tpu.memory_space<semaphore_mem>>
        %dma_start3A_731 = arith.constant 4800 : i32
        %dma_start3A_732 = tpu.memref_slice %arg9[%dma_start3A_731] : memref<8000xf32, #tpu.memory_space<vmem>> -> memref<1600xf32, #tpu.memory_space<vmem>>
        %dma_start3A_733 = tpu.memref_slice %arg5[%mul3A_718] : memref<2000000xf32, #tpu.memory_space<hbm>> -> memref<1600xf32, #tpu.memory_space<hbm>>
        %dma_start3A_734 = arith.constant 4800 : i32
        %dma_start3A_735 = tpu.memref_slice %arg9[%dma_start3A_734] : memref<8000xf32, #tpu.memory_space<vmem>> -> memref<1600xf32, #tpu.memory_space<vmem>>
        %dma_start3A_736 = tpu.memref_slice %arg5[%mul3A_718] : memref<2000000xf32, #tpu.memory_space<hbm>> -> memref<1600xf32, #tpu.memory_space<hbm>>
        tpu.enqueue_dma source(%dma_start3A_736 : memref<1600xf32, #tpu.memory_space<hbm>>) target(%dma_start3A_735 : memref<1600xf32, #tpu.memory_space<vmem>>) target_semaphore(%run_scoped3A : memref<!tpu.dma_semaphore, #tpu.memory_space<semaphore_mem>>)
        %dma_wait3A_737 = arith.constant 4800 : i32
        %dma_wait3A_738 = tpu.memref_slice %arg9[%dma_wait3A_737] : memref<8000xf32, #tpu.memory_space<vmem>> -> memref<1600xf32, #tpu.memory_space<vmem>>
        %dma_wait3A_739 = tpu.memref_slice %arg5[%mul3A_718] : memref<2000000xf32, #tpu.memory_space<hbm>> -> memref<1600xf32, #tpu.memory_space<hbm>>
        %dma_wait3A_740 = arith.constant 4800 : i32
        %dma_wait3A_741 = tpu.memref_slice %arg9[%dma_wait3A_740] : memref<8000xf32, #tpu.memory_space<vmem>> -> memref<1600xf32, #tpu.memory_space<vmem>>
        %dma_wait3A_742 = tpu.memref_slice %arg5[%mul3A_718] : memref<2000000xf32, #tpu.memory_space<hbm>> -> memref<1600xf32, #tpu.memory_space<hbm>>
        tpu.wait_dma2 semaphore(%run_scoped3A : memref<!tpu.dma_semaphore, #tpu.memory_space<semaphore_mem>>) src(%dma_wait3A_742 : memref<1600xf32, #tpu.memory_space<hbm>>) dst(%dma_wait3A_741 : memref<1600xf32, #tpu.memory_space<vmem>>)
        tpu.yield
      }) : () -> ()
      %scan3A = arith.constant 0 : i32
      %scan3A_719 = arith.constant 0 : i32
      %scan3A_720 = arith.constant 100 : i32
      %scan3A_721 = arith.addi %scan3A_719, %scan3A_720 : i32
      %scan3A_722 = arith.constant 1 : i32
      %scan3A_723 = scf.for %scan3A_731 = %scan3A_719 to %scan3A_721 step %scan3A_722 iter_args(%scan3A_732 = %scan3A) -> (i32)  : i32 {
        %mul3A_733 = arith.constant 16 : i32
        %mul3A_734 = arith.muli %scan3A_731, %mul3A_733 : i32
        %get3A_735 = arith.index_cast %mul3A_734 : i32 to index
        %get3A_736 = tpu.vector_load %arg9[%get3A_735] {strides = array<i32>} : memref<8000xf32, #tpu.memory_space<vmem>>, vector<16xf32>,
        %convert_element_type3A = arith.fptosi %get3A_736 : vector<16xf32> to vector<16xi32>
        %mul3A_737 = arith.constant 16 : i32
        %mul3A_738 = arith.muli %scan3A_731, %mul3A_737 : i32
        %add3A_739 = arith.constant 1600 : i32
        %add3A_740 = arith.addi %add3A_739, %mul3A_738 : i32
        %get3A_741 = arith.index_cast %add3A_740 : i32 to index
        %get3A_742 = tpu.vector_load %arg9[%get3A_741] {strides = array<i32>} : memref<8000xf32, #tpu.memory_space<vmem>>, vector<16xf32>,
        %convert_element_type3A_743 = arith.fptosi %get3A_742 : vector<16xf32> to vector<16xi32>
        %mul3A_744 = arith.constant 16 : i32
        %mul3A_745 = arith.muli %scan3A_731, %mul3A_744 : i32
        %add3A_746 = arith.constant 3200 : i32
        %add3A_747 = arith.addi %add3A_746, %mul3A_745 : i32
        %get3A_748 = arith.index_cast %add3A_747 : i32 to index
        %get3A_749 = tpu.vector_load %arg9[%get3A_748] {strides = array<i32>} : memref<8000xf32, #tpu.memory_space<vmem>>, vector<16xf32>,
        %convert_element_type3A_750 = arith.fptosi %get3A_749 : vector<16xf32> to vector<16xi32>
        %mul3A_751 = arith.constant 16 : i32
        %mul3A_752 = arith.muli %scan3A_731, %mul3A_751 : i32
        %add3A_753 = arith.constant 4800 : i32
        %add3A_754 = arith.addi %add3A_753, %mul3A_752 : i32
        %get3A_755 = arith.index_cast %add3A_754 : i32 to index
        %get3A_756 = tpu.vector_load %arg9[%get3A_755] {strides = array<i32>} : memref<8000xf32, #tpu.memory_space<vmem>>, vector<16xf32>,
        %convert_element_type3A_757 = arith.fptosi %get3A_756 : vector<16xf32> to vector<16xi32>
        %mul3A_758 = arith.constant 512 : i32
        %mul3A_759 = vector.broadcast %mul3A_758 : i32 to vector<16xi32>
        %mul3A_760 = arith.muli %convert_element_type3A_743, %mul3A_759 : vector<16xi32>
        %add3A_761 = arith.addi %convert_element_type3A, %mul3A_760 : vector<16xi32>
        %mul3A_762 = arith.constant 262144 : i32
        %mul3A_763 = vector.broadcast %mul3A_762 : i32 to vector<16xi32>
        %mul3A_764 = arith.muli %convert_element_type3A_750, %mul3A_763 : vector<16xi32>
        %add3A_765 = arith.addi %add3A_761, %mul3A_764 : vector<16xi32>
        %mul3A_766 = arith.constant 524288 : i32
        %mul3A_767 = vector.broadcast %mul3A_766 : i32 to vector<16xi32>
        %mul3A_768 = arith.muli %convert_element_type3A_757, %mul3A_767 : vector<16xi32>
        %add3A_769 = arith.addi %add3A_765, %mul3A_768 : vector<16xi32>
        %mul3A_770 = arith.constant 16 : i32
        %mul3A_771 = arith.muli %scan3A_731, %mul3A_770 : i32
        %swap3A = arith.index_cast %mul3A_771 : i32 to index
        %swap3A_772 = tpu.vector_load %arg13[%swap3A] {strides = array<i32>} : memref<16400xi32, #tpu.memory_space<vmem>>, vector<16xi32>,
        tpu.vector_store %arg13[%swap3A], %add3A_769 {strides = array<i32>} : memref<16400xi32, #tpu.memory_space<vmem>>, vector<16xi32>,
        %scan3A_773 = arith.constant 0 : i32
        scf.yield %scan3A_773 : i32
      }
      %scan3A_724 = arith.constant 100 : i32
      %mul3A_725 = arith.constant 2016384 : i32
      %mul3A_726 = arith.muli %arg0, %mul3A_725 : i32
      %mul3A_727 = arith.constant 1600 : i32
      %mul3A_728 = arith.muli %add3A_716, %mul3A_727 : i32
      %add3A_729 = arith.addi %mul3A_726, %mul3A_728 : i32
      "tpu.region"() ({
        %run_scoped3A = tpu.sem_alloc : memref<!tpu.dma_semaphore, #tpu.memory_space<semaphore_mem>>
        %dma_start3A_731 = arith.constant 0 : i32
        %dma_start3A_732 = tpu.memref_slice %arg13[%dma_start3A_731] : memref<16400xi32, #tpu.memory_space<vmem>> -> memref<1600xi32, #tpu.memory_space<vmem>>
        %dma_start3A_733 = tpu.memref_slice %arg8[%add3A_729] : memref<4032768xi32, #tpu.memory_space<hbm>> -> memref<1600xi32, #tpu.memory_space<hbm>>
        %dma_start3A_734 = tpu.memref_slice %arg8[%add3A_729] : memref<4032768xi32, #tpu.memory_space<hbm>> -> memref<1600xi32, #tpu.memory_space<hbm>>
        %dma_start3A_735 = arith.constant 0 : i32
        %dma_start3A_736 = tpu.memref_slice %arg13[%dma_start3A_735] : memref<16400xi32, #tpu.memory_space<vmem>> -> memref<1600xi32, #tpu.memory_space<vmem>>
        tpu.enqueue_dma source(%dma_start3A_736 : memref<1600xi32, #tpu.memory_space<vmem>>) target(%dma_start3A_734 : memref<1600xi32, #tpu.memory_space<hbm>>) target_semaphore(%run_scoped3A : memref<!tpu.dma_semaphore, #tpu.memory_space<semaphore_mem>>)
        %dma_wait3A_737 = arith.constant 0 : i32
        %dma_wait3A_738 = tpu.memref_slice %arg13[%dma_wait3A_737] : memref<16400xi32, #tpu.memory_space<vmem>> -> memref<1600xi32, #tpu.memory_space<vmem>>
        %dma_wait3A_739 = tpu.memref_slice %arg8[%add3A_729] : memref<4032768xi32, #tpu.memory_space<hbm>> -> memref<1600xi32, #tpu.memory_space<hbm>>
        %dma_wait3A_740 = tpu.memref_slice %arg8[%add3A_729] : memref<4032768xi32, #tpu.memory_space<hbm>> -> memref<1600xi32, #tpu.memory_space<hbm>>
        %dma_wait3A_741 = arith.constant 0 : i32
        %dma_wait3A_742 = tpu.memref_slice %arg13[%dma_wait3A_741] : memref<16400xi32, #tpu.memory_space<vmem>> -> memref<1600xi32, #tpu.memory_space<vmem>>
        tpu.wait_dma2 semaphore(%run_scoped3A : memref<!tpu.dma_semaphore, #tpu.memory_space<semaphore_mem>>) src(%dma_wait3A_742 : memref<1600xi32, #tpu.memory_space<vmem>>) dst(%dma_wait3A_740 : memref<1600xi32, #tpu.memory_space<hbm>>)
        tpu.yield
      }) : () -> ()
      %while3A_730 = arith.constant 0 : i32
      scf.yield %while3A_730 : i32
    }
    %while3A_30 = arith.constant 1 : i32
    %while3A_31 = scf.for %while3A_712 = %while3A_27 to %while3A_23 step %while3A_30 iter_args(%while3A_713 = %while3A_29) -> (i32)  : i32 {
      %mul3A_714 = arith.constant 16 : i32
      %mul3A_715 = arith.muli %while3A_712, %mul3A_714 : i32
      %add3A_716 = arith.addi %arg1, %mul3A_715 : i32
      %mul3A_717 = arith.constant 1600 : i32
      %mul3A_718 = arith.muli %add3A_716, %mul3A_717 : i32
      "tpu.region"() ({
        %run_scoped3A = tpu.sem_alloc : memref<!tpu.dma_semaphore, #tpu.memory_space<semaphore_mem>>
        %dma_start3A_731 = arith.constant 0 : i32
        %dma_start3A_732 = tpu.memref_slice %arg9[%dma_start3A_731] : memref<8000xf32, #tpu.memory_space<vmem>> -> memref<1600xf32, #tpu.memory_space<vmem>>
        %dma_start3A_733 = tpu.memref_slice %arg2[%mul3A_718] : memref<2000000xf32, #tpu.memory_space<hbm>> -> memref<1600xf32, #tpu.memory_space<hbm>>
        %dma_start3A_734 = arith.constant 0 : i32
        %dma_start3A_735 = tpu.memref_slice %arg9[%dma_start3A_734] : memref<8000xf32, #tpu.memory_space<vmem>> -> memref<1600xf32, #tpu.memory_space<vmem>>
        %dma_start3A_736 = tpu.memref_slice %arg2[%mul3A_718] : memref<2000000xf32, #tpu.memory_space<hbm>> -> memref<1600xf32, #tpu.memory_space<hbm>>
        tpu.enqueue_dma source(%dma_start3A_736 : memref<1600xf32, #tpu.memory_space<hbm>>) target(%dma_start3A_735 : memref<1600xf32, #tpu.memory_space<vmem>>) target_semaphore(%run_scoped3A : memref<!tpu.dma_semaphore, #tpu.memory_space<semaphore_mem>>)
        %dma_wait3A_737 = arith.constant 0 : i32
        %dma_wait3A_738 = tpu.memref_slice %arg9[%dma_wait3A_737] : memref<8000xf32, #tpu.memory_space<vmem>> -> memref<1600xf32, #tpu.memory_space<vmem>>
        %dma_wait3A_739 = tpu.memref_slice %arg2[%mul3A_718] : memref<2000000xf32, #tpu.memory_space<hbm>> -> memref<1600xf32, #tpu.memory_space<hbm>>
        %dma_wait3A_740 = arith.constant 0 : i32
        %dma_wait3A_741 = tpu.memref_slice %arg9[%dma_wait3A_740] : memref<8000xf32, #tpu.memory_space<vmem>> -> memref<1600xf32, #tpu.memory_space<vmem>>
        %dma_wait3A_742 = tpu.memref_slice %arg2[%mul3A_718] : memref<2000000xf32, #tpu.memory_space<hbm>> -> memref<1600xf32, #tpu.memory_space<hbm>>
        tpu.wait_dma2 semaphore(%run_scoped3A : memref<!tpu.dma_semaphore, #tpu.memory_space<semaphore_mem>>) src(%dma_wait3A_742 : memref<1600xf32, #tpu.memory_space<hbm>>) dst(%dma_wait3A_741 : memref<1600xf32, #tpu.memory_space<vmem>>)
        tpu.yield
      }) : () -> ()
      "tpu.region"() ({
        %run_scoped3A = tpu.sem_alloc : memref<!tpu.dma_semaphore, #tpu.memory_space<semaphore_mem>>
        %dma_start3A_731 = arith.constant 1600 : i32
        %dma_start3A_732 = tpu.memref_slice %arg9[%dma_start3A_731] : memref<8000xf32, #tpu.memory_space<vmem>> -> memref<1600xf32, #tpu.memory_space<vmem>>
        %dma_start3A_733 = tpu.memref_slice %arg3[%mul3A_718] : memref<2000000xf32, #tpu.memory_space<hbm>> -> memref<1600xf32, #tpu.memory_space<hbm>>
        %dma_start3A_734 = arith.constant 1600 : i32
        %dma_start3A_735 = tpu.memref_slice %arg9[%dma_start3A_734] : memref<8000xf32, #tpu.memory_space<vmem>> -> memref<1600xf32, #tpu.memory_space<vmem>>
        %dma_start3A_736 = tpu.memref_slice %arg3[%mul3A_718] : memref<2000000xf32, #tpu.memory_space<hbm>> -> memref<1600xf32, #tpu.memory_space<hbm>>
        tpu.enqueue_dma source(%dma_start3A_736 : memref<1600xf32, #tpu.memory_space<hbm>>) target(%dma_start3A_735 : memref<1600xf32, #tpu.memory_space<vmem>>) target_semaphore(%run_scoped3A : memref<!tpu.dma_semaphore, #tpu.memory_space<semaphore_mem>>)
        %dma_wait3A_737 = arith.constant 1600 : i32
        %dma_wait3A_738 = tpu.memref_slice %arg9[%dma_wait3A_737] : memref<8000xf32, #tpu.memory_space<vmem>> -> memref<1600xf32, #tpu.memory_space<vmem>>
        %dma_wait3A_739 = tpu.memref_slice %arg3[%mul3A_718] : memref<2000000xf32, #tpu.memory_space<hbm>> -> memref<1600xf32, #tpu.memory_space<hbm>>
        %dma_wait3A_740 = arith.constant 1600 : i32
        %dma_wait3A_741 = tpu.memref_slice %arg9[%dma_wait3A_740] : memref<8000xf32, #tpu.memory_space<vmem>> -> memref<1600xf32, #tpu.memory_space<vmem>>
        %dma_wait3A_742 = tpu.memref_slice %arg3[%mul3A_718] : memref<2000000xf32, #tpu.memory_space<hbm>> -> memref<1600xf32, #tpu.memory_space<hbm>>
        tpu.wait_dma2 semaphore(%run_scoped3A : memref<!tpu.dma_semaphore, #tpu.memory_space<semaphore_mem>>) src(%dma_wait3A_742 : memref<1600xf32, #tpu.memory_space<hbm>>) dst(%dma_wait3A_741 : memref<1600xf32, #tpu.memory_space<vmem>>)
        tpu.yield
      }) : () -> ()
      "tpu.region"() ({
        %run_scoped3A = tpu.sem_alloc : memref<!tpu.dma_semaphore, #tpu.memory_space<semaphore_mem>>
        %dma_start3A_731 = arith.constant 3200 : i32
        %dma_start3A_732 = tpu.memref_slice %arg9[%dma_start3A_731] : memref<8000xf32, #tpu.memory_space<vmem>> -> memref<1600xf32, #tpu.memory_space<vmem>>
        %dma_start3A_733 = tpu.memref_slice %arg4[%mul3A_718] : memref<2000000xf32, #tpu.memory_space<hbm>> -> memref<1600xf32, #tpu.memory_space<hbm>>
        %dma_start3A_734 = arith.constant 3200 : i32
        %dma_start3A_735 = tpu.memref_slice %arg9[%dma_start3A_734] : memref<8000xf32, #tpu.memory_space<vmem>> -> memref<1600xf32, #tpu.memory_space<vmem>>
        %dma_start3A_736 = tpu.memref_slice %arg4[%mul3A_718] : memref<2000000xf32, #tpu.memory_space<hbm>> -> memref<1600xf32, #tpu.memory_space<hbm>>
        tpu.enqueue_dma source(%dma_start3A_736 : memref<1600xf32, #tpu.memory_space<hbm>>) target(%dma_start3A_735 : memref<1600xf32, #tpu.memory_space<vmem>>) target_semaphore(%run_scoped3A : memref<!tpu.dma_semaphore, #tpu.memory_space<semaphore_mem>>)
        %dma_wait3A_737 = arith.constant 3200 : i32
        %dma_wait3A_738 = tpu.memref_slice %arg9[%dma_wait3A_737] : memref<8000xf32, #tpu.memory_space<vmem>> -> memref<1600xf32, #tpu.memory_space<vmem>>
        %dma_wait3A_739 = tpu.memref_slice %arg4[%mul3A_718] : memref<2000000xf32, #tpu.memory_space<hbm>> -> memref<1600xf32, #tpu.memory_space<hbm>>
        %dma_wait3A_740 = arith.constant 3200 : i32
        %dma_wait3A_741 = tpu.memref_slice %arg9[%dma_wait3A_740] : memref<8000xf32, #tpu.memory_space<vmem>> -> memref<1600xf32, #tpu.memory_space<vmem>>
        %dma_wait3A_742 = tpu.memref_slice %arg4[%mul3A_718] : memref<2000000xf32, #tpu.memory_space<hbm>> -> memref<1600xf32, #tpu.memory_space<hbm>>
        tpu.wait_dma2 semaphore(%run_scoped3A : memref<!tpu.dma_semaphore, #tpu.memory_space<semaphore_mem>>) src(%dma_wait3A_742 : memref<1600xf32, #tpu.memory_space<hbm>>) dst(%dma_wait3A_741 : memref<1600xf32, #tpu.memory_space<vmem>>)
        tpu.yield
      }) : () -> ()
      "tpu.region"() ({
        %run_scoped3A = tpu.sem_alloc : memref<!tpu.dma_semaphore, #tpu.memory_space<semaphore_mem>>
        %dma_start3A_731 = arith.constant 4800 : i32
        %dma_start3A_732 = tpu.memref_slice %arg9[%dma_start3A_731] : memref<8000xf32, #tpu.memory_space<vmem>> -> memref<1600xf32, #tpu.memory_space<vmem>>
        %dma_start3A_733 = tpu.memref_slice %arg5[%mul3A_718] : memref<2000000xf32, #tpu.memory_space<hbm>> -> memref<1600xf32, #tpu.memory_space<hbm>>
        %dma_start3A_734 = arith.constant 4800 : i32
        %dma_start3A_735 = tpu.memref_slice %arg9[%dma_start3A_734] : memref<8000xf32, #tpu.memory_space<vmem>> -> memref<1600xf32, #tpu.memory_space<vmem>>
        %dma_start3A_736 = tpu.memref_slice %arg5[%mul3A_718] : memref<2000000xf32, #tpu.memory_space<hbm>> -> memref<1600xf32, #tpu.memory_space<hbm>>
        tpu.enqueue_dma source(%dma_start3A_736 : memref<1600xf32, #tpu.memory_space<hbm>>) target(%dma_start3A_735 : memref<1600xf32, #tpu.memory_space<vmem>>) target_semaphore(%run_scoped3A : memref<!tpu.dma_semaphore, #tpu.memory_space<semaphore_mem>>)
        %dma_wait3A_737 = arith.constant 4800 : i32
        %dma_wait3A_738 = tpu.memref_slice %arg9[%dma_wait3A_737] : memref<8000xf32, #tpu.memory_space<vmem>> -> memref<1600xf32, #tpu.memory_space<vmem>>
        %dma_wait3A_739 = tpu.memref_slice %arg5[%mul3A_718] : memref<2000000xf32, #tpu.memory_space<hbm>> -> memref<1600xf32, #tpu.memory_space<hbm>>
        %dma_wait3A_740 = arith.constant 4800 : i32
        %dma_wait3A_741 = tpu.memref_slice %arg9[%dma_wait3A_740] : memref<8000xf32, #tpu.memory_space<vmem>> -> memref<1600xf32, #tpu.memory_space<vmem>>
        %dma_wait3A_742 = tpu.memref_slice %arg5[%mul3A_718] : memref<2000000xf32, #tpu.memory_space<hbm>> -> memref<1600xf32, #tpu.memory_space<hbm>>
        tpu.wait_dma2 semaphore(%run_scoped3A : memref<!tpu.dma_semaphore, #tpu.memory_space<semaphore_mem>>) src(%dma_wait3A_742 : memref<1600xf32, #tpu.memory_space<hbm>>) dst(%dma_wait3A_741 : memref<1600xf32, #tpu.memory_space<vmem>>)
        tpu.yield
      }) : () -> ()
      %scan3A = arith.constant 0 : i32
      %scan3A_719 = arith.constant 0 : i32
      %scan3A_720 = arith.constant 100 : i32
      %scan3A_721 = arith.addi %scan3A_719, %scan3A_720 : i32
      %scan3A_722 = arith.constant 1 : i32
      %scan3A_723 = scf.for %scan3A_731 = %scan3A_719 to %scan3A_721 step %scan3A_722 iter_args(%scan3A_732 = %scan3A) -> (i32)  : i32 {
        %mul3A_733 = arith.constant 16 : i32
        %mul3A_734 = arith.muli %scan3A_731, %mul3A_733 : i32
        %get3A_735 = arith.index_cast %mul3A_734 : i32 to index
        %get3A_736 = tpu.vector_load %arg9[%get3A_735] {strides = array<i32>} : memref<8000xf32, #tpu.memory_space<vmem>>, vector<16xf32>,
        %convert_element_type3A = arith.fptosi %get3A_736 : vector<16xf32> to vector<16xi32>
        %mul3A_737 = arith.constant 16 : i32
        %mul3A_738 = arith.muli %scan3A_731, %mul3A_737 : i32
        %add3A_739 = arith.constant 1600 : i32
        %add3A_740 = arith.addi %add3A_739, %mul3A_738 : i32
        %get3A_741 = arith.index_cast %add3A_740 : i32 to index
        %get3A_742 = tpu.vector_load %arg9[%get3A_741] {strides = array<i32>} : memref<8000xf32, #tpu.memory_space<vmem>>, vector<16xf32>,
        %convert_element_type3A_743 = arith.fptosi %get3A_742 : vector<16xf32> to vector<16xi32>
        %mul3A_744 = arith.constant 16 : i32
        %mul3A_745 = arith.muli %scan3A_731, %mul3A_744 : i32
        %add3A_746 = arith.constant 3200 : i32
        %add3A_747 = arith.addi %add3A_746, %mul3A_745 : i32
        %get3A_748 = arith.index_cast %add3A_747 : i32 to index
        %get3A_749 = tpu.vector_load %arg9[%get3A_748] {strides = array<i32>} : memref<8000xf32, #tpu.memory_space<vmem>>, vector<16xf32>,
        %convert_element_type3A_750 = arith.fptosi %get3A_749 : vector<16xf32> to vector<16xi32>
        %mul3A_751 = arith.constant 16 : i32
        %mul3A_752 = arith.muli %scan3A_731, %mul3A_751 : i32
        %add3A_753 = arith.constant 4800 : i32
        %add3A_754 = arith.addi %add3A_753, %mul3A_752 : i32
        %get3A_755 = arith.index_cast %add3A_754 : i32 to index
        %get3A_756 = tpu.vector_load %arg9[%get3A_755] {strides = array<i32>} : memref<8000xf32, #tpu.memory_space<vmem>>, vector<16xf32>,
        %convert_element_type3A_757 = arith.fptosi %get3A_756 : vector<16xf32> to vector<16xi32>
        %mul3A_758 = arith.constant 512 : i32
        %mul3A_759 = vector.broadcast %mul3A_758 : i32 to vector<16xi32>
        %mul3A_760 = arith.muli %convert_element_type3A_743, %mul3A_759 : vector<16xi32>
        %add3A_761 = arith.addi %convert_element_type3A, %mul3A_760 : vector<16xi32>
        %mul3A_762 = arith.constant 262144 : i32
        %mul3A_763 = vector.broadcast %mul3A_762 : i32 to vector<16xi32>
        %mul3A_764 = arith.muli %convert_element_type3A_750, %mul3A_763 : vector<16xi32>
        %add3A_765 = arith.addi %add3A_761, %mul3A_764 : vector<16xi32>
        %mul3A_766 = arith.constant 524288 : i32
        %mul3A_767 = vector.broadcast %mul3A_766 : i32 to vector<16xi32>
        %mul3A_768 = arith.muli %convert_element_type3A_757, %mul3A_767 : vector<16xi32>
        %add3A_769 = arith.addi %add3A_765, %mul3A_768 : vector<16xi32>
        %mul3A_770 = arith.constant 16 : i32
        %mul3A_771 = arith.muli %scan3A_731, %mul3A_770 : i32
        %swap3A = arith.index_cast %mul3A_771 : i32 to index
        %swap3A_772 = tpu.vector_load %arg13[%swap3A] {strides = array<i32>} : memref<16400xi32, #tpu.memory_space<vmem>>, vector<16xi32>,
        tpu.vector_store %arg13[%swap3A], %add3A_769 {strides = array<i32>} : memref<16400xi32, #tpu.memory_space<vmem>>, vector<16xi32>,
        %scan3A_773 = arith.constant 0 : i32
        scf.yield %scan3A_773 : i32
      }
      %scan3A_724 = arith.constant 100 : i32
      %mul3A_725 = arith.constant 2016384 : i32
      %mul3A_726 = arith.muli %arg0, %mul3A_725 : i32
      %mul3A_727 = arith.constant 1600 : i32
      %mul3A_728 = arith.muli %add3A_716, %mul3A_727 : i32
      %add3A_729 = arith.addi %mul3A_726, %mul3A_728 : i32
      "tpu.region"() ({
        %run_scoped3A = tpu.sem_alloc : memref<!tpu.dma_semaphore, #tpu.memory_space<semaphore_mem>>
        %dma_start3A_731 = arith.constant 0 : i32
        %dma_start3A_732 = tpu.memref_slice %arg13[%dma_start3A_731] : memref<16400xi32, #tpu.memory_space<vmem>> -> memref<1600xi32, #tpu.memory_space<vmem>>
        %dma_start3A_733 = tpu.memref_slice %arg8[%add3A_729] : memref<4032768xi32, #tpu.memory_space<hbm>> -> memref<1600xi32, #tpu.memory_space<hbm>>
        %dma_start3A_734 = tpu.memref_slice %arg8[%add3A_729] : memref<4032768xi32, #tpu.memory_space<hbm>> -> memref<1600xi32, #tpu.memory_space<hbm>>
        %dma_start3A_735 = arith.constant 0 : i32
        %dma_start3A_736 = tpu.memref_slice %arg13[%dma_start3A_735] : memref<16400xi32, #tpu.memory_space<vmem>> -> memref<1600xi32, #tpu.memory_space<vmem>>
        tpu.enqueue_dma source(%dma_start3A_736 : memref<1600xi32, #tpu.memory_space<vmem>>) target(%dma_start3A_734 : memref<1600xi32, #tpu.memory_space<hbm>>) target_semaphore(%run_scoped3A : memref<!tpu.dma_semaphore, #tpu.memory_space<semaphore_mem>>)
        %dma_wait3A_737 = arith.constant 0 : i32
        %dma_wait3A_738 = tpu.memref_slice %arg13[%dma_wait3A_737] : memref<16400xi32, #tpu.memory_space<vmem>> -> memref<1600xi32, #tpu.memory_space<vmem>>
        %dma_wait3A_739 = tpu.memref_slice %arg8[%add3A_729] : memref<4032768xi32, #tpu.memory_space<hbm>> -> memref<1600xi32, #tpu.memory_space<hbm>>
        %dma_wait3A_740 = tpu.memref_slice %arg8[%add3A_729] : memref<4032768xi32, #tpu.memory_space<hbm>> -> memref<1600xi32, #tpu.memory_space<hbm>>
        %dma_wait3A_741 = arith.constant 0 : i32
        %dma_wait3A_742 = tpu.memref_slice %arg13[%dma_wait3A_741] : memref<16400xi32, #tpu.memory_space<vmem>> -> memref<1600xi32, #tpu.memory_space<vmem>>
        tpu.wait_dma2 semaphore(%run_scoped3A : memref<!tpu.dma_semaphore, #tpu.memory_space<semaphore_mem>>) src(%dma_wait3A_742 : memref<1600xi32, #tpu.memory_space<vmem>>) dst(%dma_wait3A_740 : memref<1600xi32, #tpu.memory_space<hbm>>)
        tpu.yield
      }) : () -> ()
      %while3A_730 = arith.constant 0 : i32
      scf.yield %while3A_730 : i32
    }
    %barrier3A = arith.constant 0 : index
    tpu.barrier barrier_id(%barrier3A)
    %mul3A = arith.constant 2 : i32
    %mul3A_32 = arith.muli %arg1, %mul3A : i32
    %add3A_33 = arith.addi %mul3A_32, %arg0 : i32
    %broadcast_in_dim3A = arith.constant 1.000000e+00 : f32
    %broadcast_in_dim3A_34 = vector.broadcast %broadcast_in_dim3A : f32 to vector<16xf32>
    %broadcast_in_dim3A_35 = arith.constant 0.000000e+00 : f32
    %broadcast_in_dim3A_36 = vector.broadcast %broadcast_in_dim3A_35 : f32 to vector<16xf32>
    %broadcast_in_dim3A_37 = arith.constant 65536 : i32
    %broadcast_in_dim3A_38 = vector.broadcast %broadcast_in_dim3A_37 : i32 to vector<16xi32>
    %add3A_39 = arith.constant 0 : i32
    %add3A_40 = arith.addi %add3A_39, %add3A_33 : i32
    %jit3A_41 = arith.constant 8 : i32
    %div3A_42 = arith.divsi %add3A_40, %jit3A_41 : i32
    %sign3A_43 = arith.constant 0 : i32
    %sign3A_44 = arith.cmpi sgt, %add3A_40, %sign3A_43 : i32
    %sign3A_45 = arith.extui %sign3A_44 : i1 to i32
    %sign3A_46 = arith.constant 0 : i32
    %sign3A_47 = arith.cmpi slt, %add3A_40, %sign3A_46 : i32
    %sign3A_48 = arith.extui %sign3A_47 : i1 to i32
    %sign3A_49 = arith.subi %sign3A_45, %sign3A_48 : i32
    %sign3A_50 = arith.constant 0 : i32
    %sign3A_51 = arith.cmpi sgt, %jit3A_41, %sign3A_50 : i32
    %sign3A_52 = arith.extui %sign3A_51 : i1 to i32
    %sign3A_53 = arith.constant 0 : i32
    %sign3A_54 = arith.cmpi slt, %jit3A_41, %sign3A_53 : i32
    %sign3A_55 = arith.extui %sign3A_54 : i1 to i32
    %sign3A_56 = arith.subi %sign3A_52, %sign3A_55 : i32
    %ne3A_57 = arith.cmpi ne, %sign3A_49, %sign3A_56 : i32
    %rem3A_58 = arith.remsi %add3A_40, %jit3A_41 : i32
    %ne3A_59 = arith.constant 0 : i32
    %ne3A_60 = arith.cmpi ne, %rem3A_58, %ne3A_59 : i32
    %and3A_61 = arith.andi %ne3A_57, %ne3A_60 : i1
    %sub3A_62 = arith.constant 1 : i32
    %sub3A_63 = arith.subi %div3A_42, %sub3A_62 : i32
    %select_n3A_64 = arith.select %and3A_61, %sub3A_63, %div3A_42 : i32
    %mul3A_65 = arith.constant 65536 : i32
    %mul3A_66 = arith.muli %add3A_40, %mul3A_65 : i32
    %get3A = arith.index_cast %select_n3A_64 : i32 to index
    %get3A_67 = tpu.vector_load %arg14[%get3A] {strides = array<i32>} : memref<32xi32, #tpu.memory_space<vmem>>, vector<16xi32>,
    %slice3A = vector.extract_strided_slice %get3A_67 {offsets = [0], sizes = [1], strides = [1]} : vector<16xi32> to vector<1xi32>
    %squeeze3A = vector.extract %slice3A[0] : i32 from vector<1xi32>
    %slice3A_68 = vector.extract_strided_slice %get3A_67 {offsets = [1], sizes = [1], strides = [1]} : vector<16xi32> to vector<1xi32>
    %squeeze3A_69 = vector.extract %slice3A_68[0] : i32 from vector<1xi32>
    %jit3A_70 = arith.constant 16 : i32
    %div3A_71 = arith.divsi %squeeze3A, %jit3A_70 : i32
    %sign3A_72 = arith.constant 0 : i32
    %sign3A_73 = arith.cmpi sgt, %squeeze3A, %sign3A_72 : i32
    %sign3A_74 = arith.extui %sign3A_73 : i1 to i32
    %sign3A_75 = arith.constant 0 : i32
    %sign3A_76 = arith.cmpi slt, %squeeze3A, %sign3A_75 : i32
    %sign3A_77 = arith.extui %sign3A_76 : i1 to i32
    %sign3A_78 = arith.subi %sign3A_74, %sign3A_77 : i32
    %sign3A_79 = arith.constant 0 : i32
    %sign3A_80 = arith.cmpi sgt, %jit3A_70, %sign3A_79 : i32
    %sign3A_81 = arith.extui %sign3A_80 : i1 to i32
    %sign3A_82 = arith.constant 0 : i32
    %sign3A_83 = arith.cmpi slt, %jit3A_70, %sign3A_82 : i32
    %sign3A_84 = arith.extui %sign3A_83 : i1 to i32
    %sign3A_85 = arith.subi %sign3A_81, %sign3A_84 : i32
    %ne3A_86 = arith.cmpi ne, %sign3A_78, %sign3A_85 : i32
    %rem3A_87 = arith.remsi %squeeze3A, %jit3A_70 : i32
    %ne3A_88 = arith.constant 0 : i32
    %ne3A_89 = arith.cmpi ne, %rem3A_87, %ne3A_88 : i32
    %and3A_90 = arith.andi %ne3A_86, %ne3A_89 : i1
    %sub3A_91 = arith.constant 1 : i32
    %sub3A_92 = arith.subi %div3A_71, %sub3A_91 : i32
    %select_n3A_93 = arith.select %and3A_90, %sub3A_92, %div3A_71 : i32
    %mul3A_94 = arith.constant 16 : i32
    %mul3A_95 = arith.muli %select_n3A_93, %mul3A_94 : i32
    %sub3A_96 = arith.subi %squeeze3A_69, %mul3A_95 : i32
    %add3A_97 = arith.constant 15 : i32
    %add3A_98 = arith.addi %sub3A_96, %add3A_97 : i32
    %jit3A_99 = arith.constant 16 : i32
    %div3A_100 = arith.divsi %add3A_98, %jit3A_99 : i32
    %sign3A_101 = arith.constant 0 : i32
    %sign3A_102 = arith.cmpi sgt, %add3A_98, %sign3A_101 : i32
    %sign3A_103 = arith.extui %sign3A_102 : i1 to i32
    %sign3A_104 = arith.constant 0 : i32
    %sign3A_105 = arith.cmpi slt, %add3A_98, %sign3A_104 : i32
    %sign3A_106 = arith.extui %sign3A_105 : i1 to i32
    %sign3A_107 = arith.subi %sign3A_103, %sign3A_106 : i32
    %sign3A_108 = arith.constant 0 : i32
    %sign3A_109 = arith.cmpi sgt, %jit3A_99, %sign3A_108 : i32
    %sign3A_110 = arith.extui %sign3A_109 : i1 to i32
    %sign3A_111 = arith.constant 0 : i32
    %sign3A_112 = arith.cmpi slt, %jit3A_99, %sign3A_111 : i32
    %sign3A_113 = arith.extui %sign3A_112 : i1 to i32
    %sign3A_114 = arith.subi %sign3A_110, %sign3A_113 : i32
    %ne3A_115 = arith.cmpi ne, %sign3A_107, %sign3A_114 : i32
    %rem3A_116 = arith.remsi %add3A_98, %jit3A_99 : i32
    %ne3A_117 = arith.constant 0 : i32
    %ne3A_118 = arith.cmpi ne, %rem3A_116, %ne3A_117 : i32
    %and3A_119 = arith.andi %ne3A_115, %ne3A_118 : i1
    %sub3A_120 = arith.constant 1 : i32
    %sub3A_121 = arith.subi %div3A_100, %sub3A_120 : i32
    %select_n3A_122 = arith.select %and3A_119, %sub3A_121, %div3A_100 : i32
    %add3A_123 = arith.constant 1024 : i32
    %add3A_124 = arith.addi %select_n3A_122, %add3A_123 : i32
    %sub3A_125 = arith.constant 1 : i32
    %sub3A_126 = arith.subi %add3A_124, %sub3A_125 : i32
    %jit3A_127 = arith.constant 1024 : i32
    %div3A_128 = arith.divsi %sub3A_126, %jit3A_127 : i32
    %sign3A_129 = arith.constant 0 : i32
    %sign3A_130 = arith.cmpi sgt, %sub3A_126, %sign3A_129 : i32
    %sign3A_131 = arith.extui %sign3A_130 : i1 to i32
    %sign3A_132 = arith.constant 0 : i32
    %sign3A_133 = arith.cmpi slt, %sub3A_126, %sign3A_132 : i32
    %sign3A_134 = arith.extui %sign3A_133 : i1 to i32
    %sign3A_135 = arith.subi %sign3A_131, %sign3A_134 : i32
    %sign3A_136 = arith.constant 0 : i32
    %sign3A_137 = arith.cmpi sgt, %jit3A_127, %sign3A_136 : i32
    %sign3A_138 = arith.extui %sign3A_137 : i1 to i32
    %sign3A_139 = arith.constant 0 : i32
    %sign3A_140 = arith.cmpi slt, %jit3A_127, %sign3A_139 : i32
    %sign3A_141 = arith.extui %sign3A_140 : i1 to i32
    %sign3A_142 = arith.subi %sign3A_138, %sign3A_141 : i32
    %ne3A_143 = arith.cmpi ne, %sign3A_135, %sign3A_142 : i32
    %rem3A_144 = arith.remsi %sub3A_126, %jit3A_127 : i32
    %ne3A_145 = arith.constant 0 : i32
    %ne3A_146 = arith.cmpi ne, %rem3A_144, %ne3A_145 : i32
    %and3A_147 = arith.andi %ne3A_143, %ne3A_146 : i1
    %sub3A_148 = arith.constant 1 : i32
    %sub3A_149 = arith.subi %div3A_128, %sub3A_148 : i32
    %select_n3A_150 = arith.select %and3A_147, %sub3A_149, %div3A_128 : i32
    %parallel_loop3A = arith.constant 0 : i32
    %parallel_loop3A_151 = arith.constant 4097 : i32
    %parallel_loop3A_152 = arith.constant 1 : i32
    scf.for %parallel_loop3A_712 = %parallel_loop3A to %parallel_loop3A_151 step %parallel_loop3A_152  : i32 {
      %parallel_loop3A_713 = arith.constant 16 : i32
      %parallel_loop3A_714 = arith.muli %parallel_loop3A_712, %parallel_loop3A_713 : i32
      %parallel_loop3A_715 = arith.index_cast %parallel_loop3A_714 : i32 to index
      %parallel_loop3A_716 = tpu.vector_load %arg10[%parallel_loop3A_715] {strides = array<i32>} : memref<65552xf32, #tpu.memory_space<vmem>>, vector<16xf32>,
      tpu.vector_store %arg10[%parallel_loop3A_715], %broadcast_in_dim3A_36 {strides = array<i32>} : memref<65552xf32, #tpu.memory_space<vmem>>, vector<16xf32>,
    } {sc.loop_unroll_factor = 8 : i64, sc.parallel_access}
    %add3A_153 = arith.constant 0 : i32
    %add3A_154 = arith.addi %mul3A_95, %add3A_153 : i32
    %min3A = arith.constant 2000000 : i32
    %min3A_155 = arith.minsi %add3A_154, %min3A : i32
    %mul3A_156 = arith.constant 2016384 : i32
    %mul3A_157 = arith.muli %arg0, %mul3A_156 : i32
    %add3A_158 = arith.addi %mul3A_157, %min3A_155 : i32
    %dma_start3A = tpu.memref_slice %arg8[%add3A_158] : memref<4032768xi32, #tpu.memory_space<hbm>> -> memref<16384xi32, #tpu.memory_space<hbm>>
    %dma_start3A_159 = tpu.memref_slice %arg8[%add3A_158] : memref<4032768xi32, #tpu.memory_space<hbm>> -> memref<16384xi32, #tpu.memory_space<hbm>>
    tpu.enqueue_dma source(%dma_start3A_159 : memref<16384xi32, #tpu.memory_space<hbm>>) target(%arg11 : memref<16384xi32, #tpu.memory_space<vmem>>) target_semaphore(%arg15 : memref<!tpu.dma_semaphore, #tpu.memory_space<semaphore_mem>>)
    %add3A_160 = arith.constant 1 : i32
    %add3A_161 = arith.addi %select_n3A_150, %add3A_160 : i32
    %jit3A_162 = arith.constant 2 : i32
    %div3A_163 = arith.divsi %add3A_161, %jit3A_162 : i32
    %sign3A_164 = arith.constant 0 : i32
    %sign3A_165 = arith.cmpi sgt, %add3A_161, %sign3A_164 : i32
    %sign3A_166 = arith.extui %sign3A_165 : i1 to i32
    %sign3A_167 = arith.constant 0 : i32
    %sign3A_168 = arith.cmpi slt, %add3A_161, %sign3A_167 : i32
    %sign3A_169 = arith.extui %sign3A_168 : i1 to i32
    %sign3A_170 = arith.subi %sign3A_166, %sign3A_169 : i32
    %sign3A_171 = arith.constant 0 : i32
    %sign3A_172 = arith.cmpi sgt, %jit3A_162, %sign3A_171 : i32
    %sign3A_173 = arith.extui %sign3A_172 : i1 to i32
    %sign3A_174 = arith.constant 0 : i32
    %sign3A_175 = arith.cmpi slt, %jit3A_162, %sign3A_174 : i32
    %sign3A_176 = arith.extui %sign3A_175 : i1 to i32
    %sign3A_177 = arith.subi %sign3A_173, %sign3A_176 : i32
    %ne3A_178 = arith.cmpi ne, %sign3A_170, %sign3A_177 : i32
    %rem3A_179 = arith.remsi %add3A_161, %jit3A_162 : i32
    %ne3A_180 = arith.constant 0 : i32
    %ne3A_181 = arith.cmpi ne, %rem3A_179, %ne3A_180 : i32
    %and3A_182 = arith.andi %ne3A_178, %ne3A_181 : i1
    %sub3A_183 = arith.constant 1 : i32
    %sub3A_184 = arith.subi %div3A_163, %sub3A_183 : i32
    %select_n3A_185 = arith.select %and3A_182, %sub3A_184, %div3A_163 : i32
    %while3A_186 = arith.constant 65536 : i32
    %while3A_187 = arith.constant 0 : i32
    %while3A_188 = arith.constant 0 : i32
    %while3A_189 = arith.subi %select_n3A_185, %while3A_187 : i32
    %while3A_190 = arith.addi %while3A_187, %while3A_189 : i32
    %while3A_191 = arith.constant 1 : i32
    %while3A_192 = arith.divsi %while3A_189, %while3A_191 : i32
    %while3A_193 = arith.muli %while3A_192, %while3A_191 : i32
    %while3A_194 = arith.addi %while3A_187, %while3A_193 : i32
    %while3A_195 = arith.constant 1 : i32
    %while3A_196 = scf.for %while3A_712 = %while3A_187 to %while3A_194 step %while3A_195 iter_args(%while3A_713 = %while3A_188) -> (i32)  : i32 {
      %mul3A_714 = arith.constant 2 : i32
      %mul3A_715 = arith.muli %mul3A_714, %while3A_712 : i32
      %add3A_716 = arith.constant 1 : i32
      %add3A_717 = arith.addi %mul3A_715, %add3A_716 : i32
      %mul3A_718 = arith.constant 16384 : i32
      %mul3A_719 = arith.muli %add3A_717, %mul3A_718 : i32
      %add3A_720 = arith.addi %mul3A_95, %mul3A_719 : i32
      %min3A_721 = arith.constant 2000000 : i32
      %min3A_722 = arith.minsi %add3A_720, %min3A_721 : i32
      %mul3A_723 = arith.constant 2016384 : i32
      %mul3A_724 = arith.muli %arg0, %mul3A_723 : i32
      %add3A_725 = arith.addi %mul3A_724, %min3A_722 : i32
      %dma_start3A_726 = tpu.memref_slice %arg8[%add3A_725] : memref<4032768xi32, #tpu.memory_space<hbm>> -> memref<16384xi32, #tpu.memory_space<hbm>>
      %dma_start3A_727 = tpu.memref_slice %arg8[%add3A_725] : memref<4032768xi32, #tpu.memory_space<hbm>> -> memref<16384xi32, #tpu.memory_space<hbm>>
      tpu.enqueue_dma source(%dma_start3A_727 : memref<16384xi32, #tpu.memory_space<hbm>>) target(%arg12 : memref<16384xi32, #tpu.memory_space<vmem>>) target_semaphore(%arg16 : memref<!tpu.dma_semaphore, #tpu.memory_space<semaphore_mem>>)
      %dma_wait3A_728 = arith.constant 0 : i32
      %dma_wait3A_729 = tpu.memref_slice %arg8[%dma_wait3A_728] : memref<4032768xi32, #tpu.memory_space<hbm>> -> memref<16384xi32, #tpu.memory_space<hbm>>
      %dma_wait3A_730 = arith.constant 0 : i32
      %dma_wait3A_731 = tpu.memref_slice %arg8[%dma_wait3A_730] : memref<4032768xi32, #tpu.memory_space<hbm>> -> memref<16384xi32, #tpu.memory_space<hbm>>
      tpu.wait_dma2 semaphore(%arg15 : memref<!tpu.dma_semaphore, #tpu.memory_space<semaphore_mem>>) src(%dma_wait3A_731 : memref<16384xi32, #tpu.memory_space<hbm>>) dst(%arg11 : memref<16384xi32, #tpu.memory_space<vmem>>)
      %mul3A_732 = arith.constant 1024 : i32
      %mul3A_733 = arith.muli %mul3A_715, %mul3A_732 : i32
      %sub3A_734 = arith.subi %select_n3A_122, %mul3A_733 : i32
      %jit3A_735 = arith.constant 0 : i32
      %jit3A_736 = arith.constant 1024 : i32
      %max3A = arith.maxsi %jit3A_735, %sub3A_734 : i32
      %min3A_737 = arith.minsi %jit3A_736, %max3A : i32
      %while3A_738 = arith.constant 0 : i32
      %while3A_739 = arith.constant 0 : i32
      %while3A_740 = arith.subi %min3A_737, %while3A_738 : i32
      %while3A_741 = arith.addi %while3A_738, %while3A_740 : i32
      %while3A_742 = arith.constant 1 : i32
      %while3A_743 = arith.divsi %while3A_740, %while3A_742 : i32
      %while3A_744 = arith.muli %while3A_743, %while3A_742 : i32
      %while3A_745 = arith.addi %while3A_738, %while3A_744 : i32
      %while3A_746 = arith.constant 1 : i32
      %while3A_747 = scf.for %while3A_847 = %while3A_738 to %while3A_745 step %while3A_746 iter_args(%while3A_848 = %while3A_739) -> (i32)  : i32 {
        %mul3A_849 = arith.constant 16 : i32
        %mul3A_850 = arith.muli %while3A_847, %mul3A_849 : i32
        %get3A_851 = arith.index_cast %mul3A_850 : i32 to index
        %get3A_852 = tpu.vector_load %arg11[%get3A_851] {strides = array<i32>} : memref<16384xi32, #tpu.memory_space<vmem>>, vector<16xi32>,
        %sub3A_853 = vector.broadcast %mul3A_66 : i32 to vector<16xi32>
        %sub3A_854 = arith.subi %get3A_852, %sub3A_853 : vector<16xi32>
        %bitcast3A = vector.bitcast %sub3A_854 : vector<16xi32> to vector<16xi32>
        %lt3A = vector.broadcast %while3A_186 : i32 to vector<16xi32>
        %lt3A_855 = arith.cmpi ult, %bitcast3A, %lt3A : vector<16xi32>
        %bitcast3A_856 = vector.bitcast %bitcast3A : vector<16xi32> to vector<16xi32>
        %swap3A_857 = arith.index_cast %while3A_848 : i32 to index
        %swap3A_858 = tpu.vector_load %arg13[%swap3A_857] masked %lt3A_855 {strides = array<i32>} : memref<16400xi32, #tpu.memory_space<vmem>>, vector<16xi32>, vector<16xi1>
        tpu.vector_store %arg13[%swap3A_857], %bitcast3A_856 masked %lt3A_855 {strides = array<i32>} : memref<16400xi32, #tpu.memory_space<vmem>>, vector<16xi32>, vector<16xi1>
        %all_reduce_population_count3A = tpu.all_reduce %lt3A_855 {dim = 0 : i64, kind = #tpu.reduction_kind<sum>} : vector<16xi1> -> vector<16xi32>
        %slice3A_859 = vector.extract_strided_slice %all_reduce_population_count3A {offsets = [0], sizes = [1], strides = [1]} : vector<16xi32> to vector<1xi32>
        %squeeze3A_860 = vector.extract %slice3A_859[0] : i32 from vector<1xi32>
        %add3A_861 = arith.addi %while3A_848, %squeeze3A_860 : i32
        scf.yield %add3A_861 : i32
      }
      %while3A_748 = arith.constant 1 : i32
      %while3A_749 = scf.for %while3A_847 = %while3A_745 to %while3A_741 step %while3A_748 iter_args(%while3A_848 = %while3A_747) -> (i32)  : i32 {
        %mul3A_849 = arith.constant 16 : i32
        %mul3A_850 = arith.muli %while3A_847, %mul3A_849 : i32
        %get3A_851 = arith.index_cast %mul3A_850 : i32 to index
        %get3A_852 = tpu.vector_load %arg11[%get3A_851] {strides = array<i32>} : memref<16384xi32, #tpu.memory_space<vmem>>, vector<16xi32>,
        %sub3A_853 = vector.broadcast %mul3A_66 : i32 to vector<16xi32>
        %sub3A_854 = arith.subi %get3A_852, %sub3A_853 : vector<16xi32>
        %bitcast3A = vector.bitcast %sub3A_854 : vector<16xi32> to vector<16xi32>
        %lt3A = vector.broadcast %while3A_186 : i32 to vector<16xi32>
        %lt3A_855 = arith.cmpi ult, %bitcast3A, %lt3A : vector<16xi32>
        %bitcast3A_856 = vector.bitcast %bitcast3A : vector<16xi32> to vector<16xi32>
        %swap3A_857 = arith.index_cast %while3A_848 : i32 to index
        %swap3A_858 = tpu.vector_load %arg13[%swap3A_857] masked %lt3A_855 {strides = array<i32>} : memref<16400xi32, #tpu.memory_space<vmem>>, vector<16xi32>, vector<16xi1>
        tpu.vector_store %arg13[%swap3A_857], %bitcast3A_856 masked %lt3A_855 {strides = array<i32>} : memref<16400xi32, #tpu.memory_space<vmem>>, vector<16xi32>, vector<16xi1>
        %all_reduce_population_count3A = tpu.all_reduce %lt3A_855 {dim = 0 : i64, kind = #tpu.reduction_kind<sum>} : vector<16xi1> -> vector<16xi32>
        %slice3A_859 = vector.extract_strided_slice %all_reduce_population_count3A {offsets = [0], sizes = [1], strides = [1]} : vector<16xi32> to vector<1xi32>
        %squeeze3A_860 = vector.extract %slice3A_859[0] : i32 from vector<1xi32>
        %add3A_861 = arith.addi %while3A_848, %squeeze3A_860 : i32
        scf.yield %add3A_861 : i32
      }
      %swap3A = arith.index_cast %while3A_749 : i32 to index
      %swap3A_750 = tpu.vector_load %arg13[%swap3A] {strides = array<i32>} : memref<16400xi32, #tpu.memory_space<vmem>>, vector<16xi32>,
      tpu.vector_store %arg13[%swap3A], %broadcast_in_dim3A_38 {strides = array<i32>} : memref<16400xi32, #tpu.memory_space<vmem>>, vector<16xi32>,
      %add3A_751 = arith.constant 15 : i32
      %add3A_752 = arith.addi %while3A_749, %add3A_751 : i32
      %jit3A_753 = arith.constant 16 : i32
      %div3A_754 = arith.divsi %add3A_752, %jit3A_753 : i32
      %sign3A_755 = arith.constant 0 : i32
      %sign3A_756 = arith.cmpi sgt, %add3A_752, %sign3A_755 : i32
      %sign3A_757 = arith.extui %sign3A_756 : i1 to i32
      %sign3A_758 = arith.constant 0 : i32
      %sign3A_759 = arith.cmpi slt, %add3A_752, %sign3A_758 : i32
      %sign3A_760 = arith.extui %sign3A_759 : i1 to i32
      %sign3A_761 = arith.subi %sign3A_757, %sign3A_760 : i32
      %sign3A_762 = arith.constant 0 : i32
      %sign3A_763 = arith.cmpi sgt, %jit3A_753, %sign3A_762 : i32
      %sign3A_764 = arith.extui %sign3A_763 : i1 to i32
      %sign3A_765 = arith.constant 0 : i32
      %sign3A_766 = arith.cmpi slt, %jit3A_753, %sign3A_765 : i32
      %sign3A_767 = arith.extui %sign3A_766 : i1 to i32
      %sign3A_768 = arith.subi %sign3A_764, %sign3A_767 : i32
      %ne3A_769 = arith.cmpi ne, %sign3A_761, %sign3A_768 : i32
      %rem3A_770 = arith.remsi %add3A_752, %jit3A_753 : i32
      %ne3A_771 = arith.constant 0 : i32
      %ne3A_772 = arith.cmpi ne, %rem3A_770, %ne3A_771 : i32
      %and3A_773 = arith.andi %ne3A_769, %ne3A_772 : i1
      %sub3A_774 = arith.constant 1 : i32
      %sub3A_775 = arith.subi %div3A_754, %sub3A_774 : i32
      %select_n3A_776 = arith.select %and3A_773, %sub3A_775, %div3A_754 : i32
      %parallel_loop3A_777 = arith.constant 0 : i32
      %parallel_loop3A_778 = arith.constant 1 : i32
      scf.for %parallel_loop3A_847 = %parallel_loop3A_777 to %select_n3A_776 step %parallel_loop3A_778  : i32 {
        %parallel_loop3A_848 = arith.constant 16 : i32
        %parallel_loop3A_849 = arith.muli %parallel_loop3A_847, %parallel_loop3A_848 : i32
        %parallel_loop3A_850 = arith.index_cast %parallel_loop3A_849 : i32 to index
        %parallel_loop3A_851 = tpu.vector_load %arg13[%parallel_loop3A_850] {strides = array<i32>} : memref<16400xi32, #tpu.memory_space<vmem>>, vector<16xi32>,
        tpu.vector_store_idx %arg10[%parallel_loop3A_851], %broadcast_in_dim3A_34 {add = true} : memref<65552xf32, #tpu.memory_space<vmem>>[vector<16xi32>], vector<16xf32>,
      } {sc.loop_unroll_factor = 4 : i64, sc.parallel_access}
      %add3A_779 = arith.constant 2 : i32
      %add3A_780 = arith.addi %mul3A_715, %add3A_779 : i32
      %mul3A_781 = arith.constant 16384 : i32
      %mul3A_782 = arith.muli %add3A_780, %mul3A_781 : i32
      %add3A_783 = arith.addi %mul3A_95, %mul3A_782 : i32
      %min3A_784 = arith.constant 2000000 : i32
      %min3A_785 = arith.minsi %add3A_783, %min3A_784 : i32
      %mul3A_786 = arith.constant 2016384 : i32
      %mul3A_787 = arith.muli %arg0, %mul3A_786 : i32
      %add3A_788 = arith.addi %mul3A_787, %min3A_785 : i32
      %dma_start3A_789 = tpu.memref_slice %arg8[%add3A_788] : memref<4032768xi32, #tpu.memory_space<hbm>> -> memref<16384xi32, #tpu.memory_space<hbm>>
      %dma_start3A_790 = tpu.memref_slice %arg8[%add3A_788] : memref<4032768xi32, #tpu.memory_space<hbm>> -> memref<16384xi32, #tpu.memory_space<hbm>>
      tpu.enqueue_dma source(%dma_start3A_790 : memref<16384xi32, #tpu.memory_space<hbm>>) target(%arg11 : memref<16384xi32, #tpu.memory_space<vmem>>) target_semaphore(%arg15 : memref<!tpu.dma_semaphore, #tpu.memory_space<semaphore_mem>>)
      %dma_wait3A_791 = arith.constant 0 : i32
      %dma_wait3A_792 = tpu.memref_slice %arg8[%dma_wait3A_791] : memref<4032768xi32, #tpu.memory_space<hbm>> -> memref<16384xi32, #tpu.memory_space<hbm>>
      %dma_wait3A_793 = arith.constant 0 : i32
      %dma_wait3A_794 = tpu.memref_slice %arg8[%dma_wait3A_793] : memref<4032768xi32, #tpu.memory_space<hbm>> -> memref<16384xi32, #tpu.memory_space<hbm>>
      tpu.wait_dma2 semaphore(%arg16 : memref<!tpu.dma_semaphore, #tpu.memory_space<semaphore_mem>>) src(%dma_wait3A_794 : memref<16384xi32, #tpu.memory_space<hbm>>) dst(%arg12 : memref<16384xi32, #tpu.memory_space<vmem>>)
      %add3A_795 = arith.constant 1 : i32
      %add3A_796 = arith.addi %mul3A_715, %add3A_795 : i32
      %mul3A_797 = arith.constant 1024 : i32
      %mul3A_798 = arith.muli %add3A_796, %mul3A_797 : i32
      %sub3A_799 = arith.subi %select_n3A_122, %mul3A_798 : i32
      %jit3A_800 = arith.constant 0 : i32
      %jit3A_801 = arith.constant 1024 : i32
      %max3A_802 = arith.maxsi %jit3A_800, %sub3A_799 : i32
      %min3A_803 = arith.minsi %jit3A_801, %max3A_802 : i32
      %while3A_804 = arith.constant 0 : i32
      %while3A_805 = arith.constant 0 : i32
      %while3A_806 = arith.subi %min3A_803, %while3A_804 : i32
      %while3A_807 = arith.addi %while3A_804, %while3A_806 : i32
      %while3A_808 = arith.constant 1 : i32
      %while3A_809 = arith.divsi %while3A_806, %while3A_808 : i32
      %while3A_810 = arith.muli %while3A_809, %while3A_808 : i32
      %while3A_811 = arith.addi %while3A_804, %while3A_810 : i32
      %while3A_812 = arith.constant 1 : i32
      %while3A_813 = scf.for %while3A_847 = %while3A_804 to %while3A_811 step %while3A_812 iter_args(%while3A_848 = %while3A_805) -> (i32)  : i32 {
        %mul3A_849 = arith.constant 16 : i32
        %mul3A_850 = arith.muli %while3A_847, %mul3A_849 : i32
        %get3A_851 = arith.index_cast %mul3A_850 : i32 to index
        %get3A_852 = tpu.vector_load %arg12[%get3A_851] {strides = array<i32>} : memref<16384xi32, #tpu.memory_space<vmem>>, vector<16xi32>,
        %sub3A_853 = vector.broadcast %mul3A_66 : i32 to vector<16xi32>
        %sub3A_854 = arith.subi %get3A_852, %sub3A_853 : vector<16xi32>
        %bitcast3A = vector.bitcast %sub3A_854 : vector<16xi32> to vector<16xi32>
        %lt3A = vector.broadcast %while3A_186 : i32 to vector<16xi32>
        %lt3A_855 = arith.cmpi ult, %bitcast3A, %lt3A : vector<16xi32>
        %bitcast3A_856 = vector.bitcast %bitcast3A : vector<16xi32> to vector<16xi32>
        %swap3A_857 = arith.index_cast %while3A_848 : i32 to index
        %swap3A_858 = tpu.vector_load %arg13[%swap3A_857] masked %lt3A_855 {strides = array<i32>} : memref<16400xi32, #tpu.memory_space<vmem>>, vector<16xi32>, vector<16xi1>
        tpu.vector_store %arg13[%swap3A_857], %bitcast3A_856 masked %lt3A_855 {strides = array<i32>} : memref<16400xi32, #tpu.memory_space<vmem>>, vector<16xi32>, vector<16xi1>
        %all_reduce_population_count3A = tpu.all_reduce %lt3A_855 {dim = 0 : i64, kind = #tpu.reduction_kind<sum>} : vector<16xi1> -> vector<16xi32>
        %slice3A_859 = vector.extract_strided_slice %all_reduce_population_count3A {offsets = [0], sizes = [1], strides = [1]} : vector<16xi32> to vector<1xi32>
        %squeeze3A_860 = vector.extract %slice3A_859[0] : i32 from vector<1xi32>
        %add3A_861 = arith.addi %while3A_848, %squeeze3A_860 : i32
        scf.yield %add3A_861 : i32
      }
      %while3A_814 = arith.constant 1 : i32
      %while3A_815 = scf.for %while3A_847 = %while3A_811 to %while3A_807 step %while3A_814 iter_args(%while3A_848 = %while3A_813) -> (i32)  : i32 {
        %mul3A_849 = arith.constant 16 : i32
        %mul3A_850 = arith.muli %while3A_847, %mul3A_849 : i32
        %get3A_851 = arith.index_cast %mul3A_850 : i32 to index
        %get3A_852 = tpu.vector_load %arg12[%get3A_851] {strides = array<i32>} : memref<16384xi32, #tpu.memory_space<vmem>>, vector<16xi32>,
        %sub3A_853 = vector.broadcast %mul3A_66 : i32 to vector<16xi32>
        %sub3A_854 = arith.subi %get3A_852, %sub3A_853 : vector<16xi32>
        %bitcast3A = vector.bitcast %sub3A_854 : vector<16xi32> to vector<16xi32>
        %lt3A = vector.broadcast %while3A_186 : i32 to vector<16xi32>
        %lt3A_855 = arith.cmpi ult, %bitcast3A, %lt3A : vector<16xi32>
        %bitcast3A_856 = vector.bitcast %bitcast3A : vector<16xi32> to vector<16xi32>
        %swap3A_857 = arith.index_cast %while3A_848 : i32 to index
        %swap3A_858 = tpu.vector_load %arg13[%swap3A_857] masked %lt3A_855 {strides = array<i32>} : memref<16400xi32, #tpu.memory_space<vmem>>, vector<16xi32>, vector<16xi1>
        tpu.vector_store %arg13[%swap3A_857], %bitcast3A_856 masked %lt3A_855 {strides = array<i32>} : memref<16400xi32, #tpu.memory_space<vmem>>, vector<16xi32>, vector<16xi1>
        %all_reduce_population_count3A = tpu.all_reduce %lt3A_855 {dim = 0 : i64, kind = #tpu.reduction_kind<sum>} : vector<16xi1> -> vector<16xi32>
        %slice3A_859 = vector.extract_strided_slice %all_reduce_population_count3A {offsets = [0], sizes = [1], strides = [1]} : vector<16xi32> to vector<1xi32>
        %squeeze3A_860 = vector.extract %slice3A_859[0] : i32 from vector<1xi32>
        %add3A_861 = arith.addi %while3A_848, %squeeze3A_860 : i32
        scf.yield %add3A_861 : i32
      }
      %swap3A_816 = arith.index_cast %while3A_815 : i32 to index
      %swap3A_817 = tpu.vector_load %arg13[%swap3A_816] {strides = array<i32>} : memref<16400xi32, #tpu.memory_space<vmem>>, vector<16xi32>,
      tpu.vector_store %arg13[%swap3A_816], %broadcast_in_dim3A_38 {strides = array<i32>} : memref<16400xi32, #tpu.memory_space<vmem>>, vector<16xi32>,
      %add3A_818 = arith.constant 15 : i32
      %add3A_819 = arith.addi %while3A_815, %add3A_818 : i32
      %jit3A_820 = arith.constant 16 : i32
      %div3A_821 = arith.divsi %add3A_819, %jit3A_820 : i32
      %sign3A_822 = arith.constant 0 : i32
      %sign3A_823 = arith.cmpi sgt, %add3A_819, %sign3A_822 : i32
      %sign3A_824 = arith.extui %sign3A_823 : i1 to i32
      %sign3A_825 = arith.constant 0 : i32
      %sign3A_826 = arith.cmpi slt, %add3A_819, %sign3A_825 : i32
      %sign3A_827 = arith.extui %sign3A_826 : i1 to i32
      %sign3A_828 = arith.subi %sign3A_824, %sign3A_827 : i32
      %sign3A_829 = arith.constant 0 : i32
      %sign3A_830 = arith.cmpi sgt, %jit3A_820, %sign3A_829 : i32
      %sign3A_831 = arith.extui %sign3A_830 : i1 to i32
      %sign3A_832 = arith.constant 0 : i32
      %sign3A_833 = arith.cmpi slt, %jit3A_820, %sign3A_832 : i32
      %sign3A_834 = arith.extui %sign3A_833 : i1 to i32
      %sign3A_835 = arith.subi %sign3A_831, %sign3A_834 : i32
      %ne3A_836 = arith.cmpi ne, %sign3A_828, %sign3A_835 : i32
      %rem3A_837 = arith.remsi %add3A_819, %jit3A_820 : i32
      %ne3A_838 = arith.constant 0 : i32
      %ne3A_839 = arith.cmpi ne, %rem3A_837, %ne3A_838 : i32
      %and3A_840 = arith.andi %ne3A_836, %ne3A_839 : i1
      %sub3A_841 = arith.constant 1 : i32
      %sub3A_842 = arith.subi %div3A_821, %sub3A_841 : i32
      %select_n3A_843 = arith.select %and3A_840, %sub3A_842, %div3A_821 : i32
      %parallel_loop3A_844 = arith.constant 0 : i32
      %parallel_loop3A_845 = arith.constant 1 : i32
      scf.for %parallel_loop3A_847 = %parallel_loop3A_844 to %select_n3A_843 step %parallel_loop3A_845  : i32 {
        %parallel_loop3A_848 = arith.constant 16 : i32
        %parallel_loop3A_849 = arith.muli %parallel_loop3A_847, %parallel_loop3A_848 : i32
        %parallel_loop3A_850 = arith.index_cast %parallel_loop3A_849 : i32 to index
        %parallel_loop3A_851 = tpu.vector_load %arg13[%parallel_loop3A_850] {strides = array<i32>} : memref<16400xi32, #tpu.memory_space<vmem>>, vector<16xi32>,
        tpu.vector_store_idx %arg10[%parallel_loop3A_851], %broadcast_in_dim3A_34 {add = true} : memref<65552xf32, #tpu.memory_space<vmem>>[vector<16xi32>], vector<16xf32>,
      } {sc.loop_unroll_factor = 4 : i64, sc.parallel_access}
      %while3A_846 = arith.constant 0 : i32
      scf.yield %while3A_846 : i32
    }
    %while3A_197 = arith.constant 1 : i32
    %while3A_198 = scf.for %while3A_712 = %while3A_194 to %while3A_190 step %while3A_197 iter_args(%while3A_713 = %while3A_196) -> (i32)  : i32 {
      %mul3A_714 = arith.constant 2 : i32
      %mul3A_715 = arith.muli %mul3A_714, %while3A_712 : i32
      %add3A_716 = arith.constant 1 : i32
      %add3A_717 = arith.addi %mul3A_715, %add3A_716 : i32
      %mul3A_718 = arith.constant 16384 : i32
      %mul3A_719 = arith.muli %add3A_717, %mul3A_718 : i32
      %add3A_720 = arith.addi %mul3A_95, %mul3A_719 : i32
      %min3A_721 = arith.constant 2000000 : i32
      %min3A_722 = arith.minsi %add3A_720, %min3A_721 : i32
      %mul3A_723 = arith.constant 2016384 : i32
      %mul3A_724 = arith.muli %arg0, %mul3A_723 : i32
      %add3A_725 = arith.addi %mul3A_724, %min3A_722 : i32
      %dma_start3A_726 = tpu.memref_slice %arg8[%add3A_725] : memref<4032768xi32, #tpu.memory_space<hbm>> -> memref<16384xi32, #tpu.memory_space<hbm>>
      %dma_start3A_727 = tpu.memref_slice %arg8[%add3A_725] : memref<4032768xi32, #tpu.memory_space<hbm>> -> memref<16384xi32, #tpu.memory_space<hbm>>
      tpu.enqueue_dma source(%dma_start3A_727 : memref<16384xi32, #tpu.memory_space<hbm>>) target(%arg12 : memref<16384xi32, #tpu.memory_space<vmem>>) target_semaphore(%arg16 : memref<!tpu.dma_semaphore, #tpu.memory_space<semaphore_mem>>)
      %dma_wait3A_728 = arith.constant 0 : i32
      %dma_wait3A_729 = tpu.memref_slice %arg8[%dma_wait3A_728] : memref<4032768xi32, #tpu.memory_space<hbm>> -> memref<16384xi32, #tpu.memory_space<hbm>>
      %dma_wait3A_730 = arith.constant 0 : i32
      %dma_wait3A_731 = tpu.memref_slice %arg8[%dma_wait3A_730] : memref<4032768xi32, #tpu.memory_space<hbm>> -> memref<16384xi32, #tpu.memory_space<hbm>>
      tpu.wait_dma2 semaphore(%arg15 : memref<!tpu.dma_semaphore, #tpu.memory_space<semaphore_mem>>) src(%dma_wait3A_731 : memref<16384xi32, #tpu.memory_space<hbm>>) dst(%arg11 : memref<16384xi32, #tpu.memory_space<vmem>>)
      %mul3A_732 = arith.constant 1024 : i32
      %mul3A_733 = arith.muli %mul3A_715, %mul3A_732 : i32
      %sub3A_734 = arith.subi %select_n3A_122, %mul3A_733 : i32
      %jit3A_735 = arith.constant 0 : i32
      %jit3A_736 = arith.constant 1024 : i32
      %max3A = arith.maxsi %jit3A_735, %sub3A_734 : i32
      %min3A_737 = arith.minsi %jit3A_736, %max3A : i32
      %while3A_738 = arith.constant 0 : i32
      %while3A_739 = arith.constant 0 : i32
      %while3A_740 = arith.subi %min3A_737, %while3A_738 : i32
      %while3A_741 = arith.addi %while3A_738, %while3A_740 : i32
      %while3A_742 = arith.constant 1 : i32
      %while3A_743 = arith.divsi %while3A_740, %while3A_742 : i32
      %while3A_744 = arith.muli %while3A_743, %while3A_742 : i32
      %while3A_745 = arith.addi %while3A_738, %while3A_744 : i32
      %while3A_746 = arith.constant 1 : i32
      %while3A_747 = scf.for %while3A_847 = %while3A_738 to %while3A_745 step %while3A_746 iter_args(%while3A_848 = %while3A_739) -> (i32)  : i32 {
        %mul3A_849 = arith.constant 16 : i32
        %mul3A_850 = arith.muli %while3A_847, %mul3A_849 : i32
        %get3A_851 = arith.index_cast %mul3A_850 : i32 to index
        %get3A_852 = tpu.vector_load %arg11[%get3A_851] {strides = array<i32>} : memref<16384xi32, #tpu.memory_space<vmem>>, vector<16xi32>,
        %sub3A_853 = vector.broadcast %mul3A_66 : i32 to vector<16xi32>
        %sub3A_854 = arith.subi %get3A_852, %sub3A_853 : vector<16xi32>
        %bitcast3A = vector.bitcast %sub3A_854 : vector<16xi32> to vector<16xi32>
        %lt3A = vector.broadcast %while3A_186 : i32 to vector<16xi32>
        %lt3A_855 = arith.cmpi ult, %bitcast3A, %lt3A : vector<16xi32>
        %bitcast3A_856 = vector.bitcast %bitcast3A : vector<16xi32> to vector<16xi32>
        %swap3A_857 = arith.index_cast %while3A_848 : i32 to index
        %swap3A_858 = tpu.vector_load %arg13[%swap3A_857] masked %lt3A_855 {strides = array<i32>} : memref<16400xi32, #tpu.memory_space<vmem>>, vector<16xi32>, vector<16xi1>
        tpu.vector_store %arg13[%swap3A_857], %bitcast3A_856 masked %lt3A_855 {strides = array<i32>} : memref<16400xi32, #tpu.memory_space<vmem>>, vector<16xi32>, vector<16xi1>
        %all_reduce_population_count3A = tpu.all_reduce %lt3A_855 {dim = 0 : i64, kind = #tpu.reduction_kind<sum>} : vector<16xi1> -> vector<16xi32>
        %slice3A_859 = vector.extract_strided_slice %all_reduce_population_count3A {offsets = [0], sizes = [1], strides = [1]} : vector<16xi32> to vector<1xi32>
        %squeeze3A_860 = vector.extract %slice3A_859[0] : i32 from vector<1xi32>
        %add3A_861 = arith.addi %while3A_848, %squeeze3A_860 : i32
        scf.yield %add3A_861 : i32
      }
      %while3A_748 = arith.constant 1 : i32
      %while3A_749 = scf.for %while3A_847 = %while3A_745 to %while3A_741 step %while3A_748 iter_args(%while3A_848 = %while3A_747) -> (i32)  : i32 {
        %mul3A_849 = arith.constant 16 : i32
        %mul3A_850 = arith.muli %while3A_847, %mul3A_849 : i32
        %get3A_851 = arith.index_cast %mul3A_850 : i32 to index
        %get3A_852 = tpu.vector_load %arg11[%get3A_851] {strides = array<i32>} : memref<16384xi32, #tpu.memory_space<vmem>>, vector<16xi32>,
        %sub3A_853 = vector.broadcast %mul3A_66 : i32 to vector<16xi32>
        %sub3A_854 = arith.subi %get3A_852, %sub3A_853 : vector<16xi32>
        %bitcast3A = vector.bitcast %sub3A_854 : vector<16xi32> to vector<16xi32>
        %lt3A = vector.broadcast %while3A_186 : i32 to vector<16xi32>
        %lt3A_855 = arith.cmpi ult, %bitcast3A, %lt3A : vector<16xi32>
        %bitcast3A_856 = vector.bitcast %bitcast3A : vector<16xi32> to vector<16xi32>
        %swap3A_857 = arith.index_cast %while3A_848 : i32 to index
        %swap3A_858 = tpu.vector_load %arg13[%swap3A_857] masked %lt3A_855 {strides = array<i32>} : memref<16400xi32, #tpu.memory_space<vmem>>, vector<16xi32>, vector<16xi1>
        tpu.vector_store %arg13[%swap3A_857], %bitcast3A_856 masked %lt3A_855 {strides = array<i32>} : memref<16400xi32, #tpu.memory_space<vmem>>, vector<16xi32>, vector<16xi1>
        %all_reduce_population_count3A = tpu.all_reduce %lt3A_855 {dim = 0 : i64, kind = #tpu.reduction_kind<sum>} : vector<16xi1> -> vector<16xi32>
        %slice3A_859 = vector.extract_strided_slice %all_reduce_population_count3A {offsets = [0], sizes = [1], strides = [1]} : vector<16xi32> to vector<1xi32>
        %squeeze3A_860 = vector.extract %slice3A_859[0] : i32 from vector<1xi32>
        %add3A_861 = arith.addi %while3A_848, %squeeze3A_860 : i32
        scf.yield %add3A_861 : i32
      }
      %swap3A = arith.index_cast %while3A_749 : i32 to index
      %swap3A_750 = tpu.vector_load %arg13[%swap3A] {strides = array<i32>} : memref<16400xi32, #tpu.memory_space<vmem>>, vector<16xi32>,
      tpu.vector_store %arg13[%swap3A], %broadcast_in_dim3A_38 {strides = array<i32>} : memref<16400xi32, #tpu.memory_space<vmem>>, vector<16xi32>,
      %add3A_751 = arith.constant 15 : i32
      %add3A_752 = arith.addi %while3A_749, %add3A_751 : i32
      %jit3A_753 = arith.constant 16 : i32
      %div3A_754 = arith.divsi %add3A_752, %jit3A_753 : i32
      %sign3A_755 = arith.constant 0 : i32
      %sign3A_756 = arith.cmpi sgt, %add3A_752, %sign3A_755 : i32
      %sign3A_757 = arith.extui %sign3A_756 : i1 to i32
      %sign3A_758 = arith.constant 0 : i32
      %sign3A_759 = arith.cmpi slt, %add3A_752, %sign3A_758 : i32
      %sign3A_760 = arith.extui %sign3A_759 : i1 to i32
      %sign3A_761 = arith.subi %sign3A_757, %sign3A_760 : i32
      %sign3A_762 = arith.constant 0 : i32
      %sign3A_763 = arith.cmpi sgt, %jit3A_753, %sign3A_762 : i32
      %sign3A_764 = arith.extui %sign3A_763 : i1 to i32
      %sign3A_765 = arith.constant 0 : i32
      %sign3A_766 = arith.cmpi slt, %jit3A_753, %sign3A_765 : i32
      %sign3A_767 = arith.extui %sign3A_766 : i1 to i32
      %sign3A_768 = arith.subi %sign3A_764, %sign3A_767 : i32
      %ne3A_769 = arith.cmpi ne, %sign3A_761, %sign3A_768 : i32
      %rem3A_770 = arith.remsi %add3A_752, %jit3A_753 : i32
      %ne3A_771 = arith.constant 0 : i32
      %ne3A_772 = arith.cmpi ne, %rem3A_770, %ne3A_771 : i32
      %and3A_773 = arith.andi %ne3A_769, %ne3A_772 : i1
      %sub3A_774 = arith.constant 1 : i32
      %sub3A_775 = arith.subi %div3A_754, %sub3A_774 : i32
      %select_n3A_776 = arith.select %and3A_773, %sub3A_775, %div3A_754 : i32
      %parallel_loop3A_777 = arith.constant 0 : i32
      %parallel_loop3A_778 = arith.constant 1 : i32
      scf.for %parallel_loop3A_847 = %parallel_loop3A_777 to %select_n3A_776 step %parallel_loop3A_778  : i32 {
        %parallel_loop3A_848 = arith.constant 16 : i32
        %parallel_loop3A_849 = arith.muli %parallel_loop3A_847, %parallel_loop3A_848 : i32
        %parallel_loop3A_850 = arith.index_cast %parallel_loop3A_849 : i32 to index
        %parallel_loop3A_851 = tpu.vector_load %arg13[%parallel_loop3A_850] {strides = array<i32>} : memref<16400xi32, #tpu.memory_space<vmem>>, vector<16xi32>,
        tpu.vector_store_idx %arg10[%parallel_loop3A_851], %broadcast_in_dim3A_34 {add = true} : memref<65552xf32, #tpu.memory_space<vmem>>[vector<16xi32>], vector<16xf32>,
      } {sc.loop_unroll_factor = 4 : i64, sc.parallel_access}
      %add3A_779 = arith.constant 2 : i32
      %add3A_780 = arith.addi %mul3A_715, %add3A_779 : i32
      %mul3A_781 = arith.constant 16384 : i32
      %mul3A_782 = arith.muli %add3A_780, %mul3A_781 : i32
      %add3A_783 = arith.addi %mul3A_95, %mul3A_782 : i32
      %min3A_784 = arith.constant 2000000 : i32
      %min3A_785 = arith.minsi %add3A_783, %min3A_784 : i32
      %mul3A_786 = arith.constant 2016384 : i32
      %mul3A_787 = arith.muli %arg0, %mul3A_786 : i32
      %add3A_788 = arith.addi %mul3A_787, %min3A_785 : i32
      %dma_start3A_789 = tpu.memref_slice %arg8[%add3A_788] : memref<4032768xi32, #tpu.memory_space<hbm>> -> memref<16384xi32, #tpu.memory_space<hbm>>
      %dma_start3A_790 = tpu.memref_slice %arg8[%add3A_788] : memref<4032768xi32, #tpu.memory_space<hbm>> -> memref<16384xi32, #tpu.memory_space<hbm>>
      tpu.enqueue_dma source(%dma_start3A_790 : memref<16384xi32, #tpu.memory_space<hbm>>) target(%arg11 : memref<16384xi32, #tpu.memory_space<vmem>>) target_semaphore(%arg15 : memref<!tpu.dma_semaphore, #tpu.memory_space<semaphore_mem>>)
      %dma_wait3A_791 = arith.constant 0 : i32
      %dma_wait3A_792 = tpu.memref_slice %arg8[%dma_wait3A_791] : memref<4032768xi32, #tpu.memory_space<hbm>> -> memref<16384xi32, #tpu.memory_space<hbm>>
      %dma_wait3A_793 = arith.constant 0 : i32
      %dma_wait3A_794 = tpu.memref_slice %arg8[%dma_wait3A_793] : memref<4032768xi32, #tpu.memory_space<hbm>> -> memref<16384xi32, #tpu.memory_space<hbm>>
      tpu.wait_dma2 semaphore(%arg16 : memref<!tpu.dma_semaphore, #tpu.memory_space<semaphore_mem>>) src(%dma_wait3A_794 : memref<16384xi32, #tpu.memory_space<hbm>>) dst(%arg12 : memref<16384xi32, #tpu.memory_space<vmem>>)
      %add3A_795 = arith.constant 1 : i32
      %add3A_796 = arith.addi %mul3A_715, %add3A_795 : i32
      %mul3A_797 = arith.constant 1024 : i32
      %mul3A_798 = arith.muli %add3A_796, %mul3A_797 : i32
      %sub3A_799 = arith.subi %select_n3A_122, %mul3A_798 : i32
      %jit3A_800 = arith.constant 0 : i32
      %jit3A_801 = arith.constant 1024 : i32
      %max3A_802 = arith.maxsi %jit3A_800, %sub3A_799 : i32
      %min3A_803 = arith.minsi %jit3A_801, %max3A_802 : i32
      %while3A_804 = arith.constant 0 : i32
      %while3A_805 = arith.constant 0 : i32
      %while3A_806 = arith.subi %min3A_803, %while3A_804 : i32
      %while3A_807 = arith.addi %while3A_804, %while3A_806 : i32
      %while3A_808 = arith.constant 1 : i32
      %while3A_809 = arith.divsi %while3A_806, %while3A_808 : i32
      %while3A_810 = arith.muli %while3A_809, %while3A_808 : i32
      %while3A_811 = arith.addi %while3A_804, %while3A_810 : i32
      %while3A_812 = arith.constant 1 : i32
      %while3A_813 = scf.for %while3A_847 = %while3A_804 to %while3A_811 step %while3A_812 iter_args(%while3A_848 = %while3A_805) -> (i32)  : i32 {
        %mul3A_849 = arith.constant 16 : i32
        %mul3A_850 = arith.muli %while3A_847, %mul3A_849 : i32
        %get3A_851 = arith.index_cast %mul3A_850 : i32 to index
        %get3A_852 = tpu.vector_load %arg12[%get3A_851] {strides = array<i32>} : memref<16384xi32, #tpu.memory_space<vmem>>, vector<16xi32>,
        %sub3A_853 = vector.broadcast %mul3A_66 : i32 to vector<16xi32>
        %sub3A_854 = arith.subi %get3A_852, %sub3A_853 : vector<16xi32>
        %bitcast3A = vector.bitcast %sub3A_854 : vector<16xi32> to vector<16xi32>
        %lt3A = vector.broadcast %while3A_186 : i32 to vector<16xi32>
        %lt3A_855 = arith.cmpi ult, %bitcast3A, %lt3A : vector<16xi32>
        %bitcast3A_856 = vector.bitcast %bitcast3A : vector<16xi32> to vector<16xi32>
        %swap3A_857 = arith.index_cast %while3A_848 : i32 to index
        %swap3A_858 = tpu.vector_load %arg13[%swap3A_857] masked %lt3A_855 {strides = array<i32>} : memref<16400xi32, #tpu.memory_space<vmem>>, vector<16xi32>, vector<16xi1>
        tpu.vector_store %arg13[%swap3A_857], %bitcast3A_856 masked %lt3A_855 {strides = array<i32>} : memref<16400xi32, #tpu.memory_space<vmem>>, vector<16xi32>, vector<16xi1>
        %all_reduce_population_count3A = tpu.all_reduce %lt3A_855 {dim = 0 : i64, kind = #tpu.reduction_kind<sum>} : vector<16xi1> -> vector<16xi32>
        %slice3A_859 = vector.extract_strided_slice %all_reduce_population_count3A {offsets = [0], sizes = [1], strides = [1]} : vector<16xi32> to vector<1xi32>
        %squeeze3A_860 = vector.extract %slice3A_859[0] : i32 from vector<1xi32>
        %add3A_861 = arith.addi %while3A_848, %squeeze3A_860 : i32
        scf.yield %add3A_861 : i32
      }
      %while3A_814 = arith.constant 1 : i32
      %while3A_815 = scf.for %while3A_847 = %while3A_811 to %while3A_807 step %while3A_814 iter_args(%while3A_848 = %while3A_813) -> (i32)  : i32 {
        %mul3A_849 = arith.constant 16 : i32
        %mul3A_850 = arith.muli %while3A_847, %mul3A_849 : i32
        %get3A_851 = arith.index_cast %mul3A_850 : i32 to index
        %get3A_852 = tpu.vector_load %arg12[%get3A_851] {strides = array<i32>} : memref<16384xi32, #tpu.memory_space<vmem>>, vector<16xi32>,
        %sub3A_853 = vector.broadcast %mul3A_66 : i32 to vector<16xi32>
        %sub3A_854 = arith.subi %get3A_852, %sub3A_853 : vector<16xi32>
        %bitcast3A = vector.bitcast %sub3A_854 : vector<16xi32> to vector<16xi32>
        %lt3A = vector.broadcast %while3A_186 : i32 to vector<16xi32>
        %lt3A_855 = arith.cmpi ult, %bitcast3A, %lt3A : vector<16xi32>
        %bitcast3A_856 = vector.bitcast %bitcast3A : vector<16xi32> to vector<16xi32>
        %swap3A_857 = arith.index_cast %while3A_848 : i32 to index
        %swap3A_858 = tpu.vector_load %arg13[%swap3A_857] masked %lt3A_855 {strides = array<i32>} : memref<16400xi32, #tpu.memory_space<vmem>>, vector<16xi32>, vector<16xi1>
        tpu.vector_store %arg13[%swap3A_857], %bitcast3A_856 masked %lt3A_855 {strides = array<i32>} : memref<16400xi32, #tpu.memory_space<vmem>>, vector<16xi32>, vector<16xi1>
        %all_reduce_population_count3A = tpu.all_reduce %lt3A_855 {dim = 0 : i64, kind = #tpu.reduction_kind<sum>} : vector<16xi1> -> vector<16xi32>
        %slice3A_859 = vector.extract_strided_slice %all_reduce_population_count3A {offsets = [0], sizes = [1], strides = [1]} : vector<16xi32> to vector<1xi32>
        %squeeze3A_860 = vector.extract %slice3A_859[0] : i32 from vector<1xi32>
        %add3A_861 = arith.addi %while3A_848, %squeeze3A_860 : i32
        scf.yield %add3A_861 : i32
      }
      %swap3A_816 = arith.index_cast %while3A_815 : i32 to index
      %swap3A_817 = tpu.vector_load %arg13[%swap3A_816] {strides = array<i32>} : memref<16400xi32, #tpu.memory_space<vmem>>, vector<16xi32>,
      tpu.vector_store %arg13[%swap3A_816], %broadcast_in_dim3A_38 {strides = array<i32>} : memref<16400xi32, #tpu.memory_space<vmem>>, vector<16xi32>,
      %add3A_818 = arith.constant 15 : i32
      %add3A_819 = arith.addi %while3A_815, %add3A_818 : i32
      %jit3A_820 = arith.constant 16 : i32
      %div3A_821 = arith.divsi %add3A_819, %jit3A_820 : i32
      %sign3A_822 = arith.constant 0 : i32
      %sign3A_823 = arith.cmpi sgt, %add3A_819, %sign3A_822 : i32
      %sign3A_824 = arith.extui %sign3A_823 : i1 to i32
      %sign3A_825 = arith.constant 0 : i32
      %sign3A_826 = arith.cmpi slt, %add3A_819, %sign3A_825 : i32
      %sign3A_827 = arith.extui %sign3A_826 : i1 to i32
      %sign3A_828 = arith.subi %sign3A_824, %sign3A_827 : i32
      %sign3A_829 = arith.constant 0 : i32
      %sign3A_830 = arith.cmpi sgt, %jit3A_820, %sign3A_829 : i32
      %sign3A_831 = arith.extui %sign3A_830 : i1 to i32
      %sign3A_832 = arith.constant 0 : i32
      %sign3A_833 = arith.cmpi slt, %jit3A_820, %sign3A_832 : i32
      %sign3A_834 = arith.extui %sign3A_833 : i1 to i32
      %sign3A_835 = arith.subi %sign3A_831, %sign3A_834 : i32
      %ne3A_836 = arith.cmpi ne, %sign3A_828, %sign3A_835 : i32
      %rem3A_837 = arith.remsi %add3A_819, %jit3A_820 : i32
      %ne3A_838 = arith.constant 0 : i32
      %ne3A_839 = arith.cmpi ne, %rem3A_837, %ne3A_838 : i32
      %and3A_840 = arith.andi %ne3A_836, %ne3A_839 : i1
      %sub3A_841 = arith.constant 1 : i32
      %sub3A_842 = arith.subi %div3A_821, %sub3A_841 : i32
      %select_n3A_843 = arith.select %and3A_840, %sub3A_842, %div3A_821 : i32
      %parallel_loop3A_844 = arith.constant 0 : i32
      %parallel_loop3A_845 = arith.constant 1 : i32
      scf.for %parallel_loop3A_847 = %parallel_loop3A_844 to %select_n3A_843 step %parallel_loop3A_845  : i32 {
        %parallel_loop3A_848 = arith.constant 16 : i32
        %parallel_loop3A_849 = arith.muli %parallel_loop3A_847, %parallel_loop3A_848 : i32
        %parallel_loop3A_850 = arith.index_cast %parallel_loop3A_849 : i32 to index
        %parallel_loop3A_851 = tpu.vector_load %arg13[%parallel_loop3A_850] {strides = array<i32>} : memref<16400xi32, #tpu.memory_space<vmem>>, vector<16xi32>,
        tpu.vector_store_idx %arg10[%parallel_loop3A_851], %broadcast_in_dim3A_34 {add = true} : memref<65552xf32, #tpu.memory_space<vmem>>[vector<16xi32>], vector<16xf32>,
      } {sc.loop_unroll_factor = 4 : i64, sc.parallel_access}
      %while3A_846 = arith.constant 0 : i32
      scf.yield %while3A_846 : i32
    }
    %dma_wait3A = arith.constant 0 : i32
    %dma_wait3A_199 = tpu.memref_slice %arg8[%dma_wait3A] : memref<4032768xi32, #tpu.memory_space<hbm>> -> memref<16384xi32, #tpu.memory_space<hbm>>
    %dma_wait3A_200 = arith.constant 0 : i32
    %dma_wait3A_201 = tpu.memref_slice %arg8[%dma_wait3A_200] : memref<4032768xi32, #tpu.memory_space<hbm>> -> memref<16384xi32, #tpu.memory_space<hbm>>
    tpu.wait_dma2 semaphore(%arg15 : memref<!tpu.dma_semaphore, #tpu.memory_space<semaphore_mem>>) src(%dma_wait3A_201 : memref<16384xi32, #tpu.memory_space<hbm>>) dst(%arg11 : memref<16384xi32, #tpu.memory_space<vmem>>)
    "tpu.region"() ({
      %run_scoped3A = tpu.sem_alloc : memref<!tpu.dma_semaphore, #tpu.memory_space<semaphore_mem>>
      %dma_start3A_712 = arith.constant 0 : i32
      %dma_start3A_713 = tpu.memref_slice %arg10[%dma_start3A_712] : memref<65552xf32, #tpu.memory_space<vmem>> -> memref<65536xf32, #tpu.memory_space<vmem>>
      %dma_start3A_714 = tpu.memref_slice %arg7[%mul3A_66] : memref<8388608xf32, #tpu.memory_space<hbm>> -> memref<65536xf32, #tpu.memory_space<hbm>>
      %dma_start3A_715 = tpu.memref_slice %arg7[%mul3A_66] : memref<8388608xf32, #tpu.memory_space<hbm>> -> memref<65536xf32, #tpu.memory_space<hbm>>
      %dma_start3A_716 = arith.constant 0 : i32
      %dma_start3A_717 = tpu.memref_slice %arg10[%dma_start3A_716] : memref<65552xf32, #tpu.memory_space<vmem>> -> memref<65536xf32, #tpu.memory_space<vmem>>
      tpu.enqueue_dma source(%dma_start3A_717 : memref<65536xf32, #tpu.memory_space<vmem>>) target(%dma_start3A_715 : memref<65536xf32, #tpu.memory_space<hbm>>) target_semaphore(%run_scoped3A : memref<!tpu.dma_semaphore, #tpu.memory_space<semaphore_mem>>)
      %dma_wait3A_718 = arith.constant 0 : i32
      %dma_wait3A_719 = tpu.memref_slice %arg10[%dma_wait3A_718] : memref<65552xf32, #tpu.memory_space<vmem>> -> memref<65536xf32, #tpu.memory_space<vmem>>
      %dma_wait3A_720 = tpu.memref_slice %arg7[%mul3A_66] : memref<8388608xf32, #tpu.memory_space<hbm>> -> memref<65536xf32, #tpu.memory_space<hbm>>
      %dma_wait3A_721 = tpu.memref_slice %arg7[%mul3A_66] : memref<8388608xf32, #tpu.memory_space<hbm>> -> memref<65536xf32, #tpu.memory_space<hbm>>
      %dma_wait3A_722 = arith.constant 0 : i32
      %dma_wait3A_723 = tpu.memref_slice %arg10[%dma_wait3A_722] : memref<65552xf32, #tpu.memory_space<vmem>> -> memref<65536xf32, #tpu.memory_space<vmem>>
      tpu.wait_dma2 semaphore(%run_scoped3A : memref<!tpu.dma_semaphore, #tpu.memory_space<semaphore_mem>>) src(%dma_wait3A_723 : memref<65536xf32, #tpu.memory_space<vmem>>) dst(%dma_wait3A_721 : memref<65536xf32, #tpu.memory_space<hbm>>)
      tpu.yield
    }) : () -> ()
    %add3A_202 = arith.constant 32 : i32
    %add3A_203 = arith.addi %add3A_202, %add3A_33 : i32
    %jit3A_204 = arith.constant 8 : i32
    %div3A_205 = arith.divsi %add3A_203, %jit3A_204 : i32
    %sign3A_206 = arith.constant 0 : i32
    %sign3A_207 = arith.cmpi sgt, %add3A_203, %sign3A_206 : i32
    %sign3A_208 = arith.extui %sign3A_207 : i1 to i32
    %sign3A_209 = arith.constant 0 : i32
    %sign3A_210 = arith.cmpi slt, %add3A_203, %sign3A_209 : i32
    %sign3A_211 = arith.extui %sign3A_210 : i1 to i32
    %sign3A_212 = arith.subi %sign3A_208, %sign3A_211 : i32
    %sign3A_213 = arith.constant 0 : i32
    %sign3A_214 = arith.cmpi sgt, %jit3A_204, %sign3A_213 : i32
    %sign3A_215 = arith.extui %sign3A_214 : i1 to i32
    %sign3A_216 = arith.constant 0 : i32
    %sign3A_217 = arith.cmpi slt, %jit3A_204, %sign3A_216 : i32
    %sign3A_218 = arith.extui %sign3A_217 : i1 to i32
    %sign3A_219 = arith.subi %sign3A_215, %sign3A_218 : i32
    %ne3A_220 = arith.cmpi ne, %sign3A_212, %sign3A_219 : i32
    %rem3A_221 = arith.remsi %add3A_203, %jit3A_204 : i32
    %ne3A_222 = arith.constant 0 : i32
    %ne3A_223 = arith.cmpi ne, %rem3A_221, %ne3A_222 : i32
    %and3A_224 = arith.andi %ne3A_220, %ne3A_223 : i1
    %sub3A_225 = arith.constant 1 : i32
    %sub3A_226 = arith.subi %div3A_205, %sub3A_225 : i32
    %select_n3A_227 = arith.select %and3A_224, %sub3A_226, %div3A_205 : i32
    %mul3A_228 = arith.constant 65536 : i32
    %mul3A_229 = arith.muli %add3A_203, %mul3A_228 : i32
    %get3A_230 = arith.index_cast %select_n3A_227 : i32 to index
    %get3A_231 = tpu.vector_load %arg14[%get3A_230] {strides = array<i32>} : memref<32xi32, #tpu.memory_space<vmem>>, vector<16xi32>,
    %slice3A_232 = vector.extract_strided_slice %get3A_231 {offsets = [0], sizes = [1], strides = [1]} : vector<16xi32> to vector<1xi32>
    %squeeze3A_233 = vector.extract %slice3A_232[0] : i32 from vector<1xi32>
    %slice3A_234 = vector.extract_strided_slice %get3A_231 {offsets = [1], sizes = [1], strides = [1]} : vector<16xi32> to vector<1xi32>
    %squeeze3A_235 = vector.extract %slice3A_234[0] : i32 from vector<1xi32>
    %jit3A_236 = arith.constant 16 : i32
    %div3A_237 = arith.divsi %squeeze3A_233, %jit3A_236 : i32
    %sign3A_238 = arith.constant 0 : i32
    %sign3A_239 = arith.cmpi sgt, %squeeze3A_233, %sign3A_238 : i32
    %sign3A_240 = arith.extui %sign3A_239 : i1 to i32
    %sign3A_241 = arith.constant 0 : i32
    %sign3A_242 = arith.cmpi slt, %squeeze3A_233, %sign3A_241 : i32
    %sign3A_243 = arith.extui %sign3A_242 : i1 to i32
    %sign3A_244 = arith.subi %sign3A_240, %sign3A_243 : i32
    %sign3A_245 = arith.constant 0 : i32
    %sign3A_246 = arith.cmpi sgt, %jit3A_236, %sign3A_245 : i32
    %sign3A_247 = arith.extui %sign3A_246 : i1 to i32
    %sign3A_248 = arith.constant 0 : i32
    %sign3A_249 = arith.cmpi slt, %jit3A_236, %sign3A_248 : i32
    %sign3A_250 = arith.extui %sign3A_249 : i1 to i32
    %sign3A_251 = arith.subi %sign3A_247, %sign3A_250 : i32
    %ne3A_252 = arith.cmpi ne, %sign3A_244, %sign3A_251 : i32
    %rem3A_253 = arith.remsi %squeeze3A_233, %jit3A_236 : i32
    %ne3A_254 = arith.constant 0 : i32
    %ne3A_255 = arith.cmpi ne, %rem3A_253, %ne3A_254 : i32
    %and3A_256 = arith.andi %ne3A_252, %ne3A_255 : i1
    %sub3A_257 = arith.constant 1 : i32
    %sub3A_258 = arith.subi %div3A_237, %sub3A_257 : i32
    %select_n3A_259 = arith.select %and3A_256, %sub3A_258, %div3A_237 : i32
    %mul3A_260 = arith.constant 16 : i32
    %mul3A_261 = arith.muli %select_n3A_259, %mul3A_260 : i32
    %sub3A_262 = arith.subi %squeeze3A_235, %mul3A_261 : i32
    %add3A_263 = arith.constant 15 : i32
    %add3A_264 = arith.addi %sub3A_262, %add3A_263 : i32
    %jit3A_265 = arith.constant 16 : i32
    %div3A_266 = arith.divsi %add3A_264, %jit3A_265 : i32
    %sign3A_267 = arith.constant 0 : i32
    %sign3A_268 = arith.cmpi sgt, %add3A_264, %sign3A_267 : i32
    %sign3A_269 = arith.extui %sign3A_268 : i1 to i32
    %sign3A_270 = arith.constant 0 : i32
    %sign3A_271 = arith.cmpi slt, %add3A_264, %sign3A_270 : i32
    %sign3A_272 = arith.extui %sign3A_271 : i1 to i32
    %sign3A_273 = arith.subi %sign3A_269, %sign3A_272 : i32
    %sign3A_274 = arith.constant 0 : i32
    %sign3A_275 = arith.cmpi sgt, %jit3A_265, %sign3A_274 : i32
    %sign3A_276 = arith.extui %sign3A_275 : i1 to i32
    %sign3A_277 = arith.constant 0 : i32
    %sign3A_278 = arith.cmpi slt, %jit3A_265, %sign3A_277 : i32
    %sign3A_279 = arith.extui %sign3A_278 : i1 to i32
    %sign3A_280 = arith.subi %sign3A_276, %sign3A_279 : i32
    %ne3A_281 = arith.cmpi ne, %sign3A_273, %sign3A_280 : i32
    %rem3A_282 = arith.remsi %add3A_264, %jit3A_265 : i32
    %ne3A_283 = arith.constant 0 : i32
    %ne3A_284 = arith.cmpi ne, %rem3A_282, %ne3A_283 : i32
    %and3A_285 = arith.andi %ne3A_281, %ne3A_284 : i1
    %sub3A_286 = arith.constant 1 : i32
    %sub3A_287 = arith.subi %div3A_266, %sub3A_286 : i32
    %select_n3A_288 = arith.select %and3A_285, %sub3A_287, %div3A_266 : i32
    %add3A_289 = arith.constant 1024 : i32
    %add3A_290 = arith.addi %select_n3A_288, %add3A_289 : i32
    %sub3A_291 = arith.constant 1 : i32
    %sub3A_292 = arith.subi %add3A_290, %sub3A_291 : i32
    %jit3A_293 = arith.constant 1024 : i32
    %div3A_294 = arith.divsi %sub3A_292, %jit3A_293 : i32
    %sign3A_295 = arith.constant 0 : i32
    %sign3A_296 = arith.cmpi sgt, %sub3A_292, %sign3A_295 : i32
    %sign3A_297 = arith.extui %sign3A_296 : i1 to i32
    %sign3A_298 = arith.constant 0 : i32
    %sign3A_299 = arith.cmpi slt, %sub3A_292, %sign3A_298 : i32
    %sign3A_300 = arith.extui %sign3A_299 : i1 to i32
    %sign3A_301 = arith.subi %sign3A_297, %sign3A_300 : i32
    %sign3A_302 = arith.constant 0 : i32
    %sign3A_303 = arith.cmpi sgt, %jit3A_293, %sign3A_302 : i32
    %sign3A_304 = arith.extui %sign3A_303 : i1 to i32
    %sign3A_305 = arith.constant 0 : i32
    %sign3A_306 = arith.cmpi slt, %jit3A_293, %sign3A_305 : i32
    %sign3A_307 = arith.extui %sign3A_306 : i1 to i32
    %sign3A_308 = arith.subi %sign3A_304, %sign3A_307 : i32
    %ne3A_309 = arith.cmpi ne, %sign3A_301, %sign3A_308 : i32
    %rem3A_310 = arith.remsi %sub3A_292, %jit3A_293 : i32
    %ne3A_311 = arith.constant 0 : i32
    %ne3A_312 = arith.cmpi ne, %rem3A_310, %ne3A_311 : i32
    %and3A_313 = arith.andi %ne3A_309, %ne3A_312 : i1
    %sub3A_314 = arith.constant 1 : i32
    %sub3A_315 = arith.subi %div3A_294, %sub3A_314 : i32
    %select_n3A_316 = arith.select %and3A_313, %sub3A_315, %div3A_294 : i32
    %parallel_loop3A_317 = arith.constant 0 : i32
    %parallel_loop3A_318 = arith.constant 4097 : i32
    %parallel_loop3A_319 = arith.constant 1 : i32
    scf.for %parallel_loop3A_712 = %parallel_loop3A_317 to %parallel_loop3A_318 step %parallel_loop3A_319  : i32 {
      %parallel_loop3A_713 = arith.constant 16 : i32
      %parallel_loop3A_714 = arith.muli %parallel_loop3A_712, %parallel_loop3A_713 : i32
      %parallel_loop3A_715 = arith.index_cast %parallel_loop3A_714 : i32 to index
      %parallel_loop3A_716 = tpu.vector_load %arg10[%parallel_loop3A_715] {strides = array<i32>} : memref<65552xf32, #tpu.memory_space<vmem>>, vector<16xf32>,
      tpu.vector_store %arg10[%parallel_loop3A_715], %broadcast_in_dim3A_36 {strides = array<i32>} : memref<65552xf32, #tpu.memory_space<vmem>>, vector<16xf32>,
    } {sc.loop_unroll_factor = 8 : i64, sc.parallel_access}
    %add3A_320 = arith.constant 0 : i32
    %add3A_321 = arith.addi %mul3A_261, %add3A_320 : i32
    %min3A_322 = arith.constant 2000000 : i32
    %min3A_323 = arith.minsi %add3A_321, %min3A_322 : i32
    %mul3A_324 = arith.constant 2016384 : i32
    %mul3A_325 = arith.muli %arg0, %mul3A_324 : i32
    %add3A_326 = arith.addi %mul3A_325, %min3A_323 : i32
    %dma_start3A_327 = tpu.memref_slice %arg8[%add3A_326] : memref<4032768xi32, #tpu.memory_space<hbm>> -> memref<16384xi32, #tpu.memory_space<hbm>>
    %dma_start3A_328 = tpu.memref_slice %arg8[%add3A_326] : memref<4032768xi32, #tpu.memory_space<hbm>> -> memref<16384xi32, #tpu.memory_space<hbm>>
    tpu.enqueue_dma source(%dma_start3A_328 : memref<16384xi32, #tpu.memory_space<hbm>>) target(%arg11 : memref<16384xi32, #tpu.memory_space<vmem>>) target_semaphore(%arg15 : memref<!tpu.dma_semaphore, #tpu.memory_space<semaphore_mem>>)
    %add3A_329 = arith.constant 1 : i32
    %add3A_330 = arith.addi %select_n3A_316, %add3A_329 : i32
    %jit3A_331 = arith.constant 2 : i32
    %div3A_332 = arith.divsi %add3A_330, %jit3A_331 : i32
    %sign3A_333 = arith.constant 0 : i32
    %sign3A_334 = arith.cmpi sgt, %add3A_330, %sign3A_333 : i32
    %sign3A_335 = arith.extui %sign3A_334 : i1 to i32
    %sign3A_336 = arith.constant 0 : i32
    %sign3A_337 = arith.cmpi slt, %add3A_330, %sign3A_336 : i32
    %sign3A_338 = arith.extui %sign3A_337 : i1 to i32
    %sign3A_339 = arith.subi %sign3A_335, %sign3A_338 : i32
    %sign3A_340 = arith.constant 0 : i32
    %sign3A_341 = arith.cmpi sgt, %jit3A_331, %sign3A_340 : i32
    %sign3A_342 = arith.extui %sign3A_341 : i1 to i32
    %sign3A_343 = arith.constant 0 : i32
    %sign3A_344 = arith.cmpi slt, %jit3A_331, %sign3A_343 : i32
    %sign3A_345 = arith.extui %sign3A_344 : i1 to i32
    %sign3A_346 = arith.subi %sign3A_342, %sign3A_345 : i32
    %ne3A_347 = arith.cmpi ne, %sign3A_339, %sign3A_346 : i32
    %rem3A_348 = arith.remsi %add3A_330, %jit3A_331 : i32
    %ne3A_349 = arith.constant 0 : i32
    %ne3A_350 = arith.cmpi ne, %rem3A_348, %ne3A_349 : i32
    %and3A_351 = arith.andi %ne3A_347, %ne3A_350 : i1
    %sub3A_352 = arith.constant 1 : i32
    %sub3A_353 = arith.subi %div3A_332, %sub3A_352 : i32
    %select_n3A_354 = arith.select %and3A_351, %sub3A_353, %div3A_332 : i32
    %while3A_355 = arith.constant 65536 : i32
    %while3A_356 = arith.constant 0 : i32
    %while3A_357 = arith.constant 0 : i32
    %while3A_358 = arith.subi %select_n3A_354, %while3A_356 : i32
    %while3A_359 = arith.addi %while3A_356, %while3A_358 : i32
    %while3A_360 = arith.constant 1 : i32
    %while3A_361 = arith.divsi %while3A_358, %while3A_360 : i32
    %while3A_362 = arith.muli %while3A_361, %while3A_360 : i32
    %while3A_363 = arith.addi %while3A_356, %while3A_362 : i32
    %while3A_364 = arith.constant 1 : i32
    %while3A_365 = scf.for %while3A_712 = %while3A_356 to %while3A_363 step %while3A_364 iter_args(%while3A_713 = %while3A_357) -> (i32)  : i32 {
      %mul3A_714 = arith.constant 2 : i32
      %mul3A_715 = arith.muli %mul3A_714, %while3A_712 : i32
      %add3A_716 = arith.constant 1 : i32
      %add3A_717 = arith.addi %mul3A_715, %add3A_716 : i32
      %mul3A_718 = arith.constant 16384 : i32
      %mul3A_719 = arith.muli %add3A_717, %mul3A_718 : i32
      %add3A_720 = arith.addi %mul3A_261, %mul3A_719 : i32
      %min3A_721 = arith.constant 2000000 : i32
      %min3A_722 = arith.minsi %add3A_720, %min3A_721 : i32
      %mul3A_723 = arith.constant 2016384 : i32
      %mul3A_724 = arith.muli %arg0, %mul3A_723 : i32
      %add3A_725 = arith.addi %mul3A_724, %min3A_722 : i32
      %dma_start3A_726 = tpu.memref_slice %arg8[%add3A_725] : memref<4032768xi32, #tpu.memory_space<hbm>> -> memref<16384xi32, #tpu.memory_space<hbm>>
      %dma_start3A_727 = tpu.memref_slice %arg8[%add3A_725] : memref<4032768xi32, #tpu.memory_space<hbm>> -> memref<16384xi32, #tpu.memory_space<hbm>>
      tpu.enqueue_dma source(%dma_start3A_727 : memref<16384xi32, #tpu.memory_space<hbm>>) target(%arg12 : memref<16384xi32, #tpu.memory_space<vmem>>) target_semaphore(%arg16 : memref<!tpu.dma_semaphore, #tpu.memory_space<semaphore_mem>>)
      %dma_wait3A_728 = arith.constant 0 : i32
      %dma_wait3A_729 = tpu.memref_slice %arg8[%dma_wait3A_728] : memref<4032768xi32, #tpu.memory_space<hbm>> -> memref<16384xi32, #tpu.memory_space<hbm>>
      %dma_wait3A_730 = arith.constant 0 : i32
      %dma_wait3A_731 = tpu.memref_slice %arg8[%dma_wait3A_730] : memref<4032768xi32, #tpu.memory_space<hbm>> -> memref<16384xi32, #tpu.memory_space<hbm>>
      tpu.wait_dma2 semaphore(%arg15 : memref<!tpu.dma_semaphore, #tpu.memory_space<semaphore_mem>>) src(%dma_wait3A_731 : memref<16384xi32, #tpu.memory_space<hbm>>) dst(%arg11 : memref<16384xi32, #tpu.memory_space<vmem>>)
      %mul3A_732 = arith.constant 1024 : i32
      %mul3A_733 = arith.muli %mul3A_715, %mul3A_732 : i32
      %sub3A_734 = arith.subi %select_n3A_288, %mul3A_733 : i32
      %jit3A_735 = arith.constant 0 : i32
      %jit3A_736 = arith.constant 1024 : i32
      %max3A = arith.maxsi %jit3A_735, %sub3A_734 : i32
      %min3A_737 = arith.minsi %jit3A_736, %max3A : i32
      %while3A_738 = arith.constant 0 : i32
      %while3A_739 = arith.constant 0 : i32
      %while3A_740 = arith.subi %min3A_737, %while3A_738 : i32
      %while3A_741 = arith.addi %while3A_738, %while3A_740 : i32
      %while3A_742 = arith.constant 1 : i32
      %while3A_743 = arith.divsi %while3A_740, %while3A_742 : i32
      %while3A_744 = arith.muli %while3A_743, %while3A_742 : i32
      %while3A_745 = arith.addi %while3A_738, %while3A_744 : i32
      %while3A_746 = arith.constant 1 : i32
      %while3A_747 = scf.for %while3A_847 = %while3A_738 to %while3A_745 step %while3A_746 iter_args(%while3A_848 = %while3A_739) -> (i32)  : i32 {
        %mul3A_849 = arith.constant 16 : i32
        %mul3A_850 = arith.muli %while3A_847, %mul3A_849 : i32
        %get3A_851 = arith.index_cast %mul3A_850 : i32 to index
        %get3A_852 = tpu.vector_load %arg11[%get3A_851] {strides = array<i32>} : memref<16384xi32, #tpu.memory_space<vmem>>, vector<16xi32>,
        %sub3A_853 = vector.broadcast %mul3A_229 : i32 to vector<16xi32>
        %sub3A_854 = arith.subi %get3A_852, %sub3A_853 : vector<16xi32>
        %bitcast3A = vector.bitcast %sub3A_854 : vector<16xi32> to vector<16xi32>
        %lt3A = vector.broadcast %while3A_355 : i32 to vector<16xi32>
        %lt3A_855 = arith.cmpi ult, %bitcast3A, %lt3A : vector<16xi32>
        %bitcast3A_856 = vector.bitcast %bitcast3A : vector<16xi32> to vector<16xi32>
        %swap3A_857 = arith.index_cast %while3A_848 : i32 to index
        %swap3A_858 = tpu.vector_load %arg13[%swap3A_857] masked %lt3A_855 {strides = array<i32>} : memref<16400xi32, #tpu.memory_space<vmem>>, vector<16xi32>, vector<16xi1>
        tpu.vector_store %arg13[%swap3A_857], %bitcast3A_856 masked %lt3A_855 {strides = array<i32>} : memref<16400xi32, #tpu.memory_space<vmem>>, vector<16xi32>, vector<16xi1>
        %all_reduce_population_count3A = tpu.all_reduce %lt3A_855 {dim = 0 : i64, kind = #tpu.reduction_kind<sum>} : vector<16xi1> -> vector<16xi32>
        %slice3A_859 = vector.extract_strided_slice %all_reduce_population_count3A {offsets = [0], sizes = [1], strides = [1]} : vector<16xi32> to vector<1xi32>
        %squeeze3A_860 = vector.extract %slice3A_859[0] : i32 from vector<1xi32>
        %add3A_861 = arith.addi %while3A_848, %squeeze3A_860 : i32
        scf.yield %add3A_861 : i32
      }
      %while3A_748 = arith.constant 1 : i32
      %while3A_749 = scf.for %while3A_847 = %while3A_745 to %while3A_741 step %while3A_748 iter_args(%while3A_848 = %while3A_747) -> (i32)  : i32 {
        %mul3A_849 = arith.constant 16 : i32
        %mul3A_850 = arith.muli %while3A_847, %mul3A_849 : i32
        %get3A_851 = arith.index_cast %mul3A_850 : i32 to index
        %get3A_852 = tpu.vector_load %arg11[%get3A_851] {strides = array<i32>} : memref<16384xi32, #tpu.memory_space<vmem>>, vector<16xi32>,
        %sub3A_853 = vector.broadcast %mul3A_229 : i32 to vector<16xi32>
        %sub3A_854 = arith.subi %get3A_852, %sub3A_853 : vector<16xi32>
        %bitcast3A = vector.bitcast %sub3A_854 : vector<16xi32> to vector<16xi32>
        %lt3A = vector.broadcast %while3A_355 : i32 to vector<16xi32>
        %lt3A_855 = arith.cmpi ult, %bitcast3A, %lt3A : vector<16xi32>
        %bitcast3A_856 = vector.bitcast %bitcast3A : vector<16xi32> to vector<16xi32>
        %swap3A_857 = arith.index_cast %while3A_848 : i32 to index
        %swap3A_858 = tpu.vector_load %arg13[%swap3A_857] masked %lt3A_855 {strides = array<i32>} : memref<16400xi32, #tpu.memory_space<vmem>>, vector<16xi32>, vector<16xi1>
        tpu.vector_store %arg13[%swap3A_857], %bitcast3A_856 masked %lt3A_855 {strides = array<i32>} : memref<16400xi32, #tpu.memory_space<vmem>>, vector<16xi32>, vector<16xi1>
        %all_reduce_population_count3A = tpu.all_reduce %lt3A_855 {dim = 0 : i64, kind = #tpu.reduction_kind<sum>} : vector<16xi1> -> vector<16xi32>
        %slice3A_859 = vector.extract_strided_slice %all_reduce_population_count3A {offsets = [0], sizes = [1], strides = [1]} : vector<16xi32> to vector<1xi32>
        %squeeze3A_860 = vector.extract %slice3A_859[0] : i32 from vector<1xi32>
        %add3A_861 = arith.addi %while3A_848, %squeeze3A_860 : i32
        scf.yield %add3A_861 : i32
      }
      %swap3A = arith.index_cast %while3A_749 : i32 to index
      %swap3A_750 = tpu.vector_load %arg13[%swap3A] {strides = array<i32>} : memref<16400xi32, #tpu.memory_space<vmem>>, vector<16xi32>,
      tpu.vector_store %arg13[%swap3A], %broadcast_in_dim3A_38 {strides = array<i32>} : memref<16400xi32, #tpu.memory_space<vmem>>, vector<16xi32>,
      %add3A_751 = arith.constant 15 : i32
      %add3A_752 = arith.addi %while3A_749, %add3A_751 : i32
      %jit3A_753 = arith.constant 16 : i32
      %div3A_754 = arith.divsi %add3A_752, %jit3A_753 : i32
      %sign3A_755 = arith.constant 0 : i32
      %sign3A_756 = arith.cmpi sgt, %add3A_752, %sign3A_755 : i32
      %sign3A_757 = arith.extui %sign3A_756 : i1 to i32
      %sign3A_758 = arith.constant 0 : i32
      %sign3A_759 = arith.cmpi slt, %add3A_752, %sign3A_758 : i32
      %sign3A_760 = arith.extui %sign3A_759 : i1 to i32
      %sign3A_761 = arith.subi %sign3A_757, %sign3A_760 : i32
      %sign3A_762 = arith.constant 0 : i32
      %sign3A_763 = arith.cmpi sgt, %jit3A_753, %sign3A_762 : i32
      %sign3A_764 = arith.extui %sign3A_763 : i1 to i32
      %sign3A_765 = arith.constant 0 : i32
      %sign3A_766 = arith.cmpi slt, %jit3A_753, %sign3A_765 : i32
      %sign3A_767 = arith.extui %sign3A_766 : i1 to i32
      %sign3A_768 = arith.subi %sign3A_764, %sign3A_767 : i32
      %ne3A_769 = arith.cmpi ne, %sign3A_761, %sign3A_768 : i32
      %rem3A_770 = arith.remsi %add3A_752, %jit3A_753 : i32
      %ne3A_771 = arith.constant 0 : i32
      %ne3A_772 = arith.cmpi ne, %rem3A_770, %ne3A_771 : i32
      %and3A_773 = arith.andi %ne3A_769, %ne3A_772 : i1
      %sub3A_774 = arith.constant 1 : i32
      %sub3A_775 = arith.subi %div3A_754, %sub3A_774 : i32
      %select_n3A_776 = arith.select %and3A_773, %sub3A_775, %div3A_754 : i32
      %parallel_loop3A_777 = arith.constant 0 : i32
      %parallel_loop3A_778 = arith.constant 1 : i32
      scf.for %parallel_loop3A_847 = %parallel_loop3A_777 to %select_n3A_776 step %parallel_loop3A_778  : i32 {
        %parallel_loop3A_848 = arith.constant 16 : i32
        %parallel_loop3A_849 = arith.muli %parallel_loop3A_847, %parallel_loop3A_848 : i32
        %parallel_loop3A_850 = arith.index_cast %parallel_loop3A_849 : i32 to index
        %parallel_loop3A_851 = tpu.vector_load %arg13[%parallel_loop3A_850] {strides = array<i32>} : memref<16400xi32, #tpu.memory_space<vmem>>, vector<16xi32>,
        tpu.vector_store_idx %arg10[%parallel_loop3A_851], %broadcast_in_dim3A_34 {add = true} : memref<65552xf32, #tpu.memory_space<vmem>>[vector<16xi32>], vector<16xf32>,
      } {sc.loop_unroll_factor = 4 : i64, sc.parallel_access}
      %add3A_779 = arith.constant 2 : i32
      %add3A_780 = arith.addi %mul3A_715, %add3A_779 : i32
      %mul3A_781 = arith.constant 16384 : i32
      %mul3A_782 = arith.muli %add3A_780, %mul3A_781 : i32
      %add3A_783 = arith.addi %mul3A_261, %mul3A_782 : i32
      %min3A_784 = arith.constant 2000000 : i32
      %min3A_785 = arith.minsi %add3A_783, %min3A_784 : i32
      %mul3A_786 = arith.constant 2016384 : i32
      %mul3A_787 = arith.muli %arg0, %mul3A_786 : i32
      %add3A_788 = arith.addi %mul3A_787, %min3A_785 : i32
      %dma_start3A_789 = tpu.memref_slice %arg8[%add3A_788] : memref<4032768xi32, #tpu.memory_space<hbm>> -> memref<16384xi32, #tpu.memory_space<hbm>>
      %dma_start3A_790 = tpu.memref_slice %arg8[%add3A_788] : memref<4032768xi32, #tpu.memory_space<hbm>> -> memref<16384xi32, #tpu.memory_space<hbm>>
      tpu.enqueue_dma source(%dma_start3A_790 : memref<16384xi32, #tpu.memory_space<hbm>>) target(%arg11 : memref<16384xi32, #tpu.memory_space<vmem>>) target_semaphore(%arg15 : memref<!tpu.dma_semaphore, #tpu.memory_space<semaphore_mem>>)
      %dma_wait3A_791 = arith.constant 0 : i32
      %dma_wait3A_792 = tpu.memref_slice %arg8[%dma_wait3A_791] : memref<4032768xi32, #tpu.memory_space<hbm>> -> memref<16384xi32, #tpu.memory_space<hbm>>
      %dma_wait3A_793 = arith.constant 0 : i32
      %dma_wait3A_794 = tpu.memref_slice %arg8[%dma_wait3A_793] : memref<4032768xi32, #tpu.memory_space<hbm>> -> memref<16384xi32, #tpu.memory_space<hbm>>
      tpu.wait_dma2 semaphore(%arg16 : memref<!tpu.dma_semaphore, #tpu.memory_space<semaphore_mem>>) src(%dma_wait3A_794 : memref<16384xi32, #tpu.memory_space<hbm>>) dst(%arg12 : memref<16384xi32, #tpu.memory_space<vmem>>)
      %add3A_795 = arith.constant 1 : i32
      %add3A_796 = arith.addi %mul3A_715, %add3A_795 : i32
      %mul3A_797 = arith.constant 1024 : i32
      %mul3A_798 = arith.muli %add3A_796, %mul3A_797 : i32
      %sub3A_799 = arith.subi %select_n3A_288, %mul3A_798 : i32
      %jit3A_800 = arith.constant 0 : i32
      %jit3A_801 = arith.constant 1024 : i32
      %max3A_802 = arith.maxsi %jit3A_800, %sub3A_799 : i32
      %min3A_803 = arith.minsi %jit3A_801, %max3A_802 : i32
      %while3A_804 = arith.constant 0 : i32
      %while3A_805 = arith.constant 0 : i32
      %while3A_806 = arith.subi %min3A_803, %while3A_804 : i32
      %while3A_807 = arith.addi %while3A_804, %while3A_806 : i32
      %while3A_808 = arith.constant 1 : i32
      %while3A_809 = arith.divsi %while3A_806, %while3A_808 : i32
      %while3A_810 = arith.muli %while3A_809, %while3A_808 : i32
      %while3A_811 = arith.addi %while3A_804, %while3A_810 : i32
      %while3A_812 = arith.constant 1 : i32
      %while3A_813 = scf.for %while3A_847 = %while3A_804 to %while3A_811 step %while3A_812 iter_args(%while3A_848 = %while3A_805) -> (i32)  : i32 {
        %mul3A_849 = arith.constant 16 : i32
        %mul3A_850 = arith.muli %while3A_847, %mul3A_849 : i32
        %get3A_851 = arith.index_cast %mul3A_850 : i32 to index
        %get3A_852 = tpu.vector_load %arg12[%get3A_851] {strides = array<i32>} : memref<16384xi32, #tpu.memory_space<vmem>>, vector<16xi32>,
        %sub3A_853 = vector.broadcast %mul3A_229 : i32 to vector<16xi32>
        %sub3A_854 = arith.subi %get3A_852, %sub3A_853 : vector<16xi32>
        %bitcast3A = vector.bitcast %sub3A_854 : vector<16xi32> to vector<16xi32>
        %lt3A = vector.broadcast %while3A_355 : i32 to vector<16xi32>
        %lt3A_855 = arith.cmpi ult, %bitcast3A, %lt3A : vector<16xi32>
        %bitcast3A_856 = vector.bitcast %bitcast3A : vector<16xi32> to vector<16xi32>
        %swap3A_857 = arith.index_cast %while3A_848 : i32 to index
        %swap3A_858 = tpu.vector_load %arg13[%swap3A_857] masked %lt3A_855 {strides = array<i32>} : memref<16400xi32, #tpu.memory_space<vmem>>, vector<16xi32>, vector<16xi1>
        tpu.vector_store %arg13[%swap3A_857], %bitcast3A_856 masked %lt3A_855 {strides = array<i32>} : memref<16400xi32, #tpu.memory_space<vmem>>, vector<16xi32>, vector<16xi1>
        %all_reduce_population_count3A = tpu.all_reduce %lt3A_855 {dim = 0 : i64, kind = #tpu.reduction_kind<sum>} : vector<16xi1> -> vector<16xi32>
        %slice3A_859 = vector.extract_strided_slice %all_reduce_population_count3A {offsets = [0], sizes = [1], strides = [1]} : vector<16xi32> to vector<1xi32>
        %squeeze3A_860 = vector.extract %slice3A_859[0] : i32 from vector<1xi32>
        %add3A_861 = arith.addi %while3A_848, %squeeze3A_860 : i32
        scf.yield %add3A_861 : i32
      }
      %while3A_814 = arith.constant 1 : i32
      %while3A_815 = scf.for %while3A_847 = %while3A_811 to %while3A_807 step %while3A_814 iter_args(%while3A_848 = %while3A_813) -> (i32)  : i32 {
        %mul3A_849 = arith.constant 16 : i32
        %mul3A_850 = arith.muli %while3A_847, %mul3A_849 : i32
        %get3A_851 = arith.index_cast %mul3A_850 : i32 to index
        %get3A_852 = tpu.vector_load %arg12[%get3A_851] {strides = array<i32>} : memref<16384xi32, #tpu.memory_space<vmem>>, vector<16xi32>,
        %sub3A_853 = vector.broadcast %mul3A_229 : i32 to vector<16xi32>
        %sub3A_854 = arith.subi %get3A_852, %sub3A_853 : vector<16xi32>
        %bitcast3A = vector.bitcast %sub3A_854 : vector<16xi32> to vector<16xi32>
        %lt3A = vector.broadcast %while3A_355 : i32 to vector<16xi32>
        %lt3A_855 = arith.cmpi ult, %bitcast3A, %lt3A : vector<16xi32>
        %bitcast3A_856 = vector.bitcast %bitcast3A : vector<16xi32> to vector<16xi32>
        %swap3A_857 = arith.index_cast %while3A_848 : i32 to index
        %swap3A_858 = tpu.vector_load %arg13[%swap3A_857] masked %lt3A_855 {strides = array<i32>} : memref<16400xi32, #tpu.memory_space<vmem>>, vector<16xi32>, vector<16xi1>
        tpu.vector_store %arg13[%swap3A_857], %bitcast3A_856 masked %lt3A_855 {strides = array<i32>} : memref<16400xi32, #tpu.memory_space<vmem>>, vector<16xi32>, vector<16xi1>
        %all_reduce_population_count3A = tpu.all_reduce %lt3A_855 {dim = 0 : i64, kind = #tpu.reduction_kind<sum>} : vector<16xi1> -> vector<16xi32>
        %slice3A_859 = vector.extract_strided_slice %all_reduce_population_count3A {offsets = [0], sizes = [1], strides = [1]} : vector<16xi32> to vector<1xi32>
        %squeeze3A_860 = vector.extract %slice3A_859[0] : i32 from vector<1xi32>
        %add3A_861 = arith.addi %while3A_848, %squeeze3A_860 : i32
        scf.yield %add3A_861 : i32
      }
      %swap3A_816 = arith.index_cast %while3A_815 : i32 to index
      %swap3A_817 = tpu.vector_load %arg13[%swap3A_816] {strides = array<i32>} : memref<16400xi32, #tpu.memory_space<vmem>>, vector<16xi32>,
      tpu.vector_store %arg13[%swap3A_816], %broadcast_in_dim3A_38 {strides = array<i32>} : memref<16400xi32, #tpu.memory_space<vmem>>, vector<16xi32>,
      %add3A_818 = arith.constant 15 : i32
      %add3A_819 = arith.addi %while3A_815, %add3A_818 : i32
      %jit3A_820 = arith.constant 16 : i32
      %div3A_821 = arith.divsi %add3A_819, %jit3A_820 : i32
      %sign3A_822 = arith.constant 0 : i32
      %sign3A_823 = arith.cmpi sgt, %add3A_819, %sign3A_822 : i32
      %sign3A_824 = arith.extui %sign3A_823 : i1 to i32
      %sign3A_825 = arith.constant 0 : i32
      %sign3A_826 = arith.cmpi slt, %add3A_819, %sign3A_825 : i32
      %sign3A_827 = arith.extui %sign3A_826 : i1 to i32
      %sign3A_828 = arith.subi %sign3A_824, %sign3A_827 : i32
      %sign3A_829 = arith.constant 0 : i32
      %sign3A_830 = arith.cmpi sgt, %jit3A_820, %sign3A_829 : i32
      %sign3A_831 = arith.extui %sign3A_830 : i1 to i32
      %sign3A_832 = arith.constant 0 : i32
      %sign3A_833 = arith.cmpi slt, %jit3A_820, %sign3A_832 : i32
      %sign3A_834 = arith.extui %sign3A_833 : i1 to i32
      %sign3A_835 = arith.subi %sign3A_831, %sign3A_834 : i32
      %ne3A_836 = arith.cmpi ne, %sign3A_828, %sign3A_835 : i32
      %rem3A_837 = arith.remsi %add3A_819, %jit3A_820 : i32
      %ne3A_838 = arith.constant 0 : i32
      %ne3A_839 = arith.cmpi ne, %rem3A_837, %ne3A_838 : i32
      %and3A_840 = arith.andi %ne3A_836, %ne3A_839 : i1
      %sub3A_841 = arith.constant 1 : i32
      %sub3A_842 = arith.subi %div3A_821, %sub3A_841 : i32
      %select_n3A_843 = arith.select %and3A_840, %sub3A_842, %div3A_821 : i32
      %parallel_loop3A_844 = arith.constant 0 : i32
      %parallel_loop3A_845 = arith.constant 1 : i32
      scf.for %parallel_loop3A_847 = %parallel_loop3A_844 to %select_n3A_843 step %parallel_loop3A_845  : i32 {
        %parallel_loop3A_848 = arith.constant 16 : i32
        %parallel_loop3A_849 = arith.muli %parallel_loop3A_847, %parallel_loop3A_848 : i32
        %parallel_loop3A_850 = arith.index_cast %parallel_loop3A_849 : i32 to index
        %parallel_loop3A_851 = tpu.vector_load %arg13[%parallel_loop3A_850] {strides = array<i32>} : memref<16400xi32, #tpu.memory_space<vmem>>, vector<16xi32>,
        tpu.vector_store_idx %arg10[%parallel_loop3A_851], %broadcast_in_dim3A_34 {add = true} : memref<65552xf32, #tpu.memory_space<vmem>>[vector<16xi32>], vector<16xf32>,
      } {sc.loop_unroll_factor = 4 : i64, sc.parallel_access}
      %while3A_846 = arith.constant 0 : i32
      scf.yield %while3A_846 : i32
    }
    %while3A_366 = arith.constant 1 : i32
    %while3A_367 = scf.for %while3A_712 = %while3A_363 to %while3A_359 step %while3A_366 iter_args(%while3A_713 = %while3A_365) -> (i32)  : i32 {
      %mul3A_714 = arith.constant 2 : i32
      %mul3A_715 = arith.muli %mul3A_714, %while3A_712 : i32
      %add3A_716 = arith.constant 1 : i32
      %add3A_717 = arith.addi %mul3A_715, %add3A_716 : i32
      %mul3A_718 = arith.constant 16384 : i32
      %mul3A_719 = arith.muli %add3A_717, %mul3A_718 : i32
      %add3A_720 = arith.addi %mul3A_261, %mul3A_719 : i32
      %min3A_721 = arith.constant 2000000 : i32
      %min3A_722 = arith.minsi %add3A_720, %min3A_721 : i32
      %mul3A_723 = arith.constant 2016384 : i32
      %mul3A_724 = arith.muli %arg0, %mul3A_723 : i32
      %add3A_725 = arith.addi %mul3A_724, %min3A_722 : i32
      %dma_start3A_726 = tpu.memref_slice %arg8[%add3A_725] : memref<4032768xi32, #tpu.memory_space<hbm>> -> memref<16384xi32, #tpu.memory_space<hbm>>
      %dma_start3A_727 = tpu.memref_slice %arg8[%add3A_725] : memref<4032768xi32, #tpu.memory_space<hbm>> -> memref<16384xi32, #tpu.memory_space<hbm>>
      tpu.enqueue_dma source(%dma_start3A_727 : memref<16384xi32, #tpu.memory_space<hbm>>) target(%arg12 : memref<16384xi32, #tpu.memory_space<vmem>>) target_semaphore(%arg16 : memref<!tpu.dma_semaphore, #tpu.memory_space<semaphore_mem>>)
      %dma_wait3A_728 = arith.constant 0 : i32
      %dma_wait3A_729 = tpu.memref_slice %arg8[%dma_wait3A_728] : memref<4032768xi32, #tpu.memory_space<hbm>> -> memref<16384xi32, #tpu.memory_space<hbm>>
      %dma_wait3A_730 = arith.constant 0 : i32
      %dma_wait3A_731 = tpu.memref_slice %arg8[%dma_wait3A_730] : memref<4032768xi32, #tpu.memory_space<hbm>> -> memref<16384xi32, #tpu.memory_space<hbm>>
      tpu.wait_dma2 semaphore(%arg15 : memref<!tpu.dma_semaphore, #tpu.memory_space<semaphore_mem>>) src(%dma_wait3A_731 : memref<16384xi32, #tpu.memory_space<hbm>>) dst(%arg11 : memref<16384xi32, #tpu.memory_space<vmem>>)
      %mul3A_732 = arith.constant 1024 : i32
      %mul3A_733 = arith.muli %mul3A_715, %mul3A_732 : i32
      %sub3A_734 = arith.subi %select_n3A_288, %mul3A_733 : i32
      %jit3A_735 = arith.constant 0 : i32
      %jit3A_736 = arith.constant 1024 : i32
      %max3A = arith.maxsi %jit3A_735, %sub3A_734 : i32
      %min3A_737 = arith.minsi %jit3A_736, %max3A : i32
      %while3A_738 = arith.constant 0 : i32
      %while3A_739 = arith.constant 0 : i32
      %while3A_740 = arith.subi %min3A_737, %while3A_738 : i32
      %while3A_741 = arith.addi %while3A_738, %while3A_740 : i32
      %while3A_742 = arith.constant 1 : i32
      %while3A_743 = arith.divsi %while3A_740, %while3A_742 : i32
      %while3A_744 = arith.muli %while3A_743, %while3A_742 : i32
      %while3A_745 = arith.addi %while3A_738, %while3A_744 : i32
      %while3A_746 = arith.constant 1 : i32
      %while3A_747 = scf.for %while3A_847 = %while3A_738 to %while3A_745 step %while3A_746 iter_args(%while3A_848 = %while3A_739) -> (i32)  : i32 {
        %mul3A_849 = arith.constant 16 : i32
        %mul3A_850 = arith.muli %while3A_847, %mul3A_849 : i32
        %get3A_851 = arith.index_cast %mul3A_850 : i32 to index
        %get3A_852 = tpu.vector_load %arg11[%get3A_851] {strides = array<i32>} : memref<16384xi32, #tpu.memory_space<vmem>>, vector<16xi32>,
        %sub3A_853 = vector.broadcast %mul3A_229 : i32 to vector<16xi32>
        %sub3A_854 = arith.subi %get3A_852, %sub3A_853 : vector<16xi32>
        %bitcast3A = vector.bitcast %sub3A_854 : vector<16xi32> to vector<16xi32>
        %lt3A = vector.broadcast %while3A_355 : i32 to vector<16xi32>
        %lt3A_855 = arith.cmpi ult, %bitcast3A, %lt3A : vector<16xi32>
        %bitcast3A_856 = vector.bitcast %bitcast3A : vector<16xi32> to vector<16xi32>
        %swap3A_857 = arith.index_cast %while3A_848 : i32 to index
        %swap3A_858 = tpu.vector_load %arg13[%swap3A_857] masked %lt3A_855 {strides = array<i32>} : memref<16400xi32, #tpu.memory_space<vmem>>, vector<16xi32>, vector<16xi1>
        tpu.vector_store %arg13[%swap3A_857], %bitcast3A_856 masked %lt3A_855 {strides = array<i32>} : memref<16400xi32, #tpu.memory_space<vmem>>, vector<16xi32>, vector<16xi1>
        %all_reduce_population_count3A = tpu.all_reduce %lt3A_855 {dim = 0 : i64, kind = #tpu.reduction_kind<sum>} : vector<16xi1> -> vector<16xi32>
        %slice3A_859 = vector.extract_strided_slice %all_reduce_population_count3A {offsets = [0], sizes = [1], strides = [1]} : vector<16xi32> to vector<1xi32>
        %squeeze3A_860 = vector.extract %slice3A_859[0] : i32 from vector<1xi32>
        %add3A_861 = arith.addi %while3A_848, %squeeze3A_860 : i32
        scf.yield %add3A_861 : i32
      }
      %while3A_748 = arith.constant 1 : i32
      %while3A_749 = scf.for %while3A_847 = %while3A_745 to %while3A_741 step %while3A_748 iter_args(%while3A_848 = %while3A_747) -> (i32)  : i32 {
        %mul3A_849 = arith.constant 16 : i32
        %mul3A_850 = arith.muli %while3A_847, %mul3A_849 : i32
        %get3A_851 = arith.index_cast %mul3A_850 : i32 to index
        %get3A_852 = tpu.vector_load %arg11[%get3A_851] {strides = array<i32>} : memref<16384xi32, #tpu.memory_space<vmem>>, vector<16xi32>,
        %sub3A_853 = vector.broadcast %mul3A_229 : i32 to vector<16xi32>
        %sub3A_854 = arith.subi %get3A_852, %sub3A_853 : vector<16xi32>
        %bitcast3A = vector.bitcast %sub3A_854 : vector<16xi32> to vector<16xi32>
        %lt3A = vector.broadcast %while3A_355 : i32 to vector<16xi32>
        %lt3A_855 = arith.cmpi ult, %bitcast3A, %lt3A : vector<16xi32>
        %bitcast3A_856 = vector.bitcast %bitcast3A : vector<16xi32> to vector<16xi32>
        %swap3A_857 = arith.index_cast %while3A_848 : i32 to index
        %swap3A_858 = tpu.vector_load %arg13[%swap3A_857] masked %lt3A_855 {strides = array<i32>} : memref<16400xi32, #tpu.memory_space<vmem>>, vector<16xi32>, vector<16xi1>
        tpu.vector_store %arg13[%swap3A_857], %bitcast3A_856 masked %lt3A_855 {strides = array<i32>} : memref<16400xi32, #tpu.memory_space<vmem>>, vector<16xi32>, vector<16xi1>
        %all_reduce_population_count3A = tpu.all_reduce %lt3A_855 {dim = 0 : i64, kind = #tpu.reduction_kind<sum>} : vector<16xi1> -> vector<16xi32>
        %slice3A_859 = vector.extract_strided_slice %all_reduce_population_count3A {offsets = [0], sizes = [1], strides = [1]} : vector<16xi32> to vector<1xi32>
        %squeeze3A_860 = vector.extract %slice3A_859[0] : i32 from vector<1xi32>
        %add3A_861 = arith.addi %while3A_848, %squeeze3A_860 : i32
        scf.yield %add3A_861 : i32
      }
      %swap3A = arith.index_cast %while3A_749 : i32 to index
      %swap3A_750 = tpu.vector_load %arg13[%swap3A] {strides = array<i32>} : memref<16400xi32, #tpu.memory_space<vmem>>, vector<16xi32>,
      tpu.vector_store %arg13[%swap3A], %broadcast_in_dim3A_38 {strides = array<i32>} : memref<16400xi32, #tpu.memory_space<vmem>>, vector<16xi32>,
      %add3A_751 = arith.constant 15 : i32
      %add3A_752 = arith.addi %while3A_749, %add3A_751 : i32
      %jit3A_753 = arith.constant 16 : i32
      %div3A_754 = arith.divsi %add3A_752, %jit3A_753 : i32
      %sign3A_755 = arith.constant 0 : i32
      %sign3A_756 = arith.cmpi sgt, %add3A_752, %sign3A_755 : i32
      %sign3A_757 = arith.extui %sign3A_756 : i1 to i32
      %sign3A_758 = arith.constant 0 : i32
      %sign3A_759 = arith.cmpi slt, %add3A_752, %sign3A_758 : i32
      %sign3A_760 = arith.extui %sign3A_759 : i1 to i32
      %sign3A_761 = arith.subi %sign3A_757, %sign3A_760 : i32
      %sign3A_762 = arith.constant 0 : i32
      %sign3A_763 = arith.cmpi sgt, %jit3A_753, %sign3A_762 : i32
      %sign3A_764 = arith.extui %sign3A_763 : i1 to i32
      %sign3A_765 = arith.constant 0 : i32
      %sign3A_766 = arith.cmpi slt, %jit3A_753, %sign3A_765 : i32
      %sign3A_767 = arith.extui %sign3A_766 : i1 to i32
      %sign3A_768 = arith.subi %sign3A_764, %sign3A_767 : i32
      %ne3A_769 = arith.cmpi ne, %sign3A_761, %sign3A_768 : i32
      %rem3A_770 = arith.remsi %add3A_752, %jit3A_753 : i32
      %ne3A_771 = arith.constant 0 : i32
      %ne3A_772 = arith.cmpi ne, %rem3A_770, %ne3A_771 : i32
      %and3A_773 = arith.andi %ne3A_769, %ne3A_772 : i1
      %sub3A_774 = arith.constant 1 : i32
      %sub3A_775 = arith.subi %div3A_754, %sub3A_774 : i32
      %select_n3A_776 = arith.select %and3A_773, %sub3A_775, %div3A_754 : i32
      %parallel_loop3A_777 = arith.constant 0 : i32
      %parallel_loop3A_778 = arith.constant 1 : i32
      scf.for %parallel_loop3A_847 = %parallel_loop3A_777 to %select_n3A_776 step %parallel_loop3A_778  : i32 {
        %parallel_loop3A_848 = arith.constant 16 : i32
        %parallel_loop3A_849 = arith.muli %parallel_loop3A_847, %parallel_loop3A_848 : i32
        %parallel_loop3A_850 = arith.index_cast %parallel_loop3A_849 : i32 to index
        %parallel_loop3A_851 = tpu.vector_load %arg13[%parallel_loop3A_850] {strides = array<i32>} : memref<16400xi32, #tpu.memory_space<vmem>>, vector<16xi32>,
        tpu.vector_store_idx %arg10[%parallel_loop3A_851], %broadcast_in_dim3A_34 {add = true} : memref<65552xf32, #tpu.memory_space<vmem>>[vector<16xi32>], vector<16xf32>,
      } {sc.loop_unroll_factor = 4 : i64, sc.parallel_access}
      %add3A_779 = arith.constant 2 : i32
      %add3A_780 = arith.addi %mul3A_715, %add3A_779 : i32
      %mul3A_781 = arith.constant 16384 : i32
      %mul3A_782 = arith.muli %add3A_780, %mul3A_781 : i32
      %add3A_783 = arith.addi %mul3A_261, %mul3A_782 : i32
      %min3A_784 = arith.constant 2000000 : i32
      %min3A_785 = arith.minsi %add3A_783, %min3A_784 : i32
      %mul3A_786 = arith.constant 2016384 : i32
      %mul3A_787 = arith.muli %arg0, %mul3A_786 : i32
      %add3A_788 = arith.addi %mul3A_787, %min3A_785 : i32
      %dma_start3A_789 = tpu.memref_slice %arg8[%add3A_788] : memref<4032768xi32, #tpu.memory_space<hbm>> -> memref<16384xi32, #tpu.memory_space<hbm>>
      %dma_start3A_790 = tpu.memref_slice %arg8[%add3A_788] : memref<4032768xi32, #tpu.memory_space<hbm>> -> memref<16384xi32, #tpu.memory_space<hbm>>
      tpu.enqueue_dma source(%dma_start3A_790 : memref<16384xi32, #tpu.memory_space<hbm>>) target(%arg11 : memref<16384xi32, #tpu.memory_space<vmem>>) target_semaphore(%arg15 : memref<!tpu.dma_semaphore, #tpu.memory_space<semaphore_mem>>)
      %dma_wait3A_791 = arith.constant 0 : i32
      %dma_wait3A_792 = tpu.memref_slice %arg8[%dma_wait3A_791] : memref<4032768xi32, #tpu.memory_space<hbm>> -> memref<16384xi32, #tpu.memory_space<hbm>>
      %dma_wait3A_793 = arith.constant 0 : i32
      %dma_wait3A_794 = tpu.memref_slice %arg8[%dma_wait3A_793] : memref<4032768xi32, #tpu.memory_space<hbm>> -> memref<16384xi32, #tpu.memory_space<hbm>>
      tpu.wait_dma2 semaphore(%arg16 : memref<!tpu.dma_semaphore, #tpu.memory_space<semaphore_mem>>) src(%dma_wait3A_794 : memref<16384xi32, #tpu.memory_space<hbm>>) dst(%arg12 : memref<16384xi32, #tpu.memory_space<vmem>>)
      %add3A_795 = arith.constant 1 : i32
      %add3A_796 = arith.addi %mul3A_715, %add3A_795 : i32
      %mul3A_797 = arith.constant 1024 : i32
      %mul3A_798 = arith.muli %add3A_796, %mul3A_797 : i32
      %sub3A_799 = arith.subi %select_n3A_288, %mul3A_798 : i32
      %jit3A_800 = arith.constant 0 : i32
      %jit3A_801 = arith.constant 1024 : i32
      %max3A_802 = arith.maxsi %jit3A_800, %sub3A_799 : i32
      %min3A_803 = arith.minsi %jit3A_801, %max3A_802 : i32
      %while3A_804 = arith.constant 0 : i32
      %while3A_805 = arith.constant 0 : i32
      %while3A_806 = arith.subi %min3A_803, %while3A_804 : i32
      %while3A_807 = arith.addi %while3A_804, %while3A_806 : i32
      %while3A_808 = arith.constant 1 : i32
      %while3A_809 = arith.divsi %while3A_806, %while3A_808 : i32
      %while3A_810 = arith.muli %while3A_809, %while3A_808 : i32
      %while3A_811 = arith.addi %while3A_804, %while3A_810 : i32
      %while3A_812 = arith.constant 1 : i32
      %while3A_813 = scf.for %while3A_847 = %while3A_804 to %while3A_811 step %while3A_812 iter_args(%while3A_848 = %while3A_805) -> (i32)  : i32 {
        %mul3A_849 = arith.constant 16 : i32
        %mul3A_850 = arith.muli %while3A_847, %mul3A_849 : i32
        %get3A_851 = arith.index_cast %mul3A_850 : i32 to index
        %get3A_852 = tpu.vector_load %arg12[%get3A_851] {strides = array<i32>} : memref<16384xi32, #tpu.memory_space<vmem>>, vector<16xi32>,
        %sub3A_853 = vector.broadcast %mul3A_229 : i32 to vector<16xi32>
        %sub3A_854 = arith.subi %get3A_852, %sub3A_853 : vector<16xi32>
        %bitcast3A = vector.bitcast %sub3A_854 : vector<16xi32> to vector<16xi32>
        %lt3A = vector.broadcast %while3A_355 : i32 to vector<16xi32>
        %lt3A_855 = arith.cmpi ult, %bitcast3A, %lt3A : vector<16xi32>
        %bitcast3A_856 = vector.bitcast %bitcast3A : vector<16xi32> to vector<16xi32>
        %swap3A_857 = arith.index_cast %while3A_848 : i32 to index
        %swap3A_858 = tpu.vector_load %arg13[%swap3A_857] masked %lt3A_855 {strides = array<i32>} : memref<16400xi32, #tpu.memory_space<vmem>>, vector<16xi32>, vector<16xi1>
        tpu.vector_store %arg13[%swap3A_857], %bitcast3A_856 masked %lt3A_855 {strides = array<i32>} : memref<16400xi32, #tpu.memory_space<vmem>>, vector<16xi32>, vector<16xi1>
        %all_reduce_population_count3A = tpu.all_reduce %lt3A_855 {dim = 0 : i64, kind = #tpu.reduction_kind<sum>} : vector<16xi1> -> vector<16xi32>
        %slice3A_859 = vector.extract_strided_slice %all_reduce_population_count3A {offsets = [0], sizes = [1], strides = [1]} : vector<16xi32> to vector<1xi32>
        %squeeze3A_860 = vector.extract %slice3A_859[0] : i32 from vector<1xi32>
        %add3A_861 = arith.addi %while3A_848, %squeeze3A_860 : i32
        scf.yield %add3A_861 : i32
      }
      %while3A_814 = arith.constant 1 : i32
      %while3A_815 = scf.for %while3A_847 = %while3A_811 to %while3A_807 step %while3A_814 iter_args(%while3A_848 = %while3A_813) -> (i32)  : i32 {
        %mul3A_849 = arith.constant 16 : i32
        %mul3A_850 = arith.muli %while3A_847, %mul3A_849 : i32
        %get3A_851 = arith.index_cast %mul3A_850 : i32 to index
        %get3A_852 = tpu.vector_load %arg12[%get3A_851] {strides = array<i32>} : memref<16384xi32, #tpu.memory_space<vmem>>, vector<16xi32>,
        %sub3A_853 = vector.broadcast %mul3A_229 : i32 to vector<16xi32>
        %sub3A_854 = arith.subi %get3A_852, %sub3A_853 : vector<16xi32>
        %bitcast3A = vector.bitcast %sub3A_854 : vector<16xi32> to vector<16xi32>
        %lt3A = vector.broadcast %while3A_355 : i32 to vector<16xi32>
        %lt3A_855 = arith.cmpi ult, %bitcast3A, %lt3A : vector<16xi32>
        %bitcast3A_856 = vector.bitcast %bitcast3A : vector<16xi32> to vector<16xi32>
        %swap3A_857 = arith.index_cast %while3A_848 : i32 to index
        %swap3A_858 = tpu.vector_load %arg13[%swap3A_857] masked %lt3A_855 {strides = array<i32>} : memref<16400xi32, #tpu.memory_space<vmem>>, vector<16xi32>, vector<16xi1>
        tpu.vector_store %arg13[%swap3A_857], %bitcast3A_856 masked %lt3A_855 {strides = array<i32>} : memref<16400xi32, #tpu.memory_space<vmem>>, vector<16xi32>, vector<16xi1>
        %all_reduce_population_count3A = tpu.all_reduce %lt3A_855 {dim = 0 : i64, kind = #tpu.reduction_kind<sum>} : vector<16xi1> -> vector<16xi32>
        %slice3A_859 = vector.extract_strided_slice %all_reduce_population_count3A {offsets = [0], sizes = [1], strides = [1]} : vector<16xi32> to vector<1xi32>
        %squeeze3A_860 = vector.extract %slice3A_859[0] : i32 from vector<1xi32>
        %add3A_861 = arith.addi %while3A_848, %squeeze3A_860 : i32
        scf.yield %add3A_861 : i32
      }
      %swap3A_816 = arith.index_cast %while3A_815 : i32 to index
      %swap3A_817 = tpu.vector_load %arg13[%swap3A_816] {strides = array<i32>} : memref<16400xi32, #tpu.memory_space<vmem>>, vector<16xi32>,
      tpu.vector_store %arg13[%swap3A_816], %broadcast_in_dim3A_38 {strides = array<i32>} : memref<16400xi32, #tpu.memory_space<vmem>>, vector<16xi32>,
      %add3A_818 = arith.constant 15 : i32
      %add3A_819 = arith.addi %while3A_815, %add3A_818 : i32
      %jit3A_820 = arith.constant 16 : i32
      %div3A_821 = arith.divsi %add3A_819, %jit3A_820 : i32
      %sign3A_822 = arith.constant 0 : i32
      %sign3A_823 = arith.cmpi sgt, %add3A_819, %sign3A_822 : i32
      %sign3A_824 = arith.extui %sign3A_823 : i1 to i32
      %sign3A_825 = arith.constant 0 : i32
      %sign3A_826 = arith.cmpi slt, %add3A_819, %sign3A_825 : i32
      %sign3A_827 = arith.extui %sign3A_826 : i1 to i32
      %sign3A_828 = arith.subi %sign3A_824, %sign3A_827 : i32
      %sign3A_829 = arith.constant 0 : i32
      %sign3A_830 = arith.cmpi sgt, %jit3A_820, %sign3A_829 : i32
      %sign3A_831 = arith.extui %sign3A_830 : i1 to i32
      %sign3A_832 = arith.constant 0 : i32
      %sign3A_833 = arith.cmpi slt, %jit3A_820, %sign3A_832 : i32
      %sign3A_834 = arith.extui %sign3A_833 : i1 to i32
      %sign3A_835 = arith.subi %sign3A_831, %sign3A_834 : i32
      %ne3A_836 = arith.cmpi ne, %sign3A_828, %sign3A_835 : i32
      %rem3A_837 = arith.remsi %add3A_819, %jit3A_820 : i32
      %ne3A_838 = arith.constant 0 : i32
      %ne3A_839 = arith.cmpi ne, %rem3A_837, %ne3A_838 : i32
      %and3A_840 = arith.andi %ne3A_836, %ne3A_839 : i1
      %sub3A_841 = arith.constant 1 : i32
      %sub3A_842 = arith.subi %div3A_821, %sub3A_841 : i32
      %select_n3A_843 = arith.select %and3A_840, %sub3A_842, %div3A_821 : i32
      %parallel_loop3A_844 = arith.constant 0 : i32
      %parallel_loop3A_845 = arith.constant 1 : i32
      scf.for %parallel_loop3A_847 = %parallel_loop3A_844 to %select_n3A_843 step %parallel_loop3A_845  : i32 {
        %parallel_loop3A_848 = arith.constant 16 : i32
        %parallel_loop3A_849 = arith.muli %parallel_loop3A_847, %parallel_loop3A_848 : i32
        %parallel_loop3A_850 = arith.index_cast %parallel_loop3A_849 : i32 to index
        %parallel_loop3A_851 = tpu.vector_load %arg13[%parallel_loop3A_850] {strides = array<i32>} : memref<16400xi32, #tpu.memory_space<vmem>>, vector<16xi32>,
        tpu.vector_store_idx %arg10[%parallel_loop3A_851], %broadcast_in_dim3A_34 {add = true} : memref<65552xf32, #tpu.memory_space<vmem>>[vector<16xi32>], vector<16xf32>,
      } {sc.loop_unroll_factor = 4 : i64, sc.parallel_access}
      %while3A_846 = arith.constant 0 : i32
      scf.yield %while3A_846 : i32
    }
    %dma_wait3A_368 = arith.constant 0 : i32
    %dma_wait3A_369 = tpu.memref_slice %arg8[%dma_wait3A_368] : memref<4032768xi32, #tpu.memory_space<hbm>> -> memref<16384xi32, #tpu.memory_space<hbm>>
    %dma_wait3A_370 = arith.constant 0 : i32
    %dma_wait3A_371 = tpu.memref_slice %arg8[%dma_wait3A_370] : memref<4032768xi32, #tpu.memory_space<hbm>> -> memref<16384xi32, #tpu.memory_space<hbm>>
    tpu.wait_dma2 semaphore(%arg15 : memref<!tpu.dma_semaphore, #tpu.memory_space<semaphore_mem>>) src(%dma_wait3A_371 : memref<16384xi32, #tpu.memory_space<hbm>>) dst(%arg11 : memref<16384xi32, #tpu.memory_space<vmem>>)
    "tpu.region"() ({
      %run_scoped3A = tpu.sem_alloc : memref<!tpu.dma_semaphore, #tpu.memory_space<semaphore_mem>>
      %dma_start3A_712 = arith.constant 0 : i32
      %dma_start3A_713 = tpu.memref_slice %arg10[%dma_start3A_712] : memref<65552xf32, #tpu.memory_space<vmem>> -> memref<65536xf32, #tpu.memory_space<vmem>>
      %dma_start3A_714 = tpu.memref_slice %arg7[%mul3A_229] : memref<8388608xf32, #tpu.memory_space<hbm>> -> memref<65536xf32, #tpu.memory_space<hbm>>
      %dma_start3A_715 = tpu.memref_slice %arg7[%mul3A_229] : memref<8388608xf32, #tpu.memory_space<hbm>> -> memref<65536xf32, #tpu.memory_space<hbm>>
      %dma_start3A_716 = arith.constant 0 : i32
      %dma_start3A_717 = tpu.memref_slice %arg10[%dma_start3A_716] : memref<65552xf32, #tpu.memory_space<vmem>> -> memref<65536xf32, #tpu.memory_space<vmem>>
      tpu.enqueue_dma source(%dma_start3A_717 : memref<65536xf32, #tpu.memory_space<vmem>>) target(%dma_start3A_715 : memref<65536xf32, #tpu.memory_space<hbm>>) target_semaphore(%run_scoped3A : memref<!tpu.dma_semaphore, #tpu.memory_space<semaphore_mem>>)
      %dma_wait3A_718 = arith.constant 0 : i32
      %dma_wait3A_719 = tpu.memref_slice %arg10[%dma_wait3A_718] : memref<65552xf32, #tpu.memory_space<vmem>> -> memref<65536xf32, #tpu.memory_space<vmem>>
      %dma_wait3A_720 = tpu.memref_slice %arg7[%mul3A_229] : memref<8388608xf32, #tpu.memory_space<hbm>> -> memref<65536xf32, #tpu.memory_space<hbm>>
      %dma_wait3A_721 = tpu.memref_slice %arg7[%mul3A_229] : memref<8388608xf32, #tpu.memory_space<hbm>> -> memref<65536xf32, #tpu.memory_space<hbm>>
      %dma_wait3A_722 = arith.constant 0 : i32
      %dma_wait3A_723 = tpu.memref_slice %arg10[%dma_wait3A_722] : memref<65552xf32, #tpu.memory_space<vmem>> -> memref<65536xf32, #tpu.memory_space<vmem>>
      tpu.wait_dma2 semaphore(%run_scoped3A : memref<!tpu.dma_semaphore, #tpu.memory_space<semaphore_mem>>) src(%dma_wait3A_723 : memref<65536xf32, #tpu.memory_space<vmem>>) dst(%dma_wait3A_721 : memref<65536xf32, #tpu.memory_space<hbm>>)
      tpu.yield
    }) : () -> ()
    %add3A_372 = arith.constant 64 : i32
    %add3A_373 = arith.addi %add3A_372, %add3A_33 : i32
    %jit3A_374 = arith.constant 8 : i32
    %div3A_375 = arith.divsi %add3A_373, %jit3A_374 : i32
    %sign3A_376 = arith.constant 0 : i32
    %sign3A_377 = arith.cmpi sgt, %add3A_373, %sign3A_376 : i32
    %sign3A_378 = arith.extui %sign3A_377 : i1 to i32
    %sign3A_379 = arith.constant 0 : i32
    %sign3A_380 = arith.cmpi slt, %add3A_373, %sign3A_379 : i32
    %sign3A_381 = arith.extui %sign3A_380 : i1 to i32
    %sign3A_382 = arith.subi %sign3A_378, %sign3A_381 : i32
    %sign3A_383 = arith.constant 0 : i32
    %sign3A_384 = arith.cmpi sgt, %jit3A_374, %sign3A_383 : i32
    %sign3A_385 = arith.extui %sign3A_384 : i1 to i32
    %sign3A_386 = arith.constant 0 : i32
    %sign3A_387 = arith.cmpi slt, %jit3A_374, %sign3A_386 : i32
    %sign3A_388 = arith.extui %sign3A_387 : i1 to i32
    %sign3A_389 = arith.subi %sign3A_385, %sign3A_388 : i32
    %ne3A_390 = arith.cmpi ne, %sign3A_382, %sign3A_389 : i32
    %rem3A_391 = arith.remsi %add3A_373, %jit3A_374 : i32
    %ne3A_392 = arith.constant 0 : i32
    %ne3A_393 = arith.cmpi ne, %rem3A_391, %ne3A_392 : i32
    %and3A_394 = arith.andi %ne3A_390, %ne3A_393 : i1
    %sub3A_395 = arith.constant 1 : i32
    %sub3A_396 = arith.subi %div3A_375, %sub3A_395 : i32
    %select_n3A_397 = arith.select %and3A_394, %sub3A_396, %div3A_375 : i32
    %mul3A_398 = arith.constant 65536 : i32
    %mul3A_399 = arith.muli %add3A_373, %mul3A_398 : i32
    %get3A_400 = arith.index_cast %select_n3A_397 : i32 to index
    %get3A_401 = tpu.vector_load %arg14[%get3A_400] {strides = array<i32>} : memref<32xi32, #tpu.memory_space<vmem>>, vector<16xi32>,
    %slice3A_402 = vector.extract_strided_slice %get3A_401 {offsets = [0], sizes = [1], strides = [1]} : vector<16xi32> to vector<1xi32>
    %squeeze3A_403 = vector.extract %slice3A_402[0] : i32 from vector<1xi32>
    %slice3A_404 = vector.extract_strided_slice %get3A_401 {offsets = [1], sizes = [1], strides = [1]} : vector<16xi32> to vector<1xi32>
    %squeeze3A_405 = vector.extract %slice3A_404[0] : i32 from vector<1xi32>
    %jit3A_406 = arith.constant 16 : i32
    %div3A_407 = arith.divsi %squeeze3A_403, %jit3A_406 : i32
    %sign3A_408 = arith.constant 0 : i32
    %sign3A_409 = arith.cmpi sgt, %squeeze3A_403, %sign3A_408 : i32
    %sign3A_410 = arith.extui %sign3A_409 : i1 to i32
    %sign3A_411 = arith.constant 0 : i32
    %sign3A_412 = arith.cmpi slt, %squeeze3A_403, %sign3A_411 : i32
    %sign3A_413 = arith.extui %sign3A_412 : i1 to i32
    %sign3A_414 = arith.subi %sign3A_410, %sign3A_413 : i32
    %sign3A_415 = arith.constant 0 : i32
    %sign3A_416 = arith.cmpi sgt, %jit3A_406, %sign3A_415 : i32
    %sign3A_417 = arith.extui %sign3A_416 : i1 to i32
    %sign3A_418 = arith.constant 0 : i32
    %sign3A_419 = arith.cmpi slt, %jit3A_406, %sign3A_418 : i32
    %sign3A_420 = arith.extui %sign3A_419 : i1 to i32
    %sign3A_421 = arith.subi %sign3A_417, %sign3A_420 : i32
    %ne3A_422 = arith.cmpi ne, %sign3A_414, %sign3A_421 : i32
    %rem3A_423 = arith.remsi %squeeze3A_403, %jit3A_406 : i32
    %ne3A_424 = arith.constant 0 : i32
    %ne3A_425 = arith.cmpi ne, %rem3A_423, %ne3A_424 : i32
    %and3A_426 = arith.andi %ne3A_422, %ne3A_425 : i1
    %sub3A_427 = arith.constant 1 : i32
    %sub3A_428 = arith.subi %div3A_407, %sub3A_427 : i32
    %select_n3A_429 = arith.select %and3A_426, %sub3A_428, %div3A_407 : i32
    %mul3A_430 = arith.constant 16 : i32
    %mul3A_431 = arith.muli %select_n3A_429, %mul3A_430 : i32
    %sub3A_432 = arith.subi %squeeze3A_405, %mul3A_431 : i32
    %add3A_433 = arith.constant 15 : i32
    %add3A_434 = arith.addi %sub3A_432, %add3A_433 : i32
    %jit3A_435 = arith.constant 16 : i32
    %div3A_436 = arith.divsi %add3A_434, %jit3A_435 : i32
    %sign3A_437 = arith.constant 0 : i32
    %sign3A_438 = arith.cmpi sgt, %add3A_434, %sign3A_437 : i32
    %sign3A_439 = arith.extui %sign3A_438 : i1 to i32
    %sign3A_440 = arith.constant 0 : i32
    %sign3A_441 = arith.cmpi slt, %add3A_434, %sign3A_440 : i32
    %sign3A_442 = arith.extui %sign3A_441 : i1 to i32
    %sign3A_443 = arith.subi %sign3A_439, %sign3A_442 : i32
    %sign3A_444 = arith.constant 0 : i32
    %sign3A_445 = arith.cmpi sgt, %jit3A_435, %sign3A_444 : i32
    %sign3A_446 = arith.extui %sign3A_445 : i1 to i32
    %sign3A_447 = arith.constant 0 : i32
    %sign3A_448 = arith.cmpi slt, %jit3A_435, %sign3A_447 : i32
    %sign3A_449 = arith.extui %sign3A_448 : i1 to i32
    %sign3A_450 = arith.subi %sign3A_446, %sign3A_449 : i32
    %ne3A_451 = arith.cmpi ne, %sign3A_443, %sign3A_450 : i32
    %rem3A_452 = arith.remsi %add3A_434, %jit3A_435 : i32
    %ne3A_453 = arith.constant 0 : i32
    %ne3A_454 = arith.cmpi ne, %rem3A_452, %ne3A_453 : i32
    %and3A_455 = arith.andi %ne3A_451, %ne3A_454 : i1
    %sub3A_456 = arith.constant 1 : i32
    %sub3A_457 = arith.subi %div3A_436, %sub3A_456 : i32
    %select_n3A_458 = arith.select %and3A_455, %sub3A_457, %div3A_436 : i32
    %add3A_459 = arith.constant 1024 : i32
    %add3A_460 = arith.addi %select_n3A_458, %add3A_459 : i32
    %sub3A_461 = arith.constant 1 : i32
    %sub3A_462 = arith.subi %add3A_460, %sub3A_461 : i32
    %jit3A_463 = arith.constant 1024 : i32
    %div3A_464 = arith.divsi %sub3A_462, %jit3A_463 : i32
    %sign3A_465 = arith.constant 0 : i32
    %sign3A_466 = arith.cmpi sgt, %sub3A_462, %sign3A_465 : i32
    %sign3A_467 = arith.extui %sign3A_466 : i1 to i32
    %sign3A_468 = arith.constant 0 : i32
    %sign3A_469 = arith.cmpi slt, %sub3A_462, %sign3A_468 : i32
    %sign3A_470 = arith.extui %sign3A_469 : i1 to i32
    %sign3A_471 = arith.subi %sign3A_467, %sign3A_470 : i32
    %sign3A_472 = arith.constant 0 : i32
    %sign3A_473 = arith.cmpi sgt, %jit3A_463, %sign3A_472 : i32
    %sign3A_474 = arith.extui %sign3A_473 : i1 to i32
    %sign3A_475 = arith.constant 0 : i32
    %sign3A_476 = arith.cmpi slt, %jit3A_463, %sign3A_475 : i32
    %sign3A_477 = arith.extui %sign3A_476 : i1 to i32
    %sign3A_478 = arith.subi %sign3A_474, %sign3A_477 : i32
    %ne3A_479 = arith.cmpi ne, %sign3A_471, %sign3A_478 : i32
    %rem3A_480 = arith.remsi %sub3A_462, %jit3A_463 : i32
    %ne3A_481 = arith.constant 0 : i32
    %ne3A_482 = arith.cmpi ne, %rem3A_480, %ne3A_481 : i32
    %and3A_483 = arith.andi %ne3A_479, %ne3A_482 : i1
    %sub3A_484 = arith.constant 1 : i32
    %sub3A_485 = arith.subi %div3A_464, %sub3A_484 : i32
    %select_n3A_486 = arith.select %and3A_483, %sub3A_485, %div3A_464 : i32
    %parallel_loop3A_487 = arith.constant 0 : i32
    %parallel_loop3A_488 = arith.constant 4097 : i32
    %parallel_loop3A_489 = arith.constant 1 : i32
    scf.for %parallel_loop3A_712 = %parallel_loop3A_487 to %parallel_loop3A_488 step %parallel_loop3A_489  : i32 {
      %parallel_loop3A_713 = arith.constant 16 : i32
      %parallel_loop3A_714 = arith.muli %parallel_loop3A_712, %parallel_loop3A_713 : i32
      %parallel_loop3A_715 = arith.index_cast %parallel_loop3A_714 : i32 to index
      %parallel_loop3A_716 = tpu.vector_load %arg10[%parallel_loop3A_715] {strides = array<i32>} : memref<65552xf32, #tpu.memory_space<vmem>>, vector<16xf32>,
      tpu.vector_store %arg10[%parallel_loop3A_715], %broadcast_in_dim3A_36 {strides = array<i32>} : memref<65552xf32, #tpu.memory_space<vmem>>, vector<16xf32>,
    } {sc.loop_unroll_factor = 8 : i64, sc.parallel_access}
    %add3A_490 = arith.constant 0 : i32
    %add3A_491 = arith.addi %mul3A_431, %add3A_490 : i32
    %min3A_492 = arith.constant 2000000 : i32
    %min3A_493 = arith.minsi %add3A_491, %min3A_492 : i32
    %mul3A_494 = arith.constant 2016384 : i32
    %mul3A_495 = arith.muli %arg0, %mul3A_494 : i32
    %add3A_496 = arith.addi %mul3A_495, %min3A_493 : i32
    %dma_start3A_497 = tpu.memref_slice %arg8[%add3A_496] : memref<4032768xi32, #tpu.memory_space<hbm>> -> memref<16384xi32, #tpu.memory_space<hbm>>
    %dma_start3A_498 = tpu.memref_slice %arg8[%add3A_496] : memref<4032768xi32, #tpu.memory_space<hbm>> -> memref<16384xi32, #tpu.memory_space<hbm>>
    tpu.enqueue_dma source(%dma_start3A_498 : memref<16384xi32, #tpu.memory_space<hbm>>) target(%arg11 : memref<16384xi32, #tpu.memory_space<vmem>>) target_semaphore(%arg15 : memref<!tpu.dma_semaphore, #tpu.memory_space<semaphore_mem>>)
    %add3A_499 = arith.constant 1 : i32
    %add3A_500 = arith.addi %select_n3A_486, %add3A_499 : i32
    %jit3A_501 = arith.constant 2 : i32
    %div3A_502 = arith.divsi %add3A_500, %jit3A_501 : i32
    %sign3A_503 = arith.constant 0 : i32
    %sign3A_504 = arith.cmpi sgt, %add3A_500, %sign3A_503 : i32
    %sign3A_505 = arith.extui %sign3A_504 : i1 to i32
    %sign3A_506 = arith.constant 0 : i32
    %sign3A_507 = arith.cmpi slt, %add3A_500, %sign3A_506 : i32
    %sign3A_508 = arith.extui %sign3A_507 : i1 to i32
    %sign3A_509 = arith.subi %sign3A_505, %sign3A_508 : i32
    %sign3A_510 = arith.constant 0 : i32
    %sign3A_511 = arith.cmpi sgt, %jit3A_501, %sign3A_510 : i32
    %sign3A_512 = arith.extui %sign3A_511 : i1 to i32
    %sign3A_513 = arith.constant 0 : i32
    %sign3A_514 = arith.cmpi slt, %jit3A_501, %sign3A_513 : i32
    %sign3A_515 = arith.extui %sign3A_514 : i1 to i32
    %sign3A_516 = arith.subi %sign3A_512, %sign3A_515 : i32
    %ne3A_517 = arith.cmpi ne, %sign3A_509, %sign3A_516 : i32
    %rem3A_518 = arith.remsi %add3A_500, %jit3A_501 : i32
    %ne3A_519 = arith.constant 0 : i32
    %ne3A_520 = arith.cmpi ne, %rem3A_518, %ne3A_519 : i32
    %and3A_521 = arith.andi %ne3A_517, %ne3A_520 : i1
    %sub3A_522 = arith.constant 1 : i32
    %sub3A_523 = arith.subi %div3A_502, %sub3A_522 : i32
    %select_n3A_524 = arith.select %and3A_521, %sub3A_523, %div3A_502 : i32
    %while3A_525 = arith.constant 65536 : i32
    %while3A_526 = arith.constant 0 : i32
    %while3A_527 = arith.constant 0 : i32
    %while3A_528 = arith.subi %select_n3A_524, %while3A_526 : i32
    %while3A_529 = arith.addi %while3A_526, %while3A_528 : i32
    %while3A_530 = arith.constant 1 : i32
    %while3A_531 = arith.divsi %while3A_528, %while3A_530 : i32
    %while3A_532 = arith.muli %while3A_531, %while3A_530 : i32
    %while3A_533 = arith.addi %while3A_526, %while3A_532 : i32
    %while3A_534 = arith.constant 1 : i32
    %while3A_535 = scf.for %while3A_712 = %while3A_526 to %while3A_533 step %while3A_534 iter_args(%while3A_713 = %while3A_527) -> (i32)  : i32 {
      %mul3A_714 = arith.constant 2 : i32
      %mul3A_715 = arith.muli %mul3A_714, %while3A_712 : i32
      %add3A_716 = arith.constant 1 : i32
      %add3A_717 = arith.addi %mul3A_715, %add3A_716 : i32
      %mul3A_718 = arith.constant 16384 : i32
      %mul3A_719 = arith.muli %add3A_717, %mul3A_718 : i32
      %add3A_720 = arith.addi %mul3A_431, %mul3A_719 : i32
      %min3A_721 = arith.constant 2000000 : i32
      %min3A_722 = arith.minsi %add3A_720, %min3A_721 : i32
      %mul3A_723 = arith.constant 2016384 : i32
      %mul3A_724 = arith.muli %arg0, %mul3A_723 : i32
      %add3A_725 = arith.addi %mul3A_724, %min3A_722 : i32
      %dma_start3A_726 = tpu.memref_slice %arg8[%add3A_725] : memref<4032768xi32, #tpu.memory_space<hbm>> -> memref<16384xi32, #tpu.memory_space<hbm>>
      %dma_start3A_727 = tpu.memref_slice %arg8[%add3A_725] : memref<4032768xi32, #tpu.memory_space<hbm>> -> memref<16384xi32, #tpu.memory_space<hbm>>
      tpu.enqueue_dma source(%dma_start3A_727 : memref<16384xi32, #tpu.memory_space<hbm>>) target(%arg12 : memref<16384xi32, #tpu.memory_space<vmem>>) target_semaphore(%arg16 : memref<!tpu.dma_semaphore, #tpu.memory_space<semaphore_mem>>)
      %dma_wait3A_728 = arith.constant 0 : i32
      %dma_wait3A_729 = tpu.memref_slice %arg8[%dma_wait3A_728] : memref<4032768xi32, #tpu.memory_space<hbm>> -> memref<16384xi32, #tpu.memory_space<hbm>>
      %dma_wait3A_730 = arith.constant 0 : i32
      %dma_wait3A_731 = tpu.memref_slice %arg8[%dma_wait3A_730] : memref<4032768xi32, #tpu.memory_space<hbm>> -> memref<16384xi32, #tpu.memory_space<hbm>>
      tpu.wait_dma2 semaphore(%arg15 : memref<!tpu.dma_semaphore, #tpu.memory_space<semaphore_mem>>) src(%dma_wait3A_731 : memref<16384xi32, #tpu.memory_space<hbm>>) dst(%arg11 : memref<16384xi32, #tpu.memory_space<vmem>>)
      %mul3A_732 = arith.constant 1024 : i32
      %mul3A_733 = arith.muli %mul3A_715, %mul3A_732 : i32
      %sub3A_734 = arith.subi %select_n3A_458, %mul3A_733 : i32
      %jit3A_735 = arith.constant 0 : i32
      %jit3A_736 = arith.constant 1024 : i32
      %max3A = arith.maxsi %jit3A_735, %sub3A_734 : i32
      %min3A_737 = arith.minsi %jit3A_736, %max3A : i32
      %while3A_738 = arith.constant 0 : i32
      %while3A_739 = arith.constant 0 : i32
      %while3A_740 = arith.subi %min3A_737, %while3A_738 : i32
      %while3A_741 = arith.addi %while3A_738, %while3A_740 : i32
      %while3A_742 = arith.constant 1 : i32
      %while3A_743 = arith.divsi %while3A_740, %while3A_742 : i32
      %while3A_744 = arith.muli %while3A_743, %while3A_742 : i32
      %while3A_745 = arith.addi %while3A_738, %while3A_744 : i32
      %while3A_746 = arith.constant 1 : i32
      %while3A_747 = scf.for %while3A_847 = %while3A_738 to %while3A_745 step %while3A_746 iter_args(%while3A_848 = %while3A_739) -> (i32)  : i32 {
        %mul3A_849 = arith.constant 16 : i32
        %mul3A_850 = arith.muli %while3A_847, %mul3A_849 : i32
        %get3A_851 = arith.index_cast %mul3A_850 : i32 to index
        %get3A_852 = tpu.vector_load %arg11[%get3A_851] {strides = array<i32>} : memref<16384xi32, #tpu.memory_space<vmem>>, vector<16xi32>,
        %sub3A_853 = vector.broadcast %mul3A_399 : i32 to vector<16xi32>
        %sub3A_854 = arith.subi %get3A_852, %sub3A_853 : vector<16xi32>
        %bitcast3A = vector.bitcast %sub3A_854 : vector<16xi32> to vector<16xi32>
        %lt3A = vector.broadcast %while3A_525 : i32 to vector<16xi32>
        %lt3A_855 = arith.cmpi ult, %bitcast3A, %lt3A : vector<16xi32>
        %bitcast3A_856 = vector.bitcast %bitcast3A : vector<16xi32> to vector<16xi32>
        %swap3A_857 = arith.index_cast %while3A_848 : i32 to index
        %swap3A_858 = tpu.vector_load %arg13[%swap3A_857] masked %lt3A_855 {strides = array<i32>} : memref<16400xi32, #tpu.memory_space<vmem>>, vector<16xi32>, vector<16xi1>
        tpu.vector_store %arg13[%swap3A_857], %bitcast3A_856 masked %lt3A_855 {strides = array<i32>} : memref<16400xi32, #tpu.memory_space<vmem>>, vector<16xi32>, vector<16xi1>
        %all_reduce_population_count3A = tpu.all_reduce %lt3A_855 {dim = 0 : i64, kind = #tpu.reduction_kind<sum>} : vector<16xi1> -> vector<16xi32>
        %slice3A_859 = vector.extract_strided_slice %all_reduce_population_count3A {offsets = [0], sizes = [1], strides = [1]} : vector<16xi32> to vector<1xi32>
        %squeeze3A_860 = vector.extract %slice3A_859[0] : i32 from vector<1xi32>
        %add3A_861 = arith.addi %while3A_848, %squeeze3A_860 : i32
        scf.yield %add3A_861 : i32
      }
      %while3A_748 = arith.constant 1 : i32
      %while3A_749 = scf.for %while3A_847 = %while3A_745 to %while3A_741 step %while3A_748 iter_args(%while3A_848 = %while3A_747) -> (i32)  : i32 {
        %mul3A_849 = arith.constant 16 : i32
        %mul3A_850 = arith.muli %while3A_847, %mul3A_849 : i32
        %get3A_851 = arith.index_cast %mul3A_850 : i32 to index
        %get3A_852 = tpu.vector_load %arg11[%get3A_851] {strides = array<i32>} : memref<16384xi32, #tpu.memory_space<vmem>>, vector<16xi32>,
        %sub3A_853 = vector.broadcast %mul3A_399 : i32 to vector<16xi32>
        %sub3A_854 = arith.subi %get3A_852, %sub3A_853 : vector<16xi32>
        %bitcast3A = vector.bitcast %sub3A_854 : vector<16xi32> to vector<16xi32>
        %lt3A = vector.broadcast %while3A_525 : i32 to vector<16xi32>
        %lt3A_855 = arith.cmpi ult, %bitcast3A, %lt3A : vector<16xi32>
        %bitcast3A_856 = vector.bitcast %bitcast3A : vector<16xi32> to vector<16xi32>
        %swap3A_857 = arith.index_cast %while3A_848 : i32 to index
        %swap3A_858 = tpu.vector_load %arg13[%swap3A_857] masked %lt3A_855 {strides = array<i32>} : memref<16400xi32, #tpu.memory_space<vmem>>, vector<16xi32>, vector<16xi1>
        tpu.vector_store %arg13[%swap3A_857], %bitcast3A_856 masked %lt3A_855 {strides = array<i32>} : memref<16400xi32, #tpu.memory_space<vmem>>, vector<16xi32>, vector<16xi1>
        %all_reduce_population_count3A = tpu.all_reduce %lt3A_855 {dim = 0 : i64, kind = #tpu.reduction_kind<sum>} : vector<16xi1> -> vector<16xi32>
        %slice3A_859 = vector.extract_strided_slice %all_reduce_population_count3A {offsets = [0], sizes = [1], strides = [1]} : vector<16xi32> to vector<1xi32>
        %squeeze3A_860 = vector.extract %slice3A_859[0] : i32 from vector<1xi32>
        %add3A_861 = arith.addi %while3A_848, %squeeze3A_860 : i32
        scf.yield %add3A_861 : i32
      }
      %swap3A = arith.index_cast %while3A_749 : i32 to index
      %swap3A_750 = tpu.vector_load %arg13[%swap3A] {strides = array<i32>} : memref<16400xi32, #tpu.memory_space<vmem>>, vector<16xi32>,
      tpu.vector_store %arg13[%swap3A], %broadcast_in_dim3A_38 {strides = array<i32>} : memref<16400xi32, #tpu.memory_space<vmem>>, vector<16xi32>,
      %add3A_751 = arith.constant 15 : i32
      %add3A_752 = arith.addi %while3A_749, %add3A_751 : i32
      %jit3A_753 = arith.constant 16 : i32
      %div3A_754 = arith.divsi %add3A_752, %jit3A_753 : i32
      %sign3A_755 = arith.constant 0 : i32
      %sign3A_756 = arith.cmpi sgt, %add3A_752, %sign3A_755 : i32
      %sign3A_757 = arith.extui %sign3A_756 : i1 to i32
      %sign3A_758 = arith.constant 0 : i32
      %sign3A_759 = arith.cmpi slt, %add3A_752, %sign3A_758 : i32
      %sign3A_760 = arith.extui %sign3A_759 : i1 to i32
      %sign3A_761 = arith.subi %sign3A_757, %sign3A_760 : i32
      %sign3A_762 = arith.constant 0 : i32
      %sign3A_763 = arith.cmpi sgt, %jit3A_753, %sign3A_762 : i32
      %sign3A_764 = arith.extui %sign3A_763 : i1 to i32
      %sign3A_765 = arith.constant 0 : i32
      %sign3A_766 = arith.cmpi slt, %jit3A_753, %sign3A_765 : i32
      %sign3A_767 = arith.extui %sign3A_766 : i1 to i32
      %sign3A_768 = arith.subi %sign3A_764, %sign3A_767 : i32
      %ne3A_769 = arith.cmpi ne, %sign3A_761, %sign3A_768 : i32
      %rem3A_770 = arith.remsi %add3A_752, %jit3A_753 : i32
      %ne3A_771 = arith.constant 0 : i32
      %ne3A_772 = arith.cmpi ne, %rem3A_770, %ne3A_771 : i32
      %and3A_773 = arith.andi %ne3A_769, %ne3A_772 : i1
      %sub3A_774 = arith.constant 1 : i32
      %sub3A_775 = arith.subi %div3A_754, %sub3A_774 : i32
      %select_n3A_776 = arith.select %and3A_773, %sub3A_775, %div3A_754 : i32
      %parallel_loop3A_777 = arith.constant 0 : i32
      %parallel_loop3A_778 = arith.constant 1 : i32
      scf.for %parallel_loop3A_847 = %parallel_loop3A_777 to %select_n3A_776 step %parallel_loop3A_778  : i32 {
        %parallel_loop3A_848 = arith.constant 16 : i32
        %parallel_loop3A_849 = arith.muli %parallel_loop3A_847, %parallel_loop3A_848 : i32
        %parallel_loop3A_850 = arith.index_cast %parallel_loop3A_849 : i32 to index
        %parallel_loop3A_851 = tpu.vector_load %arg13[%parallel_loop3A_850] {strides = array<i32>} : memref<16400xi32, #tpu.memory_space<vmem>>, vector<16xi32>,
        tpu.vector_store_idx %arg10[%parallel_loop3A_851], %broadcast_in_dim3A_34 {add = true} : memref<65552xf32, #tpu.memory_space<vmem>>[vector<16xi32>], vector<16xf32>,
      } {sc.loop_unroll_factor = 4 : i64, sc.parallel_access}
      %add3A_779 = arith.constant 2 : i32
      %add3A_780 = arith.addi %mul3A_715, %add3A_779 : i32
      %mul3A_781 = arith.constant 16384 : i32
      %mul3A_782 = arith.muli %add3A_780, %mul3A_781 : i32
      %add3A_783 = arith.addi %mul3A_431, %mul3A_782 : i32
      %min3A_784 = arith.constant 2000000 : i32
      %min3A_785 = arith.minsi %add3A_783, %min3A_784 : i32
      %mul3A_786 = arith.constant 2016384 : i32
      %mul3A_787 = arith.muli %arg0, %mul3A_786 : i32
      %add3A_788 = arith.addi %mul3A_787, %min3A_785 : i32
      %dma_start3A_789 = tpu.memref_slice %arg8[%add3A_788] : memref<4032768xi32, #tpu.memory_space<hbm>> -> memref<16384xi32, #tpu.memory_space<hbm>>
      %dma_start3A_790 = tpu.memref_slice %arg8[%add3A_788] : memref<4032768xi32, #tpu.memory_space<hbm>> -> memref<16384xi32, #tpu.memory_space<hbm>>
      tpu.enqueue_dma source(%dma_start3A_790 : memref<16384xi32, #tpu.memory_space<hbm>>) target(%arg11 : memref<16384xi32, #tpu.memory_space<vmem>>) target_semaphore(%arg15 : memref<!tpu.dma_semaphore, #tpu.memory_space<semaphore_mem>>)
      %dma_wait3A_791 = arith.constant 0 : i32
      %dma_wait3A_792 = tpu.memref_slice %arg8[%dma_wait3A_791] : memref<4032768xi32, #tpu.memory_space<hbm>> -> memref<16384xi32, #tpu.memory_space<hbm>>
      %dma_wait3A_793 = arith.constant 0 : i32
      %dma_wait3A_794 = tpu.memref_slice %arg8[%dma_wait3A_793] : memref<4032768xi32, #tpu.memory_space<hbm>> -> memref<16384xi32, #tpu.memory_space<hbm>>
      tpu.wait_dma2 semaphore(%arg16 : memref<!tpu.dma_semaphore, #tpu.memory_space<semaphore_mem>>) src(%dma_wait3A_794 : memref<16384xi32, #tpu.memory_space<hbm>>) dst(%arg12 : memref<16384xi32, #tpu.memory_space<vmem>>)
      %add3A_795 = arith.constant 1 : i32
      %add3A_796 = arith.addi %mul3A_715, %add3A_795 : i32
      %mul3A_797 = arith.constant 1024 : i32
      %mul3A_798 = arith.muli %add3A_796, %mul3A_797 : i32
      %sub3A_799 = arith.subi %select_n3A_458, %mul3A_798 : i32
      %jit3A_800 = arith.constant 0 : i32
      %jit3A_801 = arith.constant 1024 : i32
      %max3A_802 = arith.maxsi %jit3A_800, %sub3A_799 : i32
      %min3A_803 = arith.minsi %jit3A_801, %max3A_802 : i32
      %while3A_804 = arith.constant 0 : i32
      %while3A_805 = arith.constant 0 : i32
      %while3A_806 = arith.subi %min3A_803, %while3A_804 : i32
      %while3A_807 = arith.addi %while3A_804, %while3A_806 : i32
      %while3A_808 = arith.constant 1 : i32
      %while3A_809 = arith.divsi %while3A_806, %while3A_808 : i32
      %while3A_810 = arith.muli %while3A_809, %while3A_808 : i32
      %while3A_811 = arith.addi %while3A_804, %while3A_810 : i32
      %while3A_812 = arith.constant 1 : i32
      %while3A_813 = scf.for %while3A_847 = %while3A_804 to %while3A_811 step %while3A_812 iter_args(%while3A_848 = %while3A_805) -> (i32)  : i32 {
        %mul3A_849 = arith.constant 16 : i32
        %mul3A_850 = arith.muli %while3A_847, %mul3A_849 : i32
        %get3A_851 = arith.index_cast %mul3A_850 : i32 to index
        %get3A_852 = tpu.vector_load %arg12[%get3A_851] {strides = array<i32>} : memref<16384xi32, #tpu.memory_space<vmem>>, vector<16xi32>,
        %sub3A_853 = vector.broadcast %mul3A_399 : i32 to vector<16xi32>
        %sub3A_854 = arith.subi %get3A_852, %sub3A_853 : vector<16xi32>
        %bitcast3A = vector.bitcast %sub3A_854 : vector<16xi32> to vector<16xi32>
        %lt3A = vector.broadcast %while3A_525 : i32 to vector<16xi32>
        %lt3A_855 = arith.cmpi ult, %bitcast3A, %lt3A : vector<16xi32>
        %bitcast3A_856 = vector.bitcast %bitcast3A : vector<16xi32> to vector<16xi32>
        %swap3A_857 = arith.index_cast %while3A_848 : i32 to index
        %swap3A_858 = tpu.vector_load %arg13[%swap3A_857] masked %lt3A_855 {strides = array<i32>} : memref<16400xi32, #tpu.memory_space<vmem>>, vector<16xi32>, vector<16xi1>
        tpu.vector_store %arg13[%swap3A_857], %bitcast3A_856 masked %lt3A_855 {strides = array<i32>} : memref<16400xi32, #tpu.memory_space<vmem>>, vector<16xi32>, vector<16xi1>
        %all_reduce_population_count3A = tpu.all_reduce %lt3A_855 {dim = 0 : i64, kind = #tpu.reduction_kind<sum>} : vector<16xi1> -> vector<16xi32>
        %slice3A_859 = vector.extract_strided_slice %all_reduce_population_count3A {offsets = [0], sizes = [1], strides = [1]} : vector<16xi32> to vector<1xi32>
        %squeeze3A_860 = vector.extract %slice3A_859[0] : i32 from vector<1xi32>
        %add3A_861 = arith.addi %while3A_848, %squeeze3A_860 : i32
        scf.yield %add3A_861 : i32
      }
      %while3A_814 = arith.constant 1 : i32
      %while3A_815 = scf.for %while3A_847 = %while3A_811 to %while3A_807 step %while3A_814 iter_args(%while3A_848 = %while3A_813) -> (i32)  : i32 {
        %mul3A_849 = arith.constant 16 : i32
        %mul3A_850 = arith.muli %while3A_847, %mul3A_849 : i32
        %get3A_851 = arith.index_cast %mul3A_850 : i32 to index
        %get3A_852 = tpu.vector_load %arg12[%get3A_851] {strides = array<i32>} : memref<16384xi32, #tpu.memory_space<vmem>>, vector<16xi32>,
        %sub3A_853 = vector.broadcast %mul3A_399 : i32 to vector<16xi32>
        %sub3A_854 = arith.subi %get3A_852, %sub3A_853 : vector<16xi32>
        %bitcast3A = vector.bitcast %sub3A_854 : vector<16xi32> to vector<16xi32>
        %lt3A = vector.broadcast %while3A_525 : i32 to vector<16xi32>
        %lt3A_855 = arith.cmpi ult, %bitcast3A, %lt3A : vector<16xi32>
        %bitcast3A_856 = vector.bitcast %bitcast3A : vector<16xi32> to vector<16xi32>
        %swap3A_857 = arith.index_cast %while3A_848 : i32 to index
        %swap3A_858 = tpu.vector_load %arg13[%swap3A_857] masked %lt3A_855 {strides = array<i32>} : memref<16400xi32, #tpu.memory_space<vmem>>, vector<16xi32>, vector<16xi1>
        tpu.vector_store %arg13[%swap3A_857], %bitcast3A_856 masked %lt3A_855 {strides = array<i32>} : memref<16400xi32, #tpu.memory_space<vmem>>, vector<16xi32>, vector<16xi1>
        %all_reduce_population_count3A = tpu.all_reduce %lt3A_855 {dim = 0 : i64, kind = #tpu.reduction_kind<sum>} : vector<16xi1> -> vector<16xi32>
        %slice3A_859 = vector.extract_strided_slice %all_reduce_population_count3A {offsets = [0], sizes = [1], strides = [1]} : vector<16xi32> to vector<1xi32>
        %squeeze3A_860 = vector.extract %slice3A_859[0] : i32 from vector<1xi32>
        %add3A_861 = arith.addi %while3A_848, %squeeze3A_860 : i32
        scf.yield %add3A_861 : i32
      }
      %swap3A_816 = arith.index_cast %while3A_815 : i32 to index
      %swap3A_817 = tpu.vector_load %arg13[%swap3A_816] {strides = array<i32>} : memref<16400xi32, #tpu.memory_space<vmem>>, vector<16xi32>,
      tpu.vector_store %arg13[%swap3A_816], %broadcast_in_dim3A_38 {strides = array<i32>} : memref<16400xi32, #tpu.memory_space<vmem>>, vector<16xi32>,
      %add3A_818 = arith.constant 15 : i32
      %add3A_819 = arith.addi %while3A_815, %add3A_818 : i32
      %jit3A_820 = arith.constant 16 : i32
      %div3A_821 = arith.divsi %add3A_819, %jit3A_820 : i32
      %sign3A_822 = arith.constant 0 : i32
      %sign3A_823 = arith.cmpi sgt, %add3A_819, %sign3A_822 : i32
      %sign3A_824 = arith.extui %sign3A_823 : i1 to i32
      %sign3A_825 = arith.constant 0 : i32
      %sign3A_826 = arith.cmpi slt, %add3A_819, %sign3A_825 : i32
      %sign3A_827 = arith.extui %sign3A_826 : i1 to i32
      %sign3A_828 = arith.subi %sign3A_824, %sign3A_827 : i32
      %sign3A_829 = arith.constant 0 : i32
      %sign3A_830 = arith.cmpi sgt, %jit3A_820, %sign3A_829 : i32
      %sign3A_831 = arith.extui %sign3A_830 : i1 to i32
      %sign3A_832 = arith.constant 0 : i32
      %sign3A_833 = arith.cmpi slt, %jit3A_820, %sign3A_832 : i32
      %sign3A_834 = arith.extui %sign3A_833 : i1 to i32
      %sign3A_835 = arith.subi %sign3A_831, %sign3A_834 : i32
      %ne3A_836 = arith.cmpi ne, %sign3A_828, %sign3A_835 : i32
      %rem3A_837 = arith.remsi %add3A_819, %jit3A_820 : i32
      %ne3A_838 = arith.constant 0 : i32
      %ne3A_839 = arith.cmpi ne, %rem3A_837, %ne3A_838 : i32
      %and3A_840 = arith.andi %ne3A_836, %ne3A_839 : i1
      %sub3A_841 = arith.constant 1 : i32
      %sub3A_842 = arith.subi %div3A_821, %sub3A_841 : i32
      %select_n3A_843 = arith.select %and3A_840, %sub3A_842, %div3A_821 : i32
      %parallel_loop3A_844 = arith.constant 0 : i32
      %parallel_loop3A_845 = arith.constant 1 : i32
      scf.for %parallel_loop3A_847 = %parallel_loop3A_844 to %select_n3A_843 step %parallel_loop3A_845  : i32 {
        %parallel_loop3A_848 = arith.constant 16 : i32
        %parallel_loop3A_849 = arith.muli %parallel_loop3A_847, %parallel_loop3A_848 : i32
        %parallel_loop3A_850 = arith.index_cast %parallel_loop3A_849 : i32 to index
        %parallel_loop3A_851 = tpu.vector_load %arg13[%parallel_loop3A_850] {strides = array<i32>} : memref<16400xi32, #tpu.memory_space<vmem>>, vector<16xi32>,
        tpu.vector_store_idx %arg10[%parallel_loop3A_851], %broadcast_in_dim3A_34 {add = true} : memref<65552xf32, #tpu.memory_space<vmem>>[vector<16xi32>], vector<16xf32>,
      } {sc.loop_unroll_factor = 4 : i64, sc.parallel_access}
      %while3A_846 = arith.constant 0 : i32
      scf.yield %while3A_846 : i32
    }
    %while3A_536 = arith.constant 1 : i32
    %while3A_537 = scf.for %while3A_712 = %while3A_533 to %while3A_529 step %while3A_536 iter_args(%while3A_713 = %while3A_535) -> (i32)  : i32 {
      %mul3A_714 = arith.constant 2 : i32
      %mul3A_715 = arith.muli %mul3A_714, %while3A_712 : i32
      %add3A_716 = arith.constant 1 : i32
      %add3A_717 = arith.addi %mul3A_715, %add3A_716 : i32
      %mul3A_718 = arith.constant 16384 : i32
      %mul3A_719 = arith.muli %add3A_717, %mul3A_718 : i32
      %add3A_720 = arith.addi %mul3A_431, %mul3A_719 : i32
      %min3A_721 = arith.constant 2000000 : i32
      %min3A_722 = arith.minsi %add3A_720, %min3A_721 : i32
      %mul3A_723 = arith.constant 2016384 : i32
      %mul3A_724 = arith.muli %arg0, %mul3A_723 : i32
      %add3A_725 = arith.addi %mul3A_724, %min3A_722 : i32
      %dma_start3A_726 = tpu.memref_slice %arg8[%add3A_725] : memref<4032768xi32, #tpu.memory_space<hbm>> -> memref<16384xi32, #tpu.memory_space<hbm>>
      %dma_start3A_727 = tpu.memref_slice %arg8[%add3A_725] : memref<4032768xi32, #tpu.memory_space<hbm>> -> memref<16384xi32, #tpu.memory_space<hbm>>
      tpu.enqueue_dma source(%dma_start3A_727 : memref<16384xi32, #tpu.memory_space<hbm>>) target(%arg12 : memref<16384xi32, #tpu.memory_space<vmem>>) target_semaphore(%arg16 : memref<!tpu.dma_semaphore, #tpu.memory_space<semaphore_mem>>)
      %dma_wait3A_728 = arith.constant 0 : i32
      %dma_wait3A_729 = tpu.memref_slice %arg8[%dma_wait3A_728] : memref<4032768xi32, #tpu.memory_space<hbm>> -> memref<16384xi32, #tpu.memory_space<hbm>>
      %dma_wait3A_730 = arith.constant 0 : i32
      %dma_wait3A_731 = tpu.memref_slice %arg8[%dma_wait3A_730] : memref<4032768xi32, #tpu.memory_space<hbm>> -> memref<16384xi32, #tpu.memory_space<hbm>>
      tpu.wait_dma2 semaphore(%arg15 : memref<!tpu.dma_semaphore, #tpu.memory_space<semaphore_mem>>) src(%dma_wait3A_731 : memref<16384xi32, #tpu.memory_space<hbm>>) dst(%arg11 : memref<16384xi32, #tpu.memory_space<vmem>>)
      %mul3A_732 = arith.constant 1024 : i32
      %mul3A_733 = arith.muli %mul3A_715, %mul3A_732 : i32
      %sub3A_734 = arith.subi %select_n3A_458, %mul3A_733 : i32
      %jit3A_735 = arith.constant 0 : i32
      %jit3A_736 = arith.constant 1024 : i32
      %max3A = arith.maxsi %jit3A_735, %sub3A_734 : i32
      %min3A_737 = arith.minsi %jit3A_736, %max3A : i32
      %while3A_738 = arith.constant 0 : i32
      %while3A_739 = arith.constant 0 : i32
      %while3A_740 = arith.subi %min3A_737, %while3A_738 : i32
      %while3A_741 = arith.addi %while3A_738, %while3A_740 : i32
      %while3A_742 = arith.constant 1 : i32
      %while3A_743 = arith.divsi %while3A_740, %while3A_742 : i32
      %while3A_744 = arith.muli %while3A_743, %while3A_742 : i32
      %while3A_745 = arith.addi %while3A_738, %while3A_744 : i32
      %while3A_746 = arith.constant 1 : i32
      %while3A_747 = scf.for %while3A_847 = %while3A_738 to %while3A_745 step %while3A_746 iter_args(%while3A_848 = %while3A_739) -> (i32)  : i32 {
        %mul3A_849 = arith.constant 16 : i32
        %mul3A_850 = arith.muli %while3A_847, %mul3A_849 : i32
        %get3A_851 = arith.index_cast %mul3A_850 : i32 to index
        %get3A_852 = tpu.vector_load %arg11[%get3A_851] {strides = array<i32>} : memref<16384xi32, #tpu.memory_space<vmem>>, vector<16xi32>,
        %sub3A_853 = vector.broadcast %mul3A_399 : i32 to vector<16xi32>
        %sub3A_854 = arith.subi %get3A_852, %sub3A_853 : vector<16xi32>
        %bitcast3A = vector.bitcast %sub3A_854 : vector<16xi32> to vector<16xi32>
        %lt3A = vector.broadcast %while3A_525 : i32 to vector<16xi32>
        %lt3A_855 = arith.cmpi ult, %bitcast3A, %lt3A : vector<16xi32>
        %bitcast3A_856 = vector.bitcast %bitcast3A : vector<16xi32> to vector<16xi32>
        %swap3A_857 = arith.index_cast %while3A_848 : i32 to index
        %swap3A_858 = tpu.vector_load %arg13[%swap3A_857] masked %lt3A_855 {strides = array<i32>} : memref<16400xi32, #tpu.memory_space<vmem>>, vector<16xi32>, vector<16xi1>
        tpu.vector_store %arg13[%swap3A_857], %bitcast3A_856 masked %lt3A_855 {strides = array<i32>} : memref<16400xi32, #tpu.memory_space<vmem>>, vector<16xi32>, vector<16xi1>
        %all_reduce_population_count3A = tpu.all_reduce %lt3A_855 {dim = 0 : i64, kind = #tpu.reduction_kind<sum>} : vector<16xi1> -> vector<16xi32>
        %slice3A_859 = vector.extract_strided_slice %all_reduce_population_count3A {offsets = [0], sizes = [1], strides = [1]} : vector<16xi32> to vector<1xi32>
        %squeeze3A_860 = vector.extract %slice3A_859[0] : i32 from vector<1xi32>
        %add3A_861 = arith.addi %while3A_848, %squeeze3A_860 : i32
        scf.yield %add3A_861 : i32
      }
      %while3A_748 = arith.constant 1 : i32
      %while3A_749 = scf.for %while3A_847 = %while3A_745 to %while3A_741 step %while3A_748 iter_args(%while3A_848 = %while3A_747) -> (i32)  : i32 {
        %mul3A_849 = arith.constant 16 : i32
        %mul3A_850 = arith.muli %while3A_847, %mul3A_849 : i32
        %get3A_851 = arith.index_cast %mul3A_850 : i32 to index
        %get3A_852 = tpu.vector_load %arg11[%get3A_851] {strides = array<i32>} : memref<16384xi32, #tpu.memory_space<vmem>>, vector<16xi32>,
        %sub3A_853 = vector.broadcast %mul3A_399 : i32 to vector<16xi32>
        %sub3A_854 = arith.subi %get3A_852, %sub3A_853 : vector<16xi32>
        %bitcast3A = vector.bitcast %sub3A_854 : vector<16xi32> to vector<16xi32>
        %lt3A = vector.broadcast %while3A_525 : i32 to vector<16xi32>
        %lt3A_855 = arith.cmpi ult, %bitcast3A, %lt3A : vector<16xi32>
        %bitcast3A_856 = vector.bitcast %bitcast3A : vector<16xi32> to vector<16xi32>
        %swap3A_857 = arith.index_cast %while3A_848 : i32 to index
        %swap3A_858 = tpu.vector_load %arg13[%swap3A_857] masked %lt3A_855 {strides = array<i32>} : memref<16400xi32, #tpu.memory_space<vmem>>, vector<16xi32>, vector<16xi1>
        tpu.vector_store %arg13[%swap3A_857], %bitcast3A_856 masked %lt3A_855 {strides = array<i32>} : memref<16400xi32, #tpu.memory_space<vmem>>, vector<16xi32>, vector<16xi1>
        %all_reduce_population_count3A = tpu.all_reduce %lt3A_855 {dim = 0 : i64, kind = #tpu.reduction_kind<sum>} : vector<16xi1> -> vector<16xi32>
        %slice3A_859 = vector.extract_strided_slice %all_reduce_population_count3A {offsets = [0], sizes = [1], strides = [1]} : vector<16xi32> to vector<1xi32>
        %squeeze3A_860 = vector.extract %slice3A_859[0] : i32 from vector<1xi32>
        %add3A_861 = arith.addi %while3A_848, %squeeze3A_860 : i32
        scf.yield %add3A_861 : i32
      }
      %swap3A = arith.index_cast %while3A_749 : i32 to index
      %swap3A_750 = tpu.vector_load %arg13[%swap3A] {strides = array<i32>} : memref<16400xi32, #tpu.memory_space<vmem>>, vector<16xi32>,
      tpu.vector_store %arg13[%swap3A], %broadcast_in_dim3A_38 {strides = array<i32>} : memref<16400xi32, #tpu.memory_space<vmem>>, vector<16xi32>,
      %add3A_751 = arith.constant 15 : i32
      %add3A_752 = arith.addi %while3A_749, %add3A_751 : i32
      %jit3A_753 = arith.constant 16 : i32
      %div3A_754 = arith.divsi %add3A_752, %jit3A_753 : i32
      %sign3A_755 = arith.constant 0 : i32
      %sign3A_756 = arith.cmpi sgt, %add3A_752, %sign3A_755 : i32
      %sign3A_757 = arith.extui %sign3A_756 : i1 to i32
      %sign3A_758 = arith.constant 0 : i32
      %sign3A_759 = arith.cmpi slt, %add3A_752, %sign3A_758 : i32
      %sign3A_760 = arith.extui %sign3A_759 : i1 to i32
      %sign3A_761 = arith.subi %sign3A_757, %sign3A_760 : i32
      %sign3A_762 = arith.constant 0 : i32
      %sign3A_763 = arith.cmpi sgt, %jit3A_753, %sign3A_762 : i32
      %sign3A_764 = arith.extui %sign3A_763 : i1 to i32
      %sign3A_765 = arith.constant 0 : i32
      %sign3A_766 = arith.cmpi slt, %jit3A_753, %sign3A_765 : i32
      %sign3A_767 = arith.extui %sign3A_766 : i1 to i32
      %sign3A_768 = arith.subi %sign3A_764, %sign3A_767 : i32
      %ne3A_769 = arith.cmpi ne, %sign3A_761, %sign3A_768 : i32
      %rem3A_770 = arith.remsi %add3A_752, %jit3A_753 : i32
      %ne3A_771 = arith.constant 0 : i32
      %ne3A_772 = arith.cmpi ne, %rem3A_770, %ne3A_771 : i32
      %and3A_773 = arith.andi %ne3A_769, %ne3A_772 : i1
      %sub3A_774 = arith.constant 1 : i32
      %sub3A_775 = arith.subi %div3A_754, %sub3A_774 : i32
      %select_n3A_776 = arith.select %and3A_773, %sub3A_775, %div3A_754 : i32
      %parallel_loop3A_777 = arith.constant 0 : i32
      %parallel_loop3A_778 = arith.constant 1 : i32
      scf.for %parallel_loop3A_847 = %parallel_loop3A_777 to %select_n3A_776 step %parallel_loop3A_778  : i32 {
        %parallel_loop3A_848 = arith.constant 16 : i32
        %parallel_loop3A_849 = arith.muli %parallel_loop3A_847, %parallel_loop3A_848 : i32
        %parallel_loop3A_850 = arith.index_cast %parallel_loop3A_849 : i32 to index
        %parallel_loop3A_851 = tpu.vector_load %arg13[%parallel_loop3A_850] {strides = array<i32>} : memref<16400xi32, #tpu.memory_space<vmem>>, vector<16xi32>,
        tpu.vector_store_idx %arg10[%parallel_loop3A_851], %broadcast_in_dim3A_34 {add = true} : memref<65552xf32, #tpu.memory_space<vmem>>[vector<16xi32>], vector<16xf32>,
      } {sc.loop_unroll_factor = 4 : i64, sc.parallel_access}
      %add3A_779 = arith.constant 2 : i32
      %add3A_780 = arith.addi %mul3A_715, %add3A_779 : i32
      %mul3A_781 = arith.constant 16384 : i32
      %mul3A_782 = arith.muli %add3A_780, %mul3A_781 : i32
      %add3A_783 = arith.addi %mul3A_431, %mul3A_782 : i32
      %min3A_784 = arith.constant 2000000 : i32
      %min3A_785 = arith.minsi %add3A_783, %min3A_784 : i32
      %mul3A_786 = arith.constant 2016384 : i32
      %mul3A_787 = arith.muli %arg0, %mul3A_786 : i32
      %add3A_788 = arith.addi %mul3A_787, %min3A_785 : i32
      %dma_start3A_789 = tpu.memref_slice %arg8[%add3A_788] : memref<4032768xi32, #tpu.memory_space<hbm>> -> memref<16384xi32, #tpu.memory_space<hbm>>
      %dma_start3A_790 = tpu.memref_slice %arg8[%add3A_788] : memref<4032768xi32, #tpu.memory_space<hbm>> -> memref<16384xi32, #tpu.memory_space<hbm>>
      tpu.enqueue_dma source(%dma_start3A_790 : memref<16384xi32, #tpu.memory_space<hbm>>) target(%arg11 : memref<16384xi32, #tpu.memory_space<vmem>>) target_semaphore(%arg15 : memref<!tpu.dma_semaphore, #tpu.memory_space<semaphore_mem>>)
      %dma_wait3A_791 = arith.constant 0 : i32
      %dma_wait3A_792 = tpu.memref_slice %arg8[%dma_wait3A_791] : memref<4032768xi32, #tpu.memory_space<hbm>> -> memref<16384xi32, #tpu.memory_space<hbm>>
      %dma_wait3A_793 = arith.constant 0 : i32
      %dma_wait3A_794 = tpu.memref_slice %arg8[%dma_wait3A_793] : memref<4032768xi32, #tpu.memory_space<hbm>> -> memref<16384xi32, #tpu.memory_space<hbm>>
      tpu.wait_dma2 semaphore(%arg16 : memref<!tpu.dma_semaphore, #tpu.memory_space<semaphore_mem>>) src(%dma_wait3A_794 : memref<16384xi32, #tpu.memory_space<hbm>>) dst(%arg12 : memref<16384xi32, #tpu.memory_space<vmem>>)
      %add3A_795 = arith.constant 1 : i32
      %add3A_796 = arith.addi %mul3A_715, %add3A_795 : i32
      %mul3A_797 = arith.constant 1024 : i32
      %mul3A_798 = arith.muli %add3A_796, %mul3A_797 : i32
      %sub3A_799 = arith.subi %select_n3A_458, %mul3A_798 : i32
      %jit3A_800 = arith.constant 0 : i32
      %jit3A_801 = arith.constant 1024 : i32
      %max3A_802 = arith.maxsi %jit3A_800, %sub3A_799 : i32
      %min3A_803 = arith.minsi %jit3A_801, %max3A_802 : i32
      %while3A_804 = arith.constant 0 : i32
      %while3A_805 = arith.constant 0 : i32
      %while3A_806 = arith.subi %min3A_803, %while3A_804 : i32
      %while3A_807 = arith.addi %while3A_804, %while3A_806 : i32
      %while3A_808 = arith.constant 1 : i32
      %while3A_809 = arith.divsi %while3A_806, %while3A_808 : i32
      %while3A_810 = arith.muli %while3A_809, %while3A_808 : i32
      %while3A_811 = arith.addi %while3A_804, %while3A_810 : i32
      %while3A_812 = arith.constant 1 : i32
      %while3A_813 = scf.for %while3A_847 = %while3A_804 to %while3A_811 step %while3A_812 iter_args(%while3A_848 = %while3A_805) -> (i32)  : i32 {
        %mul3A_849 = arith.constant 16 : i32
        %mul3A_850 = arith.muli %while3A_847, %mul3A_849 : i32
        %get3A_851 = arith.index_cast %mul3A_850 : i32 to index
        %get3A_852 = tpu.vector_load %arg12[%get3A_851] {strides = array<i32>} : memref<16384xi32, #tpu.memory_space<vmem>>, vector<16xi32>,
        %sub3A_853 = vector.broadcast %mul3A_399 : i32 to vector<16xi32>
        %sub3A_854 = arith.subi %get3A_852, %sub3A_853 : vector<16xi32>
        %bitcast3A = vector.bitcast %sub3A_854 : vector<16xi32> to vector<16xi32>
        %lt3A = vector.broadcast %while3A_525 : i32 to vector<16xi32>
        %lt3A_855 = arith.cmpi ult, %bitcast3A, %lt3A : vector<16xi32>
        %bitcast3A_856 = vector.bitcast %bitcast3A : vector<16xi32> to vector<16xi32>
        %swap3A_857 = arith.index_cast %while3A_848 : i32 to index
        %swap3A_858 = tpu.vector_load %arg13[%swap3A_857] masked %lt3A_855 {strides = array<i32>} : memref<16400xi32, #tpu.memory_space<vmem>>, vector<16xi32>, vector<16xi1>
        tpu.vector_store %arg13[%swap3A_857], %bitcast3A_856 masked %lt3A_855 {strides = array<i32>} : memref<16400xi32, #tpu.memory_space<vmem>>, vector<16xi32>, vector<16xi1>
        %all_reduce_population_count3A = tpu.all_reduce %lt3A_855 {dim = 0 : i64, kind = #tpu.reduction_kind<sum>} : vector<16xi1> -> vector<16xi32>
        %slice3A_859 = vector.extract_strided_slice %all_reduce_population_count3A {offsets = [0], sizes = [1], strides = [1]} : vector<16xi32> to vector<1xi32>
        %squeeze3A_860 = vector.extract %slice3A_859[0] : i32 from vector<1xi32>
        %add3A_861 = arith.addi %while3A_848, %squeeze3A_860 : i32
        scf.yield %add3A_861 : i32
      }
      %while3A_814 = arith.constant 1 : i32
      %while3A_815 = scf.for %while3A_847 = %while3A_811 to %while3A_807 step %while3A_814 iter_args(%while3A_848 = %while3A_813) -> (i32)  : i32 {
        %mul3A_849 = arith.constant 16 : i32
        %mul3A_850 = arith.muli %while3A_847, %mul3A_849 : i32
        %get3A_851 = arith.index_cast %mul3A_850 : i32 to index
        %get3A_852 = tpu.vector_load %arg12[%get3A_851] {strides = array<i32>} : memref<16384xi32, #tpu.memory_space<vmem>>, vector<16xi32>,
        %sub3A_853 = vector.broadcast %mul3A_399 : i32 to vector<16xi32>
        %sub3A_854 = arith.subi %get3A_852, %sub3A_853 : vector<16xi32>
        %bitcast3A = vector.bitcast %sub3A_854 : vector<16xi32> to vector<16xi32>
        %lt3A = vector.broadcast %while3A_525 : i32 to vector<16xi32>
        %lt3A_855 = arith.cmpi ult, %bitcast3A, %lt3A : vector<16xi32>
        %bitcast3A_856 = vector.bitcast %bitcast3A : vector<16xi32> to vector<16xi32>
        %swap3A_857 = arith.index_cast %while3A_848 : i32 to index
        %swap3A_858 = tpu.vector_load %arg13[%swap3A_857] masked %lt3A_855 {strides = array<i32>} : memref<16400xi32, #tpu.memory_space<vmem>>, vector<16xi32>, vector<16xi1>
        tpu.vector_store %arg13[%swap3A_857], %bitcast3A_856 masked %lt3A_855 {strides = array<i32>} : memref<16400xi32, #tpu.memory_space<vmem>>, vector<16xi32>, vector<16xi1>
        %all_reduce_population_count3A = tpu.all_reduce %lt3A_855 {dim = 0 : i64, kind = #tpu.reduction_kind<sum>} : vector<16xi1> -> vector<16xi32>
        %slice3A_859 = vector.extract_strided_slice %all_reduce_population_count3A {offsets = [0], sizes = [1], strides = [1]} : vector<16xi32> to vector<1xi32>
        %squeeze3A_860 = vector.extract %slice3A_859[0] : i32 from vector<1xi32>
        %add3A_861 = arith.addi %while3A_848, %squeeze3A_860 : i32
        scf.yield %add3A_861 : i32
      }
      %swap3A_816 = arith.index_cast %while3A_815 : i32 to index
      %swap3A_817 = tpu.vector_load %arg13[%swap3A_816] {strides = array<i32>} : memref<16400xi32, #tpu.memory_space<vmem>>, vector<16xi32>,
      tpu.vector_store %arg13[%swap3A_816], %broadcast_in_dim3A_38 {strides = array<i32>} : memref<16400xi32, #tpu.memory_space<vmem>>, vector<16xi32>,
      %add3A_818 = arith.constant 15 : i32
      %add3A_819 = arith.addi %while3A_815, %add3A_818 : i32
      %jit3A_820 = arith.constant 16 : i32
      %div3A_821 = arith.divsi %add3A_819, %jit3A_820 : i32
      %sign3A_822 = arith.constant 0 : i32
      %sign3A_823 = arith.cmpi sgt, %add3A_819, %sign3A_822 : i32
      %sign3A_824 = arith.extui %sign3A_823 : i1 to i32
      %sign3A_825 = arith.constant 0 : i32
      %sign3A_826 = arith.cmpi slt, %add3A_819, %sign3A_825 : i32
      %sign3A_827 = arith.extui %sign3A_826 : i1 to i32
      %sign3A_828 = arith.subi %sign3A_824, %sign3A_827 : i32
      %sign3A_829 = arith.constant 0 : i32
      %sign3A_830 = arith.cmpi sgt, %jit3A_820, %sign3A_829 : i32
      %sign3A_831 = arith.extui %sign3A_830 : i1 to i32
      %sign3A_832 = arith.constant 0 : i32
      %sign3A_833 = arith.cmpi slt, %jit3A_820, %sign3A_832 : i32
      %sign3A_834 = arith.extui %sign3A_833 : i1 to i32
      %sign3A_835 = arith.subi %sign3A_831, %sign3A_834 : i32
      %ne3A_836 = arith.cmpi ne, %sign3A_828, %sign3A_835 : i32
      %rem3A_837 = arith.remsi %add3A_819, %jit3A_820 : i32
      %ne3A_838 = arith.constant 0 : i32
      %ne3A_839 = arith.cmpi ne, %rem3A_837, %ne3A_838 : i32
      %and3A_840 = arith.andi %ne3A_836, %ne3A_839 : i1
      %sub3A_841 = arith.constant 1 : i32
      %sub3A_842 = arith.subi %div3A_821, %sub3A_841 : i32
      %select_n3A_843 = arith.select %and3A_840, %sub3A_842, %div3A_821 : i32
      %parallel_loop3A_844 = arith.constant 0 : i32
      %parallel_loop3A_845 = arith.constant 1 : i32
      scf.for %parallel_loop3A_847 = %parallel_loop3A_844 to %select_n3A_843 step %parallel_loop3A_845  : i32 {
        %parallel_loop3A_848 = arith.constant 16 : i32
        %parallel_loop3A_849 = arith.muli %parallel_loop3A_847, %parallel_loop3A_848 : i32
        %parallel_loop3A_850 = arith.index_cast %parallel_loop3A_849 : i32 to index
        %parallel_loop3A_851 = tpu.vector_load %arg13[%parallel_loop3A_850] {strides = array<i32>} : memref<16400xi32, #tpu.memory_space<vmem>>, vector<16xi32>,
        tpu.vector_store_idx %arg10[%parallel_loop3A_851], %broadcast_in_dim3A_34 {add = true} : memref<65552xf32, #tpu.memory_space<vmem>>[vector<16xi32>], vector<16xf32>,
      } {sc.loop_unroll_factor = 4 : i64, sc.parallel_access}
      %while3A_846 = arith.constant 0 : i32
      scf.yield %while3A_846 : i32
    }
    %dma_wait3A_538 = arith.constant 0 : i32
    %dma_wait3A_539 = tpu.memref_slice %arg8[%dma_wait3A_538] : memref<4032768xi32, #tpu.memory_space<hbm>> -> memref<16384xi32, #tpu.memory_space<hbm>>
    %dma_wait3A_540 = arith.constant 0 : i32
    %dma_wait3A_541 = tpu.memref_slice %arg8[%dma_wait3A_540] : memref<4032768xi32, #tpu.memory_space<hbm>> -> memref<16384xi32, #tpu.memory_space<hbm>>
    tpu.wait_dma2 semaphore(%arg15 : memref<!tpu.dma_semaphore, #tpu.memory_space<semaphore_mem>>) src(%dma_wait3A_541 : memref<16384xi32, #tpu.memory_space<hbm>>) dst(%arg11 : memref<16384xi32, #tpu.memory_space<vmem>>)
    "tpu.region"() ({
      %run_scoped3A = tpu.sem_alloc : memref<!tpu.dma_semaphore, #tpu.memory_space<semaphore_mem>>
      %dma_start3A_712 = arith.constant 0 : i32
      %dma_start3A_713 = tpu.memref_slice %arg10[%dma_start3A_712] : memref<65552xf32, #tpu.memory_space<vmem>> -> memref<65536xf32, #tpu.memory_space<vmem>>
      %dma_start3A_714 = tpu.memref_slice %arg7[%mul3A_399] : memref<8388608xf32, #tpu.memory_space<hbm>> -> memref<65536xf32, #tpu.memory_space<hbm>>
      %dma_start3A_715 = tpu.memref_slice %arg7[%mul3A_399] : memref<8388608xf32, #tpu.memory_space<hbm>> -> memref<65536xf32, #tpu.memory_space<hbm>>
      %dma_start3A_716 = arith.constant 0 : i32
      %dma_start3A_717 = tpu.memref_slice %arg10[%dma_start3A_716] : memref<65552xf32, #tpu.memory_space<vmem>> -> memref<65536xf32, #tpu.memory_space<vmem>>
      tpu.enqueue_dma source(%dma_start3A_717 : memref<65536xf32, #tpu.memory_space<vmem>>) target(%dma_start3A_715 : memref<65536xf32, #tpu.memory_space<hbm>>) target_semaphore(%run_scoped3A : memref<!tpu.dma_semaphore, #tpu.memory_space<semaphore_mem>>)
      %dma_wait3A_718 = arith.constant 0 : i32
      %dma_wait3A_719 = tpu.memref_slice %arg10[%dma_wait3A_718] : memref<65552xf32, #tpu.memory_space<vmem>> -> memref<65536xf32, #tpu.memory_space<vmem>>
      %dma_wait3A_720 = tpu.memref_slice %arg7[%mul3A_399] : memref<8388608xf32, #tpu.memory_space<hbm>> -> memref<65536xf32, #tpu.memory_space<hbm>>
      %dma_wait3A_721 = tpu.memref_slice %arg7[%mul3A_399] : memref<8388608xf32, #tpu.memory_space<hbm>> -> memref<65536xf32, #tpu.memory_space<hbm>>
      %dma_wait3A_722 = arith.constant 0 : i32
      %dma_wait3A_723 = tpu.memref_slice %arg10[%dma_wait3A_722] : memref<65552xf32, #tpu.memory_space<vmem>> -> memref<65536xf32, #tpu.memory_space<vmem>>
      tpu.wait_dma2 semaphore(%run_scoped3A : memref<!tpu.dma_semaphore, #tpu.memory_space<semaphore_mem>>) src(%dma_wait3A_723 : memref<65536xf32, #tpu.memory_space<vmem>>) dst(%dma_wait3A_721 : memref<65536xf32, #tpu.memory_space<hbm>>)
      tpu.yield
    }) : () -> ()
    %add3A_542 = arith.constant 96 : i32
    %add3A_543 = arith.addi %add3A_542, %add3A_33 : i32
    %jit3A_544 = arith.constant 8 : i32
    %div3A_545 = arith.divsi %add3A_543, %jit3A_544 : i32
    %sign3A_546 = arith.constant 0 : i32
    %sign3A_547 = arith.cmpi sgt, %add3A_543, %sign3A_546 : i32
    %sign3A_548 = arith.extui %sign3A_547 : i1 to i32
    %sign3A_549 = arith.constant 0 : i32
    %sign3A_550 = arith.cmpi slt, %add3A_543, %sign3A_549 : i32
    %sign3A_551 = arith.extui %sign3A_550 : i1 to i32
    %sign3A_552 = arith.subi %sign3A_548, %sign3A_551 : i32
    %sign3A_553 = arith.constant 0 : i32
    %sign3A_554 = arith.cmpi sgt, %jit3A_544, %sign3A_553 : i32
    %sign3A_555 = arith.extui %sign3A_554 : i1 to i32
    %sign3A_556 = arith.constant 0 : i32
    %sign3A_557 = arith.cmpi slt, %jit3A_544, %sign3A_556 : i32
    %sign3A_558 = arith.extui %sign3A_557 : i1 to i32
    %sign3A_559 = arith.subi %sign3A_555, %sign3A_558 : i32
    %ne3A_560 = arith.cmpi ne, %sign3A_552, %sign3A_559 : i32
    %rem3A_561 = arith.remsi %add3A_543, %jit3A_544 : i32
    %ne3A_562 = arith.constant 0 : i32
    %ne3A_563 = arith.cmpi ne, %rem3A_561, %ne3A_562 : i32
    %and3A_564 = arith.andi %ne3A_560, %ne3A_563 : i1
    %sub3A_565 = arith.constant 1 : i32
    %sub3A_566 = arith.subi %div3A_545, %sub3A_565 : i32
    %select_n3A_567 = arith.select %and3A_564, %sub3A_566, %div3A_545 : i32
    %mul3A_568 = arith.constant 65536 : i32
    %mul3A_569 = arith.muli %add3A_543, %mul3A_568 : i32
    %get3A_570 = arith.index_cast %select_n3A_567 : i32 to index
    %get3A_571 = tpu.vector_load %arg14[%get3A_570] {strides = array<i32>} : memref<32xi32, #tpu.memory_space<vmem>>, vector<16xi32>,
    %slice3A_572 = vector.extract_strided_slice %get3A_571 {offsets = [0], sizes = [1], strides = [1]} : vector<16xi32> to vector<1xi32>
    %squeeze3A_573 = vector.extract %slice3A_572[0] : i32 from vector<1xi32>
    %slice3A_574 = vector.extract_strided_slice %get3A_571 {offsets = [1], sizes = [1], strides = [1]} : vector<16xi32> to vector<1xi32>
    %squeeze3A_575 = vector.extract %slice3A_574[0] : i32 from vector<1xi32>
    %jit3A_576 = arith.constant 16 : i32
    %div3A_577 = arith.divsi %squeeze3A_573, %jit3A_576 : i32
    %sign3A_578 = arith.constant 0 : i32
    %sign3A_579 = arith.cmpi sgt, %squeeze3A_573, %sign3A_578 : i32
    %sign3A_580 = arith.extui %sign3A_579 : i1 to i32
    %sign3A_581 = arith.constant 0 : i32
    %sign3A_582 = arith.cmpi slt, %squeeze3A_573, %sign3A_581 : i32
    %sign3A_583 = arith.extui %sign3A_582 : i1 to i32
    %sign3A_584 = arith.subi %sign3A_580, %sign3A_583 : i32
    %sign3A_585 = arith.constant 0 : i32
    %sign3A_586 = arith.cmpi sgt, %jit3A_576, %sign3A_585 : i32
    %sign3A_587 = arith.extui %sign3A_586 : i1 to i32
    %sign3A_588 = arith.constant 0 : i32
    %sign3A_589 = arith.cmpi slt, %jit3A_576, %sign3A_588 : i32
    %sign3A_590 = arith.extui %sign3A_589 : i1 to i32
    %sign3A_591 = arith.subi %sign3A_587, %sign3A_590 : i32
    %ne3A_592 = arith.cmpi ne, %sign3A_584, %sign3A_591 : i32
    %rem3A_593 = arith.remsi %squeeze3A_573, %jit3A_576 : i32
    %ne3A_594 = arith.constant 0 : i32
    %ne3A_595 = arith.cmpi ne, %rem3A_593, %ne3A_594 : i32
    %and3A_596 = arith.andi %ne3A_592, %ne3A_595 : i1
    %sub3A_597 = arith.constant 1 : i32
    %sub3A_598 = arith.subi %div3A_577, %sub3A_597 : i32
    %select_n3A_599 = arith.select %and3A_596, %sub3A_598, %div3A_577 : i32
    %mul3A_600 = arith.constant 16 : i32
    %mul3A_601 = arith.muli %select_n3A_599, %mul3A_600 : i32
    %sub3A_602 = arith.subi %squeeze3A_575, %mul3A_601 : i32
    %add3A_603 = arith.constant 15 : i32
    %add3A_604 = arith.addi %sub3A_602, %add3A_603 : i32
    %jit3A_605 = arith.constant 16 : i32
    %div3A_606 = arith.divsi %add3A_604, %jit3A_605 : i32
    %sign3A_607 = arith.constant 0 : i32
    %sign3A_608 = arith.cmpi sgt, %add3A_604, %sign3A_607 : i32
    %sign3A_609 = arith.extui %sign3A_608 : i1 to i32
    %sign3A_610 = arith.constant 0 : i32
    %sign3A_611 = arith.cmpi slt, %add3A_604, %sign3A_610 : i32
    %sign3A_612 = arith.extui %sign3A_611 : i1 to i32
    %sign3A_613 = arith.subi %sign3A_609, %sign3A_612 : i32
    %sign3A_614 = arith.constant 0 : i32
    %sign3A_615 = arith.cmpi sgt, %jit3A_605, %sign3A_614 : i32
    %sign3A_616 = arith.extui %sign3A_615 : i1 to i32
    %sign3A_617 = arith.constant 0 : i32
    %sign3A_618 = arith.cmpi slt, %jit3A_605, %sign3A_617 : i32
    %sign3A_619 = arith.extui %sign3A_618 : i1 to i32
    %sign3A_620 = arith.subi %sign3A_616, %sign3A_619 : i32
    %ne3A_621 = arith.cmpi ne, %sign3A_613, %sign3A_620 : i32
    %rem3A_622 = arith.remsi %add3A_604, %jit3A_605 : i32
    %ne3A_623 = arith.constant 0 : i32
    %ne3A_624 = arith.cmpi ne, %rem3A_622, %ne3A_623 : i32
    %and3A_625 = arith.andi %ne3A_621, %ne3A_624 : i1
    %sub3A_626 = arith.constant 1 : i32
    %sub3A_627 = arith.subi %div3A_606, %sub3A_626 : i32
    %select_n3A_628 = arith.select %and3A_625, %sub3A_627, %div3A_606 : i32
    %add3A_629 = arith.constant 1024 : i32
    %add3A_630 = arith.addi %select_n3A_628, %add3A_629 : i32
    %sub3A_631 = arith.constant 1 : i32
    %sub3A_632 = arith.subi %add3A_630, %sub3A_631 : i32
    %jit3A_633 = arith.constant 1024 : i32
    %div3A_634 = arith.divsi %sub3A_632, %jit3A_633 : i32
    %sign3A_635 = arith.constant 0 : i32
    %sign3A_636 = arith.cmpi sgt, %sub3A_632, %sign3A_635 : i32
    %sign3A_637 = arith.extui %sign3A_636 : i1 to i32
    %sign3A_638 = arith.constant 0 : i32
    %sign3A_639 = arith.cmpi slt, %sub3A_632, %sign3A_638 : i32
    %sign3A_640 = arith.extui %sign3A_639 : i1 to i32
    %sign3A_641 = arith.subi %sign3A_637, %sign3A_640 : i32
    %sign3A_642 = arith.constant 0 : i32
    %sign3A_643 = arith.cmpi sgt, %jit3A_633, %sign3A_642 : i32
    %sign3A_644 = arith.extui %sign3A_643 : i1 to i32
    %sign3A_645 = arith.constant 0 : i32
    %sign3A_646 = arith.cmpi slt, %jit3A_633, %sign3A_645 : i32
    %sign3A_647 = arith.extui %sign3A_646 : i1 to i32
    %sign3A_648 = arith.subi %sign3A_644, %sign3A_647 : i32
    %ne3A_649 = arith.cmpi ne, %sign3A_641, %sign3A_648 : i32
    %rem3A_650 = arith.remsi %sub3A_632, %jit3A_633 : i32
    %ne3A_651 = arith.constant 0 : i32
    %ne3A_652 = arith.cmpi ne, %rem3A_650, %ne3A_651 : i32
    %and3A_653 = arith.andi %ne3A_649, %ne3A_652 : i1
    %sub3A_654 = arith.constant 1 : i32
    %sub3A_655 = arith.subi %div3A_634, %sub3A_654 : i32
    %select_n3A_656 = arith.select %and3A_653, %sub3A_655, %div3A_634 : i32
    %parallel_loop3A_657 = arith.constant 0 : i32
    %parallel_loop3A_658 = arith.constant 4097 : i32
    %parallel_loop3A_659 = arith.constant 1 : i32
    scf.for %parallel_loop3A_712 = %parallel_loop3A_657 to %parallel_loop3A_658 step %parallel_loop3A_659  : i32 {
      %parallel_loop3A_713 = arith.constant 16 : i32
      %parallel_loop3A_714 = arith.muli %parallel_loop3A_712, %parallel_loop3A_713 : i32
      %parallel_loop3A_715 = arith.index_cast %parallel_loop3A_714 : i32 to index
      %parallel_loop3A_716 = tpu.vector_load %arg10[%parallel_loop3A_715] {strides = array<i32>} : memref<65552xf32, #tpu.memory_space<vmem>>, vector<16xf32>,
      tpu.vector_store %arg10[%parallel_loop3A_715], %broadcast_in_dim3A_36 {strides = array<i32>} : memref<65552xf32, #tpu.memory_space<vmem>>, vector<16xf32>,
    } {sc.loop_unroll_factor = 8 : i64, sc.parallel_access}
    %add3A_660 = arith.constant 0 : i32
    %add3A_661 = arith.addi %mul3A_601, %add3A_660 : i32
    %min3A_662 = arith.constant 2000000 : i32
    %min3A_663 = arith.minsi %add3A_661, %min3A_662 : i32
    %mul3A_664 = arith.constant 2016384 : i32
    %mul3A_665 = arith.muli %arg0, %mul3A_664 : i32
    %add3A_666 = arith.addi %mul3A_665, %min3A_663 : i32
    %dma_start3A_667 = tpu.memref_slice %arg8[%add3A_666] : memref<4032768xi32, #tpu.memory_space<hbm>> -> memref<16384xi32, #tpu.memory_space<hbm>>
    %dma_start3A_668 = tpu.memref_slice %arg8[%add3A_666] : memref<4032768xi32, #tpu.memory_space<hbm>> -> memref<16384xi32, #tpu.memory_space<hbm>>
    tpu.enqueue_dma source(%dma_start3A_668 : memref<16384xi32, #tpu.memory_space<hbm>>) target(%arg11 : memref<16384xi32, #tpu.memory_space<vmem>>) target_semaphore(%arg15 : memref<!tpu.dma_semaphore, #tpu.memory_space<semaphore_mem>>)
    %add3A_669 = arith.constant 1 : i32
    %add3A_670 = arith.addi %select_n3A_656, %add3A_669 : i32
    %jit3A_671 = arith.constant 2 : i32
    %div3A_672 = arith.divsi %add3A_670, %jit3A_671 : i32
    %sign3A_673 = arith.constant 0 : i32
    %sign3A_674 = arith.cmpi sgt, %add3A_670, %sign3A_673 : i32
    %sign3A_675 = arith.extui %sign3A_674 : i1 to i32
    %sign3A_676 = arith.constant 0 : i32
    %sign3A_677 = arith.cmpi slt, %add3A_670, %sign3A_676 : i32
    %sign3A_678 = arith.extui %sign3A_677 : i1 to i32
    %sign3A_679 = arith.subi %sign3A_675, %sign3A_678 : i32
    %sign3A_680 = arith.constant 0 : i32
    %sign3A_681 = arith.cmpi sgt, %jit3A_671, %sign3A_680 : i32
    %sign3A_682 = arith.extui %sign3A_681 : i1 to i32
    %sign3A_683 = arith.constant 0 : i32
    %sign3A_684 = arith.cmpi slt, %jit3A_671, %sign3A_683 : i32
    %sign3A_685 = arith.extui %sign3A_684 : i1 to i32
    %sign3A_686 = arith.subi %sign3A_682, %sign3A_685 : i32
    %ne3A_687 = arith.cmpi ne, %sign3A_679, %sign3A_686 : i32
    %rem3A_688 = arith.remsi %add3A_670, %jit3A_671 : i32
    %ne3A_689 = arith.constant 0 : i32
    %ne3A_690 = arith.cmpi ne, %rem3A_688, %ne3A_689 : i32
    %and3A_691 = arith.andi %ne3A_687, %ne3A_690 : i1
    %sub3A_692 = arith.constant 1 : i32
    %sub3A_693 = arith.subi %div3A_672, %sub3A_692 : i32
    %select_n3A_694 = arith.select %and3A_691, %sub3A_693, %div3A_672 : i32
    %while3A_695 = arith.constant 65536 : i32
    %while3A_696 = arith.constant 0 : i32
    %while3A_697 = arith.constant 0 : i32
    %while3A_698 = arith.subi %select_n3A_694, %while3A_696 : i32
    %while3A_699 = arith.addi %while3A_696, %while3A_698 : i32
    %while3A_700 = arith.constant 1 : i32
    %while3A_701 = arith.divsi %while3A_698, %while3A_700 : i32
    %while3A_702 = arith.muli %while3A_701, %while3A_700 : i32
    %while3A_703 = arith.addi %while3A_696, %while3A_702 : i32
    %while3A_704 = arith.constant 1 : i32
    %while3A_705 = scf.for %while3A_712 = %while3A_696 to %while3A_703 step %while3A_704 iter_args(%while3A_713 = %while3A_697) -> (i32)  : i32 {
      %mul3A_714 = arith.constant 2 : i32
      %mul3A_715 = arith.muli %mul3A_714, %while3A_712 : i32
      %add3A_716 = arith.constant 1 : i32
      %add3A_717 = arith.addi %mul3A_715, %add3A_716 : i32
      %mul3A_718 = arith.constant 16384 : i32
      %mul3A_719 = arith.muli %add3A_717, %mul3A_718 : i32
      %add3A_720 = arith.addi %mul3A_601, %mul3A_719 : i32
      %min3A_721 = arith.constant 2000000 : i32
      %min3A_722 = arith.minsi %add3A_720, %min3A_721 : i32
      %mul3A_723 = arith.constant 2016384 : i32
      %mul3A_724 = arith.muli %arg0, %mul3A_723 : i32
      %add3A_725 = arith.addi %mul3A_724, %min3A_722 : i32
      %dma_start3A_726 = tpu.memref_slice %arg8[%add3A_725] : memref<4032768xi32, #tpu.memory_space<hbm>> -> memref<16384xi32, #tpu.memory_space<hbm>>
      %dma_start3A_727 = tpu.memref_slice %arg8[%add3A_725] : memref<4032768xi32, #tpu.memory_space<hbm>> -> memref<16384xi32, #tpu.memory_space<hbm>>
      tpu.enqueue_dma source(%dma_start3A_727 : memref<16384xi32, #tpu.memory_space<hbm>>) target(%arg12 : memref<16384xi32, #tpu.memory_space<vmem>>) target_semaphore(%arg16 : memref<!tpu.dma_semaphore, #tpu.memory_space<semaphore_mem>>)
      %dma_wait3A_728 = arith.constant 0 : i32
      %dma_wait3A_729 = tpu.memref_slice %arg8[%dma_wait3A_728] : memref<4032768xi32, #tpu.memory_space<hbm>> -> memref<16384xi32, #tpu.memory_space<hbm>>
      %dma_wait3A_730 = arith.constant 0 : i32
      %dma_wait3A_731 = tpu.memref_slice %arg8[%dma_wait3A_730] : memref<4032768xi32, #tpu.memory_space<hbm>> -> memref<16384xi32, #tpu.memory_space<hbm>>
      tpu.wait_dma2 semaphore(%arg15 : memref<!tpu.dma_semaphore, #tpu.memory_space<semaphore_mem>>) src(%dma_wait3A_731 : memref<16384xi32, #tpu.memory_space<hbm>>) dst(%arg11 : memref<16384xi32, #tpu.memory_space<vmem>>)
      %mul3A_732 = arith.constant 1024 : i32
      %mul3A_733 = arith.muli %mul3A_715, %mul3A_732 : i32
      %sub3A_734 = arith.subi %select_n3A_628, %mul3A_733 : i32
      %jit3A_735 = arith.constant 0 : i32
      %jit3A_736 = arith.constant 1024 : i32
      %max3A = arith.maxsi %jit3A_735, %sub3A_734 : i32
      %min3A_737 = arith.minsi %jit3A_736, %max3A : i32
      %while3A_738 = arith.constant 0 : i32
      %while3A_739 = arith.constant 0 : i32
      %while3A_740 = arith.subi %min3A_737, %while3A_738 : i32
      %while3A_741 = arith.addi %while3A_738, %while3A_740 : i32
      %while3A_742 = arith.constant 1 : i32
      %while3A_743 = arith.divsi %while3A_740, %while3A_742 : i32
      %while3A_744 = arith.muli %while3A_743, %while3A_742 : i32
      %while3A_745 = arith.addi %while3A_738, %while3A_744 : i32
      %while3A_746 = arith.constant 1 : i32
      %while3A_747 = scf.for %while3A_847 = %while3A_738 to %while3A_745 step %while3A_746 iter_args(%while3A_848 = %while3A_739) -> (i32)  : i32 {
        %mul3A_849 = arith.constant 16 : i32
        %mul3A_850 = arith.muli %while3A_847, %mul3A_849 : i32
        %get3A_851 = arith.index_cast %mul3A_850 : i32 to index
        %get3A_852 = tpu.vector_load %arg11[%get3A_851] {strides = array<i32>} : memref<16384xi32, #tpu.memory_space<vmem>>, vector<16xi32>,
        %sub3A_853 = vector.broadcast %mul3A_569 : i32 to vector<16xi32>
        %sub3A_854 = arith.subi %get3A_852, %sub3A_853 : vector<16xi32>
        %bitcast3A = vector.bitcast %sub3A_854 : vector<16xi32> to vector<16xi32>
        %lt3A = vector.broadcast %while3A_695 : i32 to vector<16xi32>
        %lt3A_855 = arith.cmpi ult, %bitcast3A, %lt3A : vector<16xi32>
        %bitcast3A_856 = vector.bitcast %bitcast3A : vector<16xi32> to vector<16xi32>
        %swap3A_857 = arith.index_cast %while3A_848 : i32 to index
        %swap3A_858 = tpu.vector_load %arg13[%swap3A_857] masked %lt3A_855 {strides = array<i32>} : memref<16400xi32, #tpu.memory_space<vmem>>, vector<16xi32>, vector<16xi1>
        tpu.vector_store %arg13[%swap3A_857], %bitcast3A_856 masked %lt3A_855 {strides = array<i32>} : memref<16400xi32, #tpu.memory_space<vmem>>, vector<16xi32>, vector<16xi1>
        %all_reduce_population_count3A = tpu.all_reduce %lt3A_855 {dim = 0 : i64, kind = #tpu.reduction_kind<sum>} : vector<16xi1> -> vector<16xi32>
        %slice3A_859 = vector.extract_strided_slice %all_reduce_population_count3A {offsets = [0], sizes = [1], strides = [1]} : vector<16xi32> to vector<1xi32>
        %squeeze3A_860 = vector.extract %slice3A_859[0] : i32 from vector<1xi32>
        %add3A_861 = arith.addi %while3A_848, %squeeze3A_860 : i32
        scf.yield %add3A_861 : i32
      }
      %while3A_748 = arith.constant 1 : i32
      %while3A_749 = scf.for %while3A_847 = %while3A_745 to %while3A_741 step %while3A_748 iter_args(%while3A_848 = %while3A_747) -> (i32)  : i32 {
        %mul3A_849 = arith.constant 16 : i32
        %mul3A_850 = arith.muli %while3A_847, %mul3A_849 : i32
        %get3A_851 = arith.index_cast %mul3A_850 : i32 to index
        %get3A_852 = tpu.vector_load %arg11[%get3A_851] {strides = array<i32>} : memref<16384xi32, #tpu.memory_space<vmem>>, vector<16xi32>,
        %sub3A_853 = vector.broadcast %mul3A_569 : i32 to vector<16xi32>
        %sub3A_854 = arith.subi %get3A_852, %sub3A_853 : vector<16xi32>
        %bitcast3A = vector.bitcast %sub3A_854 : vector<16xi32> to vector<16xi32>
        %lt3A = vector.broadcast %while3A_695 : i32 to vector<16xi32>
        %lt3A_855 = arith.cmpi ult, %bitcast3A, %lt3A : vector<16xi32>
        %bitcast3A_856 = vector.bitcast %bitcast3A : vector<16xi32> to vector<16xi32>
        %swap3A_857 = arith.index_cast %while3A_848 : i32 to index
        %swap3A_858 = tpu.vector_load %arg13[%swap3A_857] masked %lt3A_855 {strides = array<i32>} : memref<16400xi32, #tpu.memory_space<vmem>>, vector<16xi32>, vector<16xi1>
        tpu.vector_store %arg13[%swap3A_857], %bitcast3A_856 masked %lt3A_855 {strides = array<i32>} : memref<16400xi32, #tpu.memory_space<vmem>>, vector<16xi32>, vector<16xi1>
        %all_reduce_population_count3A = tpu.all_reduce %lt3A_855 {dim = 0 : i64, kind = #tpu.reduction_kind<sum>} : vector<16xi1> -> vector<16xi32>
        %slice3A_859 = vector.extract_strided_slice %all_reduce_population_count3A {offsets = [0], sizes = [1], strides = [1]} : vector<16xi32> to vector<1xi32>
        %squeeze3A_860 = vector.extract %slice3A_859[0] : i32 from vector<1xi32>
        %add3A_861 = arith.addi %while3A_848, %squeeze3A_860 : i32
        scf.yield %add3A_861 : i32
      }
      %swap3A = arith.index_cast %while3A_749 : i32 to index
      %swap3A_750 = tpu.vector_load %arg13[%swap3A] {strides = array<i32>} : memref<16400xi32, #tpu.memory_space<vmem>>, vector<16xi32>,
      tpu.vector_store %arg13[%swap3A], %broadcast_in_dim3A_38 {strides = array<i32>} : memref<16400xi32, #tpu.memory_space<vmem>>, vector<16xi32>,
      %add3A_751 = arith.constant 15 : i32
      %add3A_752 = arith.addi %while3A_749, %add3A_751 : i32
      %jit3A_753 = arith.constant 16 : i32
      %div3A_754 = arith.divsi %add3A_752, %jit3A_753 : i32
      %sign3A_755 = arith.constant 0 : i32
      %sign3A_756 = arith.cmpi sgt, %add3A_752, %sign3A_755 : i32
      %sign3A_757 = arith.extui %sign3A_756 : i1 to i32
      %sign3A_758 = arith.constant 0 : i32
      %sign3A_759 = arith.cmpi slt, %add3A_752, %sign3A_758 : i32
      %sign3A_760 = arith.extui %sign3A_759 : i1 to i32
      %sign3A_761 = arith.subi %sign3A_757, %sign3A_760 : i32
      %sign3A_762 = arith.constant 0 : i32
      %sign3A_763 = arith.cmpi sgt, %jit3A_753, %sign3A_762 : i32
      %sign3A_764 = arith.extui %sign3A_763 : i1 to i32
      %sign3A_765 = arith.constant 0 : i32
      %sign3A_766 = arith.cmpi slt, %jit3A_753, %sign3A_765 : i32
      %sign3A_767 = arith.extui %sign3A_766 : i1 to i32
      %sign3A_768 = arith.subi %sign3A_764, %sign3A_767 : i32
      %ne3A_769 = arith.cmpi ne, %sign3A_761, %sign3A_768 : i32
      %rem3A_770 = arith.remsi %add3A_752, %jit3A_753 : i32
      %ne3A_771 = arith.constant 0 : i32
      %ne3A_772 = arith.cmpi ne, %rem3A_770, %ne3A_771 : i32
      %and3A_773 = arith.andi %ne3A_769, %ne3A_772 : i1
      %sub3A_774 = arith.constant 1 : i32
      %sub3A_775 = arith.subi %div3A_754, %sub3A_774 : i32
      %select_n3A_776 = arith.select %and3A_773, %sub3A_775, %div3A_754 : i32
      %parallel_loop3A_777 = arith.constant 0 : i32
      %parallel_loop3A_778 = arith.constant 1 : i32
      scf.for %parallel_loop3A_847 = %parallel_loop3A_777 to %select_n3A_776 step %parallel_loop3A_778  : i32 {
        %parallel_loop3A_848 = arith.constant 16 : i32
        %parallel_loop3A_849 = arith.muli %parallel_loop3A_847, %parallel_loop3A_848 : i32
        %parallel_loop3A_850 = arith.index_cast %parallel_loop3A_849 : i32 to index
        %parallel_loop3A_851 = tpu.vector_load %arg13[%parallel_loop3A_850] {strides = array<i32>} : memref<16400xi32, #tpu.memory_space<vmem>>, vector<16xi32>,
        tpu.vector_store_idx %arg10[%parallel_loop3A_851], %broadcast_in_dim3A_34 {add = true} : memref<65552xf32, #tpu.memory_space<vmem>>[vector<16xi32>], vector<16xf32>,
      } {sc.loop_unroll_factor = 4 : i64, sc.parallel_access}
      %add3A_779 = arith.constant 2 : i32
      %add3A_780 = arith.addi %mul3A_715, %add3A_779 : i32
      %mul3A_781 = arith.constant 16384 : i32
      %mul3A_782 = arith.muli %add3A_780, %mul3A_781 : i32
      %add3A_783 = arith.addi %mul3A_601, %mul3A_782 : i32
      %min3A_784 = arith.constant 2000000 : i32
      %min3A_785 = arith.minsi %add3A_783, %min3A_784 : i32
      %mul3A_786 = arith.constant 2016384 : i32
      %mul3A_787 = arith.muli %arg0, %mul3A_786 : i32
      %add3A_788 = arith.addi %mul3A_787, %min3A_785 : i32
      %dma_start3A_789 = tpu.memref_slice %arg8[%add3A_788] : memref<4032768xi32, #tpu.memory_space<hbm>> -> memref<16384xi32, #tpu.memory_space<hbm>>
      %dma_start3A_790 = tpu.memref_slice %arg8[%add3A_788] : memref<4032768xi32, #tpu.memory_space<hbm>> -> memref<16384xi32, #tpu.memory_space<hbm>>
      tpu.enqueue_dma source(%dma_start3A_790 : memref<16384xi32, #tpu.memory_space<hbm>>) target(%arg11 : memref<16384xi32, #tpu.memory_space<vmem>>) target_semaphore(%arg15 : memref<!tpu.dma_semaphore, #tpu.memory_space<semaphore_mem>>)
      %dma_wait3A_791 = arith.constant 0 : i32
      %dma_wait3A_792 = tpu.memref_slice %arg8[%dma_wait3A_791] : memref<4032768xi32, #tpu.memory_space<hbm>> -> memref<16384xi32, #tpu.memory_space<hbm>>
      %dma_wait3A_793 = arith.constant 0 : i32
      %dma_wait3A_794 = tpu.memref_slice %arg8[%dma_wait3A_793] : memref<4032768xi32, #tpu.memory_space<hbm>> -> memref<16384xi32, #tpu.memory_space<hbm>>
      tpu.wait_dma2 semaphore(%arg16 : memref<!tpu.dma_semaphore, #tpu.memory_space<semaphore_mem>>) src(%dma_wait3A_794 : memref<16384xi32, #tpu.memory_space<hbm>>) dst(%arg12 : memref<16384xi32, #tpu.memory_space<vmem>>)
      %add3A_795 = arith.constant 1 : i32
      %add3A_796 = arith.addi %mul3A_715, %add3A_795 : i32
      %mul3A_797 = arith.constant 1024 : i32
      %mul3A_798 = arith.muli %add3A_796, %mul3A_797 : i32
      %sub3A_799 = arith.subi %select_n3A_628, %mul3A_798 : i32
      %jit3A_800 = arith.constant 0 : i32
      %jit3A_801 = arith.constant 1024 : i32
      %max3A_802 = arith.maxsi %jit3A_800, %sub3A_799 : i32
      %min3A_803 = arith.minsi %jit3A_801, %max3A_802 : i32
      %while3A_804 = arith.constant 0 : i32
      %while3A_805 = arith.constant 0 : i32
      %while3A_806 = arith.subi %min3A_803, %while3A_804 : i32
      %while3A_807 = arith.addi %while3A_804, %while3A_806 : i32
      %while3A_808 = arith.constant 1 : i32
      %while3A_809 = arith.divsi %while3A_806, %while3A_808 : i32
      %while3A_810 = arith.muli %while3A_809, %while3A_808 : i32
      %while3A_811 = arith.addi %while3A_804, %while3A_810 : i32
      %while3A_812 = arith.constant 1 : i32
      %while3A_813 = scf.for %while3A_847 = %while3A_804 to %while3A_811 step %while3A_812 iter_args(%while3A_848 = %while3A_805) -> (i32)  : i32 {
        %mul3A_849 = arith.constant 16 : i32
        %mul3A_850 = arith.muli %while3A_847, %mul3A_849 : i32
        %get3A_851 = arith.index_cast %mul3A_850 : i32 to index
        %get3A_852 = tpu.vector_load %arg12[%get3A_851] {strides = array<i32>} : memref<16384xi32, #tpu.memory_space<vmem>>, vector<16xi32>,
        %sub3A_853 = vector.broadcast %mul3A_569 : i32 to vector<16xi32>
        %sub3A_854 = arith.subi %get3A_852, %sub3A_853 : vector<16xi32>
        %bitcast3A = vector.bitcast %sub3A_854 : vector<16xi32> to vector<16xi32>
        %lt3A = vector.broadcast %while3A_695 : i32 to vector<16xi32>
        %lt3A_855 = arith.cmpi ult, %bitcast3A, %lt3A : vector<16xi32>
        %bitcast3A_856 = vector.bitcast %bitcast3A : vector<16xi32> to vector<16xi32>
        %swap3A_857 = arith.index_cast %while3A_848 : i32 to index
        %swap3A_858 = tpu.vector_load %arg13[%swap3A_857] masked %lt3A_855 {strides = array<i32>} : memref<16400xi32, #tpu.memory_space<vmem>>, vector<16xi32>, vector<16xi1>
        tpu.vector_store %arg13[%swap3A_857], %bitcast3A_856 masked %lt3A_855 {strides = array<i32>} : memref<16400xi32, #tpu.memory_space<vmem>>, vector<16xi32>, vector<16xi1>
        %all_reduce_population_count3A = tpu.all_reduce %lt3A_855 {dim = 0 : i64, kind = #tpu.reduction_kind<sum>} : vector<16xi1> -> vector<16xi32>
        %slice3A_859 = vector.extract_strided_slice %all_reduce_population_count3A {offsets = [0], sizes = [1], strides = [1]} : vector<16xi32> to vector<1xi32>
        %squeeze3A_860 = vector.extract %slice3A_859[0] : i32 from vector<1xi32>
        %add3A_861 = arith.addi %while3A_848, %squeeze3A_860 : i32
        scf.yield %add3A_861 : i32
      }
      %while3A_814 = arith.constant 1 : i32
      %while3A_815 = scf.for %while3A_847 = %while3A_811 to %while3A_807 step %while3A_814 iter_args(%while3A_848 = %while3A_813) -> (i32)  : i32 {
        %mul3A_849 = arith.constant 16 : i32
        %mul3A_850 = arith.muli %while3A_847, %mul3A_849 : i32
        %get3A_851 = arith.index_cast %mul3A_850 : i32 to index
        %get3A_852 = tpu.vector_load %arg12[%get3A_851] {strides = array<i32>} : memref<16384xi32, #tpu.memory_space<vmem>>, vector<16xi32>,
        %sub3A_853 = vector.broadcast %mul3A_569 : i32 to vector<16xi32>
        %sub3A_854 = arith.subi %get3A_852, %sub3A_853 : vector<16xi32>
        %bitcast3A = vector.bitcast %sub3A_854 : vector<16xi32> to vector<16xi32>
        %lt3A = vector.broadcast %while3A_695 : i32 to vector<16xi32>
        %lt3A_855 = arith.cmpi ult, %bitcast3A, %lt3A : vector<16xi32>
        %bitcast3A_856 = vector.bitcast %bitcast3A : vector<16xi32> to vector<16xi32>
        %swap3A_857 = arith.index_cast %while3A_848 : i32 to index
        %swap3A_858 = tpu.vector_load %arg13[%swap3A_857] masked %lt3A_855 {strides = array<i32>} : memref<16400xi32, #tpu.memory_space<vmem>>, vector<16xi32>, vector<16xi1>
        tpu.vector_store %arg13[%swap3A_857], %bitcast3A_856 masked %lt3A_855 {strides = array<i32>} : memref<16400xi32, #tpu.memory_space<vmem>>, vector<16xi32>, vector<16xi1>
        %all_reduce_population_count3A = tpu.all_reduce %lt3A_855 {dim = 0 : i64, kind = #tpu.reduction_kind<sum>} : vector<16xi1> -> vector<16xi32>
        %slice3A_859 = vector.extract_strided_slice %all_reduce_population_count3A {offsets = [0], sizes = [1], strides = [1]} : vector<16xi32> to vector<1xi32>
        %squeeze3A_860 = vector.extract %slice3A_859[0] : i32 from vector<1xi32>
        %add3A_861 = arith.addi %while3A_848, %squeeze3A_860 : i32
        scf.yield %add3A_861 : i32
      }
      %swap3A_816 = arith.index_cast %while3A_815 : i32 to index
      %swap3A_817 = tpu.vector_load %arg13[%swap3A_816] {strides = array<i32>} : memref<16400xi32, #tpu.memory_space<vmem>>, vector<16xi32>,
      tpu.vector_store %arg13[%swap3A_816], %broadcast_in_dim3A_38 {strides = array<i32>} : memref<16400xi32, #tpu.memory_space<vmem>>, vector<16xi32>,
      %add3A_818 = arith.constant 15 : i32
      %add3A_819 = arith.addi %while3A_815, %add3A_818 : i32
      %jit3A_820 = arith.constant 16 : i32
      %div3A_821 = arith.divsi %add3A_819, %jit3A_820 : i32
      %sign3A_822 = arith.constant 0 : i32
      %sign3A_823 = arith.cmpi sgt, %add3A_819, %sign3A_822 : i32
      %sign3A_824 = arith.extui %sign3A_823 : i1 to i32
      %sign3A_825 = arith.constant 0 : i32
      %sign3A_826 = arith.cmpi slt, %add3A_819, %sign3A_825 : i32
      %sign3A_827 = arith.extui %sign3A_826 : i1 to i32
      %sign3A_828 = arith.subi %sign3A_824, %sign3A_827 : i32
      %sign3A_829 = arith.constant 0 : i32
      %sign3A_830 = arith.cmpi sgt, %jit3A_820, %sign3A_829 : i32
      %sign3A_831 = arith.extui %sign3A_830 : i1 to i32
      %sign3A_832 = arith.constant 0 : i32
      %sign3A_833 = arith.cmpi slt, %jit3A_820, %sign3A_832 : i32
      %sign3A_834 = arith.extui %sign3A_833 : i1 to i32
      %sign3A_835 = arith.subi %sign3A_831, %sign3A_834 : i32
      %ne3A_836 = arith.cmpi ne, %sign3A_828, %sign3A_835 : i32
      %rem3A_837 = arith.remsi %add3A_819, %jit3A_820 : i32
      %ne3A_838 = arith.constant 0 : i32
      %ne3A_839 = arith.cmpi ne, %rem3A_837, %ne3A_838 : i32
      %and3A_840 = arith.andi %ne3A_836, %ne3A_839 : i1
      %sub3A_841 = arith.constant 1 : i32
      %sub3A_842 = arith.subi %div3A_821, %sub3A_841 : i32
      %select_n3A_843 = arith.select %and3A_840, %sub3A_842, %div3A_821 : i32
      %parallel_loop3A_844 = arith.constant 0 : i32
      %parallel_loop3A_845 = arith.constant 1 : i32
      scf.for %parallel_loop3A_847 = %parallel_loop3A_844 to %select_n3A_843 step %parallel_loop3A_845  : i32 {
        %parallel_loop3A_848 = arith.constant 16 : i32
        %parallel_loop3A_849 = arith.muli %parallel_loop3A_847, %parallel_loop3A_848 : i32
        %parallel_loop3A_850 = arith.index_cast %parallel_loop3A_849 : i32 to index
        %parallel_loop3A_851 = tpu.vector_load %arg13[%parallel_loop3A_850] {strides = array<i32>} : memref<16400xi32, #tpu.memory_space<vmem>>, vector<16xi32>,
        tpu.vector_store_idx %arg10[%parallel_loop3A_851], %broadcast_in_dim3A_34 {add = true} : memref<65552xf32, #tpu.memory_space<vmem>>[vector<16xi32>], vector<16xf32>,
      } {sc.loop_unroll_factor = 4 : i64, sc.parallel_access}
      %while3A_846 = arith.constant 0 : i32
      scf.yield %while3A_846 : i32
    }
    %while3A_706 = arith.constant 1 : i32
    %while3A_707 = scf.for %while3A_712 = %while3A_703 to %while3A_699 step %while3A_706 iter_args(%while3A_713 = %while3A_705) -> (i32)  : i32 {
      %mul3A_714 = arith.constant 2 : i32
      %mul3A_715 = arith.muli %mul3A_714, %while3A_712 : i32
      %add3A_716 = arith.constant 1 : i32
      %add3A_717 = arith.addi %mul3A_715, %add3A_716 : i32
      %mul3A_718 = arith.constant 16384 : i32
      %mul3A_719 = arith.muli %add3A_717, %mul3A_718 : i32
      %add3A_720 = arith.addi %mul3A_601, %mul3A_719 : i32
      %min3A_721 = arith.constant 2000000 : i32
      %min3A_722 = arith.minsi %add3A_720, %min3A_721 : i32
      %mul3A_723 = arith.constant 2016384 : i32
      %mul3A_724 = arith.muli %arg0, %mul3A_723 : i32
      %add3A_725 = arith.addi %mul3A_724, %min3A_722 : i32
      %dma_start3A_726 = tpu.memref_slice %arg8[%add3A_725] : memref<4032768xi32, #tpu.memory_space<hbm>> -> memref<16384xi32, #tpu.memory_space<hbm>>
      %dma_start3A_727 = tpu.memref_slice %arg8[%add3A_725] : memref<4032768xi32, #tpu.memory_space<hbm>> -> memref<16384xi32, #tpu.memory_space<hbm>>
      tpu.enqueue_dma source(%dma_start3A_727 : memref<16384xi32, #tpu.memory_space<hbm>>) target(%arg12 : memref<16384xi32, #tpu.memory_space<vmem>>) target_semaphore(%arg16 : memref<!tpu.dma_semaphore, #tpu.memory_space<semaphore_mem>>)
      %dma_wait3A_728 = arith.constant 0 : i32
      %dma_wait3A_729 = tpu.memref_slice %arg8[%dma_wait3A_728] : memref<4032768xi32, #tpu.memory_space<hbm>> -> memref<16384xi32, #tpu.memory_space<hbm>>
      %dma_wait3A_730 = arith.constant 0 : i32
      %dma_wait3A_731 = tpu.memref_slice %arg8[%dma_wait3A_730] : memref<4032768xi32, #tpu.memory_space<hbm>> -> memref<16384xi32, #tpu.memory_space<hbm>>
      tpu.wait_dma2 semaphore(%arg15 : memref<!tpu.dma_semaphore, #tpu.memory_space<semaphore_mem>>) src(%dma_wait3A_731 : memref<16384xi32, #tpu.memory_space<hbm>>) dst(%arg11 : memref<16384xi32, #tpu.memory_space<vmem>>)
      %mul3A_732 = arith.constant 1024 : i32
      %mul3A_733 = arith.muli %mul3A_715, %mul3A_732 : i32
      %sub3A_734 = arith.subi %select_n3A_628, %mul3A_733 : i32
      %jit3A_735 = arith.constant 0 : i32
      %jit3A_736 = arith.constant 1024 : i32
      %max3A = arith.maxsi %jit3A_735, %sub3A_734 : i32
      %min3A_737 = arith.minsi %jit3A_736, %max3A : i32
      %while3A_738 = arith.constant 0 : i32
      %while3A_739 = arith.constant 0 : i32
      %while3A_740 = arith.subi %min3A_737, %while3A_738 : i32
      %while3A_741 = arith.addi %while3A_738, %while3A_740 : i32
      %while3A_742 = arith.constant 1 : i32
      %while3A_743 = arith.divsi %while3A_740, %while3A_742 : i32
      %while3A_744 = arith.muli %while3A_743, %while3A_742 : i32
      %while3A_745 = arith.addi %while3A_738, %while3A_744 : i32
      %while3A_746 = arith.constant 1 : i32
      %while3A_747 = scf.for %while3A_847 = %while3A_738 to %while3A_745 step %while3A_746 iter_args(%while3A_848 = %while3A_739) -> (i32)  : i32 {
        %mul3A_849 = arith.constant 16 : i32
        %mul3A_850 = arith.muli %while3A_847, %mul3A_849 : i32
        %get3A_851 = arith.index_cast %mul3A_850 : i32 to index
        %get3A_852 = tpu.vector_load %arg11[%get3A_851] {strides = array<i32>} : memref<16384xi32, #tpu.memory_space<vmem>>, vector<16xi32>,
        %sub3A_853 = vector.broadcast %mul3A_569 : i32 to vector<16xi32>
        %sub3A_854 = arith.subi %get3A_852, %sub3A_853 : vector<16xi32>
        %bitcast3A = vector.bitcast %sub3A_854 : vector<16xi32> to vector<16xi32>
        %lt3A = vector.broadcast %while3A_695 : i32 to vector<16xi32>
        %lt3A_855 = arith.cmpi ult, %bitcast3A, %lt3A : vector<16xi32>
        %bitcast3A_856 = vector.bitcast %bitcast3A : vector<16xi32> to vector<16xi32>
        %swap3A_857 = arith.index_cast %while3A_848 : i32 to index
        %swap3A_858 = tpu.vector_load %arg13[%swap3A_857] masked %lt3A_855 {strides = array<i32>} : memref<16400xi32, #tpu.memory_space<vmem>>, vector<16xi32>, vector<16xi1>
        tpu.vector_store %arg13[%swap3A_857], %bitcast3A_856 masked %lt3A_855 {strides = array<i32>} : memref<16400xi32, #tpu.memory_space<vmem>>, vector<16xi32>, vector<16xi1>
        %all_reduce_population_count3A = tpu.all_reduce %lt3A_855 {dim = 0 : i64, kind = #tpu.reduction_kind<sum>} : vector<16xi1> -> vector<16xi32>
        %slice3A_859 = vector.extract_strided_slice %all_reduce_population_count3A {offsets = [0], sizes = [1], strides = [1]} : vector<16xi32> to vector<1xi32>
        %squeeze3A_860 = vector.extract %slice3A_859[0] : i32 from vector<1xi32>
        %add3A_861 = arith.addi %while3A_848, %squeeze3A_860 : i32
        scf.yield %add3A_861 : i32
      }
      %while3A_748 = arith.constant 1 : i32
      %while3A_749 = scf.for %while3A_847 = %while3A_745 to %while3A_741 step %while3A_748 iter_args(%while3A_848 = %while3A_747) -> (i32)  : i32 {
        %mul3A_849 = arith.constant 16 : i32
        %mul3A_850 = arith.muli %while3A_847, %mul3A_849 : i32
        %get3A_851 = arith.index_cast %mul3A_850 : i32 to index
        %get3A_852 = tpu.vector_load %arg11[%get3A_851] {strides = array<i32>} : memref<16384xi32, #tpu.memory_space<vmem>>, vector<16xi32>,
        %sub3A_853 = vector.broadcast %mul3A_569 : i32 to vector<16xi32>
        %sub3A_854 = arith.subi %get3A_852, %sub3A_853 : vector<16xi32>
        %bitcast3A = vector.bitcast %sub3A_854 : vector<16xi32> to vector<16xi32>
        %lt3A = vector.broadcast %while3A_695 : i32 to vector<16xi32>
        %lt3A_855 = arith.cmpi ult, %bitcast3A, %lt3A : vector<16xi32>
        %bitcast3A_856 = vector.bitcast %bitcast3A : vector<16xi32> to vector<16xi32>
        %swap3A_857 = arith.index_cast %while3A_848 : i32 to index
        %swap3A_858 = tpu.vector_load %arg13[%swap3A_857] masked %lt3A_855 {strides = array<i32>} : memref<16400xi32, #tpu.memory_space<vmem>>, vector<16xi32>, vector<16xi1>
        tpu.vector_store %arg13[%swap3A_857], %bitcast3A_856 masked %lt3A_855 {strides = array<i32>} : memref<16400xi32, #tpu.memory_space<vmem>>, vector<16xi32>, vector<16xi1>
        %all_reduce_population_count3A = tpu.all_reduce %lt3A_855 {dim = 0 : i64, kind = #tpu.reduction_kind<sum>} : vector<16xi1> -> vector<16xi32>
        %slice3A_859 = vector.extract_strided_slice %all_reduce_population_count3A {offsets = [0], sizes = [1], strides = [1]} : vector<16xi32> to vector<1xi32>
        %squeeze3A_860 = vector.extract %slice3A_859[0] : i32 from vector<1xi32>
        %add3A_861 = arith.addi %while3A_848, %squeeze3A_860 : i32
        scf.yield %add3A_861 : i32
      }
      %swap3A = arith.index_cast %while3A_749 : i32 to index
      %swap3A_750 = tpu.vector_load %arg13[%swap3A] {strides = array<i32>} : memref<16400xi32, #tpu.memory_space<vmem>>, vector<16xi32>,
      tpu.vector_store %arg13[%swap3A], %broadcast_in_dim3A_38 {strides = array<i32>} : memref<16400xi32, #tpu.memory_space<vmem>>, vector<16xi32>,
      %add3A_751 = arith.constant 15 : i32
      %add3A_752 = arith.addi %while3A_749, %add3A_751 : i32
      %jit3A_753 = arith.constant 16 : i32
      %div3A_754 = arith.divsi %add3A_752, %jit3A_753 : i32
      %sign3A_755 = arith.constant 0 : i32
      %sign3A_756 = arith.cmpi sgt, %add3A_752, %sign3A_755 : i32
      %sign3A_757 = arith.extui %sign3A_756 : i1 to i32
      %sign3A_758 = arith.constant 0 : i32
      %sign3A_759 = arith.cmpi slt, %add3A_752, %sign3A_758 : i32
      %sign3A_760 = arith.extui %sign3A_759 : i1 to i32
      %sign3A_761 = arith.subi %sign3A_757, %sign3A_760 : i32
      %sign3A_762 = arith.constant 0 : i32
      %sign3A_763 = arith.cmpi sgt, %jit3A_753, %sign3A_762 : i32
      %sign3A_764 = arith.extui %sign3A_763 : i1 to i32
      %sign3A_765 = arith.constant 0 : i32
      %sign3A_766 = arith.cmpi slt, %jit3A_753, %sign3A_765 : i32
      %sign3A_767 = arith.extui %sign3A_766 : i1 to i32
      %sign3A_768 = arith.subi %sign3A_764, %sign3A_767 : i32
      %ne3A_769 = arith.cmpi ne, %sign3A_761, %sign3A_768 : i32
      %rem3A_770 = arith.remsi %add3A_752, %jit3A_753 : i32
      %ne3A_771 = arith.constant 0 : i32
      %ne3A_772 = arith.cmpi ne, %rem3A_770, %ne3A_771 : i32
      %and3A_773 = arith.andi %ne3A_769, %ne3A_772 : i1
      %sub3A_774 = arith.constant 1 : i32
      %sub3A_775 = arith.subi %div3A_754, %sub3A_774 : i32
      %select_n3A_776 = arith.select %and3A_773, %sub3A_775, %div3A_754 : i32
      %parallel_loop3A_777 = arith.constant 0 : i32
      %parallel_loop3A_778 = arith.constant 1 : i32
      scf.for %parallel_loop3A_847 = %parallel_loop3A_777 to %select_n3A_776 step %parallel_loop3A_778  : i32 {
        %parallel_loop3A_848 = arith.constant 16 : i32
        %parallel_loop3A_849 = arith.muli %parallel_loop3A_847, %parallel_loop3A_848 : i32
        %parallel_loop3A_850 = arith.index_cast %parallel_loop3A_849 : i32 to index
        %parallel_loop3A_851 = tpu.vector_load %arg13[%parallel_loop3A_850] {strides = array<i32>} : memref<16400xi32, #tpu.memory_space<vmem>>, vector<16xi32>,
        tpu.vector_store_idx %arg10[%parallel_loop3A_851], %broadcast_in_dim3A_34 {add = true} : memref<65552xf32, #tpu.memory_space<vmem>>[vector<16xi32>], vector<16xf32>,
      } {sc.loop_unroll_factor = 4 : i64, sc.parallel_access}
      %add3A_779 = arith.constant 2 : i32
      %add3A_780 = arith.addi %mul3A_715, %add3A_779 : i32
      %mul3A_781 = arith.constant 16384 : i32
      %mul3A_782 = arith.muli %add3A_780, %mul3A_781 : i32
      %add3A_783 = arith.addi %mul3A_601, %mul3A_782 : i32
      %min3A_784 = arith.constant 2000000 : i32
      %min3A_785 = arith.minsi %add3A_783, %min3A_784 : i32
      %mul3A_786 = arith.constant 2016384 : i32
      %mul3A_787 = arith.muli %arg0, %mul3A_786 : i32
      %add3A_788 = arith.addi %mul3A_787, %min3A_785 : i32
      %dma_start3A_789 = tpu.memref_slice %arg8[%add3A_788] : memref<4032768xi32, #tpu.memory_space<hbm>> -> memref<16384xi32, #tpu.memory_space<hbm>>
      %dma_start3A_790 = tpu.memref_slice %arg8[%add3A_788] : memref<4032768xi32, #tpu.memory_space<hbm>> -> memref<16384xi32, #tpu.memory_space<hbm>>
      tpu.enqueue_dma source(%dma_start3A_790 : memref<16384xi32, #tpu.memory_space<hbm>>) target(%arg11 : memref<16384xi32, #tpu.memory_space<vmem>>) target_semaphore(%arg15 : memref<!tpu.dma_semaphore, #tpu.memory_space<semaphore_mem>>)
      %dma_wait3A_791 = arith.constant 0 : i32
      %dma_wait3A_792 = tpu.memref_slice %arg8[%dma_wait3A_791] : memref<4032768xi32, #tpu.memory_space<hbm>> -> memref<16384xi32, #tpu.memory_space<hbm>>
      %dma_wait3A_793 = arith.constant 0 : i32
      %dma_wait3A_794 = tpu.memref_slice %arg8[%dma_wait3A_793] : memref<4032768xi32, #tpu.memory_space<hbm>> -> memref<16384xi32, #tpu.memory_space<hbm>>
      tpu.wait_dma2 semaphore(%arg16 : memref<!tpu.dma_semaphore, #tpu.memory_space<semaphore_mem>>) src(%dma_wait3A_794 : memref<16384xi32, #tpu.memory_space<hbm>>) dst(%arg12 : memref<16384xi32, #tpu.memory_space<vmem>>)
      %add3A_795 = arith.constant 1 : i32
      %add3A_796 = arith.addi %mul3A_715, %add3A_795 : i32
      %mul3A_797 = arith.constant 1024 : i32
      %mul3A_798 = arith.muli %add3A_796, %mul3A_797 : i32
      %sub3A_799 = arith.subi %select_n3A_628, %mul3A_798 : i32
      %jit3A_800 = arith.constant 0 : i32
      %jit3A_801 = arith.constant 1024 : i32
      %max3A_802 = arith.maxsi %jit3A_800, %sub3A_799 : i32
      %min3A_803 = arith.minsi %jit3A_801, %max3A_802 : i32
      %while3A_804 = arith.constant 0 : i32
      %while3A_805 = arith.constant 0 : i32
      %while3A_806 = arith.subi %min3A_803, %while3A_804 : i32
      %while3A_807 = arith.addi %while3A_804, %while3A_806 : i32
      %while3A_808 = arith.constant 1 : i32
      %while3A_809 = arith.divsi %while3A_806, %while3A_808 : i32
      %while3A_810 = arith.muli %while3A_809, %while3A_808 : i32
      %while3A_811 = arith.addi %while3A_804, %while3A_810 : i32
      %while3A_812 = arith.constant 1 : i32
      %while3A_813 = scf.for %while3A_847 = %while3A_804 to %while3A_811 step %while3A_812 iter_args(%while3A_848 = %while3A_805) -> (i32)  : i32 {
        %mul3A_849 = arith.constant 16 : i32
        %mul3A_850 = arith.muli %while3A_847, %mul3A_849 : i32
        %get3A_851 = arith.index_cast %mul3A_850 : i32 to index
        %get3A_852 = tpu.vector_load %arg12[%get3A_851] {strides = array<i32>} : memref<16384xi32, #tpu.memory_space<vmem>>, vector<16xi32>,
        %sub3A_853 = vector.broadcast %mul3A_569 : i32 to vector<16xi32>
        %sub3A_854 = arith.subi %get3A_852, %sub3A_853 : vector<16xi32>
        %bitcast3A = vector.bitcast %sub3A_854 : vector<16xi32> to vector<16xi32>
        %lt3A = vector.broadcast %while3A_695 : i32 to vector<16xi32>
        %lt3A_855 = arith.cmpi ult, %bitcast3A, %lt3A : vector<16xi32>
        %bitcast3A_856 = vector.bitcast %bitcast3A : vector<16xi32> to vector<16xi32>
        %swap3A_857 = arith.index_cast %while3A_848 : i32 to index
        %swap3A_858 = tpu.vector_load %arg13[%swap3A_857] masked %lt3A_855 {strides = array<i32>} : memref<16400xi32, #tpu.memory_space<vmem>>, vector<16xi32>, vector<16xi1>
        tpu.vector_store %arg13[%swap3A_857], %bitcast3A_856 masked %lt3A_855 {strides = array<i32>} : memref<16400xi32, #tpu.memory_space<vmem>>, vector<16xi32>, vector<16xi1>
        %all_reduce_population_count3A = tpu.all_reduce %lt3A_855 {dim = 0 : i64, kind = #tpu.reduction_kind<sum>} : vector<16xi1> -> vector<16xi32>
        %slice3A_859 = vector.extract_strided_slice %all_reduce_population_count3A {offsets = [0], sizes = [1], strides = [1]} : vector<16xi32> to vector<1xi32>
        %squeeze3A_860 = vector.extract %slice3A_859[0] : i32 from vector<1xi32>
        %add3A_861 = arith.addi %while3A_848, %squeeze3A_860 : i32
        scf.yield %add3A_861 : i32
      }
      %while3A_814 = arith.constant 1 : i32
      %while3A_815 = scf.for %while3A_847 = %while3A_811 to %while3A_807 step %while3A_814 iter_args(%while3A_848 = %while3A_813) -> (i32)  : i32 {
        %mul3A_849 = arith.constant 16 : i32
        %mul3A_850 = arith.muli %while3A_847, %mul3A_849 : i32
        %get3A_851 = arith.index_cast %mul3A_850 : i32 to index
        %get3A_852 = tpu.vector_load %arg12[%get3A_851] {strides = array<i32>} : memref<16384xi32, #tpu.memory_space<vmem>>, vector<16xi32>,
        %sub3A_853 = vector.broadcast %mul3A_569 : i32 to vector<16xi32>
        %sub3A_854 = arith.subi %get3A_852, %sub3A_853 : vector<16xi32>
        %bitcast3A = vector.bitcast %sub3A_854 : vector<16xi32> to vector<16xi32>
        %lt3A = vector.broadcast %while3A_695 : i32 to vector<16xi32>
        %lt3A_855 = arith.cmpi ult, %bitcast3A, %lt3A : vector<16xi32>
        %bitcast3A_856 = vector.bitcast %bitcast3A : vector<16xi32> to vector<16xi32>
        %swap3A_857 = arith.index_cast %while3A_848 : i32 to index
        %swap3A_858 = tpu.vector_load %arg13[%swap3A_857] masked %lt3A_855 {strides = array<i32>} : memref<16400xi32, #tpu.memory_space<vmem>>, vector<16xi32>, vector<16xi1>
        tpu.vector_store %arg13[%swap3A_857], %bitcast3A_856 masked %lt3A_855 {strides = array<i32>} : memref<16400xi32, #tpu.memory_space<vmem>>, vector<16xi32>, vector<16xi1>
        %all_reduce_population_count3A = tpu.all_reduce %lt3A_855 {dim = 0 : i64, kind = #tpu.reduction_kind<sum>} : vector<16xi1> -> vector<16xi32>
        %slice3A_859 = vector.extract_strided_slice %all_reduce_population_count3A {offsets = [0], sizes = [1], strides = [1]} : vector<16xi32> to vector<1xi32>
        %squeeze3A_860 = vector.extract %slice3A_859[0] : i32 from vector<1xi32>
        %add3A_861 = arith.addi %while3A_848, %squeeze3A_860 : i32
        scf.yield %add3A_861 : i32
      }
      %swap3A_816 = arith.index_cast %while3A_815 : i32 to index
      %swap3A_817 = tpu.vector_load %arg13[%swap3A_816] {strides = array<i32>} : memref<16400xi32, #tpu.memory_space<vmem>>, vector<16xi32>,
      tpu.vector_store %arg13[%swap3A_816], %broadcast_in_dim3A_38 {strides = array<i32>} : memref<16400xi32, #tpu.memory_space<vmem>>, vector<16xi32>,
      %add3A_818 = arith.constant 15 : i32
      %add3A_819 = arith.addi %while3A_815, %add3A_818 : i32
      %jit3A_820 = arith.constant 16 : i32
      %div3A_821 = arith.divsi %add3A_819, %jit3A_820 : i32
      %sign3A_822 = arith.constant 0 : i32
      %sign3A_823 = arith.cmpi sgt, %add3A_819, %sign3A_822 : i32
      %sign3A_824 = arith.extui %sign3A_823 : i1 to i32
      %sign3A_825 = arith.constant 0 : i32
      %sign3A_826 = arith.cmpi slt, %add3A_819, %sign3A_825 : i32
      %sign3A_827 = arith.extui %sign3A_826 : i1 to i32
      %sign3A_828 = arith.subi %sign3A_824, %sign3A_827 : i32
      %sign3A_829 = arith.constant 0 : i32
      %sign3A_830 = arith.cmpi sgt, %jit3A_820, %sign3A_829 : i32
      %sign3A_831 = arith.extui %sign3A_830 : i1 to i32
      %sign3A_832 = arith.constant 0 : i32
      %sign3A_833 = arith.cmpi slt, %jit3A_820, %sign3A_832 : i32
      %sign3A_834 = arith.extui %sign3A_833 : i1 to i32
      %sign3A_835 = arith.subi %sign3A_831, %sign3A_834 : i32
      %ne3A_836 = arith.cmpi ne, %sign3A_828, %sign3A_835 : i32
      %rem3A_837 = arith.remsi %add3A_819, %jit3A_820 : i32
      %ne3A_838 = arith.constant 0 : i32
      %ne3A_839 = arith.cmpi ne, %rem3A_837, %ne3A_838 : i32
      %and3A_840 = arith.andi %ne3A_836, %ne3A_839 : i1
      %sub3A_841 = arith.constant 1 : i32
      %sub3A_842 = arith.subi %div3A_821, %sub3A_841 : i32
      %select_n3A_843 = arith.select %and3A_840, %sub3A_842, %div3A_821 : i32
      %parallel_loop3A_844 = arith.constant 0 : i32
      %parallel_loop3A_845 = arith.constant 1 : i32
      scf.for %parallel_loop3A_847 = %parallel_loop3A_844 to %select_n3A_843 step %parallel_loop3A_845  : i32 {
        %parallel_loop3A_848 = arith.constant 16 : i32
        %parallel_loop3A_849 = arith.muli %parallel_loop3A_847, %parallel_loop3A_848 : i32
        %parallel_loop3A_850 = arith.index_cast %parallel_loop3A_849 : i32 to index
        %parallel_loop3A_851 = tpu.vector_load %arg13[%parallel_loop3A_850] {strides = array<i32>} : memref<16400xi32, #tpu.memory_space<vmem>>, vector<16xi32>,
        tpu.vector_store_idx %arg10[%parallel_loop3A_851], %broadcast_in_dim3A_34 {add = true} : memref<65552xf32, #tpu.memory_space<vmem>>[vector<16xi32>], vector<16xf32>,
      } {sc.loop_unroll_factor = 4 : i64, sc.parallel_access}
      %while3A_846 = arith.constant 0 : i32
      scf.yield %while3A_846 : i32
    }
    %dma_wait3A_708 = arith.constant 0 : i32
    %dma_wait3A_709 = tpu.memref_slice %arg8[%dma_wait3A_708] : memref<4032768xi32, #tpu.memory_space<hbm>> -> memref<16384xi32, #tpu.memory_space<hbm>>
    %dma_wait3A_710 = arith.constant 0 : i32
    %dma_wait3A_711 = tpu.memref_slice %arg8[%dma_wait3A_710] : memref<4032768xi32, #tpu.memory_space<hbm>> -> memref<16384xi32, #tpu.memory_space<hbm>>
    tpu.wait_dma2 semaphore(%arg15 : memref<!tpu.dma_semaphore, #tpu.memory_space<semaphore_mem>>) src(%dma_wait3A_711 : memref<16384xi32, #tpu.memory_space<hbm>>) dst(%arg11 : memref<16384xi32, #tpu.memory_space<vmem>>)
    "tpu.region"() ({
      %run_scoped3A = tpu.sem_alloc : memref<!tpu.dma_semaphore, #tpu.memory_space<semaphore_mem>>
      %dma_start3A_712 = arith.constant 0 : i32
      %dma_start3A_713 = tpu.memref_slice %arg10[%dma_start3A_712] : memref<65552xf32, #tpu.memory_space<vmem>> -> memref<65536xf32, #tpu.memory_space<vmem>>
      %dma_start3A_714 = tpu.memref_slice %arg7[%mul3A_569] : memref<8388608xf32, #tpu.memory_space<hbm>> -> memref<65536xf32, #tpu.memory_space<hbm>>
      %dma_start3A_715 = tpu.memref_slice %arg7[%mul3A_569] : memref<8388608xf32, #tpu.memory_space<hbm>> -> memref<65536xf32, #tpu.memory_space<hbm>>
      %dma_start3A_716 = arith.constant 0 : i32
      %dma_start3A_717 = tpu.memref_slice %arg10[%dma_start3A_716] : memref<65552xf32, #tpu.memory_space<vmem>> -> memref<65536xf32, #tpu.memory_space<vmem>>
      tpu.enqueue_dma source(%dma_start3A_717 : memref<65536xf32, #tpu.memory_space<vmem>>) target(%dma_start3A_715 : memref<65536xf32, #tpu.memory_space<hbm>>) target_semaphore(%run_scoped3A : memref<!tpu.dma_semaphore, #tpu.memory_space<semaphore_mem>>)
      %dma_wait3A_718 = arith.constant 0 : i32
      %dma_wait3A_719 = tpu.memref_slice %arg10[%dma_wait3A_718] : memref<65552xf32, #tpu.memory_space<vmem>> -> memref<65536xf32, #tpu.memory_space<vmem>>
      %dma_wait3A_720 = tpu.memref_slice %arg7[%mul3A_569] : memref<8388608xf32, #tpu.memory_space<hbm>> -> memref<65536xf32, #tpu.memory_space<hbm>>
      %dma_wait3A_721 = tpu.memref_slice %arg7[%mul3A_569] : memref<8388608xf32, #tpu.memory_space<hbm>> -> memref<65536xf32, #tpu.memory_space<hbm>>
      %dma_wait3A_722 = arith.constant 0 : i32
      %dma_wait3A_723 = tpu.memref_slice %arg10[%dma_wait3A_722] : memref<65552xf32, #tpu.memory_space<vmem>> -> memref<65536xf32, #tpu.memory_space<vmem>>
      tpu.wait_dma2 semaphore(%run_scoped3A : memref<!tpu.dma_semaphore, #tpu.memory_space<semaphore_mem>>) src(%dma_wait3A_723 : memref<65536xf32, #tpu.memory_space<vmem>>) dst(%dma_wait3A_721 : memref<65536xf32, #tpu.memory_space<hbm>>)
      tpu.yield
    }) : () -> ()
    return
  }
}

</mosaic_0001>

<sc_bundles>
// kernel: kernel.3.cloned.1.call-start
scs
__scs_entry_jumppad:
0x0: {  	(pc) =	sbr.rel $0x88, $3  }
0x1: {  	(tag) =	ssettag $0x0;
	lr =	simm.s32 $0x1  }
0x2: {  	[smem:$0x3FA0] =	sst lr;
	_ =	strace $0xD0000000  }
0x3: {  	_ = 	snop  }
0x4: {  	_ = 	snop  }
0x5: {  	_ = 	snop  }
0x6: {  	_ = 	snop  }
0x7: {  	_ = 	snop  }
__scs_overlays_trampoline_lowered:
0x8: {  	[smem:$0x3FAF] =	sst s0  }
0x9: {  	[smem:$0x3FB0] =	sst s1  }
0xa: {  	[smem:$0x3FB1] =	sst s2  }
0xb: {  	[smem:$0x3FB2] =	sst s3  }
0xc: {  	[smem:$0x3FB3] =	sst s4  }
0xd: {  	[smem:$0x3FB4] =	sst s5  }
0xe: {  	[smem:$0x3FB5] =	sst s6  }
0xf: {  	[smem:$0x3FB6] =	sst s7  }
0x10: {  	[smem:$0x3FB7] =	sst s8  }
0x11: {  	[smem:$0x3FB8] =	sst s9;
	s0 =	simm.s32 @!p0 $0x0  }
0x12: {  	s1 =	sld [smem:$0x3F9E];
	s0 =	simm.s32 @p0 $0x1  }
0x13: {  	[smem:$0x3FB9] =	sst s0;
	s0 =	simm.s32 @!p1 $0x0  }
0x14: {  	s2 =	sld [smem:$0x3F9D];
	s0 =	simm.s32 @p1 $0x1  }
0x15: {  	[smem:$0x3FBA] =	sst s0;
	s0 =	simm.s32 @!p2 $0x0  }
0x16: {  	s3 =	sld [smem:$0x3FDB];
	s0 =	simm.s32 @p2 $0x1  }
0x17: {  	s4 =	simm.s32 $0x1BF5;
	[smem:$0x3FBC] =	sst s0  }
0x18: {  	s0 =	sld [smem:$0x3F9F];
	_ =	swait.ge [sflag:s4], $0x0  }
0x19: {  	s7 =	sld [smem:$0x3FA0]  }
0x1a: {  	s8 =	sadd.s32 $0xFFFFE003, lr  }
0x1b: {  	s9 =	sadd.s32 $0xFFFFFEF7, lr;
	s5 =	simm.s32 $0xFFFFFFFF;
	p2 =	slt.u32 s8, $0xFFFFF086  }
0x1c: {  	p1 =	slt.u32 s9, $0xF7A;
	s5 =	simm.s32 @!p2 $0x0  }
0x1d: {  	s5 =	simm.s32 @p1 $0x1;
	p0 =	seq.s32 s7, s2  }
0x1e: {  	s7 =	smul.u32 @!p0 $0xF7A, s2;
	p2 =	seq.s32 @!p0 s5, $0x0  }
0x1f: {  	s9 =	smul.u32 $0xF7A, s1;
	s8 =	simm.s32 @!p0 $0x1BF5;
	p2 =	por !p2, p0  }
0x20: {  	[sflag:s8] =	ssyncset.s32 @!p0 $0xFFFFF086;
	s6 =	sadd.s32 @!p0 s3, s7;
	s7 =	simm.s32 @!p0 $0x108  }
0x21: {  	s3 =	sadd.s32 s3, s9;
	s6 =	sadd.s32 @!p0 $0x88, s6;
	s7 =	simm.s32 @p2 $0x1082  }
0x22: {  	[simem:s7], [sflag:s8] =	dma.local @!p0 [hbm:s6], $0xF7A  }
0x23: {  	s9 =	sor.u32 $0xD0000000, s2;
	s6 =	simm.s32 $0x108;
	_ =	swait.ge @!p0 [sflag:s8], $0x0  }
0x24: {  	s3 =	sadd.s32 $0x88, s3;
	s6 =	simm.s32 @!p1 $0x1082;
	[sflag:s4] =	ssyncset.s32 $0xFFFFF086  }
0x25: {  	[simem:s6], [sflag:s4] =	dma.local [hbm:s3], $0xF7A  }
0x26: {  	[smem:$0x3FA0] =	sst s1;
	(tag) =	ssettag s2;
	_ =	strace s9  }
0x27: {  	s1 =	sld [smem:$0x3FB0]  }
0x28: {  	s2 =	sld [smem:$0x3FB1]  }
0x29: {  	s4 =	sld [smem:$0x3FB3]  }
0x2a: {  	p0 =	seq.s32 s5, $0x0;
	s5 =	sld [smem:$0x3FB4]  }
0x2b: {  	s6 =	sld [smem:$0x3FB5]  }
0x2c: {  	s7 =	sld [smem:$0x3FB6]  }
0x2d: {  	s3 =	simm.s32 $0x108;
	s8 =	sld [smem:$0x3FB7]  }
0x2e: {  	s3 =	simm.s32 @!p0 $0x1082;
	s9 =	sld [smem:$0x3FB8]  }
0x2f: {  	lr =	sadd.s32 s0, s3;
	s0 =	sld [smem:$0x3FAF]  }
0x30: {  	s3 =	sld [smem:$0x3FB2]  }
0x31: {  	[smem:$0x3FBB] =	sst s10  }
0x32: {  	s10 =	sld [smem:$0x3FB9];
	_ =	sdelay $0x3  }
0x33: {  	p0 =	seq.s32 s10, $0x1;
	s10 =	sld [smem:$0x3FBB];
	_ =	sdelay $0x3  }
0x34: {  	[smem:$0x3FBB] =	sst s10  }
0x35: {  	s10 =	sld [smem:$0x3FBA];
	_ =	sdelay $0x3  }
0x36: {  	p1 =	seq.s32 s10, $0x1;
	s10 =	sld [smem:$0x3FBB];
	_ =	sdelay $0x3  }
0x37: {  	[smem:$0x3FBB] =	sst s10  }
0x38: {  	s10 =	sld [smem:$0x3FBC]  }
0x39: {  	_ = 	snop;
	(pc) =	sbr.ind lr, $3  }
0x3a: {  	_ = 	snop  }
0x3b: {  	_ = 	snop  }
0x3c: {  	p2 =	seq.s32 s10, $0x1;
	s10 =	sld [smem:$0x3FBB]  }
0x3d: {  	_ =	shalt  }
0x3e: {  	_ =	shalt  }
0x3f: {  	_ =	shalt  }
0x40: {  	_ =	shalt  }
0x41: {  	_ =	shalt  }
0x42: {  	_ =	shalt  }
0x43: {  	_ =	shalt  }
0x44: {  	_ =	shalt  }
0x45: {  	_ =	shalt  }
0x46: {  	_ =	shalt  }
0x47: {  	_ =	shalt  }
0x48: {  	_ =	shalt  }
0x49: {  	_ =	shalt  }
0x4a: {  	_ =	shalt  }
0x4b: {  	_ =	shalt  }
0x4c: {  	_ =	shalt  }
0x4d: {  	_ =	shalt  }
0x4e: {  	_ =	shalt  }
0x4f: {  	_ =	shalt  }
0x50: {  	_ =	shalt  }
0x51: {  	_ =	shalt  }
0x52: {  	_ =	shalt  }
0x53: {  	_ =	shalt  }
0x54: {  	_ =	shalt  }
0x55: {  	_ =	shalt  }
0x56: {  	_ =	shalt  }
0x57: {  	_ =	shalt  }
0x58: {  	_ =	shalt  }
0x59: {  	_ =	shalt  }
0x5a: {  	_ =	shalt  }
0x5b: {  	_ =	shalt  }
0x5c: {  	_ =	shalt  }
0x5d: {  	_ =	shalt  }
0x5e: {  	_ =	shalt  }
0x5f: {  	_ =	shalt  }
0x60: {  	_ =	shalt  }
0x61: {  	_ =	shalt  }
0x62: {  	_ =	shalt  }
0x63: {  	_ =	shalt  }
0x64: {  	_ =	shalt  }
0x65: {  	_ =	shalt  }
0x66: {  	_ =	shalt  }
0x67: {  	_ =	shalt  }
0x68: {  	_ =	shalt  }
0x69: {  	_ =	shalt  }
0x6a: {  	_ =	shalt  }
0x6b: {  	_ =	shalt  }
0x6c: {  	_ =	shalt  }
0x6d: {  	_ =	shalt  }
0x6e: {  	_ =	shalt  }
0x6f: {  	_ =	shalt  }
0x70: {  	_ =	shalt  }
0x71: {  	_ =	shalt  }
0x72: {  	_ =	shalt  }
0x73: {  	_ =	shalt  }
0x74: {  	_ =	shalt  }
0x75: {  	_ =	shalt  }
0x76: {  	_ =	shalt  }
0x77: {  	_ =	shalt  }
0x78: {  	_ =	shalt  }
0x79: {  	_ =	shalt  }
0x7a: {  	_ =	shalt  }
0x7b: {  	_ =	shalt  }
0x7c: {  	_ =	shalt  }
0x7d: {  	_ =	shalt  }
0x7e: {  	_ =	shalt  }
0x7f: {  	_ =	shalt  }
0x80: {  	_ =	shalt  }
0x81: {  	_ =	shalt  }
0x82: {  	_ =	shalt  }
0x83: {  	_ =	shalt  }
0x84: {  	_ =	shalt  }
0x85: {  	_ =	shalt  }
0x86: {  	_ =	shalt  }
0x87: {  	_ =	shalt  }
.Lfunc_end0:
.L_simem_size_0:
called_computation_lowered:
.L_overlay_start_0:
0x88: {  	s2 =	sld [smem:$0x3FD9]  }
0x89: {  	s3 =	sld [smem:$0x3FFE];
	_ =	sdelay $0x1  }
0x8a: {  	s1 =	srdreg.scid  }
0x8b: {  	s0 =	sand.u32 $0x1, s1  }
0x8c: {  	s17 =	sshll.u32 s0, $0xA;
	s2 =	sadd.s32 s3, s2  }
0x8d: {  	s2 =	sadd.s32 s2, s17  }
0x8e: {  	[smem:$0x3FC7] =	sst s2  }
0x8f: {  	_ = 	snop  }
0x90: {  	s2 =	sld [smem:$0x3FD0];
	(tm) =	ssettm $0x1  }
0x91: {  	s18 =	sld [smem:$0x3FFB];
	_ =	sdelay $0x3  }
0x92: {  	_ =	strace s18  }
0x93: {  	s3 =	sld [smem:$0x3FFC];
	_ =	sdelay $0x3  }
0x94: {  	_ =	strace s3  }
0x95: {  	s3 =	sld [smem:$0x3FFD];
	_ =	sdelay $0x3  }
0x96: {  	_ =	strace s3  }
0x97: {  	_ =	strace $0x8FFFFFFF  }
0x98: {  	s19 =	sld [smem:$0x3FDB];
	_ =	sdelay $0x1  }
0x99: {  	s4 =	simm.s32 $_scs_section_size  }
0x9a: {  	s5 =	simm.s32 $_size__tile_overlayer_lowered;
	s6 =	simm.s32 $_tile_overlayer_lowered  }
0x9b: {  	s22 =	simm.s32 $0x1BFF;
	s21 =	sshll.u32 s6, $0x1;
	s3 =	sadd.s32 s4, s19  }
0x9c: {  	s7 =	simm.s32 $0x0;
	s20 =	sshll.u32 s5, $0x1;
	s5 =	sadd.s32 s21, s3  }
0x9d: {  	[timem:s7], [sflag:s22] =	dma.local [hbm:s5], s20  }
0x9e: {  	_ =	swait.ge [sflag:s22], s20  }
0x9f: {  	s4 =	ssub.s32 $0x0, s20;
	[sflag:s22] =	ssyncset.done $0x0  }
0xa0: {  	[sflag:s22] =	ssyncadd.s32 s4;
	_ =	sdelay $0x1  }
0xa1: {  	s23 =	simm.s32 $0x1B8B  }
0xa2: {  	_ =	swait.ge [sflag:s23], $0x1  }
0xa3: {  	[sflag:s23] =	ssyncset.done $0x0  }
0xa4: {  	s25 =	simm.s32 $0x1B8E;
	s24 =	sld [smem:$0x3FFE];
	[sflag:s23] =	ssyncadd.s32 $0xFFFFFFFF  }
0xa5: {  	s26 =	simm.s32 $execute0_lowered;
	[smem:$0x3FD2] =	sst s25  }
0xa6: {  	s5 =	sshll.u32 s26, $0x1;
	_ =	strace $0x80000046;
	[dreg:$0x1] =	wrdreg $0xFFFFFFFF  }
0xa7: {  	s28 =	simm.s32 $_size_execute0_lowered;
	s3 =	sadd.s32 s3, s5;
	[dreg:$0x0] =	wrdreg $0x0  }
0xa8: {  	s5 =	sshll.u32 s28, $0x1;
	[dreg:$0x2] =	wrdreg s3  }
0xa9: {  	[dreg:$0x3] =	wrdreg s5  }
0xaa: {  	[dreg:$0x4] =	wrdreg $0xC0  }
0xab: {  	_ =	task [dreg:s7], $0x5FFFF  }
0xac: {  	[dreg:$0x1] =	wrdreg $0xFFFFFFFF  }
0xad: {  	[dreg:$0x0] =	wrdreg $0x60  }
0xae: {  	[dreg:$0x2] =	wrdreg s24  }
0xaf: {  	[dreg:$0x3] =	wrdreg s2  }
0xb0: {  	[dreg:$0x4] =	wrdreg $0x9  }
0xb1: {  	_ =	task.clear_ibuf [dreg:s7], $0x5FFFF;
	_ =	strace $0x90000046  }
0xb2: {  	s29 =	simm.s32 $0x9;
	_ =	strace $0x80000048  }
0xb3: {  	_ =	swait.ge [sflag:s29], $0x1  }
0xb4: {  	[sflag:s29] =	ssyncadd.s32 $0xFFFFFFFF  }
0xb5: {  	_ =	strace $0x90000048  }
0xb6: {  	_ =	sfence  }
0xb7: {  	s30 =	sld [smem:$0x0];
	_ =	sdelay $0x2  }
0xb8: {  	s31 =	sshll.u32 s1, $0xD;
	s1 =	sshrl.u32 s1, $0x2  }
0xb9: {  	s3 =	sand.u32 $0x4000, s31;
	s1 =	sadd.s32 s1, s30  }
0xba: {  	s0 =	sor.u32 s3, s0;
	s1 =	sshll.u32 s1, $0x11  }
0xbb: {  	s0 =	sor.u32 s1, s0  }
0xbc: {  	s0 =	sadd.s32 $0x8F2B, s0  }
0xbd: {  	[sflag:s0] =	ssyncadd.remote.s32 $0x1  }
0xbe: {  	_ =	sfence.sel $0xFFFF  }
0xbf: {  	[dreg:$0x0] =	wrdreg $0xFFFFFFFF;
	(pc) =	sbr.abs _section_cstart, $3  }
0xc0: {  	[dreg:$0x1] =	wrdreg $0xFFFFFFFF  }
0xc1: {  	_ =	task.clear_ibuf [dreg:s7], $0x2FFFF;
	_ =	strace $0x9FFFFFFF  }
0xc2: {  	(tm) =	ssettm $0x7FFFFFFF  }
0xc3: {  	_ =	shalt  }
tec
execute0_lowered:
.L_overlay_start_1:
0x0: {  	(tag) =	ssettag $0x1  }
0x1: {  	s15 =	rddreg [dreg:$0x0]  }
0x2: {  	s2 =	rddreg [dreg:$0x1];
	s3 =	simm.s32 $0x0  }
0x3: {  	s0 =	srdreg.scid;
	s6 =	stileid.u32;
	s21 =	simm.s32 $0x3  }
0x4: {  	s22 =	simm.s32 $0x640;
	s23 =	simm.s32 $0xC80;
	s28 =	simm.s32 $0x12000  }
0x5: {  	s29 =	simm.s32 $0x16000;
	s30 =	simm.s32 $0x1F80;
	s31 =	simm.s32 $0x2  }
0x6: {  	[smem:$0x7FF] =	sst s3;
	s4 =	sadd.s32 $0x7A400, s15;
	s5 =	sadd.s32 $0x3D200, s15  }
0x7: {  	s7 =	sadd.s32 $0xB7600, s15;
	s1 =	sadd.s32 $0xF4800, s15;
	s0 =	sand.u32 $0x1, s0  }
0x8: {  	s26 =	sadd.s32 $0xF4A00, s15;
	s10 =	ssub.s32 $0x4F1, s6;
	s11 =	sshll.u32 s6, $0x1  }
0x9: {  	s14 =	sshrl.u32 s6, $0x2;
	_ =	strace $0x80000047;
	[dreg:$0x3] =	wrdreg s1  }
0xa: {  	s8 =	ssub.s32 $0x2, s0;
	s11 =	sor.u32 s0, s11;
	[dreg:$0x4] =	wrdreg s14  }
0xb: {  	s9 =	sshrl.u32 s8, $0x1;
	s16 =	sshll.u32 s11, $0xD;
	s12 =	sshll.u32 s11, $0x10  }
0xc: {  	s17 =	sor.u32 $0x20, s11;
	s14 =	sor.u32 $0x40, s11;
	s11 =	sor.u32 $0x60, s11  }
0xd: {  	s8 =	ssub.s32 s8, s9;
	s9 =	sshrl.u32 s10, $0x4;
	s10 =	smul.u32 $0x1EC480, s0  }
0xe: {  	s0 =	sadd.s32 s26, s16;
	s13 =	sshrl.u32 s17, $0x3;
	s18 =	sshll.u32 s17, $0xD  }
0xf: {  	s19 =	sshrl.u32 s14, $0x3;
	s20 =	sshll.u32 s14, $0x10;
	[dreg:$0x5] =	wrdreg s0  }
0x10: {  	s14 =	sshll.u32 s14, $0xD;
	s24 =	sshrl.u32 s11, $0x3;
	[dreg:$0x6] =	wrdreg s13  }
0x11: {  	s25 =	sshll.u32 s11, $0xD;
	s11 =	sshll.u32 s11, $0x10;
	[dreg:$0x8] =	wrdreg s19  }
.Ltmp0:
0x12: {  	s13 =	sadd.s32 s26, s18;
	[dreg:$0xa] =	wrdreg s24;
	(pc) =	sbr.rel .LBB2_1-.Ltmp0, $4  }
0x13: {  	s0 =	sshll.u32 s17, $0x10;
	s14 =	sadd.s32 s26, s14;
	[dreg:$0x7] =	wrdreg s13  }
0x14: {  	v4 =	vimm.f32 $0.0e+00;
	s1 =	sadd.s32 s26, s25;
	s26 =	smax.u32 s8, $0x1;
	[dreg:$0x9] =	wrdreg s14  }
0x15: {  	v5 =	vimm.s32 $0x10000;
	v6 =	vimm.f32 $1.000000000e+00;
	v0 =	vmov s12;
	s24 =	simm.s32 $0x12C0;
	s25 =	simm.s32 $0x1A000;
	[dreg:$0xb] =	wrdreg s1  }
0x16: {  	v2 =	vmov s20;
	v3 =	vmov s11;
	[dreg:$0xc] =	wrdreg s26;
	v1 =	vmov s0;
	s26 =	simm.s32 $0x1;
	s1 =	simm.s32 $0x0  }
.LBB2_137:
0x17: {  	_ =	swait.ge [sflag:s26], $0x4000  }
0x18: {  	[sflag:s26] =	ssyncset.done $0x0  }
0x19: {  	s0 =	rddreg [dreg:$0xb];
	[sflag:s26] =	ssyncadd.s32 $0xFFFFC000  }
0x1a: {  	[hbm4b:s0+s3] =	stream.linear.scatter [tilespmem:s30], [sflag:$0x3], $0x10000, $0x38;
	[tilespmem:$0x1E100] =	vst v63  }
0x1b: {  	_ =	swait.ge [sflag:s21], $0x10000  }
0x1c: {  	s1 =	rddreg [dreg:$0xd]  }
0x1d: {  	s20 =	rddreg [dreg:$0xc];
	s1 =	sadd.s32 $0x1, s1  }
0x1e: {  	p0 =	sne.s32 s1, s20  }
.Ltmp1:
0x1f: {  	_ = 	snop;
	(pc) =	sbr.rel @!p0 .LBB2_138-.Ltmp1, $4  }
0x20: {  	_ = 	snop  }
0x21: {  	[sflag:s21] =	ssyncset.done $0x0  }
0x22: {  	[sflag:s21] =	ssyncadd.s32 $0xFFFF0000  }
0x23: {  	s15 =	rddreg [dreg:$0x0]  }
.LBB2_1:
0x24: {  	[dreg:$0xd] =	wrdreg s1  }
0x25: {  	s0 =	rddreg [dreg:$0x3];
	s20 =	simm.s32 $0x1E080  }
0x26: {  	[tilespmem:s20], [sflag:$0x3] =	stream.linear.gather [hbm4b:s0+s3], $0x80, $0x38;
	[tilespmem:$0x1E100] =	vst v63  }
0x27: {  	_ =	swait.ge [sflag:s21], $0x80  }
0x28: {  	[sflag:s21] =	ssyncset.done $0x0  }
0x29: {  	s8 =	simm.s32 $0x0;
	[sflag:s21] =	ssyncadd.s32 $0xFFFFFF80  }
.LBB2_2:
0x2a: {  	s0 =	sshll.u32 s8, $0x4  }
0x2b: {  	s0 =	sor.u32 s6, s0  }
0x2c: {  	s11 =	smul.u32 $0x640, s0;
	_ =	sdelay $0x1  }
0x2d: {  	s0 =	sshrl.u32 s11, $0x3  }
0x2e: {  	s12 =	simm.s32 $0x0;
	s1 =	sadd.s32 s15, s0  }
0x2f: {  	[tilespmem:s12], [sflag:$0x3] =	stream.linear.gather [hbm4b:s1+s12], $0x640, $0x38;
	[tilespmem:$0x1E100] =	vst v63  }
0x30: {  	_ =	swait.ge [sflag:s21], $0x640  }
0x31: {  	[sflag:s21] =	ssyncset.done $0x0  }
0x32: {  	s18 =	sadd.s32 s4, s0;
	[sflag:s21] =	ssyncadd.s32 $0xFFFFF9C0  }
0x33: {  	[tilespmem:s22], [sflag:$0x3] =	stream.linear.gather [hbm4b:s18+s12], $0x640, $0x38;
	[tilespmem:$0x1E100] =	vst v63  }
0x34: {  	_ =	swait.ge [sflag:s21], $0x640  }
0x35: {  	[sflag:s21] =	ssyncset.done $0x0  }
0x36: {  	s19 =	sadd.s32 s5, s0;
	[sflag:s21] =	ssyncadd.s32 $0xFFFFF9C0  }
0x37: {  	[tilespmem:s23], [sflag:$0x3] =	stream.linear.gather [hbm4b:s19+s12], $0x640, $0x38;
	[tilespmem:$0x1E100] =	vst v63  }
0x38: {  	_ =	swait.ge [sflag:s21], $0x640  }
0x39: {  	[sflag:s21] =	ssyncset.done $0x0  }
0x3a: {  	s0 =	sadd.s32 s7, s0;
	[sflag:s21] =	ssyncadd.s32 $0xFFFFF9C0  }
0x3b: {  	[tilespmem:s24], [sflag:$0x3] =	stream.linear.gather [hbm4b:s0+s12], $0x640, $0x38;
	[tilespmem:$0x1E100] =	vst v63  }
0x3c: {  	_ =	swait.ge [sflag:s21], $0x640  }
0x3d: {  	[sflag:s21] =	ssyncset.done $0x0  }
0x3e: {  	[sflag:s21] =	ssyncadd.s32 $0xFFFFF9C0  }
0x3f: {  	v7 =	vld [tilespmem:s12+$0x0]  }
0x40: {  	s20 =	sand.u32 $0x7F0, s12;
	v8 =	vld [tilespmem:s12+$0x640]  }
0x41: {  	v9 =	vld [tilespmem:s20+$0xC80]  }
0x42: {  	v10 =	vld [tilespmem:s12+$0x12C0];
	_ =	sdelay $0x2  }
0x43: {  	v7 =	vtrunc.f32 v7  }
0x44: {  	v8 =	vtrunc.f32 v8;
	v9 =	vtrunc.f32 v9  }
0x45: {  	v10 =	vtrunc.f32 v10;
	v8 =	vcvt.f32.s32 v8  }
0x46: {  	v7 =	vcvt.f32.s32 v7;
	v9 =	vcvt.f32.s32 v9  }
0x47: {  	v10 =	vcvt.f32.s32 v10;
	v8 =	vshll.u32 v8, $0x9  }
0x48: {  	v7 =	vadd.s32 v7, v8;
	v8 =	vshll.u32 v9, $0x12  }
0x49: {  	v7 =	vadd.s32 v8, v7;
	v8 =	vshll.u32 v10, $0x13  }
0x4a: {  	s13 =	simm.s32 $0x1A000;
	s14 =	simm.s32 $0x10;
	v7 =	vadd.s32 v8, v7  }
.LBB2_3:
0x4b: {  	p0 =	sne.s32 s14, $0x630;
	[tilespmem:s13+$0x0] =	vst v7;
	s12 =	sadd.s32 $0x10, s12;
	s13 =	sadd.s32 $0x10, s13  }
0x4c: {  	s0 =	smov.u32 s14;
	s14 =	sadd.s32 $0x10, s14;
	v7 =	vld [tilespmem:s12+$0x0]  }
0x4d: {  	s0 =	sand.u32 $0x7F0, s0;
	v8 =	vld [tilespmem:s12+$0x640]  }
0x4e: {  	v9 =	vld [tilespmem:s0+$0xC80]  }
0x4f: {  	v10 =	vld [tilespmem:s12+$0x12C0];
	_ =	sdelay $0x1  }
0x50: {  	v7 =	vtrunc.f32 v7  }
0x51: {  	v7 =	vcvt.f32.s32 v7;
	v8 =	vtrunc.f32 v8  }
0x52: {  	v8 =	vcvt.f32.s32 v8;
	v9 =	vtrunc.f32 v9  }
.Ltmp2:
0x53: {  	v9 =	vcvt.f32.s32 v9;
	v10 =	vtrunc.f32 v10;
	(pc) =	sbr.rel @p0 .LBB2_3-.Ltmp2, $4  }
0x54: {  	v10 =	vcvt.f32.s32 v10;
	v8 =	vshll.u32 v8, $0x9  }
0x55: {  	v7 =	vadd.s32 v7, v8;
	v8 =	vshll.u32 v9, $0x12  }
0x56: {  	v7 =	vadd.s32 v8, v7;
	v8 =	vshll.u32 v10, $0x13  }
0x57: {  	v7 =	vadd.s32 v8, v7  }
0x58: {  	s0 =	sadd.s32 s10, s11;
	s8 =	sadd.s32 $0x1, s8  }
0x59: {  	s0 =	sshrl.u32 s0, $0x3;
	p0 =	sne.s32 s8, s9  }
.Ltmp3:
0x5a: {  	[tilespmem:s13+$0x0] =	vst v7;
	s0 =	sadd.s32 s2, s0;
	(pc) =	sbr.rel @p0 .LBB2_2-.Ltmp3, $4  }
0x5b: {  	[hbm4b:s0+s3] =	stream.linear.scatter [tilespmem:s25], [sflag:$0x3], $0x640, $0x38;
	[tilespmem:$0x1E100] =	vst v63  }
0x5c: {  	_ =	swait.ge [sflag:s21], $0x640  }
0x5d: {  	[sflag:s21] =	ssyncset.done $0x0  }
0x5e: {  	[sflag:s21] =	ssyncadd.s32 $0xFFFFF9C0  }
0x5f: {  	[bflag:$0x0] =	sbarrier.arrive $0xFFFF  }
0x60: {  	s8 =	simm.s32 $0x1FC0;
	s0 =	rddreg [dreg:$0x4]  }
0x61: {  	v7 =	vld [tilespmem:s0+$0x1E080];
	[tilespmem:s8+$0xFFFFFFC0] =	vst v4  }
0x62: {  	[tilespmem:s8+$0x30] =	vst v4  }
0x63: {  	[tilespmem:s8+$0x20] =	vst v4  }
0x64: {  	[tilespmem:s8+$0x10] =	vst v4  }
0x65: {  	[tilespmem:s8+$0x0] =	vst v4  }
0x66: {  	[tilespmem:s8+$0xFFFFFFF0] =	vst v4  }
0x67: {  	s0 =	simm.s32 $0x0;
	[tilespmem:s8+$0xFFFFFFE0] =	vst v4  }
.LBB2_6:
0x68: {  	s0 =	sadd.s32 $0x8, s0;
	[tilespmem:s8+$0xFFFFFFD0] =	vst v4;
	s8 =	sadd.s32 $0x80, s8  }
0x69: {  	[tilespmem:s8+$0xFFFFFFC0] =	vst v4;
	p0 =	slt.u32 s0, $0xFF8  }
0x6a: {  	[tilespmem:s8+$0x30] =	vst v4  }
.Ltmp4:
0x6b: {  	[tilespmem:s8+$0x20] =	vst v4;
	(pc) =	sbr.rel @p0 .LBB2_6-.Ltmp4, $4  }
0x6c: {  	[tilespmem:s8+$0x10] =	vst v4  }
0x6d: {  	[tilespmem:s8+$0x0] =	vst v4  }
0x6e: {  	[tilespmem:s8+$0xFFFFFFF0] =	vst v4  }
0x6f: {  	[tilespmem:s8+$0xFFFFFFE0] =	vst v4  }
0x70: {  	(v2sf) =	vpush v7, $0x0;
	_ =	sdelay $0x6  }
0x71: {  	(v2sf) =	vpush v7, $0x1;
	_ =	sdelay $0x7  }
0x72: {  	s0 =	spop (v2sf)  }
0x73: {  	s1 =	sand.u32 $0xF, s0  }
0x74: {  	s11 =	sshra.s32 s0, $0x1F;
	p0 =	slt.s32 s0, $0x1;
	p1 =	sne.s32 s1, $0x0  }
0x75: {  	s14 =	sshrl.u32 s11, $0x1C;
	p0 =	por !p0, !p1  }
0x76: {  	s1 =	simm.s32 $0x1;
	s0 =	sadd.s32 s14, s0;
	p0 =	por !p0, !p0  }
0x77: {  	s0 =	sshrl.u32 s0, $0x4;
	s1 =	simm.s32 @!p0 $0x0  }
0x78: {  	s0 =	ssub.s32 s0, s1  }
0x79: {  	s15 =	spop (v2sf);
	s20 =	sshll.u32 s0, $0x4  }
0x7a: {  	s0 =	ssub.s32 s15, s20  }
0x7b: {  	s0 =	sadd.s32 $0xF, s0  }
0x7c: {  	s16 =	sand.u32 $0xF, s0  }
0x7d: {  	s17 =	sshra.s32 s0, $0x1F;
	p2 =	slt.s32 s0, $0x1;
	p3 =	sne.s32 s16, $0x0  }
0x7e: {  	s18 =	sshrl.u32 s17, $0x1C;
	p0 =	por !p2, !p3  }
0x7f: {  	s1 =	simm.s32 $0x1;
	s0 =	sadd.s32 s18, s0;
	p0 =	por !p0, !p0  }
0x80: {  	s13 =	sshra.s32 s0, $0x4;
	s1 =	simm.s32 @!p0 $0x0  }
0x81: {  	s15 =	ssub.s32 s13, s1  }
0x82: {  	s19 =	sadd.s32 $0x3FF, s15  }
0x83: {  	s12 =	sand.u32 $0x3FF, s19  }
0x84: {  	p4 =	slt.s32 s15, $0xFFFFFC02;
	s11 =	sshra.s32 s19, $0x1F;
	p2 =	sne.s32 s12, $0x0  }
0x85: {  	s1 =	sshrl.u32 s11, $0x16;
	p1 =	por !p4, !p2  }
0x86: {  	s0 =	sadd.s32 s1, s19;
	s1 =	simm.s32 $0x1;
	p1 =	por !p1, !p1  }
0x87: {  	s0 =	sshra.s32 s0, $0xA;
	s1 =	simm.s32 @!p1 $0x0  }
0x88: {  	s0 =	ssub.s32 s0, s1  }
0x89: {  	s17 =	sadd.s32 $0x1, s0  }
0x8a: {  	p3 =	slt.s32 s20, $0x1E8480;
	s18 =	sand.u32 $0x1, s17  }
0x8b: {  	s11 =	smov.u32 s20;
	p5 =	slt.s32 s0, $0x0;
	p6 =	seq.s32 s18, $0x1  }
0x8c: {  	s11 =	simm.s32 @!p3 $0x1E8480;
	s19 =	sshrl.u32 s17, $0x1F;
	p1 =	por !p5, !p6  }
0x8d: {  	s1 =	simm.s32 $0x1;
	s0 =	sadd.s32 s19, s17;
	p1 =	por !p1, !p1  }
0x8e: {  	s11 =	sadd.s32 s10, s11;
	s0 =	sshra.s32 s0, $0x1;
	s1 =	simm.s32 @!p1 $0x0  }
0x8f: {  	s14 =	sshrl.u32 s11, $0x3;
	s11 =	ssub.s32 s0, s1  }
0x90: {  	p1 =	slt.s32 s11, $0x1  }
.Ltmp5:
0x91: {  	_ = 	snop;
	(pc) =	sbr.rel @p1 .LBB2_38-.Ltmp5, $4  }
0x92: {  	_ = 	snop  }
0x93: {  	[tilespmem:s8+$0xFFFFFFD0] =	vst v4  }
0x94: {  	[tilespmem:$0x11F80] =	vst v4;
	s16 =	sadd.s32 s2, s14  }
0x95: {  	[tilespmem:s28], [sflag:$0x1] =	stream.linear.gather [hbm4b:s16+s3], $0x4000, $0x38;
	[tilespmem:$0x1E100] =	vst v63  }
.Ltmp6:
0x96: {  	(pc) =	sbr.rel .LBB2_9-.Ltmp6, $4  }
0x97: {  	s0 =	simm.s32 $0xFFFFFFFF  }
0x98: {  	s0 =	simm.s32 @!p0 $0x0  }
0x99: {  	s12 =	sadd.s32 $0x8000, s20;
	s14 =	simm.s32 $0x0;
	s0 =	sadd.s32 s0, s13  }
0x9a: {  	s8 =	smov.u32 s15;
	s16 =	simm.s32 $0x0;
	s13 =	sadd.s32 $0xFFFFFC00, s0  }
.LBB2_37:
0x9b: {  	s16 =	sadd.s32 $0x1, s16  }
0x9c: {  	p0 =	sne.s32 s16, s11  }
.Ltmp7:
0x9d: {  	_ = 	snop;
	(pc) =	sbr.rel @!p0 .LBB2_38-.Ltmp7, $2  }
0x9e: {  	_ =	sdelay $0x2  }
0x9f: {  	s8 =	sadd.s32 $0xFFFFF800, s8;
	s13 =	sadd.s32 $0xFFFFF800, s13  }
.LBB2_9:
0xa0: {  	s17 =	sshllo.u32 s16, $0x1  }
0xa1: {  	s0 =	sshll.u32 s17, $0xE  }
0xa2: {  	s0 =	sadd.s32 s20, s0  }
0xa3: {  	p0 =	slt.s32 s0, $0x1E8480  }
0xa4: {  	s0 =	simm.s32 @!p0 $0x1E8480  }
0xa5: {  	s0 =	sadd.s32 s10, s0  }
0xa6: {  	s0 =	sshrl.u32 s0, $0x3  }
0xa7: {  	s19 =	sshll.u32 s16, $0xB;
	s0 =	sadd.s32 s2, s0  }
0xa8: {  	[tilespmem:s29], [sflag:$0x2] =	stream.linear.gather [hbm4b:s0+s14], $0x4000, $0x38;
	[tilespmem:$0x1E100] =	vst v63  }
0xa9: {  	s0 =	ssub.s32 s15, s19  }
0xaa: {  	p0 =	slt.s32 s0, $0x1  }
.Ltmp8:
0xab: {  	_ = 	snop;
	(pc) =	sbr.rel @p0 .LBB2_16-.Ltmp8, $4  }
0xac: {  	_ = 	snop  }
0xad: {  	_ =	swait.ge [sflag:s26], $0x4000  }
0xae: {  	[sflag:s26] =	ssyncset.done $0x0  }
0xaf: {  	s0 =	simm.s32 $0x0;
	[sflag:s26] =	ssyncadd.s32 $0xFFFFC000  }
0xb0: {  	p0 =	sgt.s32 s8, $0x1;
	s0 =	smov.u32 s8  }
0xb1: {  	s0 =	simm.s32 @!p0 $0x1  }
0xb2: {  	s0 =	smin.u32 s0, $0x400  }
0xb3: {  	s0 =	sshll.u32 s0, $0x6  }
0xb4: {  	p1 =	sne.s32 s0, $0x40  }
.Ltmp9:
0xb5: {  	_ = 	snop;
	(pc) =	sbr.rel @!p1 .LBB2_11-.Ltmp9, $3  }
0xb6: {  	_ =	sdelay $0x1  }
0xb7: {  	s1 =	simm.s32 $0x12000  }
0xb8: {  	v7 =	vld [tilespmem:s1+$0x0];
	p0 =	por $0x0, $0x0;
	s0 =	sadd.s32 $0xFFFFFFC0, s0  }
0xb9: {  	_ =	sdelay $0x3  }
0xba: {  	v7 =	vsub.s32 v7, v0  }
0xbb: {  	vm0 =	vlt.u32 v7, $0x10000  }
0xbc: {  	v8 =	vmpcnt.ones.xlane vm0;
	_ =	sdelay $0x1  }
0xbd: {  	(v2sf) =	vpush v8, $0x0;
	_ =	sdelay $0x1  }
0xbe: {  	p1 =	sne.s32 s0, $0x40  }
.Ltmp10:
0xbf: {  	_ = 	snop;
	(pc) =	sbr.rel @!p1 .LBB2_13-.Ltmp10, $3  }
0xc0: {  	_ =	sdelay $0x1  }
0xc1: {  	s19 =	simm.s32 $0x12010;
	[tilespmem:s14+$0x1A000] =	vst.msk vm0, v7  }
0xc2: {  	s0 =	sadd.s32 $0xFFFFFFC0, s0;
	p0 =	por $0x1, $0x1;
	s18 =	simm.s32 $0x0;
	v7 =	vld [tilespmem:s19+$0x0]  }
.LBB2_14:
0xc3: {  	p1 =	sne.s32 s0, $0x40;
	_ =	sdelay $0x3  }
0xc4: {  	v7 =	vsub.s32 v7, v0  }
0xc5: {  	vm0 =	vlt.u32 v7, $0x10000  }
0xc6: {  	v8 =	vmpcnt.ones.xlane vm0  }
0xc7: {  	s1 =	spop (v2sf)  }
0xc8: {  	(v2sf) =	vpush v8, $0x0;
	s18 =	sadd.s32 s18, s1  }
0xc9: {  	[tilespmem:s18+$0x1A000] =	vst.msk vm0, v7;
	_ =	sdelay $0x1  }
.Ltmp11:
0xca: {  	(pc) =	sbr.rel @p1 .LBB2_14-.Ltmp11, $3  }
0xcb: {  	_ =	sdelay $0x1  }
0xcc: {  	s19 =	sadd.s32 $0x10, s19  }
0xcd: {  	s0 =	sadd.s32 $0xFFFFFFC0, s0;
	v7 =	vld [tilespmem:s19+$0x0]  }
.LBB2_15:
0xce: {  	_ =	sdelay $0x3  }
0xcf: {  	v7 =	vsub.s32 v7, v0  }
0xd0: {  	vm0 =	vlt.u32 v7, $0x10000  }
0xd1: {  	v8 =	vmpcnt.ones.xlane vm0;
	_ =	sdelay $0x1  }
0xd2: {  	(v2sf) =	vpush v8, $0x0;
	_ =	sdelay $0xc  }
0xd3: {  	s0 =	spop @p0 (v2sf)  }
0xd4: {  	s1 =	simm.s32 $0x0;
	s0 =	sadd.s32 @p0 s18, s0  }
0xd5: {  	s1 =	smov.u32 @p0 s0;
	s19 =	spop (v2sf)  }
0xd6: {  	[tilespmem:s1+$0x1A000] =	vst.msk vm0, v7;
	s0 =	sadd.s32 s1, s19  }
.LBB2_16:
0xd7: {  	s1 =	sadd.s32 $0xF, s0  }
0xd8: {  	s18 =	sand.u32 $0xF, s1  }
0xd9: {  	s19 =	sshra.s32 s1, $0x1F;
	p1 =	slt.s32 s1, $0x1;
	p0 =	sne.s32 s18, $0x0  }
0xda: {  	s18 =	sshrl.u32 s19, $0x1C;
	p0 =	por !p1, !p0  }
0xdb: {  	s1 =	sadd.s32 s18, s1;
	s18 =	simm.s32 $0x1;
	p0 =	por !p0, !p0  }
0xdc: {  	s1 =	sshra.s32 s1, $0x4;
	s18 =	simm.s32 @!p0 $0x0  }
0xdd: {  	s18 =	ssub.s32 s1, s18  }
0xde: {  	s1 =	sshrl.u32 s18, $0x1E  }
0xdf: {  	s1 =	sadd.s32 s1, s18  }
0xe0: {  	s19 =	sand.u32 $0xFFFFFFFC, s1  }
0xe1: {  	p0 =	slt.s32 s19, $0x1  }
.Ltmp12:
0xe2: {  	_ = 	snop;
	(pc) =	sbr.rel @p0 .LBB2_20-.Ltmp12, $2  }
0xe3: {  	_ =	sdelay $0x2  }
0xe4: {  	[tilespmem:s0+$0x1A000] =	vst v5  }
0xe5: {  	s0 =	simm.s32 $0x1A020  }
0xe6: {  	v10 =	vld [tilespmem:s0+$0x10];
	_ =	sdelay $0x2  }
0xe7: {  	p0 =	sgt.s32 s19, $0x4  }
.Ltmp13:
0xe8: {  	_ = 	snop;
	(pc) =	sbr.rel @!p0 .LBB2_19-.Ltmp13, $4  }
0xe9: {  	v9 =	vld [tilespmem:s0+$0xFFFFFFE0]  }
0xea: {  	v7 =	vld [tilespmem:s0+$0xFFFFFFF0]  }
0xeb: {  	v8 =	vld [tilespmem:s0+$0x0]  }
0xec: {  	s1 =	simm.s32 $0x1A060;
	s0 =	simm.s32 $0x4;
	[tilespmem:v10+s30+$0x0] =	vst.idx.add.f32.msk $0xffff, v6  }
.LBB2_18:
0xed: {  	v10 =	vld [tilespmem:s1+$0x10];
	s0 =	sadd.s32 $0x4, s0  }
0xee: {  	v11 =	vld [tilespmem:s1+$0xFFFFFFF0];
	p0 =	slt.s32 s0, s19  }
0xef: {  	v12 =	vld [tilespmem:s1+$0x0]  }
0xf0: {  	v13 =	vld [tilespmem:s1+$0xFFFFFFE0]  }
.Ltmp14:
0xf1: {  	[tilespmem:v9+s30+$0x0] =	vst.idx.add.f32.msk $0xffff, v6;
	(pc) =	sbr.rel @p0 .LBB2_18-.Ltmp14, $4  }
0xf2: {  	[tilespmem:v7+s30+$0x0] =	vst.idx.add.f32.msk $0xffff, v6  }
0xf3: {  	[tilespmem:v8+s30+$0x0] =	vst.idx.add.f32.msk $0xffff, v6;
	v7 =	vmov v11  }
0xf4: {  	v8 =	vmov v12  }
0xf5: {  	s1 =	sadd.s32 $0x40, s1;
	[tilespmem:v10+s30+$0x0] =	vst.idx.add.f32.msk $0xffff, v6;
	v9 =	vmov v13  }
.LBB2_19:
0xf6: {  	_ =	sdelay $0x4  }
0xf7: {  	[tilespmem:v9+s30+$0x0] =	vst.idx.add.f32.msk $0xffff, v6  }
0xf8: {  	[tilespmem:v7+s30+$0x0] =	vst.idx.add.f32.msk $0xffff, v6  }
0xf9: {  	[tilespmem:v8+s30+$0x0] =	vst.idx.add.f32.msk $0xffff, v6  }
.LBB2_20:
0xfa: {  	s0 =	ssub.s32 s18, s19  }
0xfb: {  	p0 =	slt.s32 s0, $0x1  }
.Ltmp15:
0xfc: {  	_ = 	snop;
	(pc) =	sbr.rel @p0 .LBB2_23-.Ltmp15, $1  }
0xfd: {  	_ =	sdelay $0x3  }
0xfe: {  	s0 =	sshll.u32 s19, $0x6  }
0xff: {  	s0 =	sshra.s32 s0, $0x2  }
0x100: {  	s0 =	sadd.s32 $0x1A000, s0  }
.LBB2_22:
0x101: {  	v7 =	vld [tilespmem:s0+$0x0];
	_ =	sdelay $0x1  }
0x102: {  	s19 =	sadd.s32 $0x1, s19  }
0x103: {  	p0 =	slt.s32 s19, s18  }
.Ltmp16:
0x104: {  	_ = 	snop;
	(pc) =	sbr.rel @p0 .LBB2_22-.Ltmp16, $2  }
0x105: {  	_ =	sdelay $0x2  }
0x106: {  	s0 =	sadd.s32 $0x10, s0;
	[tilespmem:v7+s30+$0x0] =	vst.idx.add.f32.msk $0xffff, v6  }
.LBB2_23:
0x107: {  	s0 =	sshll.u32 s16, $0xF  }
0x108: {  	s0 =	sadd.s32 s0, s12  }
0x109: {  	p0 =	slt.s32 s0, $0x1E8480  }
0x10a: {  	s0 =	simm.s32 @!p0 $0x1E8480  }
0x10b: {  	s0 =	sadd.s32 s10, s0  }
0x10c: {  	s0 =	sshrl.u32 s0, $0x3  }
0x10d: {  	s18 =	simm.s32 $0x0;
	s19 =	sshll.u32 s17, $0xA;
	s0 =	sadd.s32 s2, s0  }
0x10e: {  	[tilespmem:s28], [sflag:$0x1] =	stream.linear.gather [hbm4b:s0+s18], $0x4000, $0x38;
	[tilespmem:$0x1E100] =	vst v63  }
0x10f: {  	s0 =	ssub.s32 s15, s19  }
0x110: {  	p0 =	slt.s32 s0, $0x1  }
.Ltmp17:
0x111: {  	_ = 	snop;
	(pc) =	sbr.rel @p0 .LBB2_30-.Ltmp17, $4  }
0x112: {  	_ = 	snop  }
0x113: {  	_ =	swait.ge [sflag:s31], $0x4000  }
0x114: {  	[sflag:s31] =	ssyncset.done $0x0  }
0x115: {  	[sflag:s31] =	ssyncadd.s32 $0xFFFFC000  }
0x116: {  	p0 =	sgt.s32 s13, $0x1;
	s0 =	smov.u32 s13  }
0x117: {  	s0 =	simm.s32 @!p0 $0x1  }
0x118: {  	s0 =	smin.u32 s0, $0x400  }
0x119: {  	s0 =	sshll.u32 s0, $0x6  }
0x11a: {  	p1 =	sne.s32 s0, $0x40  }
.Ltmp18:
0x11b: {  	_ = 	snop;
	(pc) =	sbr.rel @!p1 .LBB2_25-.Ltmp18, $3  }
0x11c: {  	_ =	sdelay $0x1  }
0x11d: {  	s1 =	simm.s32 $0x16000  }
0x11e: {  	v7 =	vld [tilespmem:s1+$0x0];
	p0 =	por $0x0, $0x0;
	s0 =	sadd.s32 $0xFFFFFFC0, s0  }
0x11f: {  	_ =	sdelay $0x3  }
0x120: {  	v7 =	vsub.s32 v7, v0  }
0x121: {  	vm0 =	vlt.u32 v7, $0x10000  }
0x122: {  	v8 =	vmpcnt.ones.xlane vm0;
	_ =	sdelay $0x1  }
0x123: {  	(v2sf) =	vpush v8, $0x0;
	_ =	sdelay $0x1  }
0x124: {  	p1 =	sne.s32 s0, $0x40  }
.Ltmp19:
0x125: {  	_ = 	snop;
	(pc) =	sbr.rel @!p1 .LBB2_27-.Ltmp19, $3  }
0x126: {  	_ =	sdelay $0x1  }
0x127: {  	s19 =	simm.s32 $0x16010;
	[tilespmem:s18+$0x1A000] =	vst.msk vm0, v7  }
0x128: {  	s0 =	sadd.s32 $0xFFFFFFC0, s0;
	p0 =	por $0x1, $0x1;
	s17 =	simm.s32 $0x0;
	v7 =	vld [tilespmem:s19+$0x0]  }
.LBB2_28:
0x129: {  	p1 =	sne.s32 s0, $0x40;
	_ =	sdelay $0x3  }
0x12a: {  	v7 =	vsub.s32 v7, v0  }
0x12b: {  	vm0 =	vlt.u32 v7, $0x10000  }
0x12c: {  	v8 =	vmpcnt.ones.xlane vm0  }
0x12d: {  	s1 =	spop (v2sf)  }
0x12e: {  	(v2sf) =	vpush v8, $0x0;
	s17 =	sadd.s32 s17, s1  }
0x12f: {  	[tilespmem:s17+$0x1A000] =	vst.msk vm0, v7;
	_ =	sdelay $0x1  }
.Ltmp20:
0x130: {  	(pc) =	sbr.rel @p1 .LBB2_28-.Ltmp20, $3  }
0x131: {  	_ =	sdelay $0x1  }
0x132: {  	s19 =	sadd.s32 $0x10, s19  }
0x133: {  	s0 =	sadd.s32 $0xFFFFFFC0, s0;
	v7 =	vld [tilespmem:s19+$0x0]  }
.LBB2_29:
0x134: {  	_ =	sdelay $0x3  }
0x135: {  	v7 =	vsub.s32 v7, v0  }
0x136: {  	vm0 =	vlt.u32 v7, $0x10000  }
0x137: {  	v8 =	vmpcnt.ones.xlane vm0;
	_ =	sdelay $0x1  }
0x138: {  	(v2sf) =	vpush v8, $0x0;
	_ =	sdelay $0xc  }
0x139: {  	s0 =	spop @p0 (v2sf)  }
0x13a: {  	s0 =	sadd.s32 @p0 s17, s0  }
0x13b: {  	s18 =	smov.u32 @p0 s0;
	s19 =	spop (v2sf)  }
0x13c: {  	[tilespmem:s18+$0x1A000] =	vst.msk vm0, v7;
	s18 =	sadd.s32 s18, s19  }
.LBB2_30:
0x13d: {  	s0 =	sadd.s32 $0xF, s18  }
0x13e: {  	s1 =	sand.u32 $0xF, s0  }
0x13f: {  	s19 =	sshra.s32 s0, $0x1F;
	p1 =	slt.s32 s0, $0x1;
	p0 =	sne.s32 s1, $0x0  }
0x140: {  	s1 =	sshrl.u32 s19, $0x1C;
	p0 =	por !p1, !p0  }
0x141: {  	s0 =	sadd.s32 s1, s0;
	s1 =	simm.s32 $0x1;
	p0 =	por !p0, !p0  }
0x142: {  	s0 =	sshra.s32 s0, $0x4;
	s1 =	simm.s32 @!p0 $0x0  }
0x143: {  	s17 =	ssub.s32 s0, s1  }
0x144: {  	s0 =	sshrl.u32 s17, $0x1E  }
0x145: {  	s0 =	sadd.s32 s0, s17  }
0x146: {  	s19 =	sand.u32 $0xFFFFFFFC, s0  }
0x147: {  	p0 =	slt.s32 s19, $0x1  }
.Ltmp21:
0x148: {  	_ = 	snop;
	(pc) =	sbr.rel @p0 .LBB2_34-.Ltmp21, $2  }
0x149: {  	_ =	sdelay $0x2  }
0x14a: {  	[tilespmem:s18+$0x1A000] =	vst v5  }
0x14b: {  	s0 =	simm.s32 $0x1A020  }
0x14c: {  	v10 =	vld [tilespmem:s0+$0x10];
	_ =	sdelay $0x2  }
0x14d: {  	p0 =	sgt.s32 s19, $0x4  }
.Ltmp22:
0x14e: {  	_ = 	snop;
	(pc) =	sbr.rel @!p0 .LBB2_33-.Ltmp22, $4  }
0x14f: {  	v9 =	vld [tilespmem:s0+$0xFFFFFFE0]  }
0x150: {  	v7 =	vld [tilespmem:s0+$0xFFFFFFF0]  }
0x151: {  	v8 =	vld [tilespmem:s0+$0x0]  }
0x152: {  	s1 =	simm.s32 $0x1A060;
	s0 =	simm.s32 $0x4;
	[tilespmem:v10+s30+$0x0] =	vst.idx.add.f32.msk $0xffff, v6  }
.LBB2_32:
0x153: {  	v10 =	vld [tilespmem:s1+$0x10];
	s0 =	sadd.s32 $0x4, s0  }
0x154: {  	v11 =	vld [tilespmem:s1+$0xFFFFFFF0];
	p0 =	slt.s32 s0, s19  }
0x155: {  	v12 =	vld [tilespmem:s1+$0x0]  }
0x156: {  	v13 =	vld [tilespmem:s1+$0xFFFFFFE0]  }
.Ltmp23:
0x157: {  	[tilespmem:v9+s30+$0x0] =	vst.idx.add.f32.msk $0xffff, v6;
	(pc) =	sbr.rel @p0 .LBB2_32-.Ltmp23, $4  }
0x158: {  	[tilespmem:v7+s30+$0x0] =	vst.idx.add.f32.msk $0xffff, v6  }
0x159: {  	[tilespmem:v8+s30+$0x0] =	vst.idx.add.f32.msk $0xffff, v6;
	v7 =	vmov v11  }
0x15a: {  	v8 =	vmov v12  }
0x15b: {  	s1 =	sadd.s32 $0x40, s1;
	[tilespmem:v10+s30+$0x0] =	vst.idx.add.f32.msk $0xffff, v6;
	v9 =	vmov v13  }
.LBB2_33:
0x15c: {  	_ =	sdelay $0x4  }
0x15d: {  	[tilespmem:v9+s30+$0x0] =	vst.idx.add.f32.msk $0xffff, v6  }
0x15e: {  	[tilespmem:v7+s30+$0x0] =	vst.idx.add.f32.msk $0xffff, v6  }
0x15f: {  	[tilespmem:v8+s30+$0x0] =	vst.idx.add.f32.msk $0xffff, v6  }
.LBB2_34:
0x160: {  	s0 =	ssub.s32 s17, s19  }
0x161: {  	p0 =	slt.s32 s0, $0x1  }
.Ltmp24:
0x162: {  	_ = 	snop;
	(pc) =	sbr.rel @p0 .LBB2_37-.Ltmp24, $1  }
0x163: {  	_ =	sdelay $0x3  }
0x164: {  	s0 =	sshll.u32 s19, $0x6  }
0x165: {  	s0 =	sshra.s32 s0, $0x2  }
0x166: {  	s0 =	sadd.s32 $0x1A000, s0  }
.LBB2_36:
0x167: {  	v7 =	vld [tilespmem:s0+$0x0];
	_ =	sdelay $0x1  }
0x168: {  	s19 =	sadd.s32 $0x1, s19  }
0x169: {  	p0 =	slt.s32 s19, s17  }
.Ltmp25:
0x16a: {  	_ = 	snop;
	(pc) =	sbr.rel @p0 .LBB2_36-.Ltmp25, $2  }
0x16b: {  	_ =	sdelay $0x2  }
0x16c: {  	s0 =	sadd.s32 $0x10, s0;
	[tilespmem:v7+s30+$0x0] =	vst.idx.add.f32.msk $0xffff, v6  }
.Ltmp26:
0x16d: {  	_ = 	snop;
	(pc) =	sbr.rel .LBB2_37-.Ltmp26, $1  }
0x16e: {  	_ =	sdelay $0x3  }
.LBB2_11:
.Ltmp27:
0x16f: {  	(pc) =	sbr.rel .LBB2_15-.Ltmp27, $2  }
0x170: {  	_ =	sdelay $0x2  }
0x171: {  	s18 =	simm.s32 $0x0  }
.LBB2_25:
.Ltmp28:
0x172: {  	(pc) =	sbr.rel .LBB2_29-.Ltmp28, $2  }
0x173: {  	_ =	sdelay $0x2  }
0x174: {  	s17 =	simm.s32 $0x0  }
.LBB2_13:
.Ltmp29:
0x175: {  	(pc) =	sbr.rel .LBB2_15-.Ltmp29, $2  }
0x176: {  	_ =	sdelay $0x2  }
0x177: {  	s18 =	simm.s32 $0x0  }
.LBB2_27:
.Ltmp30:
0x178: {  	(pc) =	sbr.rel .LBB2_29-.Ltmp30, $2  }
0x179: {  	_ =	sdelay $0x2  }
0x17a: {  	s17 =	simm.s32 $0x0  }
.LBB2_38:
0x17b: {  	_ =	swait.ge [sflag:s26], $0x4000  }
0x17c: {  	[sflag:s26] =	ssyncset.done $0x0  }
0x17d: {  	s0 =	rddreg [dreg:$0x5];
	[sflag:s26] =	ssyncadd.s32 $0xFFFFC000  }
0x17e: {  	[hbm4b:s0+s3] =	stream.linear.scatter [tilespmem:s30], [sflag:$0x3], $0x10000, $0x38;
	[tilespmem:$0x1E100] =	vst v63  }
0x17f: {  	_ =	swait.ge [sflag:s21], $0x10000  }
0x180: {  	[sflag:s21] =	ssyncset.done $0x0  }
0x181: {  	s11 =	simm.s32 $0x1FC0;
	s20 =	rddreg [dreg:$0x6];
	[sflag:s21] =	ssyncadd.s32 $0xFFFF0000  }
0x182: {  	v7 =	vld [tilespmem:s20+$0x1E080];
	[tilespmem:s11+$0xFFFFFFC0] =	vst v4  }
0x183: {  	[tilespmem:s11+$0x30] =	vst v4  }
0x184: {  	[tilespmem:s11+$0x20] =	vst v4  }
0x185: {  	[tilespmem:s11+$0x10] =	vst v4  }
0x186: {  	[tilespmem:s11+$0x0] =	vst v4  }
0x187: {  	[tilespmem:s11+$0xFFFFFFF0] =	vst v4  }
0x188: {  	s0 =	simm.s32 $0x0;
	[tilespmem:s11+$0xFFFFFFE0] =	vst v4  }
.LBB2_39:
0x189: {  	s0 =	sadd.s32 $0x8, s0;
	[tilespmem:s11+$0xFFFFFFD0] =	vst v4;
	s11 =	sadd.s32 $0x80, s11  }
0x18a: {  	[tilespmem:s11+$0xFFFFFFC0] =	vst v4;
	p0 =	slt.u32 s0, $0xFF8  }
0x18b: {  	[tilespmem:s11+$0x30] =	vst v4  }
.Ltmp31:
0x18c: {  	[tilespmem:s11+$0x20] =	vst v4;
	(pc) =	sbr.rel @p0 .LBB2_39-.Ltmp31, $4  }
0x18d: {  	[tilespmem:s11+$0x10] =	vst v4  }
0x18e: {  	[tilespmem:s11+$0x0] =	vst v4  }
0x18f: {  	[tilespmem:s11+$0xFFFFFFF0] =	vst v4  }
0x190: {  	[tilespmem:s11+$0xFFFFFFE0] =	vst v4  }
0x191: {  	(v2sf) =	vpush v7, $0x0;
	_ =	sdelay $0x6  }
0x192: {  	(v2sf) =	vpush v7, $0x1;
	_ =	sdelay $0x7  }
0x193: {  	s0 =	spop (v2sf)  }
0x194: {  	s1 =	sand.u32 $0xF, s0  }
0x195: {  	s8 =	sshra.s32 s0, $0x1F;
	p0 =	slt.s32 s0, $0x1;
	p1 =	sne.s32 s1, $0x0  }
0x196: {  	s14 =	sshrl.u32 s8, $0x1C;
	p0 =	por !p0, !p1  }
0x197: {  	s1 =	simm.s32 $0x1;
	s0 =	sadd.s32 s14, s0;
	p0 =	por !p0, !p0  }
0x198: {  	s0 =	sshrl.u32 s0, $0x4;
	s1 =	simm.s32 @!p0 $0x0  }
0x199: {  	s0 =	ssub.s32 s0, s1  }
0x19a: {  	s15 =	spop (v2sf);
	s20 =	sshll.u32 s0, $0x4  }
0x19b: {  	s0 =	ssub.s32 s15, s20  }
0x19c: {  	s0 =	sadd.s32 $0xF, s0  }
0x19d: {  	s16 =	sand.u32 $0xF, s0  }
0x19e: {  	s17 =	sshra.s32 s0, $0x1F;
	p2 =	slt.s32 s0, $0x1;
	p3 =	sne.s32 s16, $0x0  }
0x19f: {  	s18 =	sshrl.u32 s17, $0x1C;
	p0 =	por !p2, !p3  }
0x1a0: {  	s1 =	simm.s32 $0x1;
	s0 =	sadd.s32 s18, s0;
	p0 =	por !p0, !p0  }
0x1a1: {  	s13 =	sshra.s32 s0, $0x4;
	s1 =	simm.s32 @!p0 $0x0  }
0x1a2: {  	s8 =	ssub.s32 s13, s1  }
0x1a3: {  	s19 =	sadd.s32 $0x3FF, s8  }
0x1a4: {  	s12 =	sand.u32 $0x3FF, s19  }
0x1a5: {  	p4 =	slt.s32 s8, $0xFFFFFC02;
	s14 =	sshra.s32 s19, $0x1F;
	p2 =	sne.s32 s12, $0x0  }
0x1a6: {  	s1 =	sshrl.u32 s14, $0x16;
	p1 =	por !p4, !p2  }
0x1a7: {  	s0 =	sadd.s32 s1, s19;
	s1 =	simm.s32 $0x1;
	p1 =	por !p1, !p1  }
0x1a8: {  	s0 =	sshra.s32 s0, $0xA;
	s1 =	simm.s32 @!p1 $0x0  }
0x1a9: {  	s0 =	ssub.s32 s0, s1  }
0x1aa: {  	s17 =	sadd.s32 $0x1, s0  }
0x1ab: {  	s18 =	sand.u32 $0x1, s17  }
0x1ac: {  	p5 =	slt.s32 s0, $0x0;
	p6 =	seq.s32 s18, $0x1  }
0x1ad: {  	s19 =	sshrl.u32 s17, $0x1F;
	p1 =	por !p5, !p6  }
0x1ae: {  	s1 =	simm.s32 $0x1;
	s0 =	sadd.s32 s19, s17;
	p1 =	por !p1, !p1  }
0x1af: {  	s0 =	sshra.s32 s0, $0x1;
	s1 =	simm.s32 @!p1 $0x0  }
0x1b0: {  	[tilespmem:s11+$0xFFFFFFD0] =	vst v4;
	s11 =	ssub.s32 s0, s1  }
0x1b1: {  	p3 =	slt.s32 s20, $0x1E8480;
	s12 =	smov.u32 s20;
	p1 =	slt.s32 s11, $0x1  }
.Ltmp32:
0x1b2: {  	s12 =	simm.s32 @!p3 $0x1E8480;
	(pc) =	sbr.rel @p1 .LBB2_71-.Ltmp32, $4  }
0x1b3: {  	s12 =	sadd.s32 s10, s12  }
0x1b4: {  	s15 =	sshrl.u32 s12, $0x3  }
0x1b5: {  	[tilespmem:$0x11F80] =	vst v4;
	s16 =	sadd.s32 s2, s15  }
0x1b6: {  	[tilespmem:s28], [sflag:$0x1] =	stream.linear.gather [hbm4b:s16+s3], $0x4000, $0x38;
	[tilespmem:$0x1E100] =	vst v63  }
.Ltmp33:
0x1b7: {  	(pc) =	sbr.rel .LBB2_42-.Ltmp33, $4  }
0x1b8: {  	s0 =	simm.s32 $0xFFFFFFFF  }
0x1b9: {  	s0 =	simm.s32 @!p0 $0x0  }
0x1ba: {  	s12 =	sadd.s32 $0x8000, s20;
	s14 =	simm.s32 $0x0;
	s0 =	sadd.s32 s0, s13  }
0x1bb: {  	s15 =	smov.u32 s8;
	s16 =	simm.s32 $0x0;
	s13 =	sadd.s32 $0xFFFFFC00, s0  }
.LBB2_70:
0x1bc: {  	s16 =	sadd.s32 $0x1, s16  }
0x1bd: {  	p0 =	sne.s32 s16, s11  }
.Ltmp34:
0x1be: {  	_ = 	snop;
	(pc) =	sbr.rel @!p0 .LBB2_71-.Ltmp34, $2  }
0x1bf: {  	_ =	sdelay $0x2  }
0x1c0: {  	s15 =	sadd.s32 $0xFFFFF800, s15;
	s13 =	sadd.s32 $0xFFFFF800, s13  }
.LBB2_42:
0x1c1: {  	s17 =	sshllo.u32 s16, $0x1  }
0x1c2: {  	s0 =	sshll.u32 s17, $0xE  }
0x1c3: {  	s0 =	sadd.s32 s20, s0  }
0x1c4: {  	p0 =	slt.s32 s0, $0x1E8480  }
0x1c5: {  	s0 =	simm.s32 @!p0 $0x1E8480  }
0x1c6: {  	s0 =	sadd.s32 s10, s0  }
0x1c7: {  	s0 =	sshrl.u32 s0, $0x3  }
0x1c8: {  	s19 =	sshll.u32 s16, $0xB;
	s0 =	sadd.s32 s2, s0  }
0x1c9: {  	[tilespmem:s29], [sflag:$0x2] =	stream.linear.gather [hbm4b:s0+s14], $0x4000, $0x38;
	[tilespmem:$0x1E100] =	vst v63  }
0x1ca: {  	s0 =	ssub.s32 s8, s19  }
0x1cb: {  	p0 =	slt.s32 s0, $0x1  }
.Ltmp35:
0x1cc: {  	_ = 	snop;
	(pc) =	sbr.rel @p0 .LBB2_49-.Ltmp35, $4  }
0x1cd: {  	_ = 	snop  }
0x1ce: {  	_ =	swait.ge [sflag:s26], $0x4000  }
0x1cf: {  	[sflag:s26] =	ssyncset.done $0x0  }
0x1d0: {  	s0 =	simm.s32 $0x0;
	[sflag:s26] =	ssyncadd.s32 $0xFFFFC000  }
0x1d1: {  	p0 =	sgt.s32 s15, $0x1;
	s0 =	smov.u32 s15  }
0x1d2: {  	s0 =	simm.s32 @!p0 $0x1  }
0x1d3: {  	s0 =	smin.u32 s0, $0x400  }
0x1d4: {  	s0 =	sshll.u32 s0, $0x6  }
0x1d5: {  	p1 =	sne.s32 s0, $0x40  }
.Ltmp36:
0x1d6: {  	_ = 	snop;
	(pc) =	sbr.rel @!p1 .LBB2_44-.Ltmp36, $3  }
0x1d7: {  	_ =	sdelay $0x1  }
0x1d8: {  	s1 =	simm.s32 $0x12000  }
0x1d9: {  	v7 =	vld [tilespmem:s1+$0x0];
	p0 =	por $0x0, $0x0;
	s0 =	sadd.s32 $0xFFFFFFC0, s0  }
0x1da: {  	_ =	sdelay $0x3  }
0x1db: {  	v7 =	vsub.s32 v7, v1  }
0x1dc: {  	vm0 =	vlt.u32 v7, $0x10000  }
0x1dd: {  	v8 =	vmpcnt.ones.xlane vm0;
	_ =	sdelay $0x1  }
0x1de: {  	(v2sf) =	vpush v8, $0x0;
	_ =	sdelay $0x1  }
0x1df: {  	p1 =	sne.s32 s0, $0x40  }
.Ltmp37:
0x1e0: {  	_ = 	snop;
	(pc) =	sbr.rel @!p1 .LBB2_46-.Ltmp37, $3  }
0x1e1: {  	_ =	sdelay $0x1  }
0x1e2: {  	s19 =	simm.s32 $0x12010;
	[tilespmem:s14+$0x1A000] =	vst.msk vm0, v7  }
0x1e3: {  	s0 =	sadd.s32 $0xFFFFFFC0, s0;
	p0 =	por $0x1, $0x1;
	s18 =	simm.s32 $0x0;
	v7 =	vld [tilespmem:s19+$0x0]  }
.LBB2_47:
0x1e4: {  	p1 =	sne.s32 s0, $0x40;
	_ =	sdelay $0x3  }
0x1e5: {  	v7 =	vsub.s32 v7, v1  }
0x1e6: {  	vm0 =	vlt.u32 v7, $0x10000  }
0x1e7: {  	v8 =	vmpcnt.ones.xlane vm0  }
0x1e8: {  	s1 =	spop (v2sf)  }
0x1e9: {  	(v2sf) =	vpush v8, $0x0;
	s18 =	sadd.s32 s18, s1  }
0x1ea: {  	[tilespmem:s18+$0x1A000] =	vst.msk vm0, v7;
	_ =	sdelay $0x1  }
.Ltmp38:
0x1eb: {  	(pc) =	sbr.rel @p1 .LBB2_47-.Ltmp38, $3  }
0x1ec: {  	_ =	sdelay $0x1  }
0x1ed: {  	s19 =	sadd.s32 $0x10, s19  }
0x1ee: {  	s0 =	sadd.s32 $0xFFFFFFC0, s0;
	v7 =	vld [tilespmem:s19+$0x0]  }
.LBB2_48:
0x1ef: {  	_ =	sdelay $0x3  }
0x1f0: {  	v7 =	vsub.s32 v7, v1  }
0x1f1: {  	vm0 =	vlt.u32 v7, $0x10000  }
0x1f2: {  	v8 =	vmpcnt.ones.xlane vm0;
	_ =	sdelay $0x1  }
0x1f3: {  	(v2sf) =	vpush v8, $0x0;
	_ =	sdelay $0xc  }
0x1f4: {  	s0 =	spop @p0 (v2sf)  }
0x1f5: {  	s1 =	simm.s32 $0x0;
	s0 =	sadd.s32 @p0 s18, s0  }
0x1f6: {  	s1 =	smov.u32 @p0 s0;
	s19 =	spop (v2sf)  }
0x1f7: {  	[tilespmem:s1+$0x1A000] =	vst.msk vm0, v7;
	s0 =	sadd.s32 s1, s19  }
.LBB2_49:
0x1f8: {  	s1 =	sadd.s32 $0xF, s0  }
0x1f9: {  	s18 =	sand.u32 $0xF, s1  }
0x1fa: {  	s19 =	sshra.s32 s1, $0x1F;
	p1 =	slt.s32 s1, $0x1;
	p0 =	sne.s32 s18, $0x0  }
0x1fb: {  	s18 =	sshrl.u32 s19, $0x1C;
	p0 =	por !p1, !p0  }
0x1fc: {  	s1 =	sadd.s32 s18, s1;
	s18 =	simm.s32 $0x1;
	p0 =	por !p0, !p0  }
0x1fd: {  	s1 =	sshra.s32 s1, $0x4;
	s18 =	simm.s32 @!p0 $0x0  }
0x1fe: {  	s18 =	ssub.s32 s1, s18  }
0x1ff: {  	s1 =	sshrl.u32 s18, $0x1E  }
0x200: {  	s1 =	sadd.s32 s1, s18  }
0x201: {  	s19 =	sand.u32 $0xFFFFFFFC, s1  }
0x202: {  	p0 =	slt.s32 s19, $0x1  }
.Ltmp39:
0x203: {  	_ = 	snop;
	(pc) =	sbr.rel @p0 .LBB2_53-.Ltmp39, $2  }
0x204: {  	_ =	sdelay $0x2  }
0x205: {  	[tilespmem:s0+$0x1A000] =	vst v5  }
0x206: {  	s0 =	simm.s32 $0x1A020  }
0x207: {  	v10 =	vld [tilespmem:s0+$0x10];
	_ =	sdelay $0x2  }
0x208: {  	p0 =	sgt.s32 s19, $0x4  }
.Ltmp40:
0x209: {  	_ = 	snop;
	(pc) =	sbr.rel @!p0 .LBB2_52-.Ltmp40, $4  }
0x20a: {  	v9 =	vld [tilespmem:s0+$0xFFFFFFE0]  }
0x20b: {  	v7 =	vld [tilespmem:s0+$0xFFFFFFF0]  }
0x20c: {  	v8 =	vld [tilespmem:s0+$0x0]  }
0x20d: {  	s1 =	simm.s32 $0x1A060;
	s0 =	simm.s32 $0x4;
	[tilespmem:v10+s30+$0x0] =	vst.idx.add.f32.msk $0xffff, v6  }
.LBB2_51:
0x20e: {  	v10 =	vld [tilespmem:s1+$0x10];
	s0 =	sadd.s32 $0x4, s0  }
0x20f: {  	v11 =	vld [tilespmem:s1+$0xFFFFFFF0];
	p0 =	slt.s32 s0, s19  }
0x210: {  	v12 =	vld [tilespmem:s1+$0x0]  }
0x211: {  	v13 =	vld [tilespmem:s1+$0xFFFFFFE0]  }
.Ltmp41:
0x212: {  	[tilespmem:v9+s30+$0x0] =	vst.idx.add.f32.msk $0xffff, v6;
	(pc) =	sbr.rel @p0 .LBB2_51-.Ltmp41, $4  }
0x213: {  	[tilespmem:v7+s30+$0x0] =	vst.idx.add.f32.msk $0xffff, v6  }
0x214: {  	[tilespmem:v8+s30+$0x0] =	vst.idx.add.f32.msk $0xffff, v6;
	v7 =	vmov v11  }
0x215: {  	v8 =	vmov v12  }
0x216: {  	s1 =	sadd.s32 $0x40, s1;
	[tilespmem:v10+s30+$0x0] =	vst.idx.add.f32.msk $0xffff, v6;
	v9 =	vmov v13  }
.LBB2_52:
0x217: {  	_ =	sdelay $0x4  }
0x218: {  	[tilespmem:v9+s30+$0x0] =	vst.idx.add.f32.msk $0xffff, v6  }
0x219: {  	[tilespmem:v7+s30+$0x0] =	vst.idx.add.f32.msk $0xffff, v6  }
0x21a: {  	[tilespmem:v8+s30+$0x0] =	vst.idx.add.f32.msk $0xffff, v6  }
.LBB2_53:
0x21b: {  	s0 =	ssub.s32 s18, s19  }
0x21c: {  	p0 =	slt.s32 s0, $0x1  }
.Ltmp42:
0x21d: {  	_ = 	snop;
	(pc) =	sbr.rel @p0 .LBB2_56-.Ltmp42, $1  }
0x21e: {  	_ =	sdelay $0x3  }
0x21f: {  	s0 =	sshll.u32 s19, $0x6  }
0x220: {  	s0 =	sshra.s32 s0, $0x2  }
0x221: {  	s0 =	sadd.s32 $0x1A000, s0  }
.LBB2_55:
0x222: {  	v7 =	vld [tilespmem:s0+$0x0];
	_ =	sdelay $0x1  }
0x223: {  	s19 =	sadd.s32 $0x1, s19  }
0x224: {  	p0 =	slt.s32 s19, s18  }
.Ltmp43:
0x225: {  	_ = 	snop;
	(pc) =	sbr.rel @p0 .LBB2_55-.Ltmp43, $2  }
0x226: {  	_ =	sdelay $0x2  }
0x227: {  	s0 =	sadd.s32 $0x10, s0;
	[tilespmem:v7+s30+$0x0] =	vst.idx.add.f32.msk $0xffff, v6  }
.LBB2_56:
0x228: {  	s0 =	sshll.u32 s16, $0xF  }
0x229: {  	s0 =	sadd.s32 s0, s12  }
0x22a: {  	p0 =	slt.s32 s0, $0x1E8480  }
0x22b: {  	s0 =	simm.s32 @!p0 $0x1E8480  }
0x22c: {  	s0 =	sadd.s32 s10, s0  }
0x22d: {  	s0 =	sshrl.u32 s0, $0x3  }
0x22e: {  	s18 =	simm.s32 $0x0;
	s19 =	sshll.u32 s17, $0xA;
	s0 =	sadd.s32 s2, s0  }
0x22f: {  	[tilespmem:s28], [sflag:$0x1] =	stream.linear.gather [hbm4b:s0+s18], $0x4000, $0x38;
	[tilespmem:$0x1E100] =	vst v63  }
0x230: {  	s0 =	ssub.s32 s8, s19  }
0x231: {  	p0 =	slt.s32 s0, $0x1  }
.Ltmp44:
0x232: {  	_ = 	snop;
	(pc) =	sbr.rel @p0 .LBB2_63-.Ltmp44, $4  }
0x233: {  	_ = 	snop  }
0x234: {  	_ =	swait.ge [sflag:s31], $0x4000  }
0x235: {  	[sflag:s31] =	ssyncset.done $0x0  }
0x236: {  	[sflag:s31] =	ssyncadd.s32 $0xFFFFC000  }
0x237: {  	p0 =	sgt.s32 s13, $0x1;
	s0 =	smov.u32 s13  }
0x238: {  	s0 =	simm.s32 @!p0 $0x1  }
0x239: {  	s0 =	smin.u32 s0, $0x400  }
0x23a: {  	s0 =	sshll.u32 s0, $0x6  }
0x23b: {  	p1 =	sne.s32 s0, $0x40  }
.Ltmp45:
0x23c: {  	_ = 	snop;
	(pc) =	sbr.rel @!p1 .LBB2_58-.Ltmp45, $3  }
0x23d: {  	_ =	sdelay $0x1  }
0x23e: {  	s1 =	simm.s32 $0x16000  }
0x23f: {  	v7 =	vld [tilespmem:s1+$0x0];
	p0 =	por $0x0, $0x0;
	s0 =	sadd.s32 $0xFFFFFFC0, s0  }
0x240: {  	_ =	sdelay $0x3  }
0x241: {  	v7 =	vsub.s32 v7, v1  }
0x242: {  	vm0 =	vlt.u32 v7, $0x10000  }
0x243: {  	v8 =	vmpcnt.ones.xlane vm0;
	_ =	sdelay $0x1  }
0x244: {  	(v2sf) =	vpush v8, $0x0;
	_ =	sdelay $0x1  }
0x245: {  	p1 =	sne.s32 s0, $0x40  }
.Ltmp46:
0x246: {  	_ = 	snop;
	(pc) =	sbr.rel @!p1 .LBB2_60-.Ltmp46, $3  }
0x247: {  	_ =	sdelay $0x1  }
0x248: {  	s19 =	simm.s32 $0x16010;
	[tilespmem:s18+$0x1A000] =	vst.msk vm0, v7  }
0x249: {  	s0 =	sadd.s32 $0xFFFFFFC0, s0;
	p0 =	por $0x1, $0x1;
	s17 =	simm.s32 $0x0;
	v7 =	vld [tilespmem:s19+$0x0]  }
.LBB2_61:
0x24a: {  	p1 =	sne.s32 s0, $0x40;
	_ =	sdelay $0x3  }
0x24b: {  	v7 =	vsub.s32 v7, v1  }
0x24c: {  	vm0 =	vlt.u32 v7, $0x10000  }
0x24d: {  	v8 =	vmpcnt.ones.xlane vm0  }
0x24e: {  	s1 =	spop (v2sf)  }
0x24f: {  	(v2sf) =	vpush v8, $0x0;
	s17 =	sadd.s32 s17, s1  }
0x250: {  	[tilespmem:s17+$0x1A000] =	vst.msk vm0, v7;
	_ =	sdelay $0x1  }
.Ltmp47:
0x251: {  	(pc) =	sbr.rel @p1 .LBB2_61-.Ltmp47, $3  }
0x252: {  	_ =	sdelay $0x1  }
0x253: {  	s19 =	sadd.s32 $0x10, s19  }
0x254: {  	s0 =	sadd.s32 $0xFFFFFFC0, s0;
	v7 =	vld [tilespmem:s19+$0x0]  }
.LBB2_62:
0x255: {  	_ =	sdelay $0x3  }
0x256: {  	v7 =	vsub.s32 v7, v1  }
0x257: {  	vm0 =	vlt.u32 v7, $0x10000  }
0x258: {  	v8 =	vmpcnt.ones.xlane vm0;
	_ =	sdelay $0x1  }
0x259: {  	(v2sf) =	vpush v8, $0x0;
	_ =	sdelay $0xc  }
0x25a: {  	s0 =	spop @p0 (v2sf)  }
0x25b: {  	s0 =	sadd.s32 @p0 s17, s0  }
0x25c: {  	s18 =	smov.u32 @p0 s0;
	s19 =	spop (v2sf)  }
0x25d: {  	[tilespmem:s18+$0x1A000] =	vst.msk vm0, v7;
	s18 =	sadd.s32 s18, s19  }
.LBB2_63:
0x25e: {  	s0 =	sadd.s32 $0xF, s18  }
0x25f: {  	s1 =	sand.u32 $0xF, s0  }
0x260: {  	s19 =	sshra.s32 s0, $0x1F;
	p1 =	slt.s32 s0, $0x1;
	p0 =	sne.s32 s1, $0x0  }
0x261: {  	s1 =	sshrl.u32 s19, $0x1C;
	p0 =	por !p1, !p0  }
0x262: {  	s0 =	sadd.s32 s1, s0;
	s1 =	simm.s32 $0x1;
	p0 =	por !p0, !p0  }
0x263: {  	s0 =	sshra.s32 s0, $0x4;
	s1 =	simm.s32 @!p0 $0x0  }
0x264: {  	s17 =	ssub.s32 s0, s1  }
0x265: {  	s0 =	sshrl.u32 s17, $0x1E  }
0x266: {  	s0 =	sadd.s32 s0, s17  }
0x267: {  	s19 =	sand.u32 $0xFFFFFFFC, s0  }
0x268: {  	p0 =	slt.s32 s19, $0x1  }
.Ltmp48:
0x269: {  	_ = 	snop;
	(pc) =	sbr.rel @p0 .LBB2_67-.Ltmp48, $2  }
0x26a: {  	_ =	sdelay $0x2  }
0x26b: {  	[tilespmem:s18+$0x1A000] =	vst v5  }
0x26c: {  	s0 =	simm.s32 $0x1A020  }
0x26d: {  	v10 =	vld [tilespmem:s0+$0x10];
	_ =	sdelay $0x2  }
0x26e: {  	p0 =	sgt.s32 s19, $0x4  }
.Ltmp49:
0x26f: {  	_ = 	snop;
	(pc) =	sbr.rel @!p0 .LBB2_66-.Ltmp49, $4  }
0x270: {  	v9 =	vld [tilespmem:s0+$0xFFFFFFE0]  }
0x271: {  	v7 =	vld [tilespmem:s0+$0xFFFFFFF0]  }
0x272: {  	v8 =	vld [tilespmem:s0+$0x0]  }
0x273: {  	s1 =	simm.s32 $0x1A060;
	s0 =	simm.s32 $0x4;
	[tilespmem:v10+s30+$0x0] =	vst.idx.add.f32.msk $0xffff, v6  }
.LBB2_65:
0x274: {  	v10 =	vld [tilespmem:s1+$0x10];
	s0 =	sadd.s32 $0x4, s0  }
0x275: {  	v11 =	vld [tilespmem:s1+$0xFFFFFFF0];
	p0 =	slt.s32 s0, s19  }
0x276: {  	v12 =	vld [tilespmem:s1+$0x0]  }
0x277: {  	v13 =	vld [tilespmem:s1+$0xFFFFFFE0]  }
.Ltmp50:
0x278: {  	[tilespmem:v9+s30+$0x0] =	vst.idx.add.f32.msk $0xffff, v6;
	(pc) =	sbr.rel @p0 .LBB2_65-.Ltmp50, $4  }
0x279: {  	[tilespmem:v7+s30+$0x0] =	vst.idx.add.f32.msk $0xffff, v6  }
0x27a: {  	[tilespmem:v8+s30+$0x0] =	vst.idx.add.f32.msk $0xffff, v6;
	v7 =	vmov v11  }
0x27b: {  	v8 =	vmov v12  }
0x27c: {  	s1 =	sadd.s32 $0x40, s1;
	[tilespmem:v10+s30+$0x0] =	vst.idx.add.f32.msk $0xffff, v6;
	v9 =	vmov v13  }
.LBB2_66:
0x27d: {  	_ =	sdelay $0x4  }
0x27e: {  	[tilespmem:v9+s30+$0x0] =	vst.idx.add.f32.msk $0xffff, v6  }
0x27f: {  	[tilespmem:v7+s30+$0x0] =	vst.idx.add.f32.msk $0xffff, v6  }
0x280: {  	[tilespmem:v8+s30+$0x0] =	vst.idx.add.f32.msk $0xffff, v6  }
.LBB2_67:
0x281: {  	s0 =	ssub.s32 s17, s19  }
0x282: {  	p0 =	slt.s32 s0, $0x1  }
.Ltmp51:
0x283: {  	_ = 	snop;
	(pc) =	sbr.rel @p0 .LBB2_70-.Ltmp51, $1  }
0x284: {  	_ =	sdelay $0x3  }
0x285: {  	s0 =	sshll.u32 s19, $0x6  }
0x286: {  	s0 =	sshra.s32 s0, $0x2  }
0x287: {  	s0 =	sadd.s32 $0x1A000, s0  }
.LBB2_69:
0x288: {  	v7 =	vld [tilespmem:s0+$0x0];
	_ =	sdelay $0x1  }
0x289: {  	s19 =	sadd.s32 $0x1, s19  }
0x28a: {  	p0 =	slt.s32 s19, s17  }
.Ltmp52:
0x28b: {  	_ = 	snop;
	(pc) =	sbr.rel @p0 .LBB2_69-.Ltmp52, $2  }
0x28c: {  	_ =	sdelay $0x2  }
0x28d: {  	s0 =	sadd.s32 $0x10, s0;
	[tilespmem:v7+s30+$0x0] =	vst.idx.add.f32.msk $0xffff, v6  }
.Ltmp53:
0x28e: {  	_ = 	snop;
	(pc) =	sbr.rel .LBB2_70-.Ltmp53, $1  }
0x28f: {  	_ =	sdelay $0x3  }
.LBB2_44:
.Ltmp54:
0x290: {  	(pc) =	sbr.rel .LBB2_48-.Ltmp54, $2  }
0x291: {  	_ =	sdelay $0x2  }
0x292: {  	s18 =	simm.s32 $0x0  }
.LBB2_58:
.Ltmp55:
0x293: {  	(pc) =	sbr.rel .LBB2_62-.Ltmp55, $2  }
0x294: {  	_ =	sdelay $0x2  }
0x295: {  	s17 =	simm.s32 $0x0  }
.LBB2_46:
.Ltmp56:
0x296: {  	(pc) =	sbr.rel .LBB2_48-.Ltmp56, $2  }
0x297: {  	_ =	sdelay $0x2  }
0x298: {  	s18 =	simm.s32 $0x0  }
.LBB2_60:
.Ltmp57:
0x299: {  	(pc) =	sbr.rel .LBB2_62-.Ltmp57, $2  }
0x29a: {  	_ =	sdelay $0x2  }
0x29b: {  	s17 =	simm.s32 $0x0  }
.LBB2_71:
0x29c: {  	_ =	swait.ge [sflag:s26], $0x4000  }
0x29d: {  	[sflag:s26] =	ssyncset.done $0x0  }
0x29e: {  	s0 =	rddreg [dreg:$0x7];
	[sflag:s26] =	ssyncadd.s32 $0xFFFFC000  }
0x29f: {  	[hbm4b:s0+s3] =	stream.linear.scatter [tilespmem:s30], [sflag:$0x3], $0x10000, $0x38;
	[tilespmem:$0x1E100] =	vst v63  }
0x2a0: {  	_ =	swait.ge [sflag:s21], $0x10000  }
0x2a1: {  	[sflag:s21] =	ssyncset.done $0x0  }
0x2a2: {  	s11 =	simm.s32 $0x1FC0;
	s20 =	rddreg [dreg:$0x8];
	[sflag:s21] =	ssyncadd.s32 $0xFFFF0000  }
0x2a3: {  	v7 =	vld [tilespmem:s20+$0x1E080];
	[tilespmem:s11+$0xFFFFFFC0] =	vst v4  }
0x2a4: {  	[tilespmem:s11+$0x30] =	vst v4  }
0x2a5: {  	[tilespmem:s11+$0x20] =	vst v4  }
0x2a6: {  	[tilespmem:s11+$0x10] =	vst v4  }
0x2a7: {  	[tilespmem:s11+$0x0] =	vst v4  }
0x2a8: {  	[tilespmem:s11+$0xFFFFFFF0] =	vst v4  }
0x2a9: {  	s0 =	simm.s32 $0x0;
	[tilespmem:s11+$0xFFFFFFE0] =	vst v4  }
.LBB2_72:
0x2aa: {  	s0 =	sadd.s32 $0x8, s0;
	[tilespmem:s11+$0xFFFFFFD0] =	vst v4;
	s11 =	sadd.s32 $0x80, s11  }
0x2ab: {  	[tilespmem:s11+$0xFFFFFFC0] =	vst v4;
	p0 =	slt.u32 s0, $0xFF8  }
0x2ac: {  	[tilespmem:s11+$0x30] =	vst v4  }
.Ltmp58:
0x2ad: {  	[tilespmem:s11+$0x20] =	vst v4;
	(pc) =	sbr.rel @p0 .LBB2_72-.Ltmp58, $4  }
0x2ae: {  	[tilespmem:s11+$0x10] =	vst v4  }
0x2af: {  	[tilespmem:s11+$0x0] =	vst v4  }
0x2b0: {  	[tilespmem:s11+$0xFFFFFFF0] =	vst v4  }
0x2b1: {  	[tilespmem:s11+$0xFFFFFFE0] =	vst v4  }
0x2b2: {  	(v2sf) =	vpush v7, $0x0;
	_ =	sdelay $0x6  }
0x2b3: {  	(v2sf) =	vpush v7, $0x1;
	_ =	sdelay $0x7  }
0x2b4: {  	s0 =	spop (v2sf)  }
0x2b5: {  	s1 =	sand.u32 $0xF, s0  }
0x2b6: {  	s8 =	sshra.s32 s0, $0x1F;
	p0 =	slt.s32 s0, $0x1;
	p1 =	sne.s32 s1, $0x0  }
0x2b7: {  	s14 =	sshrl.u32 s8, $0x1C;
	p0 =	por !p0, !p1  }
0x2b8: {  	s1 =	simm.s32 $0x1;
	s0 =	sadd.s32 s14, s0;
	p0 =	por !p0, !p0  }
0x2b9: {  	s0 =	sshrl.u32 s0, $0x4;
	s1 =	simm.s32 @!p0 $0x0  }
0x2ba: {  	s0 =	ssub.s32 s0, s1  }
0x2bb: {  	s15 =	spop (v2sf);
	s20 =	sshll.u32 s0, $0x4  }
0x2bc: {  	s0 =	ssub.s32 s15, s20  }
0x2bd: {  	s0 =	sadd.s32 $0xF, s0  }
0x2be: {  	s16 =	sand.u32 $0xF, s0  }
0x2bf: {  	s17 =	sshra.s32 s0, $0x1F;
	p2 =	slt.s32 s0, $0x1;
	p3 =	sne.s32 s16, $0x0  }
0x2c0: {  	s18 =	sshrl.u32 s17, $0x1C;
	p0 =	por !p2, !p3  }
0x2c1: {  	s1 =	simm.s32 $0x1;
	s0 =	sadd.s32 s18, s0;
	p0 =	por !p0, !p0  }
0x2c2: {  	s13 =	sshra.s32 s0, $0x4;
	s1 =	simm.s32 @!p0 $0x0  }
0x2c3: {  	s8 =	ssub.s32 s13, s1  }
0x2c4: {  	s19 =	sadd.s32 $0x3FF, s8  }
0x2c5: {  	s12 =	sand.u32 $0x3FF, s19  }
0x2c6: {  	p4 =	slt.s32 s8, $0xFFFFFC02;
	s14 =	sshra.s32 s19, $0x1F;
	p2 =	sne.s32 s12, $0x0  }
0x2c7: {  	s1 =	sshrl.u32 s14, $0x16;
	p1 =	por !p4, !p2  }
0x2c8: {  	s0 =	sadd.s32 s1, s19;
	s1 =	simm.s32 $0x1;
	p1 =	por !p1, !p1  }
0x2c9: {  	s0 =	sshra.s32 s0, $0xA;
	s1 =	simm.s32 @!p1 $0x0  }
0x2ca: {  	s0 =	ssub.s32 s0, s1  }
0x2cb: {  	s17 =	sadd.s32 $0x1, s0  }
0x2cc: {  	s18 =	sand.u32 $0x1, s17  }
0x2cd: {  	p5 =	slt.s32 s0, $0x0;
	p6 =	seq.s32 s18, $0x1  }
0x2ce: {  	s19 =	sshrl.u32 s17, $0x1F;
	p1 =	por !p5, !p6  }
0x2cf: {  	s1 =	simm.s32 $0x1;
	s0 =	sadd.s32 s19, s17;
	p1 =	por !p1, !p1  }
0x2d0: {  	s0 =	sshra.s32 s0, $0x1;
	s1 =	simm.s32 @!p1 $0x0  }
0x2d1: {  	[tilespmem:s11+$0xFFFFFFD0] =	vst v4;
	s11 =	ssub.s32 s0, s1  }
0x2d2: {  	p3 =	slt.s32 s20, $0x1E8480;
	s12 =	smov.u32 s20;
	p1 =	slt.s32 s11, $0x1  }
.Ltmp59:
0x2d3: {  	s12 =	simm.s32 @!p3 $0x1E8480;
	(pc) =	sbr.rel @p1 .LBB2_104-.Ltmp59, $4  }
0x2d4: {  	s12 =	sadd.s32 s10, s12  }
0x2d5: {  	s15 =	sshrl.u32 s12, $0x3  }
0x2d6: {  	[tilespmem:$0x11F80] =	vst v4;
	s16 =	sadd.s32 s2, s15  }
0x2d7: {  	[tilespmem:s28], [sflag:$0x1] =	stream.linear.gather [hbm4b:s16+s3], $0x4000, $0x38;
	[tilespmem:$0x1E100] =	vst v63  }
.Ltmp60:
0x2d8: {  	(pc) =	sbr.rel .LBB2_75-.Ltmp60, $4  }
0x2d9: {  	s0 =	simm.s32 $0xFFFFFFFF  }
0x2da: {  	s0 =	simm.s32 @!p0 $0x0  }
0x2db: {  	s12 =	sadd.s32 $0x8000, s20;
	s14 =	simm.s32 $0x0;
	s0 =	sadd.s32 s0, s13  }
0x2dc: {  	s15 =	smov.u32 s8;
	s16 =	simm.s32 $0x0;
	s13 =	sadd.s32 $0xFFFFFC00, s0  }
.LBB2_103:
0x2dd: {  	s16 =	sadd.s32 $0x1, s16  }
0x2de: {  	p0 =	sne.s32 s16, s11  }
.Ltmp61:
0x2df: {  	_ = 	snop;
	(pc) =	sbr.rel @!p0 .LBB2_104-.Ltmp61, $2  }
0x2e0: {  	_ =	sdelay $0x2  }
0x2e1: {  	s15 =	sadd.s32 $0xFFFFF800, s15;
	s13 =	sadd.s32 $0xFFFFF800, s13  }
.LBB2_75:
0x2e2: {  	s17 =	sshllo.u32 s16, $0x1  }
0x2e3: {  	s0 =	sshll.u32 s17, $0xE  }
0x2e4: {  	s0 =	sadd.s32 s20, s0  }
0x2e5: {  	p0 =	slt.s32 s0, $0x1E8480  }
0x2e6: {  	s0 =	simm.s32 @!p0 $0x1E8480  }
0x2e7: {  	s0 =	sadd.s32 s10, s0  }
0x2e8: {  	s0 =	sshrl.u32 s0, $0x3  }
0x2e9: {  	s19 =	sshll.u32 s16, $0xB;
	s0 =	sadd.s32 s2, s0  }
0x2ea: {  	[tilespmem:s29], [sflag:$0x2] =	stream.linear.gather [hbm4b:s0+s14], $0x4000, $0x38;
	[tilespmem:$0x1E100] =	vst v63  }
0x2eb: {  	s0 =	ssub.s32 s8, s19  }
0x2ec: {  	p0 =	slt.s32 s0, $0x1  }
.Ltmp62:
0x2ed: {  	_ = 	snop;
	(pc) =	sbr.rel @p0 .LBB2_82-.Ltmp62, $4  }
0x2ee: {  	_ = 	snop  }
0x2ef: {  	_ =	swait.ge [sflag:s26], $0x4000  }
0x2f0: {  	[sflag:s26] =	ssyncset.done $0x0  }
0x2f1: {  	s0 =	simm.s32 $0x0;
	[sflag:s26] =	ssyncadd.s32 $0xFFFFC000  }
0x2f2: {  	p0 =	sgt.s32 s15, $0x1;
	s0 =	smov.u32 s15  }
0x2f3: {  	s0 =	simm.s32 @!p0 $0x1  }
0x2f4: {  	s0 =	smin.u32 s0, $0x400  }
0x2f5: {  	s0 =	sshll.u32 s0, $0x6  }
0x2f6: {  	p1 =	sne.s32 s0, $0x40  }
.Ltmp63:
0x2f7: {  	_ = 	snop;
	(pc) =	sbr.rel @!p1 .LBB2_77-.Ltmp63, $3  }
0x2f8: {  	_ =	sdelay $0x1  }
0x2f9: {  	s1 =	simm.s32 $0x12000  }
0x2fa: {  	v7 =	vld [tilespmem:s1+$0x0];
	p0 =	por $0x0, $0x0;
	s0 =	sadd.s32 $0xFFFFFFC0, s0  }
0x2fb: {  	_ =	sdelay $0x3  }
0x2fc: {  	v7 =	vsub.s32 v7, v2  }
0x2fd: {  	vm0 =	vlt.u32 v7, $0x10000  }
0x2fe: {  	v8 =	vmpcnt.ones.xlane vm0;
	_ =	sdelay $0x1  }
0x2ff: {  	(v2sf) =	vpush v8, $0x0;
	_ =	sdelay $0x1  }
0x300: {  	p1 =	sne.s32 s0, $0x40  }
.Ltmp64:
0x301: {  	_ = 	snop;
	(pc) =	sbr.rel @!p1 .LBB2_79-.Ltmp64, $3  }
0x302: {  	_ =	sdelay $0x1  }
0x303: {  	s19 =	simm.s32 $0x12010;
	[tilespmem:s14+$0x1A000] =	vst.msk vm0, v7  }
0x304: {  	s0 =	sadd.s32 $0xFFFFFFC0, s0;
	p0 =	por $0x1, $0x1;
	s18 =	simm.s32 $0x0;
	v7 =	vld [tilespmem:s19+$0x0]  }
.LBB2_80:
0x305: {  	p1 =	sne.s32 s0, $0x40;
	_ =	sdelay $0x3  }
0x306: {  	v7 =	vsub.s32 v7, v2  }
0x307: {  	vm0 =	vlt.u32 v7, $0x10000  }
0x308: {  	v8 =	vmpcnt.ones.xlane vm0  }
0x309: {  	s1 =	spop (v2sf)  }
0x30a: {  	(v2sf) =	vpush v8, $0x0;
	s18 =	sadd.s32 s18, s1  }
0x30b: {  	[tilespmem:s18+$0x1A000] =	vst.msk vm0, v7;
	_ =	sdelay $0x1  }
.Ltmp65:
0x30c: {  	(pc) =	sbr.rel @p1 .LBB2_80-.Ltmp65, $3  }
0x30d: {  	_ =	sdelay $0x1  }
0x30e: {  	s19 =	sadd.s32 $0x10, s19  }
0x30f: {  	s0 =	sadd.s32 $0xFFFFFFC0, s0;
	v7 =	vld [tilespmem:s19+$0x0]  }
.LBB2_81:
0x310: {  	_ =	sdelay $0x3  }
0x311: {  	v7 =	vsub.s32 v7, v2  }
0x312: {  	vm0 =	vlt.u32 v7, $0x10000  }
0x313: {  	v8 =	vmpcnt.ones.xlane vm0;
	_ =	sdelay $0x1  }
0x314: {  	(v2sf) =	vpush v8, $0x0;
	_ =	sdelay $0xc  }
0x315: {  	s0 =	spop @p0 (v2sf)  }
0x316: {  	s1 =	simm.s32 $0x0;
	s0 =	sadd.s32 @p0 s18, s0  }
0x317: {  	s1 =	smov.u32 @p0 s0;
	s19 =	spop (v2sf)  }
0x318: {  	[tilespmem:s1+$0x1A000] =	vst.msk vm0, v7;
	s0 =	sadd.s32 s1, s19  }
.LBB2_82:
0x319: {  	s1 =	sadd.s32 $0xF, s0  }
0x31a: {  	s18 =	sand.u32 $0xF, s1  }
0x31b: {  	s19 =	sshra.s32 s1, $0x1F;
	p1 =	slt.s32 s1, $0x1;
	p0 =	sne.s32 s18, $0x0  }
0x31c: {  	s18 =	sshrl.u32 s19, $0x1C;
	p0 =	por !p1, !p0  }
0x31d: {  	s1 =	sadd.s32 s18, s1;
	s18 =	simm.s32 $0x1;
	p0 =	por !p0, !p0  }
0x31e: {  	s1 =	sshra.s32 s1, $0x4;
	s18 =	simm.s32 @!p0 $0x0  }
0x31f: {  	s18 =	ssub.s32 s1, s18  }
0x320: {  	s1 =	sshrl.u32 s18, $0x1E  }
0x321: {  	s1 =	sadd.s32 s1, s18  }
0x322: {  	s19 =	sand.u32 $0xFFFFFFFC, s1  }
0x323: {  	p0 =	slt.s32 s19, $0x1  }
.Ltmp66:
0x324: {  	_ = 	snop;
	(pc) =	sbr.rel @p0 .LBB2_86-.Ltmp66, $2  }
0x325: {  	_ =	sdelay $0x2  }
0x326: {  	[tilespmem:s0+$0x1A000] =	vst v5  }
0x327: {  	s0 =	simm.s32 $0x1A020  }
0x328: {  	v10 =	vld [tilespmem:s0+$0x10];
	_ =	sdelay $0x2  }
0x329: {  	p0 =	sgt.s32 s19, $0x4  }
.Ltmp67:
0x32a: {  	_ = 	snop;
	(pc) =	sbr.rel @!p0 .LBB2_85-.Ltmp67, $4  }
0x32b: {  	v9 =	vld [tilespmem:s0+$0xFFFFFFE0]  }
0x32c: {  	v7 =	vld [tilespmem:s0+$0xFFFFFFF0]  }
0x32d: {  	v8 =	vld [tilespmem:s0+$0x0]  }
0x32e: {  	s1 =	simm.s32 $0x1A060;
	s0 =	simm.s32 $0x4;
	[tilespmem:v10+s30+$0x0] =	vst.idx.add.f32.msk $0xffff, v6  }
.LBB2_84:
0x32f: {  	v10 =	vld [tilespmem:s1+$0x10];
	s0 =	sadd.s32 $0x4, s0  }
0x330: {  	v11 =	vld [tilespmem:s1+$0xFFFFFFF0];
	p0 =	slt.s32 s0, s19  }
0x331: {  	v12 =	vld [tilespmem:s1+$0x0]  }
0x332: {  	v13 =	vld [tilespmem:s1+$0xFFFFFFE0]  }
.Ltmp68:
0x333: {  	[tilespmem:v9+s30+$0x0] =	vst.idx.add.f32.msk $0xffff, v6;
	(pc) =	sbr.rel @p0 .LBB2_84-.Ltmp68, $4  }
0x334: {  	[tilespmem:v7+s30+$0x0] =	vst.idx.add.f32.msk $0xffff, v6  }
0x335: {  	[tilespmem:v8+s30+$0x0] =	vst.idx.add.f32.msk $0xffff, v6;
	v7 =	vmov v11  }
0x336: {  	v8 =	vmov v12  }
0x337: {  	s1 =	sadd.s32 $0x40, s1;
	[tilespmem:v10+s30+$0x0] =	vst.idx.add.f32.msk $0xffff, v6;
	v9 =	vmov v13  }
.LBB2_85:
0x338: {  	_ =	sdelay $0x4  }
0x339: {  	[tilespmem:v9+s30+$0x0] =	vst.idx.add.f32.msk $0xffff, v6  }
0x33a: {  	[tilespmem:v7+s30+$0x0] =	vst.idx.add.f32.msk $0xffff, v6  }
0x33b: {  	[tilespmem:v8+s30+$0x0] =	vst.idx.add.f32.msk $0xffff, v6  }
.LBB2_86:
0x33c: {  	s0 =	ssub.s32 s18, s19  }
0x33d: {  	p0 =	slt.s32 s0, $0x1  }
.Ltmp69:
0x33e: {  	_ = 	snop;
	(pc) =	sbr.rel @p0 .LBB2_89-.Ltmp69, $1  }
0x33f: {  	_ =	sdelay $0x3  }
0x340: {  	s0 =	sshll.u32 s19, $0x6  }
0x341: {  	s0 =	sshra.s32 s0, $0x2  }
0x342: {  	s0 =	sadd.s32 $0x1A000, s0  }
.LBB2_88:
0x343: {  	v7 =	vld [tilespmem:s0+$0x0];
	_ =	sdelay $0x1  }
0x344: {  	s19 =	sadd.s32 $0x1, s19  }
0x345: {  	p0 =	slt.s32 s19, s18  }
.Ltmp70:
0x346: {  	_ = 	snop;
	(pc) =	sbr.rel @p0 .LBB2_88-.Ltmp70, $2  }
0x347: {  	_ =	sdelay $0x2  }
0x348: {  	s0 =	sadd.s32 $0x10, s0;
	[tilespmem:v7+s30+$0x0] =	vst.idx.add.f32.msk $0xffff, v6  }
.LBB2_89:
0x349: {  	s0 =	sshll.u32 s16, $0xF  }
0x34a: {  	s0 =	sadd.s32 s0, s12  }
0x34b: {  	p0 =	slt.s32 s0, $0x1E8480  }
0x34c: {  	s0 =	simm.s32 @!p0 $0x1E8480  }
0x34d: {  	s0 =	sadd.s32 s10, s0  }
0x34e: {  	s0 =	sshrl.u32 s0, $0x3  }
0x34f: {  	s18 =	simm.s32 $0x0;
	s19 =	sshll.u32 s17, $0xA;
	s0 =	sadd.s32 s2, s0  }
0x350: {  	[tilespmem:s28], [sflag:$0x1] =	stream.linear.gather [hbm4b:s0+s18], $0x4000, $0x38;
	[tilespmem:$0x1E100] =	vst v63  }
0x351: {  	s0 =	ssub.s32 s8, s19  }
0x352: {  	p0 =	slt.s32 s0, $0x1  }
.Ltmp71:
0x353: {  	_ = 	snop;
	(pc) =	sbr.rel @p0 .LBB2_96-.Ltmp71, $4  }
0x354: {  	_ = 	snop  }
0x355: {  	_ =	swait.ge [sflag:s31], $0x4000  }
0x356: {  	[sflag:s31] =	ssyncset.done $0x0  }
0x357: {  	[sflag:s31] =	ssyncadd.s32 $0xFFFFC000  }
0x358: {  	p0 =	sgt.s32 s13, $0x1;
	s0 =	smov.u32 s13  }
0x359: {  	s0 =	simm.s32 @!p0 $0x1  }
0x35a: {  	s0 =	smin.u32 s0, $0x400  }
0x35b: {  	s0 =	sshll.u32 s0, $0x6  }
0x35c: {  	p1 =	sne.s32 s0, $0x40  }
.Ltmp72:
0x35d: {  	_ = 	snop;
	(pc) =	sbr.rel @!p1 .LBB2_91-.Ltmp72, $3  }
0x35e: {  	_ =	sdelay $0x1  }
0x35f: {  	s1 =	simm.s32 $0x16000  }
0x360: {  	v7 =	vld [tilespmem:s1+$0x0];
	p0 =	por $0x0, $0x0;
	s0 =	sadd.s32 $0xFFFFFFC0, s0  }
0x361: {  	_ =	sdelay $0x3  }
0x362: {  	v7 =	vsub.s32 v7, v2  }
0x363: {  	vm0 =	vlt.u32 v7, $0x10000  }
0x364: {  	v8 =	vmpcnt.ones.xlane vm0;
	_ =	sdelay $0x1  }
0x365: {  	(v2sf) =	vpush v8, $0x0;
	_ =	sdelay $0x1  }
0x366: {  	p1 =	sne.s32 s0, $0x40  }
.Ltmp73:
0x367: {  	_ = 	snop;
	(pc) =	sbr.rel @!p1 .LBB2_93-.Ltmp73, $3  }
0x368: {  	_ =	sdelay $0x1  }
0x369: {  	s19 =	simm.s32 $0x16010;
	[tilespmem:s18+$0x1A000] =	vst.msk vm0, v7  }
0x36a: {  	s0 =	sadd.s32 $0xFFFFFFC0, s0;
	p0 =	por $0x1, $0x1;
	s17 =	simm.s32 $0x0;
	v7 =	vld [tilespmem:s19+$0x0]  }
.LBB2_94:
0x36b: {  	p1 =	sne.s32 s0, $0x40;
	_ =	sdelay $0x3  }
0x36c: {  	v7 =	vsub.s32 v7, v2  }
0x36d: {  	vm0 =	vlt.u32 v7, $0x10000  }
0x36e: {  	v8 =	vmpcnt.ones.xlane vm0  }
0x36f: {  	s1 =	spop (v2sf)  }
0x370: {  	(v2sf) =	vpush v8, $0x0;
	s17 =	sadd.s32 s17, s1  }
0x371: {  	[tilespmem:s17+$0x1A000] =	vst.msk vm0, v7;
	_ =	sdelay $0x1  }
.Ltmp74:
0x372: {  	(pc) =	sbr.rel @p1 .LBB2_94-.Ltmp74, $3  }
0x373: {  	_ =	sdelay $0x1  }
0x374: {  	s19 =	sadd.s32 $0x10, s19  }
0x375: {  	s0 =	sadd.s32 $0xFFFFFFC0, s0;
	v7 =	vld [tilespmem:s19+$0x0]  }
.LBB2_95:
0x376: {  	_ =	sdelay $0x3  }
0x377: {  	v7 =	vsub.s32 v7, v2  }
0x378: {  	vm0 =	vlt.u32 v7, $0x10000  }
0x379: {  	v8 =	vmpcnt.ones.xlane vm0;
	_ =	sdelay $0x1  }
0x37a: {  	(v2sf) =	vpush v8, $0x0;
	_ =	sdelay $0xc  }
0x37b: {  	s0 =	spop @p0 (v2sf)  }
0x37c: {  	s0 =	sadd.s32 @p0 s17, s0  }
0x37d: {  	s18 =	smov.u32 @p0 s0;
	s19 =	spop (v2sf)  }
0x37e: {  	[tilespmem:s18+$0x1A000] =	vst.msk vm0, v7;
	s18 =	sadd.s32 s18, s19  }
.LBB2_96:
0x37f: {  	s0 =	sadd.s32 $0xF, s18  }
0x380: {  	s1 =	sand.u32 $0xF, s0  }
0x381: {  	s19 =	sshra.s32 s0, $0x1F;
	p1 =	slt.s32 s0, $0x1;
	p0 =	sne.s32 s1, $0x0  }
0x382: {  	s1 =	sshrl.u32 s19, $0x1C;
	p0 =	por !p1, !p0  }
0x383: {  	s0 =	sadd.s32 s1, s0;
	s1 =	simm.s32 $0x1;
	p0 =	por !p0, !p0  }
0x384: {  	s0 =	sshra.s32 s0, $0x4;
	s1 =	simm.s32 @!p0 $0x0  }
0x385: {  	s17 =	ssub.s32 s0, s1  }
0x386: {  	s0 =	sshrl.u32 s17, $0x1E  }
0x387: {  	s0 =	sadd.s32 s0, s17  }
0x388: {  	s19 =	sand.u32 $0xFFFFFFFC, s0  }
0x389: {  	p0 =	slt.s32 s19, $0x1  }
.Ltmp75:
0x38a: {  	_ = 	snop;
	(pc) =	sbr.rel @p0 .LBB2_100-.Ltmp75, $2  }
0x38b: {  	_ =	sdelay $0x2  }
0x38c: {  	[tilespmem:s18+$0x1A000] =	vst v5  }
0x38d: {  	s0 =	simm.s32 $0x1A020  }
0x38e: {  	v10 =	vld [tilespmem:s0+$0x10];
	_ =	sdelay $0x2  }
0x38f: {  	p0 =	sgt.s32 s19, $0x4  }
.Ltmp76:
0x390: {  	_ = 	snop;
	(pc) =	sbr.rel @!p0 .LBB2_99-.Ltmp76, $4  }
0x391: {  	v9 =	vld [tilespmem:s0+$0xFFFFFFE0]  }
0x392: {  	v7 =	vld [tilespmem:s0+$0xFFFFFFF0]  }
0x393: {  	v8 =	vld [tilespmem:s0+$0x0]  }
0x394: {  	s1 =	simm.s32 $0x1A060;
	s0 =	simm.s32 $0x4;
	[tilespmem:v10+s30+$0x0] =	vst.idx.add.f32.msk $0xffff, v6  }
.LBB2_98:
0x395: {  	v10 =	vld [tilespmem:s1+$0x10];
	s0 =	sadd.s32 $0x4, s0  }
0x396: {  	v11 =	vld [tilespmem:s1+$0xFFFFFFF0];
	p0 =	slt.s32 s0, s19  }
0x397: {  	v12 =	vld [tilespmem:s1+$0x0]  }
0x398: {  	v13 =	vld [tilespmem:s1+$0xFFFFFFE0]  }
.Ltmp77:
0x399: {  	[tilespmem:v9+s30+$0x0] =	vst.idx.add.f32.msk $0xffff, v6;
	(pc) =	sbr.rel @p0 .LBB2_98-.Ltmp77, $4  }
0x39a: {  	[tilespmem:v7+s30+$0x0] =	vst.idx.add.f32.msk $0xffff, v6  }
0x39b: {  	[tilespmem:v8+s30+$0x0] =	vst.idx.add.f32.msk $0xffff, v6;
	v7 =	vmov v11  }
0x39c: {  	v8 =	vmov v12  }
0x39d: {  	s1 =	sadd.s32 $0x40, s1;
	[tilespmem:v10+s30+$0x0] =	vst.idx.add.f32.msk $0xffff, v6;
	v9 =	vmov v13  }
.LBB2_99:
0x39e: {  	_ =	sdelay $0x4  }
0x39f: {  	[tilespmem:v9+s30+$0x0] =	vst.idx.add.f32.msk $0xffff, v6  }
0x3a0: {  	[tilespmem:v7+s30+$0x0] =	vst.idx.add.f32.msk $0xffff, v6  }
0x3a1: {  	[tilespmem:v8+s30+$0x0] =	vst.idx.add.f32.msk $0xffff, v6  }
.LBB2_100:
0x3a2: {  	s0 =	ssub.s32 s17, s19  }
0x3a3: {  	p0 =	slt.s32 s0, $0x1  }
.Ltmp78:
0x3a4: {  	_ = 	snop;
	(pc) =	sbr.rel @p0 .LBB2_103-.Ltmp78, $1  }
0x3a5: {  	_ =	sdelay $0x3  }
0x3a6: {  	s0 =	sshll.u32 s19, $0x6  }
0x3a7: {  	s0 =	sshra.s32 s0, $0x2  }
0x3a8: {  	s0 =	sadd.s32 $0x1A000, s0  }
.LBB2_102:
0x3a9: {  	v7 =	vld [tilespmem:s0+$0x0];
	_ =	sdelay $0x1  }
0x3aa: {  	s19 =	sadd.s32 $0x1, s19  }
0x3ab: {  	p0 =	slt.s32 s19, s17  }
.Ltmp79:
0x3ac: {  	_ = 	snop;
	(pc) =	sbr.rel @p0 .LBB2_102-.Ltmp79, $2  }
0x3ad: {  	_ =	sdelay $0x2  }
0x3ae: {  	s0 =	sadd.s32 $0x10, s0;
	[tilespmem:v7+s30+$0x0] =	vst.idx.add.f32.msk $0xffff, v6  }
.Ltmp80:
0x3af: {  	_ = 	snop;
	(pc) =	sbr.rel .LBB2_103-.Ltmp80, $1  }
0x3b0: {  	_ =	sdelay $0x3  }
.LBB2_77:
.Ltmp81:
0x3b1: {  	(pc) =	sbr.rel .LBB2_81-.Ltmp81, $2  }
0x3b2: {  	_ =	sdelay $0x2  }
0x3b3: {  	s18 =	simm.s32 $0x0  }
.LBB2_91:
.Ltmp82:
0x3b4: {  	(pc) =	sbr.rel .LBB2_95-.Ltmp82, $2  }
0x3b5: {  	_ =	sdelay $0x2  }
0x3b6: {  	s17 =	simm.s32 $0x0  }
.LBB2_79:
.Ltmp83:
0x3b7: {  	(pc) =	sbr.rel .LBB2_81-.Ltmp83, $2  }
0x3b8: {  	_ =	sdelay $0x2  }
0x3b9: {  	s18 =	simm.s32 $0x0  }
.LBB2_93:
.Ltmp84:
0x3ba: {  	(pc) =	sbr.rel .LBB2_95-.Ltmp84, $2  }
0x3bb: {  	_ =	sdelay $0x2  }
0x3bc: {  	s17 =	simm.s32 $0x0  }
.LBB2_104:
0x3bd: {  	_ =	swait.ge [sflag:s26], $0x4000  }
0x3be: {  	[sflag:s26] =	ssyncset.done $0x0  }
0x3bf: {  	s0 =	rddreg [dreg:$0x9];
	[sflag:s26] =	ssyncadd.s32 $0xFFFFC000  }
0x3c0: {  	[hbm4b:s0+s3] =	stream.linear.scatter [tilespmem:s30], [sflag:$0x3], $0x10000, $0x38;
	[tilespmem:$0x1E100] =	vst v63  }
0x3c1: {  	_ =	swait.ge [sflag:s21], $0x10000  }
0x3c2: {  	[sflag:s21] =	ssyncset.done $0x0  }
0x3c3: {  	s11 =	simm.s32 $0x1FC0;
	s20 =	rddreg [dreg:$0xa];
	[sflag:s21] =	ssyncadd.s32 $0xFFFF0000  }
0x3c4: {  	v7 =	vld [tilespmem:s20+$0x1E080];
	[tilespmem:s11+$0xFFFFFFC0] =	vst v4  }
0x3c5: {  	[tilespmem:s11+$0x30] =	vst v4  }
0x3c6: {  	[tilespmem:s11+$0x20] =	vst v4  }
0x3c7: {  	[tilespmem:s11+$0x10] =	vst v4  }
0x3c8: {  	[tilespmem:s11+$0x0] =	vst v4  }
0x3c9: {  	[tilespmem:s11+$0xFFFFFFF0] =	vst v4  }
0x3ca: {  	s0 =	simm.s32 $0x0;
	[tilespmem:s11+$0xFFFFFFE0] =	vst v4  }
.LBB2_105:
0x3cb: {  	s0 =	sadd.s32 $0x8, s0;
	[tilespmem:s11+$0xFFFFFFD0] =	vst v4;
	s11 =	sadd.s32 $0x80, s11  }
0x3cc: {  	[tilespmem:s11+$0xFFFFFFC0] =	vst v4;
	p0 =	slt.u32 s0, $0xFF8  }
0x3cd: {  	[tilespmem:s11+$0x30] =	vst v4  }
.Ltmp85:
0x3ce: {  	[tilespmem:s11+$0x20] =	vst v4;
	(pc) =	sbr.rel @p0 .LBB2_105-.Ltmp85, $4  }
0x3cf: {  	[tilespmem:s11+$0x10] =	vst v4  }
0x3d0: {  	[tilespmem:s11+$0x0] =	vst v4  }
0x3d1: {  	[tilespmem:s11+$0xFFFFFFF0] =	vst v4  }
0x3d2: {  	[tilespmem:s11+$0xFFFFFFE0] =	vst v4  }
0x3d3: {  	(v2sf) =	vpush v7, $0x0;
	_ =	sdelay $0x6  }
0x3d4: {  	(v2sf) =	vpush v7, $0x1;
	_ =	sdelay $0x7  }
0x3d5: {  	s0 =	spop (v2sf)  }
0x3d6: {  	s1 =	sand.u32 $0xF, s0  }
0x3d7: {  	s8 =	sshra.s32 s0, $0x1F;
	p0 =	slt.s32 s0, $0x1;
	p1 =	sne.s32 s1, $0x0  }
0x3d8: {  	s14 =	sshrl.u32 s8, $0x1C;
	p0 =	por !p0, !p1  }
0x3d9: {  	s1 =	simm.s32 $0x1;
	s0 =	sadd.s32 s14, s0;
	p0 =	por !p0, !p0  }
0x3da: {  	s0 =	sshrl.u32 s0, $0x4;
	s1 =	simm.s32 @!p0 $0x0  }
0x3db: {  	s0 =	ssub.s32 s0, s1  }
0x3dc: {  	s15 =	spop (v2sf);
	s20 =	sshll.u32 s0, $0x4  }
0x3dd: {  	s0 =	ssub.s32 s15, s20  }
0x3de: {  	s0 =	sadd.s32 $0xF, s0  }
0x3df: {  	s16 =	sand.u32 $0xF, s0  }
0x3e0: {  	s17 =	sshra.s32 s0, $0x1F;
	p2 =	slt.s32 s0, $0x1;
	p3 =	sne.s32 s16, $0x0  }
0x3e1: {  	s18 =	sshrl.u32 s17, $0x1C;
	p0 =	por !p2, !p3  }
0x3e2: {  	s1 =	simm.s32 $0x1;
	s0 =	sadd.s32 s18, s0;
	p0 =	por !p0, !p0  }
0x3e3: {  	s13 =	sshra.s32 s0, $0x4;
	s1 =	simm.s32 @!p0 $0x0  }
0x3e4: {  	s8 =	ssub.s32 s13, s1  }
0x3e5: {  	s19 =	sadd.s32 $0x3FF, s8  }
0x3e6: {  	s12 =	sand.u32 $0x3FF, s19  }
0x3e7: {  	p4 =	slt.s32 s8, $0xFFFFFC02;
	s14 =	sshra.s32 s19, $0x1F;
	p2 =	sne.s32 s12, $0x0  }
0x3e8: {  	s1 =	sshrl.u32 s14, $0x16;
	p1 =	por !p4, !p2  }
0x3e9: {  	s0 =	sadd.s32 s1, s19;
	s1 =	simm.s32 $0x1;
	p1 =	por !p1, !p1  }
0x3ea: {  	s0 =	sshra.s32 s0, $0xA;
	s1 =	simm.s32 @!p1 $0x0  }
0x3eb: {  	s0 =	ssub.s32 s0, s1  }
0x3ec: {  	s17 =	sadd.s32 $0x1, s0  }
0x3ed: {  	s18 =	sand.u32 $0x1, s17  }
0x3ee: {  	p5 =	slt.s32 s0, $0x0;
	p6 =	seq.s32 s18, $0x1  }
0x3ef: {  	s19 =	sshrl.u32 s17, $0x1F;
	p1 =	por !p5, !p6  }
0x3f0: {  	s1 =	simm.s32 $0x1;
	s0 =	sadd.s32 s19, s17;
	p1 =	por !p1, !p1  }
0x3f1: {  	s0 =	sshra.s32 s0, $0x1;
	s1 =	simm.s32 @!p1 $0x0  }
0x3f2: {  	[tilespmem:s11+$0xFFFFFFD0] =	vst v4;
	s11 =	ssub.s32 s0, s1  }
0x3f3: {  	p3 =	slt.s32 s20, $0x1E8480;
	s12 =	smov.u32 s20;
	p1 =	slt.s32 s11, $0x1  }
.Ltmp86:
0x3f4: {  	s12 =	simm.s32 @!p3 $0x1E8480;
	(pc) =	sbr.rel @p1 .LBB2_137-.Ltmp86, $4  }
0x3f5: {  	s12 =	sadd.s32 s10, s12  }
0x3f6: {  	s15 =	sshrl.u32 s12, $0x3  }
0x3f7: {  	[tilespmem:$0x11F80] =	vst v4;
	s16 =	sadd.s32 s2, s15  }
0x3f8: {  	[tilespmem:s28], [sflag:$0x1] =	stream.linear.gather [hbm4b:s16+s3], $0x4000, $0x38;
	[tilespmem:$0x1E100] =	vst v63  }
.Ltmp87:
0x3f9: {  	(pc) =	sbr.rel .LBB2_108-.Ltmp87, $4  }
0x3fa: {  	s0 =	simm.s32 $0xFFFFFFFF  }
0x3fb: {  	s0 =	simm.s32 @!p0 $0x0  }
0x3fc: {  	s12 =	sadd.s32 $0x8000, s20;
	s14 =	simm.s32 $0x0;
	s0 =	sadd.s32 s0, s13  }
0x3fd: {  	s15 =	smov.u32 s8;
	s16 =	simm.s32 $0x0;
	s13 =	sadd.s32 $0xFFFFFC00, s0  }
.LBB2_136:
0x3fe: {  	s16 =	sadd.s32 $0x1, s16  }
0x3ff: {  	p0 =	sne.s32 s16, s11  }
.Ltmp88:
0x400: {  	_ = 	snop;
	(pc) =	sbr.rel @!p0 .LBB2_137-.Ltmp88, $2  }
0x401: {  	_ =	sdelay $0x2  }
0x402: {  	s15 =	sadd.s32 $0xFFFFF800, s15;
	s13 =	sadd.s32 $0xFFFFF800, s13  }
.LBB2_108:
0x403: {  	s17 =	sshllo.u32 s16, $0x1  }
0x404: {  	s0 =	sshll.u32 s17, $0xE  }
0x405: {  	s0 =	sadd.s32 s20, s0  }
0x406: {  	p0 =	slt.s32 s0, $0x1E8480  }
0x407: {  	s0 =	simm.s32 @!p0 $0x1E8480  }
0x408: {  	s0 =	sadd.s32 s10, s0  }
0x409: {  	s0 =	sshrl.u32 s0, $0x3  }
0x40a: {  	s19 =	sshll.u32 s16, $0xB;
	s0 =	sadd.s32 s2, s0  }
0x40b: {  	[tilespmem:s29], [sflag:$0x2] =	stream.linear.gather [hbm4b:s0+s14], $0x4000, $0x38;
	[tilespmem:$0x1E100] =	vst v63  }
0x40c: {  	s0 =	ssub.s32 s8, s19  }
0x40d: {  	p0 =	slt.s32 s0, $0x1  }
.Ltmp89:
0x40e: {  	_ = 	snop;
	(pc) =	sbr.rel @p0 .LBB2_115-.Ltmp89, $4  }
0x40f: {  	_ = 	snop  }
0x410: {  	_ =	swait.ge [sflag:s26], $0x4000  }
0x411: {  	[sflag:s26] =	ssyncset.done $0x0  }
0x412: {  	s0 =	simm.s32 $0x0;
	[sflag:s26] =	ssyncadd.s32 $0xFFFFC000  }
0x413: {  	p0 =	sgt.s32 s15, $0x1;
	s0 =	smov.u32 s15  }
0x414: {  	s0 =	simm.s32 @!p0 $0x1  }
0x415: {  	s0 =	smin.u32 s0, $0x400  }
0x416: {  	s0 =	sshll.u32 s0, $0x6  }
0x417: {  	p1 =	sne.s32 s0, $0x40  }
.Ltmp90:
0x418: {  	_ = 	snop;
	(pc) =	sbr.rel @!p1 .LBB2_110-.Ltmp90, $3  }
0x419: {  	_ =	sdelay $0x1  }
0x41a: {  	s1 =	simm.s32 $0x12000  }
0x41b: {  	v7 =	vld [tilespmem:s1+$0x0];
	p0 =	por $0x0, $0x0;
	s0 =	sadd.s32 $0xFFFFFFC0, s0  }
0x41c: {  	_ =	sdelay $0x3  }
0x41d: {  	v7 =	vsub.s32 v7, v3  }
0x41e: {  	vm0 =	vlt.u32 v7, $0x10000  }
0x41f: {  	v8 =	vmpcnt.ones.xlane vm0;
	_ =	sdelay $0x1  }
0x420: {  	(v2sf) =	vpush v8, $0x0;
	_ =	sdelay $0x1  }
0x421: {  	p1 =	sne.s32 s0, $0x40  }
.Ltmp91:
0x422: {  	_ = 	snop;
	(pc) =	sbr.rel @!p1 .LBB2_112-.Ltmp91, $3  }
0x423: {  	_ =	sdelay $0x1  }
0x424: {  	s19 =	simm.s32 $0x12010;
	[tilespmem:s14+$0x1A000] =	vst.msk vm0, v7  }
0x425: {  	s0 =	sadd.s32 $0xFFFFFFC0, s0;
	p0 =	por $0x1, $0x1;
	s18 =	simm.s32 $0x0;
	v7 =	vld [tilespmem:s19+$0x0]  }
.LBB2_113:
0x426: {  	p1 =	sne.s32 s0, $0x40;
	_ =	sdelay $0x3  }
0x427: {  	v7 =	vsub.s32 v7, v3  }
0x428: {  	vm0 =	vlt.u32 v7, $0x10000  }
0x429: {  	v8 =	vmpcnt.ones.xlane vm0  }
0x42a: {  	s1 =	spop (v2sf)  }
0x42b: {  	(v2sf) =	vpush v8, $0x0;
	s18 =	sadd.s32 s18, s1  }
0x42c: {  	[tilespmem:s18+$0x1A000] =	vst.msk vm0, v7;
	_ =	sdelay $0x1  }
.Ltmp92:
0x42d: {  	(pc) =	sbr.rel @p1 .LBB2_113-.Ltmp92, $3  }
0x42e: {  	_ =	sdelay $0x1  }
0x42f: {  	s19 =	sadd.s32 $0x10, s19  }
0x430: {  	s0 =	sadd.s32 $0xFFFFFFC0, s0;
	v7 =	vld [tilespmem:s19+$0x0]  }
.LBB2_114:
0x431: {  	_ =	sdelay $0x3  }
0x432: {  	v7 =	vsub.s32 v7, v3  }
0x433: {  	vm0 =	vlt.u32 v7, $0x10000  }
0x434: {  	v8 =	vmpcnt.ones.xlane vm0;
	_ =	sdelay $0x1  }
0x435: {  	(v2sf) =	vpush v8, $0x0;
	_ =	sdelay $0xc  }
0x436: {  	s0 =	spop @p0 (v2sf)  }
0x437: {  	s1 =	simm.s32 $0x0;
	s0 =	sadd.s32 @p0 s18, s0  }
0x438: {  	s1 =	smov.u32 @p0 s0;
	s19 =	spop (v2sf)  }
0x439: {  	[tilespmem:s1+$0x1A000] =	vst.msk vm0, v7;
	s0 =	sadd.s32 s1, s19  }
.LBB2_115:
0x43a: {  	s1 =	sadd.s32 $0xF, s0  }
0x43b: {  	s18 =	sand.u32 $0xF, s1  }
0x43c: {  	s19 =	sshra.s32 s1, $0x1F;
	p1 =	slt.s32 s1, $0x1;
	p0 =	sne.s32 s18, $0x0  }
0x43d: {  	s18 =	sshrl.u32 s19, $0x1C;
	p0 =	por !p1, !p0  }
0x43e: {  	s1 =	sadd.s32 s18, s1;
	s18 =	simm.s32 $0x1;
	p0 =	por !p0, !p0  }
0x43f: {  	s1 =	sshra.s32 s1, $0x4;
	s18 =	simm.s32 @!p0 $0x0  }
0x440: {  	s18 =	ssub.s32 s1, s18  }
0x441: {  	s1 =	sshrl.u32 s18, $0x1E  }
0x442: {  	s1 =	sadd.s32 s1, s18  }
0x443: {  	s19 =	sand.u32 $0xFFFFFFFC, s1  }
0x444: {  	p0 =	slt.s32 s19, $0x1  }
.Ltmp93:
0x445: {  	_ = 	snop;
	(pc) =	sbr.rel @p0 .LBB2_119-.Ltmp93, $2  }
0x446: {  	_ =	sdelay $0x2  }
0x447: {  	[tilespmem:s0+$0x1A000] =	vst v5  }
0x448: {  	s0 =	simm.s32 $0x1A020  }
0x449: {  	v10 =	vld [tilespmem:s0+$0x10];
	_ =	sdelay $0x2  }
0x44a: {  	p0 =	sgt.s32 s19, $0x4  }
.Ltmp94:
0x44b: {  	_ = 	snop;
	(pc) =	sbr.rel @!p0 .LBB2_118-.Ltmp94, $4  }
0x44c: {  	v9 =	vld [tilespmem:s0+$0xFFFFFFE0]  }
0x44d: {  	v7 =	vld [tilespmem:s0+$0xFFFFFFF0]  }
0x44e: {  	v8 =	vld [tilespmem:s0+$0x0]  }
0x44f: {  	s1 =	simm.s32 $0x1A060;
	s0 =	simm.s32 $0x4;
	[tilespmem:v10+s30+$0x0] =	vst.idx.add.f32.msk $0xffff, v6  }
.LBB2_117:
0x450: {  	v10 =	vld [tilespmem:s1+$0x10];
	s0 =	sadd.s32 $0x4, s0  }
0x451: {  	v11 =	vld [tilespmem:s1+$0xFFFFFFF0];
	p0 =	slt.s32 s0, s19  }
0x452: {  	v12 =	vld [tilespmem:s1+$0x0]  }
0x453: {  	v13 =	vld [tilespmem:s1+$0xFFFFFFE0]  }
.Ltmp95:
0x454: {  	[tilespmem:v9+s30+$0x0] =	vst.idx.add.f32.msk $0xffff, v6;
	(pc) =	sbr.rel @p0 .LBB2_117-.Ltmp95, $4  }
0x455: {  	[tilespmem:v7+s30+$0x0] =	vst.idx.add.f32.msk $0xffff, v6  }
0x456: {  	[tilespmem:v8+s30+$0x0] =	vst.idx.add.f32.msk $0xffff, v6;
	v7 =	vmov v11  }
0x457: {  	v8 =	vmov v12  }
0x458: {  	s1 =	sadd.s32 $0x40, s1;
	[tilespmem:v10+s30+$0x0] =	vst.idx.add.f32.msk $0xffff, v6;
	v9 =	vmov v13  }
.LBB2_118:
0x459: {  	_ =	sdelay $0x4  }
0x45a: {  	[tilespmem:v9+s30+$0x0] =	vst.idx.add.f32.msk $0xffff, v6  }
0x45b: {  	[tilespmem:v7+s30+$0x0] =	vst.idx.add.f32.msk $0xffff, v6  }
0x45c: {  	[tilespmem:v8+s30+$0x0] =	vst.idx.add.f32.msk $0xffff, v6  }
.LBB2_119:
0x45d: {  	s0 =	ssub.s32 s18, s19  }
0x45e: {  	p0 =	slt.s32 s0, $0x1  }
.Ltmp96:
0x45f: {  	_ = 	snop;
	(pc) =	sbr.rel @p0 .LBB2_122-.Ltmp96, $1  }
0x460: {  	_ =	sdelay $0x3  }
0x461: {  	s0 =	sshll.u32 s19, $0x6  }
0x462: {  	s0 =	sshra.s32 s0, $0x2  }
0x463: {  	s0 =	sadd.s32 $0x1A000, s0  }
.LBB2_121:
0x464: {  	v7 =	vld [tilespmem:s0+$0x0];
	_ =	sdelay $0x1  }
0x465: {  	s19 =	sadd.s32 $0x1, s19  }
0x466: {  	p0 =	slt.s32 s19, s18  }
.Ltmp97:
0x467: {  	_ = 	snop;
	(pc) =	sbr.rel @p0 .LBB2_121-.Ltmp97, $2  }
0x468: {  	_ =	sdelay $0x2  }
0x469: {  	s0 =	sadd.s32 $0x10, s0;
	[tilespmem:v7+s30+$0x0] =	vst.idx.add.f32.msk $0xffff, v6  }
.LBB2_122:
0x46a: {  	s0 =	sshll.u32 s16, $0xF  }
0x46b: {  	s0 =	sadd.s32 s0, s12  }
0x46c: {  	p0 =	slt.s32 s0, $0x1E8480  }
0x46d: {  	s0 =	simm.s32 @!p0 $0x1E8480  }
0x46e: {  	s0 =	sadd.s32 s10, s0  }
0x46f: {  	s0 =	sshrl.u32 s0, $0x3  }
0x470: {  	s18 =	simm.s32 $0x0;
	s19 =	sshll.u32 s17, $0xA;
	s0 =	sadd.s32 s2, s0  }
0x471: {  	[tilespmem:s28], [sflag:$0x1] =	stream.linear.gather [hbm4b:s0+s18], $0x4000, $0x38;
	[tilespmem:$0x1E100] =	vst v63  }
0x472: {  	s0 =	ssub.s32 s8, s19  }
0x473: {  	p0 =	slt.s32 s0, $0x1  }
.Ltmp98:
0x474: {  	_ = 	snop;
	(pc) =	sbr.rel @p0 .LBB2_129-.Ltmp98, $4  }
0x475: {  	_ = 	snop  }
0x476: {  	_ =	swait.ge [sflag:s31], $0x4000  }
0x477: {  	[sflag:s31] =	ssyncset.done $0x0  }
0x478: {  	[sflag:s31] =	ssyncadd.s32 $0xFFFFC000  }
0x479: {  	p0 =	sgt.s32 s13, $0x1;
	s0 =	smov.u32 s13  }
0x47a: {  	s0 =	simm.s32 @!p0 $0x1  }
0x47b: {  	s0 =	smin.u32 s0, $0x400  }
0x47c: {  	s0 =	sshll.u32 s0, $0x6  }
0x47d: {  	p1 =	sne.s32 s0, $0x40  }
.Ltmp99:
0x47e: {  	_ = 	snop;
	(pc) =	sbr.rel @!p1 .LBB2_124-.Ltmp99, $3  }
0x47f: {  	_ =	sdelay $0x1  }
0x480: {  	s1 =	simm.s32 $0x16000  }
0x481: {  	v7 =	vld [tilespmem:s1+$0x0];
	p0 =	por $0x0, $0x0;
	s0 =	sadd.s32 $0xFFFFFFC0, s0  }
0x482: {  	_ =	sdelay $0x3  }
0x483: {  	v7 =	vsub.s32 v7, v3  }
0x484: {  	vm0 =	vlt.u32 v7, $0x10000  }
0x485: {  	v8 =	vmpcnt.ones.xlane vm0;
	_ =	sdelay $0x1  }
0x486: {  	(v2sf) =	vpush v8, $0x0;
	_ =	sdelay $0x1  }
0x487: {  	p1 =	sne.s32 s0, $0x40  }
.Ltmp100:
0x488: {  	_ = 	snop;
	(pc) =	sbr.rel @!p1 .LBB2_126-.Ltmp100, $3  }
0x489: {  	_ =	sdelay $0x1  }
0x48a: {  	s19 =	simm.s32 $0x16010;
	[tilespmem:s18+$0x1A000] =	vst.msk vm0, v7  }
0x48b: {  	s0 =	sadd.s32 $0xFFFFFFC0, s0;
	p0 =	por $0x1, $0x1;
	s17 =	simm.s32 $0x0;
	v7 =	vld [tilespmem:s19+$0x0]  }
.LBB2_127:
0x48c: {  	p1 =	sne.s32 s0, $0x40;
	_ =	sdelay $0x3  }
0x48d: {  	v7 =	vsub.s32 v7, v3  }
0x48e: {  	vm0 =	vlt.u32 v7, $0x10000  }
0x48f: {  	v8 =	vmpcnt.ones.xlane vm0  }
0x490: {  	s1 =	spop (v2sf)  }
0x491: {  	(v2sf) =	vpush v8, $0x0;
	s17 =	sadd.s32 s17, s1  }
0x492: {  	[tilespmem:s17+$0x1A000] =	vst.msk vm0, v7;
	_ =	sdelay $0x1  }
.Ltmp101:
0x493: {  	(pc) =	sbr.rel @p1 .LBB2_127-.Ltmp101, $3  }
0x494: {  	_ =	sdelay $0x1  }
0x495: {  	s19 =	sadd.s32 $0x10, s19  }
0x496: {  	s0 =	sadd.s32 $0xFFFFFFC0, s0;
	v7 =	vld [tilespmem:s19+$0x0]  }
.LBB2_128:
0x497: {  	_ =	sdelay $0x3  }
0x498: {  	v7 =	vsub.s32 v7, v3  }
0x499: {  	vm0 =	vlt.u32 v7, $0x10000  }
0x49a: {  	v8 =	vmpcnt.ones.xlane vm0;
	_ =	sdelay $0x1  }
0x49b: {  	(v2sf) =	vpush v8, $0x0;
	_ =	sdelay $0xc  }
0x49c: {  	s0 =	spop @p0 (v2sf)  }
0x49d: {  	s0 =	sadd.s32 @p0 s17, s0  }
0x49e: {  	s18 =	smov.u32 @p0 s0;
	s19 =	spop (v2sf)  }
0x49f: {  	[tilespmem:s18+$0x1A000] =	vst.msk vm0, v7;
	s18 =	sadd.s32 s18, s19  }
.LBB2_129:
0x4a0: {  	s0 =	sadd.s32 $0xF, s18  }
0x4a1: {  	s1 =	sand.u32 $0xF, s0  }
0x4a2: {  	s19 =	sshra.s32 s0, $0x1F;
	p1 =	slt.s32 s0, $0x1;
	p0 =	sne.s32 s1, $0x0  }
0x4a3: {  	s1 =	sshrl.u32 s19, $0x1C;
	p0 =	por !p1, !p0  }
0x4a4: {  	s0 =	sadd.s32 s1, s0;
	s1 =	simm.s32 $0x1;
	p0 =	por !p0, !p0  }
0x4a5: {  	s0 =	sshra.s32 s0, $0x4;
	s1 =	simm.s32 @!p0 $0x0  }
0x4a6: {  	s17 =	ssub.s32 s0, s1  }
0x4a7: {  	s0 =	sshrl.u32 s17, $0x1E  }
0x4a8: {  	s0 =	sadd.s32 s0, s17  }
0x4a9: {  	s19 =	sand.u32 $0xFFFFFFFC, s0  }
0x4aa: {  	p0 =	slt.s32 s19, $0x1  }
.Ltmp102:
0x4ab: {  	_ = 	snop;
	(pc) =	sbr.rel @p0 .LBB2_133-.Ltmp102, $2  }
0x4ac: {  	_ =	sdelay $0x2  }
0x4ad: {  	[tilespmem:s18+$0x1A000] =	vst v5  }
0x4ae: {  	s0 =	simm.s32 $0x1A020  }
0x4af: {  	v10 =	vld [tilespmem:s0+$0x10];
	_ =	sdelay $0x2  }
0x4b0: {  	p0 =	sgt.s32 s19, $0x4  }
.Ltmp103:
0x4b1: {  	_ = 	snop;
	(pc) =	sbr.rel @!p0 .LBB2_132-.Ltmp103, $4  }
0x4b2: {  	v9 =	vld [tilespmem:s0+$0xFFFFFFE0]  }
0x4b3: {  	v7 =	vld [tilespmem:s0+$0xFFFFFFF0]  }
0x4b4: {  	v8 =	vld [tilespmem:s0+$0x0]  }
0x4b5: {  	s1 =	simm.s32 $0x1A060;
	s0 =	simm.s32 $0x4;
	[tilespmem:v10+s30+$0x0] =	vst.idx.add.f32.msk $0xffff, v6  }
.LBB2_131:
0x4b6: {  	v10 =	vld [tilespmem:s1+$0x10];
	s0 =	sadd.s32 $0x4, s0  }
0x4b7: {  	v11 =	vld [tilespmem:s1+$0xFFFFFFF0];
	p0 =	slt.s32 s0, s19  }
0x4b8: {  	v12 =	vld [tilespmem:s1+$0x0]  }
0x4b9: {  	v13 =	vld [tilespmem:s1+$0xFFFFFFE0]  }
.Ltmp104:
0x4ba: {  	[tilespmem:v9+s30+$0x0] =	vst.idx.add.f32.msk $0xffff, v6;
	(pc) =	sbr.rel @p0 .LBB2_131-.Ltmp104, $4  }
0x4bb: {  	[tilespmem:v7+s30+$0x0] =	vst.idx.add.f32.msk $0xffff, v6  }
0x4bc: {  	[tilespmem:v8+s30+$0x0] =	vst.idx.add.f32.msk $0xffff, v6;
	v7 =	vmov v11  }
0x4bd: {  	v8 =	vmov v12  }
0x4be: {  	s1 =	sadd.s32 $0x40, s1;
	[tilespmem:v10+s30+$0x0] =	vst.idx.add.f32.msk $0xffff, v6;
	v9 =	vmov v13  }
.LBB2_132:
0x4bf: {  	_ =	sdelay $0x4  }
0x4c0: {  	[tilespmem:v9+s30+$0x0] =	vst.idx.add.f32.msk $0xffff, v6  }
0x4c1: {  	[tilespmem:v7+s30+$0x0] =	vst.idx.add.f32.msk $0xffff, v6  }
0x4c2: {  	[tilespmem:v8+s30+$0x0] =	vst.idx.add.f32.msk $0xffff, v6  }
.LBB2_133:
0x4c3: {  	s0 =	ssub.s32 s17, s19  }
0x4c4: {  	p0 =	slt.s32 s0, $0x1  }
.Ltmp105:
0x4c5: {  	_ = 	snop;
	(pc) =	sbr.rel @p0 .LBB2_136-.Ltmp105, $1  }
0x4c6: {  	_ =	sdelay $0x3  }
0x4c7: {  	s0 =	sshll.u32 s19, $0x6  }
0x4c8: {  	s0 =	sshra.s32 s0, $0x2  }
0x4c9: {  	s0 =	sadd.s32 $0x1A000, s0  }
.LBB2_135:
0x4ca: {  	v7 =	vld [tilespmem:s0+$0x0];
	_ =	sdelay $0x1  }
0x4cb: {  	s19 =	sadd.s32 $0x1, s19  }
0x4cc: {  	p0 =	slt.s32 s19, s17  }
.Ltmp106:
0x4cd: {  	_ = 	snop;
	(pc) =	sbr.rel @p0 .LBB2_135-.Ltmp106, $2  }
0x4ce: {  	_ =	sdelay $0x2  }
0x4cf: {  	s0 =	sadd.s32 $0x10, s0;
	[tilespmem:v7+s30+$0x0] =	vst.idx.add.f32.msk $0xffff, v6  }
.Ltmp107:
0x4d0: {  	_ = 	snop;
	(pc) =	sbr.rel .LBB2_136-.Ltmp107, $1  }
0x4d1: {  	_ =	sdelay $0x3  }
.LBB2_110:
.Ltmp108:
0x4d2: {  	(pc) =	sbr.rel .LBB2_114-.Ltmp108, $2  }
0x4d3: {  	_ =	sdelay $0x2  }
0x4d4: {  	s18 =	simm.s32 $0x0  }
.LBB2_124:
.Ltmp109:
0x4d5: {  	(pc) =	sbr.rel .LBB2_128-.Ltmp109, $2  }
0x4d6: {  	_ =	sdelay $0x2  }
0x4d7: {  	s17 =	simm.s32 $0x0  }
.LBB2_112:
.Ltmp110:
0x4d8: {  	(pc) =	sbr.rel .LBB2_114-.Ltmp110, $2  }
0x4d9: {  	_ =	sdelay $0x2  }
0x4da: {  	s18 =	simm.s32 $0x0  }
.LBB2_126:
.Ltmp111:
0x4db: {  	(pc) =	sbr.rel .LBB2_128-.Ltmp111, $2  }
0x4dc: {  	_ =	sdelay $0x2  }
0x4dd: {  	s17 =	simm.s32 $0x0  }
.LBB2_138:
0x4de: {  	_ =	sfence.sel $0x180000  }
0x4df: {  	[bflag:$0x0] =	sbarrier.arrive $0xFFFF  }
0x4e0: {  	_ =	strace $0x90000047  }
0x4e1: {  	[bflag:$0x2] =	sbarrier.arrive $0xFFFF  }
0x4e2: {  	p0 =	sne.s32 s6, $0x0;
	s0 =	rddreg [dreg:$0x2]  }
0x4e3: {  	s0 =	sadd.s32 @!p0 $0x100000, s0  }
0x4e4: {  	[sflag:s0] =	ssyncadd.tile.s32 @!p0 $0x1;
	_ =	shalt  }
.Lfunc_end2:
_tile_overlayer_lowered:
.L_overlay_start_2:
0x4e5: {  	(tag) =	ssettag $0x2  }
0x4e6: {  	s0 =	rddreg [dreg:$0x0];
	s2 =	stileid.u32  }
0x4e7: {  	s1 =	rddreg [dreg:$0x1];
	p0 =	sne.s32 s2, $0x0  }
0x4e8: {  	s3 =	rddreg [dreg:$0x2];
	[bflag:$0x3] =	sbarrier.arrive $0xFFFF;
	s2 =	simm.s32 @!p0 $0x1C03  }
0x4e9: {  	[timem:s3], [sflag:s2] =	dma.local @!p0 [hbm:s0], s1  }
0x4ea: {  	s0 =	simm.s32 @!p0 $0x3  }
0x4eb: {  	_ =	swait.ge @!p0 [sflag:s0], s1  }
0x4ec: {  	s1 =	ssub.s32 @!p0 $0x0, s1;
	[sflag:s0] =	ssyncset.done @!p0 $0x0  }
0x4ed: {  	[sflag:s0] =	ssyncadd.s32 @!p0 s1  }
0x4ee: {  	[bflag:$0x3] =	sbarrier.arrive $0xFFFF  }
0x4ef: {  	_ =	shalt  }

</sc_bundles>
